<compile_context>
chip_gen: v7x
topology: tpu7x:2x2x1
jax: 0.10.2.dev20260603
libtpu: 0.0.44.dev20260713+nightly
codegen_flags: <defaults>
</compile_context>

<pallas_src>
import dataclasses
import functools

import jax
import jax.numpy as jnp
from jax import lax
from jax.experimental import pallas as pl
from jax.experimental.pallas import tpu as pltpu
from jax.experimental.pallas import tpu_sc as plsc

NC = 2
NS = 16
LN = 16
EPW = 3072


def _scoring_body(x_ref, w1_ref, b1_ref, w2_ref, b2_ref, o_ref):
    t = jnp.dot(x_ref[...], w1_ref[...], preferred_element_type=jnp.float32)
    t = jnp.maximum(t + b1_ref[...], 0.0)
    o_ref[...] = jnp.dot(t, w2_ref[...], preferred_element_type=jnp.float32) + b2_ref[...]


def _scoring(xpad, w1c, b1c, w2blk, b2c, npad, blk):
    in_dim = xpad.shape[1]
    hh = w2blk.shape[1]
    grid = npad // blk
    return pl.pallas_call(
        _scoring_body,
        grid=(grid,),
        in_specs=[
            pl.BlockSpec((blk, in_dim), lambda i: (i, 0)),
            pl.BlockSpec(w1c.shape, lambda i: (0, 0)),
            pl.BlockSpec(b1c.shape, lambda i: (0, 0)),
            pl.BlockSpec(w2blk.shape, lambda i: (0, 0)),
            pl.BlockSpec(b2c.shape, lambda i: (0, 0)),
        ],
        out_specs=pl.BlockSpec((blk, hh), lambda i: (i, 0)),
        out_shape=jax.ShapeDtypeStruct((npad, hh), jnp.float32),
    )(xpad, w1c, b1c, w2blk, b2c)


def _finalize_l0_body(acc_ref, o_ref):
    a = acc_ref[...]
    o0 = jnp.maximum(a[0, :, 2:4] / (a[0, :, 0:2] + 1e-9), 0.0)
    o1 = jnp.maximum(a[1, :, 2:4] / (a[1, :, 0:2] + 1e-9), 0.0)
    m = (jnp.sum(o0, axis=1, keepdims=True) + jnp.sum(o1, axis=1, keepdims=True)) * 0.25
    o_ref[...] = jnp.concatenate([m, m], axis=1)


def _finalize_l0(acc, npad, blk):
    grid = npad // blk
    return pl.pallas_call(
        _finalize_l0_body,
        grid=(grid,),
        in_specs=[pl.BlockSpec((2, blk, 4), lambda i: (0, i, 0))],
        out_specs=pl.BlockSpec((blk, 2), lambda i: (i, 0)),
        out_shape=jax.ShapeDtypeStruct((npad, 2), jnp.float32),
    )(acc)


def _final_body(acc_ref, cent_ref, gamma_ref, beta_ref, o_ref):
    a = acc_ref[...]
    o0 = jnp.maximum(a[0, :, 2:4] / (a[0, :, 0:2] + 1e-9), 0.0)
    o1 = jnp.maximum(a[1, :, 2:4] / (a[1, :, 0:2] + 1e-9), 0.0)
    out_h = jnp.concatenate([o0, o1], axis=1)
    scale = cent_ref[...] * gamma_ref[...] + beta_ref[...]
    logits = jnp.mean(scale * out_h, axis=1, keepdims=True)
    o_ref[...] = jnp.maximum(logits, 0.0)


def _final(acc, cent_pad, gamma, beta, npad, blk):
    grid = npad // blk
    return pl.pallas_call(
        _final_body,
        grid=(grid,),
        in_specs=[
            pl.BlockSpec((2, blk, 4), lambda i: (0, i, 0)),
            pl.BlockSpec((blk, 1), lambda i: (i, 0)),
            pl.BlockSpec((1, 4), lambda i: (0, 0)),
            pl.BlockSpec((1, 4), lambda i: (0, 0)),
        ],
        out_specs=pl.BlockSpec((blk, 1), lambda i: (i, 0)),
        out_shape=jax.ShapeDtypeStruct((npad, 1), jnp.float32),
    )(acc, cent_pad, gamma, beta)


def _combine_body(p_ref, o_ref):
    p = p_ref[...]
    o_ref[...] = jnp.maximum((p[0] + p[1]) * 0.25, 0.0)


def _make_edge_kernel(npad, nwin, finalize=False):
    rp4 = npad // NS * 4
    mesh = plsc.VectorSubcoreMesh(core_axis_name="c", subcore_axis_name="s")
    cp = pltpu.CompilerParams()
    if "needs_layout_passes" in pltpu.CompilerParams.__dataclass_fields__:
        cp = dataclasses.replace(cp, needs_layout_passes=False)

    idx_buf = [pltpu.VMEM((EPW,), jnp.int32)] * 6
    upd_buf = [pltpu.VMEM((EPW * 2,), jnp.float32),
               pltpu.VMEM((EPW * 2,), jnp.int32)] * 2
    cq = rp4 // 4
    nq = cq // 4
    fin_scratch = []
    out_type = jax.ShapeDtypeStruct((NC * npad * 4,), jnp.float32)
    if finalize:
        fin_scratch = [
            pltpu.VMEM((cq,), jnp.float32),
            pltpu.VMEM((cq,), jnp.float32),
            pltpu.VMEM((nq,), jnp.float32),
            pltpu.VMEM((nq,), jnp.float32),
            pltpu.VMEM((64,), jnp.float32),
        ]
        out_type = (jax.ShapeDtypeStruct((NC * npad,), jnp.float32),
                    jax.ShapeDtypeStruct((NC * npad,), jnp.float32))

    @functools.partial(
        pl.kernel,
        out_type=out_type,
        mesh=mesh,
        compiler_params=cp,
        scratch_types=[
            pltpu.VMEM((npad,), jnp.float32),
            pltpu.VMEM((16,), jnp.float32),
            pltpu.VMEM((48,), jnp.float32),
        ] + idx_buf + upd_buf + fin_scratch + [
            pltpu.VMEM_SHARED((npad * 4,), jnp.float32),
            pltpu.SemaphoreType.DMA,
            pltpu.SemaphoreType.DMA,
            pltpu.SemaphoreType.DMA,
            pltpu.SemaphoreType.DMA,
        ],
    )
    def edge_kernel(htab_hbm, ttab_hbm, cpat_hbm, src_hbm, dst_hbm, typ_hbm,
                    zeros_hbm, *rest):
        if finalize:
            (cent_hbm, gpat_hbm, out_hbm, mout_hbm, htab, ttab, cpat,
             srcw0, dstw0, typw0, srcw1, dstw1, typw1,
             upd0, didx0, upd1, didx1, a0c, a1c, mbuf, pbuf, gpat, acc,
             sin0, sin1, ssc0, ssc1) = rest
        else:
            (out_hbm, htab, ttab, cpat,
             srcw0, dstw0, typw0, srcw1, dstw1, typw1,
             upd0, didx0, upd1, didx1, acc,
             sin0, sin1, ssc0, ssc1) = rest
        c = lax.axis_index("c")
        s = lax.axis_index("s")
        p = s & 1
        k = 2 * c + p
        chunk = s >> 1
        pltpu.sync_copy(ttab_hbm.at[pl.ds(k * 16, 16)], ttab)
        pltpu.sync_copy(cpat_hbm.at[pl.ds(k * 48, 48)], cpat)
        if finalize:
            pltpu.sync_copy(gpat_hbm.at[pl.ds(c * 64, 64)], gpat)
        pltpu.sync_copy(zeros_hbm.at[pl.ds(s * rp4, rp4)],
                        acc.at[pl.ds(s * rp4, rp4)])
        if not finalize:
            pltpu.sync_copy(htab_hbm.at[pl.ds(k * npad, npad)], htab)
        else:
            iota4 = lax.iota(jnp.int32, LN) * 4

            @pl.loop(0, 4)
            def _q(q):
                pltpu.sync_copy(
                    htab_hbm.at[pl.ds(s * rp4 + q * cq, cq)], a0c)
                pltpu.sync_copy(
                    htab_hbm.at[pl.ds(npad * 4 + s * rp4 + q * cq, cq)], a1c)

                @pl.loop(0, nq // LN)
                def _t(t):
                    base = iota4 + 4 * LN * t
                    da = plsc.load_gather(a0c, [base])
                    db = plsc.load_gather(a0c, [base + 1])
                    na = plsc.load_gather(a0c, [base + 2])
                    nb = plsc.load_gather(a0c, [base + 3])
                    o = (jnp.maximum(na / (da + 1e-9), 0.0)
                         + jnp.maximum(nb / (db + 1e-9), 0.0))
                    da = plsc.load_gather(a1c, [base])
                    db = plsc.load_gather(a1c, [base + 1])
                    na = plsc.load_gather(a1c, [base + 2])
                    nb = plsc.load_gather(a1c, [base + 3])
                    o = o + (jnp.maximum(na / (da + 1e-9), 0.0)
                             + jnp.maximum(nb / (db + 1e-9), 0.0))
                    mbuf[pl.ds(t * LN, LN)] = o * 0.25

                pltpu.sync_copy(
                    mbuf,
                    mout_hbm.at[pl.ds(c * npad + s * (rp4 // 4) + q * nq, nq)])

        plsc.subcore_barrier()
        if finalize:
            pltpu.sync_copy(mout_hbm.at[pl.ds(c * npad, npad)], htab)

        ap = cpat[pl.ds(0, 16)]
        bp = cpat[pl.ds(16, 16)]
        fp = cpat[pl.ds(32, 16)]
        bufs = [(srcw0, dstw0, typw0, upd0, didx0, sin0, ssc0),
                (srcw1, dstw1, typw1, upd1, didx1, sin1, ssc1)]

        def fire_loads(w, b):
            srcw, dstw, typw, _, _, sin, _ = b
            base = (chunk * nwin + w) * EPW
            pltpu.async_copy(src_hbm.at[pl.ds(base, EPW)], srcw, sin)
            pltpu.async_copy(dst_hbm.at[pl.ds(base, EPW)], dstw, sin)
            pltpu.async_copy(typ_hbm.at[pl.ds(base, EPW)], typw, sin)

        def wait_loads(b):
            srcw, dstw, typw, _, _, sin, _ = b
            pltpu.make_async_copy(src_hbm.at[pl.ds(0, EPW)], srcw, sin).wait()
            pltpu.make_async_copy(dst_hbm.at[pl.ds(0, EPW)], dstw, sin).wait()
            pltpu.make_async_copy(typ_hbm.at[pl.ds(0, EPW)], typw, sin).wait()

        def compute(b):
            srcw, dstw, typw, upd, didx, _, _ = b

            @pl.loop(0, EPW // LN, step=4)
            def _vec(i0):
                for u in range(4):
                    i = i0 + u
                    srcv = srcw[pl.ds(i * LN, LN)]
                    dstv = dstw[pl.ds(i * LN, LN)]
                    typv = typw[pl.ds(i * LN, LN)]
                    hs = plsc.load_gather(htab, [srcv])
                    hd = plsc.load_gather(htab, [dstv])
                    ef = plsc.load_gather(ttab, [typv])
                    e = hs * ap + hd * bp + ef
                    e = jnp.maximum(e, 0.2 * e)
                    x = jnp.exp(e)
                    dbase = dstv * 4 + p
                    upd[pl.ds(2 * i * LN, LN)] = x
                    didx[pl.ds(2 * i * LN, LN)] = dbase
                    upd[pl.ds((2 * i + 1) * LN, LN)] = x * fp * hs
                    didx[pl.ds((2 * i + 1) * LN, LN)] = dbase + 2

        def fire_scatter(b):
            _, _, _, upd, didx, _, ssc = b
            pltpu.async_copy(upd, acc.at[didx], ssc, add=True)

        def wait_scatter(b):
            _, _, _, upd, didx, _, ssc = b
            pltpu.make_async_copy(upd, acc.at[didx], ssc).wait()

        fire_loads(0, bufs[0])
        fire_loads(1, bufs[1])
        for w0 in (0, 1):
            wait_loads(bufs[w0])
            compute(bufs[w0])
            fire_scatter(bufs[w0])
            fire_loads(w0 + 2, bufs[w0])

        @pl.loop(2, nwin, step=2)
        def _win(w):
            for h_ in (0, 1):
                b = bufs[h_]
                wait_loads(b)
                wait_scatter(b)
                compute(b)
                fire_scatter(b)
                fire_loads(w + h_ + 2, b)

        for b in bufs:
            wait_loads(b)
            wait_scatter(b)
        plsc.subcore_barrier()
        if not finalize:
            pltpu.sync_copy(acc.at[pl.ds(s * rp4, rp4)],
                            out_hbm.at[pl.ds(c * npad * 4 + s * rp4, rp4)])
        else:
            iota4e = lax.iota(jnp.int32, LN) * 4
            ga = gpat[pl.ds(0, 16)]
            gb = gpat[pl.ds(16, 16)]
            ba = gpat[pl.ds(32, 16)]
            bb = gpat[pl.ds(48, 16)]

            @pl.loop(0, 4)
            def _qe(q):
                pltpu.sync_copy(acc.at[pl.ds(s * rp4 + q * cq, cq)], a0c)
                pltpu.sync_copy(
                    cent_hbm.at[pl.ds(s * (rp4 // 4) + q * nq, nq)], mbuf)

                @pl.loop(0, nq // LN)
                def _te(t):
                    base = iota4e + 4 * LN * t
                    da = plsc.load_gather(a0c, [base])
                    db = plsc.load_gather(a0c, [base + 1])
                    na = plsc.load_gather(a0c, [base + 2])
                    nb = plsc.load_gather(a0c, [base + 3])
                    oa = jnp.maximum(na / (da + 1e-9), 0.0)
                    ob = jnp.maximum(nb / (db + 1e-9), 0.0)
                    cv = mbuf[pl.ds(t * LN, LN)]
                    pbuf[pl.ds(t * LN, LN)] = ((cv * ga + ba) * oa
                                               + (cv * gb + bb) * ob)

                pltpu.sync_copy(
                    pbuf,
                    out_hbm.at[pl.ds(c * npad + s * (rp4 // 4) + q * nq, nq)])

    return edge_kernel


def kernel(inputs, edge_index, edge_types, centrality, scoring_W1, scoring_b1,
           scoring_W2, scoring_b2, rel_emb, layer_fc, attn_l, attn_r, edge_W,
           gamma, beta):
    n, in_dim = inputs.shape
    h = scoring_W1.shape[0]
    hid = scoring_W1.shape[2]
    e = edge_index.shape[1]
    blk = 512
    npad = -(-n // (NS * blk)) * (NS * blk)
    nchunk = 8
    nwin = -(-e // (nchunk * EPW))
    nwin += nwin % 2
    epad = nchunk * nwin * EPW
    rpt = npad // NS
    assert rpt % 8 == 0 and npad % blk == 0

    sblk = 400 if n % 400 == 0 else blk
    xs = inputs if n % sblk == 0 else jnp.pad(
        inputs, ((0, npad - n), (0, 0)))
    w1c = scoring_W1.transpose(1, 0, 2).reshape(in_dim, h * hid)
    b1c = scoring_b1.reshape(1, h * hid)
    w2blk = (jnp.eye(h, dtype=jnp.float32)[:, None, :]
             * scoring_W2).reshape(h * hid, h)
    b2c = scoring_b2.reshape(1, h)

    src = edge_index[0]
    dst = edge_index[1]
    pad_cnt = epad + 2 * EPW - e
    pad_dst = n + (jnp.arange(pad_cnt, dtype=jnp.int32) % (npad - n))
    src_p = jnp.concatenate([src, jnp.zeros((pad_cnt,), jnp.int32)])
    dst_p = jnp.concatenate([dst, pad_dst])
    typ_p = jnp.concatenate([edge_types, jnp.zeros((pad_cnt,), jnp.int32)])
    zeros4 = jnp.zeros((npad * 4,), jnp.float32)

    def layer_consts(l):
        fc = layer_fc[l]
        a = fc * attn_l[l]
        b = fc * attn_r[l]
        t = rel_emb @ edge_W[l]
        abf = jnp.stack([a, b, fc], axis=1)
        cpat = jnp.repeat(abf.reshape(-1), 16)
        ttab = t.T.reshape(-1)
        return cpat, ttab

    edge_pass0 = _make_edge_kernel(npad, nwin)
    edge_pass1 = _make_edge_kernel(npad, nwin, finalize=True)

    h0 = _scoring(xs, w1c, b1c, w2blk, b2c, xs.shape[0], sblk)
    h0 = jnp.pad(h0, ((0, npad - h0.shape[0]), (0, 0)))
    htab0 = h0.T.reshape(-1)
    cpat0, ttab0 = layer_consts(0)
    acc0 = edge_pass0(htab0, ttab0, cpat0, src_p, dst_p, typ_p, zeros4)

    cpat1, ttab1 = layer_consts(1)
    g4 = gamma.reshape(-1)
    be4 = beta.reshape(-1)
    gpat = jnp.repeat(jnp.stack([g4[0], g4[1], be4[0], be4[1],
                                 g4[2], g4[3], be4[2], be4[3]]), 16)
    cent_pad = jnp.pad(centrality, (0, npad - n))
    part, _ = edge_pass1(acc0, ttab1, cpat1, src_p, dst_p, typ_p, zeros4,
                         cent_pad, gpat)

    pr = part.reshape(NC, npad // 128, 128)
    logits = pl.pallas_call(
        _combine_body,
        grid=(1,),
        in_specs=[pl.BlockSpec(pr.shape, lambda i: (0, 0, 0))],
        out_specs=pl.BlockSpec(pr.shape[1:], lambda i: (0, 0)),
        out_shape=jax.ShapeDtypeStruct(pr.shape[1:], jnp.float32),
    )(pr)
    return logits.reshape(-1)[:n, None]

# --- scband reference (transcript-rebuilt; emitter-appended) ---
"""Pipeline reference for scband-genib-1666447311026 (READ-ONLY COPY).

The authoritative reference and input builder live on the scoring server;
editing this copy changes nothing except your own understanding.
"""

import jax, jax.numpy as jnp
import numpy as np

N = 50000
E = 1600000
IN_DIM = 256
HID = 192  # int(0.75 * in_dim)
PRED = 32
REL = 16
H = 4
L = 2


def setup_inputs(seed: int = 0) -> dict:
    key = jax.random.key(seed)
    ks = jax.random.split(key, 16)
    inputs = jax.random.normal(ks[0], (N, IN_DIM), dtype=jnp.float32)
    edge_index = jax.random.randint(ks[1], (2, E), 0, N, dtype=jnp.int32)
    edge_types = jax.random.randint(ks[2], (E,), 0, REL, dtype=jnp.int32)
    centrality = jax.random.uniform(ks[3], (N,), dtype=jnp.float32)
    # scoring_nn: heads[0]=4 independent 2-layer MLPs (in_dim -> 0.75*in_dim -> 1)
    scoring_W1 = jax.random.normal(ks[4], (H, IN_DIM, HID), dtype=jnp.float32) * 0.05
    scoring_b1 = jnp.zeros((H, HID), dtype=jnp.float32)
    scoring_W2 = jax.random.normal(ks[5], (H, HID, 1), dtype=jnp.float32) * 0.05
    scoring_b2 = jnp.zeros((H, 1), dtype=jnp.float32)
    # relation embedding table
    rel_emb = jax.random.normal(ks[6], (REL, PRED), dtype=jnp.float32) * 0.05
    # SALayer params per layer: per-head scalar feature transform (in_feats=1 -> out_feats=1),
    # attention vectors over src/dst per-head features, and edge-feature projection pred_dim -> heads
    layer_fc = jax.random.normal(ks[7], (L, H), dtype=jnp.float32)
    attn_l = jax.random.normal(ks[8], (L, H), dtype=jnp.float32) * 0.1
    attn_r = jax.random.normal(ks[9], (L, H), dtype=jnp.float32) * 0.1
    edge_W = jax.random.normal(ks[10], (L, PRED, H), dtype=jnp.float32) * 0.1
    gamma = jnp.ones((1, H), dtype=jnp.float32)
    beta = jnp.zeros((1, H), dtype=jnp.float32)
    return {
        'inputs': inputs, 'edge_index': edge_index, 'edge_types': edge_types,
        'centrality': centrality, 'scoring_W1': scoring_W1, 'scoring_b1': scoring_b1,
        'scoring_W2': scoring_W2, 'scoring_b2': scoring_b2, 'rel_emb': rel_emb,
        'layer_fc': layer_fc, 'attn_l': attn_l, 'attn_r': attn_r, 'edge_W': edge_W,
        'gamma': gamma, 'beta': beta,
    }


def reference(inputs, edge_index, edge_types, centrality, scoring_W1, scoring_b1,
              scoring_W2, scoring_b2, rel_emb, layer_fc, attn_l, attn_r, edge_W,
              gamma, beta):
    # scoring heads -> [N, heads[0]]
    hs = []
    for k in range(H):
        t = jnp.maximum(inputs @ scoring_W1[k] + scoring_b1[k], 0.0)
        hs.append(t @ scoring_W2[k] + scoring_b2[k])
    h = jnp.concatenate(hs, axis=-1)  # [N, H]
    src = edge_index[0]
    dst = edge_index[1]
    for l in range(L):
        # edge features from relation embedding lookup, projected to per-head scores
        ef = jnp.take(rel_emb, edge_types, axis=0) @ edge_W[l]  # [E, H]
        feat = h * layer_fc[l]  # per-head linear (in=1, out=1)
        el = feat * attn_l[l]
        er = feat * attn_r[l]
        e = el[src] + er[dst] + ef  # [E, H]
        e = jnp.where(e > 0, e, 0.2 * e)  # leaky_relu(negative_slope=0.2)
        # segment softmax over incoming edges of each dst node
        emax = jax.ops.segment_max(e, dst, num_segments=N)
        emax = jnp.where(jnp.isfinite(emax), emax, 0.0)
        ex = jnp.exp(e - emax[dst])
        denom = jax.ops.segment_sum(ex, dst, num_segments=N)
        alpha = ex / (denom[dst] + 1e-9)
        out = jax.ops.segment_sum(feat[src] * alpha, dst, num_segments=N)  # [N, H]
        out = jnp.maximum(out, 0.0)  # activation
        if l != L - 1:
            out = jnp.tile(out.mean(-1, keepdims=True), (1, H))
        h = out
    # scale branch: centrality modulation + mean over heads + relu
    logits = jnp.maximum(((centrality[:, None] * gamma + beta) * h).mean(-1, keepdims=True), 0.0)
    return logits

if __name__ == "__main__":
    import jax
    _d = setup_inputs()
    print(jax.jit(kernel)(*tuple(_d.values())))

</pallas_src>

<mosaic_0001>
#map = affine_map<(d0, d1) -> (0)>
module attributes {stable_mosaic.version = 14 : i64} {
  func.func @edge_kernel(%arg0: i32, %arg1: i32, %arg2: memref<229376xf32, #tpu.memory_space<hbm>>, %arg3: memref<64xf32, #tpu.memory_space<hbm>>, %arg4: memref<192xf32, #tpu.memory_space<hbm>>, %arg5: memref<1628160xi32, #tpu.memory_space<hbm>>, %arg6: memref<1628160xi32, #tpu.memory_space<hbm>>, %arg7: memref<1628160xi32, #tpu.memory_space<hbm>>, %arg8: memref<229376xf32, #tpu.memory_space<hbm>>, %arg9: memref<458752xf32, #tpu.memory_space<hbm>>, %arg10: memref<57344xf32, #tpu.memory_space<vmem>>, %arg11: memref<16xf32, #tpu.memory_space<vmem>>, %arg12: memref<48xf32, #tpu.memory_space<vmem>>, %arg13: memref<3072xi32, #tpu.memory_space<vmem>>, %arg14: memref<3072xi32, #tpu.memory_space<vmem>>, %arg15: memref<3072xi32, #tpu.memory_space<vmem>>, %arg16: memref<3072xi32, #tpu.memory_space<vmem>>, %arg17: memref<3072xi32, #tpu.memory_space<vmem>>, %arg18: memref<3072xi32, #tpu.memory_space<vmem>>, %arg19: memref<6144xf32, #tpu.memory_space<vmem>>, %arg20: memref<6144xi32, #tpu.memory_space<vmem>>, %arg21: memref<6144xf32, #tpu.memory_space<vmem>>, %arg22: memref<6144xi32, #tpu.memory_space<vmem>>, %arg23: memref<229376xf32, #tpu.memory_space<vmem_shared>>, %arg24: memref<!tpu.dma_semaphore, #tpu.memory_space<semaphore_mem>>, %arg25: memref<!tpu.dma_semaphore, #tpu.memory_space<semaphore_mem>>, %arg26: memref<!tpu.dma_semaphore, #tpu.memory_space<semaphore_mem>>, %arg27: memref<!tpu.dma_semaphore, #tpu.memory_space<semaphore_mem>>) attributes {dimension_semantics = [#tpu.dimension_semantics<core_parallel>, #tpu.dimension_semantics<subcore_parallel>], iteration_bounds = array<i64: 2, 16>, scalar_prefetch = 0 : i64, scratch_operands = 18 : i64, tpu.core_type = #tpu.core_type<sc_vector_subcore>, window_params = [{transform_indices = #map}, {transform_indices = #map}, {transform_indices = #map}, {transform_indices = #map}, {transform_indices = #map}, {transform_indices = #map}, {transform_indices = #map}, {transform_indices = #map}]} {
    %and3A = arith.constant 1 : i32
    %and3A_0 = arith.andi %arg1, %and3A : i32
    %mul3A = arith.constant 2 : i32
    %mul3A_1 = arith.muli %mul3A, %arg0 : i32
    %add3A = arith.addi %mul3A_1, %and3A_0 : i32
    %shift_right_arithmetic3A = arith.constant 1 : i32
    %shift_right_arithmetic3A_2 = arith.shrsi %arg1, %shift_right_arithmetic3A : i32
    %mul3A_3 = arith.constant 16 : i32
    %mul3A_4 = arith.muli %add3A, %mul3A_3 : i32
    "tpu.region"() ({
      %run_scoped3A = tpu.sem_alloc : memref<!tpu.dma_semaphore, #tpu.memory_space<semaphore_mem>>
      %dma_start3A_144 = tpu.memref_slice %arg3[%mul3A_4] : memref<64xf32, #tpu.memory_space<hbm>> -> memref<16xf32, #tpu.memory_space<hbm>>
      %dma_start3A_145 = tpu.memref_slice %arg3[%mul3A_4] : memref<64xf32, #tpu.memory_space<hbm>> -> memref<16xf32, #tpu.memory_space<hbm>>
      tpu.enqueue_dma source(%dma_start3A_145 : memref<16xf32, #tpu.memory_space<hbm>>) target(%arg11 : memref<16xf32, #tpu.memory_space<vmem>>) target_semaphore(%run_scoped3A : memref<!tpu.dma_semaphore, #tpu.memory_space<semaphore_mem>>)
      %dma_wait3A_146 = tpu.memref_slice %arg3[%mul3A_4] : memref<64xf32, #tpu.memory_space<hbm>> -> memref<16xf32, #tpu.memory_space<hbm>>
      %dma_wait3A_147 = tpu.memref_slice %arg3[%mul3A_4] : memref<64xf32, #tpu.memory_space<hbm>> -> memref<16xf32, #tpu.memory_space<hbm>>
      tpu.wait_dma2 semaphore(%run_scoped3A : memref<!tpu.dma_semaphore, #tpu.memory_space<semaphore_mem>>) src(%dma_wait3A_147 : memref<16xf32, #tpu.memory_space<hbm>>) dst(%arg11 : memref<16xf32, #tpu.memory_space<vmem>>)
      tpu.yield
    }) : () -> ()
    %mul3A_5 = arith.constant 48 : i32
    %mul3A_6 = arith.muli %add3A, %mul3A_5 : i32
    "tpu.region"() ({
      %run_scoped3A = tpu.sem_alloc : memref<!tpu.dma_semaphore, #tpu.memory_space<semaphore_mem>>
      %dma_start3A_144 = tpu.memref_slice %arg4[%mul3A_6] : memref<192xf32, #tpu.memory_space<hbm>> -> memref<48xf32, #tpu.memory_space<hbm>>
      %dma_start3A_145 = tpu.memref_slice %arg4[%mul3A_6] : memref<192xf32, #tpu.memory_space<hbm>> -> memref<48xf32, #tpu.memory_space<hbm>>
      tpu.enqueue_dma source(%dma_start3A_145 : memref<48xf32, #tpu.memory_space<hbm>>) target(%arg12 : memref<48xf32, #tpu.memory_space<vmem>>) target_semaphore(%run_scoped3A : memref<!tpu.dma_semaphore, #tpu.memory_space<semaphore_mem>>)
      %dma_wait3A_146 = tpu.memref_slice %arg4[%mul3A_6] : memref<192xf32, #tpu.memory_space<hbm>> -> memref<48xf32, #tpu.memory_space<hbm>>
      %dma_wait3A_147 = tpu.memref_slice %arg4[%mul3A_6] : memref<192xf32, #tpu.memory_space<hbm>> -> memref<48xf32, #tpu.memory_space<hbm>>
      tpu.wait_dma2 semaphore(%run_scoped3A : memref<!tpu.dma_semaphore, #tpu.memory_space<semaphore_mem>>) src(%dma_wait3A_147 : memref<48xf32, #tpu.memory_space<hbm>>) dst(%arg12 : memref<48xf32, #tpu.memory_space<vmem>>)
      tpu.yield
    }) : () -> ()
    %mul3A_7 = arith.constant 14336 : i32
    %mul3A_8 = arith.muli %arg1, %mul3A_7 : i32
    %mul3A_9 = arith.constant 14336 : i32
    %mul3A_10 = arith.muli %arg1, %mul3A_9 : i32
    "tpu.region"() ({
      %run_scoped3A = tpu.sem_alloc : memref<!tpu.dma_semaphore, #tpu.memory_space<semaphore_mem>>
      %dma_start3A_144 = tpu.memref_slice %arg23[%mul3A_10] : memref<229376xf32, #tpu.memory_space<vmem_shared>> -> memref<14336xf32, #tpu.memory_space<vmem_shared>>
      %dma_start3A_145 = tpu.memref_slice %arg8[%mul3A_8] : memref<229376xf32, #tpu.memory_space<hbm>> -> memref<14336xf32, #tpu.memory_space<hbm>>
      tpu.enqueue_dma source(%dma_start3A_145 : memref<14336xf32, #tpu.memory_space<hbm>>) target(%dma_start3A_144 : memref<14336xf32, #tpu.memory_space<vmem_shared>>) target_semaphore(%run_scoped3A : memref<!tpu.dma_semaphore, #tpu.memory_space<semaphore_mem>>)
      %dma_wait3A_146 = tpu.memref_slice %arg23[%mul3A_10] : memref<229376xf32, #tpu.memory_space<vmem_shared>> -> memref<14336xf32, #tpu.memory_space<vmem_shared>>
      %dma_wait3A_147 = tpu.memref_slice %arg8[%mul3A_8] : memref<229376xf32, #tpu.memory_space<hbm>> -> memref<14336xf32, #tpu.memory_space<hbm>>
      tpu.wait_dma2 semaphore(%run_scoped3A : memref<!tpu.dma_semaphore, #tpu.memory_space<semaphore_mem>>) src(%dma_wait3A_147 : memref<14336xf32, #tpu.memory_space<hbm>>) dst(%dma_wait3A_146 : memref<14336xf32, #tpu.memory_space<vmem_shared>>)
      tpu.yield
    }) : () -> ()
    %mul3A_11 = arith.constant 57344 : i32
    %mul3A_12 = arith.muli %add3A, %mul3A_11 : i32
    "tpu.region"() ({
      %run_scoped3A = tpu.sem_alloc : memref<!tpu.dma_semaphore, #tpu.memory_space<semaphore_mem>>
      %dma_start3A_144 = tpu.memref_slice %arg2[%mul3A_12] : memref<229376xf32, #tpu.memory_space<hbm>> -> memref<57344xf32, #tpu.memory_space<hbm>>
      %dma_start3A_145 = tpu.memref_slice %arg2[%mul3A_12] : memref<229376xf32, #tpu.memory_space<hbm>> -> memref<57344xf32, #tpu.memory_space<hbm>>
      tpu.enqueue_dma source(%dma_start3A_145 : memref<57344xf32, #tpu.memory_space<hbm>>) target(%arg10 : memref<57344xf32, #tpu.memory_space<vmem>>) target_semaphore(%run_scoped3A : memref<!tpu.dma_semaphore, #tpu.memory_space<semaphore_mem>>)
      %dma_wait3A_146 = tpu.memref_slice %arg2[%mul3A_12] : memref<229376xf32, #tpu.memory_space<hbm>> -> memref<57344xf32, #tpu.memory_space<hbm>>
      %dma_wait3A_147 = tpu.memref_slice %arg2[%mul3A_12] : memref<229376xf32, #tpu.memory_space<hbm>> -> memref<57344xf32, #tpu.memory_space<hbm>>
      tpu.wait_dma2 semaphore(%run_scoped3A : memref<!tpu.dma_semaphore, #tpu.memory_space<semaphore_mem>>) src(%dma_wait3A_147 : memref<57344xf32, #tpu.memory_space<hbm>>) dst(%arg10 : memref<57344xf32, #tpu.memory_space<vmem>>)
      tpu.yield
    }) : () -> ()
    %barrier3A = arith.constant 0 : index
    tpu.barrier barrier_id(%barrier3A)
    %get3A = arith.constant 0 : index
    %get3A_13 = tpu.vector_load %arg12[%get3A] {strides = array<i32>} : memref<48xf32, #tpu.memory_space<vmem>>, vector<16xf32>,
    %get3A_14 = arith.constant 16 : index
    %get3A_15 = tpu.vector_load %arg12[%get3A_14] {strides = array<i32>} : memref<48xf32, #tpu.memory_space<vmem>>, vector<16xf32>,
    %get3A_16 = arith.constant 32 : index
    %get3A_17 = tpu.vector_load %arg12[%get3A_16] {strides = array<i32>} : memref<48xf32, #tpu.memory_space<vmem>>, vector<16xf32>,
    %mul3A_18 = arith.constant 66 : i32
    %mul3A_19 = arith.muli %shift_right_arithmetic3A_2, %mul3A_18 : i32
    %add3A_20 = arith.constant 0 : i32
    %add3A_21 = arith.addi %mul3A_19, %add3A_20 : i32
    %mul3A_22 = arith.constant 3072 : i32
    %mul3A_23 = arith.muli %add3A_21, %mul3A_22 : i32
    %dma_start3A = tpu.memref_slice %arg5[%mul3A_23] : memref<1628160xi32, #tpu.memory_space<hbm>> -> memref<3072xi32, #tpu.memory_space<hbm>>
    %dma_start3A_24 = tpu.memref_slice %arg5[%mul3A_23] : memref<1628160xi32, #tpu.memory_space<hbm>> -> memref<3072xi32, #tpu.memory_space<hbm>>
    tpu.enqueue_dma source(%dma_start3A_24 : memref<3072xi32, #tpu.memory_space<hbm>>) target(%arg13 : memref<3072xi32, #tpu.memory_space<vmem>>) target_semaphore(%arg24 : memref<!tpu.dma_semaphore, #tpu.memory_space<semaphore_mem>>)
    %dma_start3A_25 = tpu.memref_slice %arg6[%mul3A_23] : memref<1628160xi32, #tpu.memory_space<hbm>> -> memref<3072xi32, #tpu.memory_space<hbm>>
    %dma_start3A_26 = tpu.memref_slice %arg6[%mul3A_23] : memref<1628160xi32, #tpu.memory_space<hbm>> -> memref<3072xi32, #tpu.memory_space<hbm>>
    tpu.enqueue_dma source(%dma_start3A_26 : memref<3072xi32, #tpu.memory_space<hbm>>) target(%arg14 : memref<3072xi32, #tpu.memory_space<vmem>>) target_semaphore(%arg24 : memref<!tpu.dma_semaphore, #tpu.memory_space<semaphore_mem>>)
    %dma_start3A_27 = tpu.memref_slice %arg7[%mul3A_23] : memref<1628160xi32, #tpu.memory_space<hbm>> -> memref<3072xi32, #tpu.memory_space<hbm>>
    %dma_start3A_28 = tpu.memref_slice %arg7[%mul3A_23] : memref<1628160xi32, #tpu.memory_space<hbm>> -> memref<3072xi32, #tpu.memory_space<hbm>>
    tpu.enqueue_dma source(%dma_start3A_28 : memref<3072xi32, #tpu.memory_space<hbm>>) target(%arg15 : memref<3072xi32, #tpu.memory_space<vmem>>) target_semaphore(%arg24 : memref<!tpu.dma_semaphore, #tpu.memory_space<semaphore_mem>>)
    %mul3A_29 = arith.constant 66 : i32
    %mul3A_30 = arith.muli %shift_right_arithmetic3A_2, %mul3A_29 : i32
    %add3A_31 = arith.constant 1 : i32
    %add3A_32 = arith.addi %mul3A_30, %add3A_31 : i32
    %mul3A_33 = arith.constant 3072 : i32
    %mul3A_34 = arith.muli %add3A_32, %mul3A_33 : i32
    %dma_start3A_35 = tpu.memref_slice %arg5[%mul3A_34] : memref<1628160xi32, #tpu.memory_space<hbm>> -> memref<3072xi32, #tpu.memory_space<hbm>>
    %dma_start3A_36 = tpu.memref_slice %arg5[%mul3A_34] : memref<1628160xi32, #tpu.memory_space<hbm>> -> memref<3072xi32, #tpu.memory_space<hbm>>
    tpu.enqueue_dma source(%dma_start3A_36 : memref<3072xi32, #tpu.memory_space<hbm>>) target(%arg16 : memref<3072xi32, #tpu.memory_space<vmem>>) target_semaphore(%arg25 : memref<!tpu.dma_semaphore, #tpu.memory_space<semaphore_mem>>)
    %dma_start3A_37 = tpu.memref_slice %arg6[%mul3A_34] : memref<1628160xi32, #tpu.memory_space<hbm>> -> memref<3072xi32, #tpu.memory_space<hbm>>
    %dma_start3A_38 = tpu.memref_slice %arg6[%mul3A_34] : memref<1628160xi32, #tpu.memory_space<hbm>> -> memref<3072xi32, #tpu.memory_space<hbm>>
    tpu.enqueue_dma source(%dma_start3A_38 : memref<3072xi32, #tpu.memory_space<hbm>>) target(%arg17 : memref<3072xi32, #tpu.memory_space<vmem>>) target_semaphore(%arg25 : memref<!tpu.dma_semaphore, #tpu.memory_space<semaphore_mem>>)
    %dma_start3A_39 = tpu.memref_slice %arg7[%mul3A_34] : memref<1628160xi32, #tpu.memory_space<hbm>> -> memref<3072xi32, #tpu.memory_space<hbm>>
    %dma_start3A_40 = tpu.memref_slice %arg7[%mul3A_34] : memref<1628160xi32, #tpu.memory_space<hbm>> -> memref<3072xi32, #tpu.memory_space<hbm>>
    tpu.enqueue_dma source(%dma_start3A_40 : memref<3072xi32, #tpu.memory_space<hbm>>) target(%arg18 : memref<3072xi32, #tpu.memory_space<vmem>>) target_semaphore(%arg25 : memref<!tpu.dma_semaphore, #tpu.memory_space<semaphore_mem>>)
    %dma_wait3A = arith.constant 0 : i32
    %dma_wait3A_41 = tpu.memref_slice %arg5[%dma_wait3A] : memref<1628160xi32, #tpu.memory_space<hbm>> -> memref<3072xi32, #tpu.memory_space<hbm>>
    %dma_wait3A_42 = arith.constant 0 : i32
    %dma_wait3A_43 = tpu.memref_slice %arg5[%dma_wait3A_42] : memref<1628160xi32, #tpu.memory_space<hbm>> -> memref<3072xi32, #tpu.memory_space<hbm>>
    tpu.wait_dma2 semaphore(%arg24 : memref<!tpu.dma_semaphore, #tpu.memory_space<semaphore_mem>>) src(%dma_wait3A_43 : memref<3072xi32, #tpu.memory_space<hbm>>) dst(%arg13 : memref<3072xi32, #tpu.memory_space<vmem>>)
    %dma_wait3A_44 = arith.constant 0 : i32
    %dma_wait3A_45 = tpu.memref_slice %arg6[%dma_wait3A_44] : memref<1628160xi32, #tpu.memory_space<hbm>> -> memref<3072xi32, #tpu.memory_space<hbm>>
    %dma_wait3A_46 = arith.constant 0 : i32
    %dma_wait3A_47 = tpu.memref_slice %arg6[%dma_wait3A_46] : memref<1628160xi32, #tpu.memory_space<hbm>> -> memref<3072xi32, #tpu.memory_space<hbm>>
    tpu.wait_dma2 semaphore(%arg24 : memref<!tpu.dma_semaphore, #tpu.memory_space<semaphore_mem>>) src(%dma_wait3A_47 : memref<3072xi32, #tpu.memory_space<hbm>>) dst(%arg14 : memref<3072xi32, #tpu.memory_space<vmem>>)
    %dma_wait3A_48 = arith.constant 0 : i32
    %dma_wait3A_49 = tpu.memref_slice %arg7[%dma_wait3A_48] : memref<1628160xi32, #tpu.memory_space<hbm>> -> memref<3072xi32, #tpu.memory_space<hbm>>
    %dma_wait3A_50 = arith.constant 0 : i32
    %dma_wait3A_51 = tpu.memref_slice %arg7[%dma_wait3A_50] : memref<1628160xi32, #tpu.memory_space<hbm>> -> memref<3072xi32, #tpu.memory_space<hbm>>
    tpu.wait_dma2 semaphore(%arg24 : memref<!tpu.dma_semaphore, #tpu.memory_space<semaphore_mem>>) src(%dma_wait3A_51 : memref<3072xi32, #tpu.memory_space<hbm>>) dst(%arg15 : memref<3072xi32, #tpu.memory_space<vmem>>)
    %scan3A = arith.constant 0 : i32
    %scan3A_52 = arith.constant 48 : i32
    %scan3A_53 = arith.addi %scan3A, %scan3A_52 : i32
    %scan3A_54 = arith.constant 1 : i32
    scf.for %scan3A_144 = %scan3A to %scan3A_53 step %scan3A_54  : i32 {
      %mul3A_145 = arith.constant 4 : i32
      %mul3A_146 = arith.muli %scan3A_144, %mul3A_145 : i32
      %add3A_147 = arith.constant 0 : i32
      %add3A_148 = arith.addi %add3A_147, %mul3A_146 : i32
      %add3A_149 = arith.constant 0 : i32
      %add3A_150 = arith.addi %add3A_148, %add3A_149 : i32
      %mul3A_151 = arith.constant 16 : i32
      %mul3A_152 = arith.muli %add3A_150, %mul3A_151 : i32
      %get3A_153 = arith.index_cast %mul3A_152 : i32 to index
      %get3A_154 = tpu.vector_load %arg13[%get3A_153] {strides = array<i32>} : memref<3072xi32, #tpu.memory_space<vmem>>, vector<16xi32>,
      %mul3A_155 = arith.constant 16 : i32
      %mul3A_156 = arith.muli %add3A_150, %mul3A_155 : i32
      %get3A_157 = arith.index_cast %mul3A_156 : i32 to index
      %get3A_158 = tpu.vector_load %arg14[%get3A_157] {strides = array<i32>} : memref<3072xi32, #tpu.memory_space<vmem>>, vector<16xi32>,
      %mul3A_159 = arith.constant 16 : i32
      %mul3A_160 = arith.muli %add3A_150, %mul3A_159 : i32
      %get3A_161 = arith.index_cast %mul3A_160 : i32 to index
      %get3A_162 = tpu.vector_load %arg15[%get3A_161] {strides = array<i32>} : memref<3072xi32, #tpu.memory_space<vmem>>, vector<16xi32>,
      %gather3A = tpu.vector_load_idx %arg10[%get3A_154] : memref<57344xf32, #tpu.memory_space<vmem>>[vector<16xi32>], vector<16xf32>,
      %gather3A_163 = tpu.vector_load_idx %arg10[%get3A_158] : memref<57344xf32, #tpu.memory_space<vmem>>[vector<16xi32>], vector<16xf32>,
      %gather3A_164 = tpu.vector_load_idx %arg11[%get3A_162] : memref<16xf32, #tpu.memory_space<vmem>>[vector<16xi32>], vector<16xf32>,
      %mul3A_165 = arith.mulf %gather3A, %get3A_13 : vector<16xf32>
      %mul3A_166 = arith.mulf %gather3A_163, %get3A_15 : vector<16xf32>
      %add3A_167 = arith.addf %mul3A_165, %mul3A_166 : vector<16xf32>
      %add3A_168 = arith.addf %add3A_167, %gather3A_164 : vector<16xf32>
      %mul3A_169 = arith.constant 2.000000e-01 : f32
      %mul3A_170 = vector.broadcast %mul3A_169 : f32 to vector<16xf32>
      %mul3A_171 = arith.mulf %mul3A_170, %add3A_168 : vector<16xf32>
      %max3A = arith.maximumf %add3A_168, %mul3A_171 : vector<16xf32>
      %exp3A = math.exp %max3A : vector<16xf32>
      %mul3A_172 = arith.constant 4 : i32
      %mul3A_173 = vector.broadcast %mul3A_172 : i32 to vector<16xi32>
      %mul3A_174 = arith.muli %get3A_158, %mul3A_173 : vector<16xi32>
      %add3A_175 = vector.broadcast %and3A_0 : i32 to vector<16xi32>
      %add3A_176 = arith.addi %mul3A_174, %add3A_175 : vector<16xi32>
      %mul3A_177 = arith.constant 2 : i32
      %mul3A_178 = arith.muli %mul3A_177, %add3A_150 : i32
      %mul3A_179 = arith.constant 16 : i32
      %mul3A_180 = arith.muli %mul3A_178, %mul3A_179 : i32
      %swap3A = arith.index_cast %mul3A_180 : i32 to index
      %swap3A_181 = tpu.vector_load %arg19[%swap3A] {strides = array<i32>} : memref<6144xf32, #tpu.memory_space<vmem>>, vector<16xf32>,
      tpu.vector_store %arg19[%swap3A], %exp3A {strides = array<i32>} : memref<6144xf32, #tpu.memory_space<vmem>>, vector<16xf32>,
      %mul3A_182 = arith.constant 2 : i32
      %mul3A_183 = arith.muli %mul3A_182, %add3A_150 : i32
      %mul3A_184 = arith.constant 16 : i32
      %mul3A_185 = arith.muli %mul3A_183, %mul3A_184 : i32
      %swap3A_186 = arith.index_cast %mul3A_185 : i32 to index
      %swap3A_187 = tpu.vector_load %arg20[%swap3A_186] {strides = array<i32>} : memref<6144xi32, #tpu.memory_space<vmem>>, vector<16xi32>,
      tpu.vector_store %arg20[%swap3A_186], %add3A_176 {strides = array<i32>} : memref<6144xi32, #tpu.memory_space<vmem>>, vector<16xi32>,
      %mul3A_188 = arith.mulf %exp3A, %get3A_17 : vector<16xf32>
      %mul3A_189 = arith.mulf %mul3A_188, %gather3A : vector<16xf32>
      %mul3A_190 = arith.constant 2 : i32
      %mul3A_191 = arith.muli %mul3A_190, %add3A_150 : i32
      %add3A_192 = arith.constant 1 : i32
      %add3A_193 = arith.addi %mul3A_191, %add3A_192 : i32
      %mul3A_194 = arith.constant 16 : i32
      %mul3A_195 = arith.muli %add3A_193, %mul3A_194 : i32
      %swap3A_196 = arith.index_cast %mul3A_195 : i32 to index
      %swap3A_197 = tpu.vector_load %arg19[%swap3A_196] {strides = array<i32>} : memref<6144xf32, #tpu.memory_space<vmem>>, vector<16xf32>,
      tpu.vector_store %arg19[%swap3A_196], %mul3A_189 {strides = array<i32>} : memref<6144xf32, #tpu.memory_space<vmem>>, vector<16xf32>,
      %add3A_198 = arith.constant 2 : i32
      %add3A_199 = vector.broadcast %add3A_198 : i32 to vector<16xi32>
      %add3A_200 = arith.addi %add3A_176, %add3A_199 : vector<16xi32>
      %mul3A_201 = arith.constant 2 : i32
      %mul3A_202 = arith.muli %mul3A_201, %add3A_150 : i32
      %add3A_203 = arith.constant 1 : i32
      %add3A_204 = arith.addi %mul3A_202, %add3A_203 : i32
      %mul3A_205 = arith.constant 16 : i32
      %mul3A_206 = arith.muli %add3A_204, %mul3A_205 : i32
      %swap3A_207 = arith.index_cast %mul3A_206 : i32 to index
      %swap3A_208 = tpu.vector_load %arg20[%swap3A_207] {strides = array<i32>} : memref<6144xi32, #tpu.memory_space<vmem>>, vector<16xi32>,
      tpu.vector_store %arg20[%swap3A_207], %add3A_200 {strides = array<i32>} : memref<6144xi32, #tpu.memory_space<vmem>>, vector<16xi32>,
      %add3A_209 = arith.constant 1 : i32
      %add3A_210 = arith.addi %add3A_148, %add3A_209 : i32
      %mul3A_211 = arith.constant 16 : i32
      %mul3A_212 = arith.muli %add3A_210, %mul3A_211 : i32
      %get3A_213 = arith.index_cast %mul3A_212 : i32 to index
      %get3A_214 = tpu.vector_load %arg13[%get3A_213] {strides = array<i32>} : memref<3072xi32, #tpu.memory_space<vmem>>, vector<16xi32>,
      %mul3A_215 = arith.constant 16 : i32
      %mul3A_216 = arith.muli %add3A_210, %mul3A_215 : i32
      %get3A_217 = arith.index_cast %mul3A_216 : i32 to index
      %get3A_218 = tpu.vector_load %arg14[%get3A_217] {strides = array<i32>} : memref<3072xi32, #tpu.memory_space<vmem>>, vector<16xi32>,
      %mul3A_219 = arith.constant 16 : i32
      %mul3A_220 = arith.muli %add3A_210, %mul3A_219 : i32
      %get3A_221 = arith.index_cast %mul3A_220 : i32 to index
      %get3A_222 = tpu.vector_load %arg15[%get3A_221] {strides = array<i32>} : memref<3072xi32, #tpu.memory_space<vmem>>, vector<16xi32>,
      %gather3A_223 = tpu.vector_load_idx %arg10[%get3A_214] : memref<57344xf32, #tpu.memory_space<vmem>>[vector<16xi32>], vector<16xf32>,
      %gather3A_224 = tpu.vector_load_idx %arg10[%get3A_218] : memref<57344xf32, #tpu.memory_space<vmem>>[vector<16xi32>], vector<16xf32>,
      %gather3A_225 = tpu.vector_load_idx %arg11[%get3A_222] : memref<16xf32, #tpu.memory_space<vmem>>[vector<16xi32>], vector<16xf32>,
      %mul3A_226 = arith.mulf %gather3A_223, %get3A_13 : vector<16xf32>
      %mul3A_227 = arith.mulf %gather3A_224, %get3A_15 : vector<16xf32>
      %add3A_228 = arith.addf %mul3A_226, %mul3A_227 : vector<16xf32>
      %add3A_229 = arith.addf %add3A_228, %gather3A_225 : vector<16xf32>
      %mul3A_230 = arith.constant 2.000000e-01 : f32
      %mul3A_231 = vector.broadcast %mul3A_230 : f32 to vector<16xf32>
      %mul3A_232 = arith.mulf %mul3A_231, %add3A_229 : vector<16xf32>
      %max3A_233 = arith.maximumf %add3A_229, %mul3A_232 : vector<16xf32>
      %exp3A_234 = math.exp %max3A_233 : vector<16xf32>
      %mul3A_235 = arith.constant 4 : i32
      %mul3A_236 = vector.broadcast %mul3A_235 : i32 to vector<16xi32>
      %mul3A_237 = arith.muli %get3A_218, %mul3A_236 : vector<16xi32>
      %add3A_238 = vector.broadcast %and3A_0 : i32 to vector<16xi32>
      %add3A_239 = arith.addi %mul3A_237, %add3A_238 : vector<16xi32>
      %mul3A_240 = arith.constant 2 : i32
      %mul3A_241 = arith.muli %mul3A_240, %add3A_210 : i32
      %mul3A_242 = arith.constant 16 : i32
      %mul3A_243 = arith.muli %mul3A_241, %mul3A_242 : i32
      %swap3A_244 = arith.index_cast %mul3A_243 : i32 to index
      %swap3A_245 = tpu.vector_load %arg19[%swap3A_244] {strides = array<i32>} : memref<6144xf32, #tpu.memory_space<vmem>>, vector<16xf32>,
      tpu.vector_store %arg19[%swap3A_244], %exp3A_234 {strides = array<i32>} : memref<6144xf32, #tpu.memory_space<vmem>>, vector<16xf32>,
      %mul3A_246 = arith.constant 2 : i32
      %mul3A_247 = arith.muli %mul3A_246, %add3A_210 : i32
      %mul3A_248 = arith.constant 16 : i32
      %mul3A_249 = arith.muli %mul3A_247, %mul3A_248 : i32
      %swap3A_250 = arith.index_cast %mul3A_249 : i32 to index
      %swap3A_251 = tpu.vector_load %arg20[%swap3A_250] {strides = array<i32>} : memref<6144xi32, #tpu.memory_space<vmem>>, vector<16xi32>,
      tpu.vector_store %arg20[%swap3A_250], %add3A_239 {strides = array<i32>} : memref<6144xi32, #tpu.memory_space<vmem>>, vector<16xi32>,
      %mul3A_252 = arith.mulf %exp3A_234, %get3A_17 : vector<16xf32>
      %mul3A_253 = arith.mulf %mul3A_252, %gather3A_223 : vector<16xf32>
      %mul3A_254 = arith.constant 2 : i32
      %mul3A_255 = arith.muli %mul3A_254, %add3A_210 : i32
      %add3A_256 = arith.constant 1 : i32
      %add3A_257 = arith.addi %mul3A_255, %add3A_256 : i32
      %mul3A_258 = arith.constant 16 : i32
      %mul3A_259 = arith.muli %add3A_257, %mul3A_258 : i32
      %swap3A_260 = arith.index_cast %mul3A_259 : i32 to index
      %swap3A_261 = tpu.vector_load %arg19[%swap3A_260] {strides = array<i32>} : memref<6144xf32, #tpu.memory_space<vmem>>, vector<16xf32>,
      tpu.vector_store %arg19[%swap3A_260], %mul3A_253 {strides = array<i32>} : memref<6144xf32, #tpu.memory_space<vmem>>, vector<16xf32>,
      %add3A_262 = arith.constant 2 : i32
      %add3A_263 = vector.broadcast %add3A_262 : i32 to vector<16xi32>
      %add3A_264 = arith.addi %add3A_239, %add3A_263 : vector<16xi32>
      %mul3A_265 = arith.constant 2 : i32
      %mul3A_266 = arith.muli %mul3A_265, %add3A_210 : i32
      %add3A_267 = arith.constant 1 : i32
      %add3A_268 = arith.addi %mul3A_266, %add3A_267 : i32
      %mul3A_269 = arith.constant 16 : i32
      %mul3A_270 = arith.muli %add3A_268, %mul3A_269 : i32
      %swap3A_271 = arith.index_cast %mul3A_270 : i32 to index
      %swap3A_272 = tpu.vector_load %arg20[%swap3A_271] {strides = array<i32>} : memref<6144xi32, #tpu.memory_space<vmem>>, vector<16xi32>,
      tpu.vector_store %arg20[%swap3A_271], %add3A_264 {strides = array<i32>} : memref<6144xi32, #tpu.memory_space<vmem>>, vector<16xi32>,
      %add3A_273 = arith.constant 2 : i32
      %add3A_274 = arith.addi %add3A_148, %add3A_273 : i32
      %mul3A_275 = arith.constant 16 : i32
      %mul3A_276 = arith.muli %add3A_274, %mul3A_275 : i32
      %get3A_277 = arith.index_cast %mul3A_276 : i32 to index
      %get3A_278 = tpu.vector_load %arg13[%get3A_277] {strides = array<i32>} : memref<3072xi32, #tpu.memory_space<vmem>>, vector<16xi32>,
      %mul3A_279 = arith.constant 16 : i32
      %mul3A_280 = arith.muli %add3A_274, %mul3A_279 : i32
      %get3A_281 = arith.index_cast %mul3A_280 : i32 to index
      %get3A_282 = tpu.vector_load %arg14[%get3A_281] {strides = array<i32>} : memref<3072xi32, #tpu.memory_space<vmem>>, vector<16xi32>,
      %mul3A_283 = arith.constant 16 : i32
      %mul3A_284 = arith.muli %add3A_274, %mul3A_283 : i32
      %get3A_285 = arith.index_cast %mul3A_284 : i32 to index
      %get3A_286 = tpu.vector_load %arg15[%get3A_285] {strides = array<i32>} : memref<3072xi32, #tpu.memory_space<vmem>>, vector<16xi32>,
      %gather3A_287 = tpu.vector_load_idx %arg10[%get3A_278] : memref<57344xf32, #tpu.memory_space<vmem>>[vector<16xi32>], vector<16xf32>,
      %gather3A_288 = tpu.vector_load_idx %arg10[%get3A_282] : memref<57344xf32, #tpu.memory_space<vmem>>[vector<16xi32>], vector<16xf32>,
      %gather3A_289 = tpu.vector_load_idx %arg11[%get3A_286] : memref<16xf32, #tpu.memory_space<vmem>>[vector<16xi32>], vector<16xf32>,
      %mul3A_290 = arith.mulf %gather3A_287, %get3A_13 : vector<16xf32>
      %mul3A_291 = arith.mulf %gather3A_288, %get3A_15 : vector<16xf32>
      %add3A_292 = arith.addf %mul3A_290, %mul3A_291 : vector<16xf32>
      %add3A_293 = arith.addf %add3A_292, %gather3A_289 : vector<16xf32>
      %mul3A_294 = arith.constant 2.000000e-01 : f32
      %mul3A_295 = vector.broadcast %mul3A_294 : f32 to vector<16xf32>
      %mul3A_296 = arith.mulf %mul3A_295, %add3A_293 : vector<16xf32>
      %max3A_297 = arith.maximumf %add3A_293, %mul3A_296 : vector<16xf32>
      %exp3A_298 = math.exp %max3A_297 : vector<16xf32>
      %mul3A_299 = arith.constant 4 : i32
      %mul3A_300 = vector.broadcast %mul3A_299 : i32 to vector<16xi32>
      %mul3A_301 = arith.muli %get3A_282, %mul3A_300 : vector<16xi32>
      %add3A_302 = vector.broadcast %and3A_0 : i32 to vector<16xi32>
      %add3A_303 = arith.addi %mul3A_301, %add3A_302 : vector<16xi32>
      %mul3A_304 = arith.constant 2 : i32
      %mul3A_305 = arith.muli %mul3A_304, %add3A_274 : i32
      %mul3A_306 = arith.constant 16 : i32
      %mul3A_307 = arith.muli %mul3A_305, %mul3A_306 : i32
      %swap3A_308 = arith.index_cast %mul3A_307 : i32 to index
      %swap3A_309 = tpu.vector_load %arg19[%swap3A_308] {strides = array<i32>} : memref<6144xf32, #tpu.memory_space<vmem>>, vector<16xf32>,
      tpu.vector_store %arg19[%swap3A_308], %exp3A_298 {strides = array<i32>} : memref<6144xf32, #tpu.memory_space<vmem>>, vector<16xf32>,
      %mul3A_310 = arith.constant 2 : i32
      %mul3A_311 = arith.muli %mul3A_310, %add3A_274 : i32
      %mul3A_312 = arith.constant 16 : i32
      %mul3A_313 = arith.muli %mul3A_311, %mul3A_312 : i32
      %swap3A_314 = arith.index_cast %mul3A_313 : i32 to index
      %swap3A_315 = tpu.vector_load %arg20[%swap3A_314] {strides = array<i32>} : memref<6144xi32, #tpu.memory_space<vmem>>, vector<16xi32>,
      tpu.vector_store %arg20[%swap3A_314], %add3A_303 {strides = array<i32>} : memref<6144xi32, #tpu.memory_space<vmem>>, vector<16xi32>,
      %mul3A_316 = arith.mulf %exp3A_298, %get3A_17 : vector<16xf32>
      %mul3A_317 = arith.mulf %mul3A_316, %gather3A_287 : vector<16xf32>
      %mul3A_318 = arith.constant 2 : i32
      %mul3A_319 = arith.muli %mul3A_318, %add3A_274 : i32
      %add3A_320 = arith.constant 1 : i32
      %add3A_321 = arith.addi %mul3A_319, %add3A_320 : i32
      %mul3A_322 = arith.constant 16 : i32
      %mul3A_323 = arith.muli %add3A_321, %mul3A_322 : i32
      %swap3A_324 = arith.index_cast %mul3A_323 : i32 to index
      %swap3A_325 = tpu.vector_load %arg19[%swap3A_324] {strides = array<i32>} : memref<6144xf32, #tpu.memory_space<vmem>>, vector<16xf32>,
      tpu.vector_store %arg19[%swap3A_324], %mul3A_317 {strides = array<i32>} : memref<6144xf32, #tpu.memory_space<vmem>>, vector<16xf32>,
      %add3A_326 = arith.constant 2 : i32
      %add3A_327 = vector.broadcast %add3A_326 : i32 to vector<16xi32>
      %add3A_328 = arith.addi %add3A_303, %add3A_327 : vector<16xi32>
      %mul3A_329 = arith.constant 2 : i32
      %mul3A_330 = arith.muli %mul3A_329, %add3A_274 : i32
      %add3A_331 = arith.constant 1 : i32
      %add3A_332 = arith.addi %mul3A_330, %add3A_331 : i32
      %mul3A_333 = arith.constant 16 : i32
      %mul3A_334 = arith.muli %add3A_332, %mul3A_333 : i32
      %swap3A_335 = arith.index_cast %mul3A_334 : i32 to index
      %swap3A_336 = tpu.vector_load %arg20[%swap3A_335] {strides = array<i32>} : memref<6144xi32, #tpu.memory_space<vmem>>, vector<16xi32>,
      tpu.vector_store %arg20[%swap3A_335], %add3A_328 {strides = array<i32>} : memref<6144xi32, #tpu.memory_space<vmem>>, vector<16xi32>,
      %add3A_337 = arith.constant 3 : i32
      %add3A_338 = arith.addi %add3A_148, %add3A_337 : i32
      %mul3A_339 = arith.constant 16 : i32
      %mul3A_340 = arith.muli %add3A_338, %mul3A_339 : i32
      %get3A_341 = arith.index_cast %mul3A_340 : i32 to index
      %get3A_342 = tpu.vector_load %arg13[%get3A_341] {strides = array<i32>} : memref<3072xi32, #tpu.memory_space<vmem>>, vector<16xi32>,
      %mul3A_343 = arith.constant 16 : i32
      %mul3A_344 = arith.muli %add3A_338, %mul3A_343 : i32
      %get3A_345 = arith.index_cast %mul3A_344 : i32 to index
      %get3A_346 = tpu.vector_load %arg14[%get3A_345] {strides = array<i32>} : memref<3072xi32, #tpu.memory_space<vmem>>, vector<16xi32>,
      %mul3A_347 = arith.constant 16 : i32
      %mul3A_348 = arith.muli %add3A_338, %mul3A_347 : i32
      %get3A_349 = arith.index_cast %mul3A_348 : i32 to index
      %get3A_350 = tpu.vector_load %arg15[%get3A_349] {strides = array<i32>} : memref<3072xi32, #tpu.memory_space<vmem>>, vector<16xi32>,
      %gather3A_351 = tpu.vector_load_idx %arg10[%get3A_342] : memref<57344xf32, #tpu.memory_space<vmem>>[vector<16xi32>], vector<16xf32>,
      %gather3A_352 = tpu.vector_load_idx %arg10[%get3A_346] : memref<57344xf32, #tpu.memory_space<vmem>>[vector<16xi32>], vector<16xf32>,
      %gather3A_353 = tpu.vector_load_idx %arg11[%get3A_350] : memref<16xf32, #tpu.memory_space<vmem>>[vector<16xi32>], vector<16xf32>,
      %mul3A_354 = arith.mulf %gather3A_351, %get3A_13 : vector<16xf32>
      %mul3A_355 = arith.mulf %gather3A_352, %get3A_15 : vector<16xf32>
      %add3A_356 = arith.addf %mul3A_354, %mul3A_355 : vector<16xf32>
      %add3A_357 = arith.addf %add3A_356, %gather3A_353 : vector<16xf32>
      %mul3A_358 = arith.constant 2.000000e-01 : f32
      %mul3A_359 = vector.broadcast %mul3A_358 : f32 to vector<16xf32>
      %mul3A_360 = arith.mulf %mul3A_359, %add3A_357 : vector<16xf32>
      %max3A_361 = arith.maximumf %add3A_357, %mul3A_360 : vector<16xf32>
      %exp3A_362 = math.exp %max3A_361 : vector<16xf32>
      %mul3A_363 = arith.constant 4 : i32
      %mul3A_364 = vector.broadcast %mul3A_363 : i32 to vector<16xi32>
      %mul3A_365 = arith.muli %get3A_346, %mul3A_364 : vector<16xi32>
      %add3A_366 = vector.broadcast %and3A_0 : i32 to vector<16xi32>
      %add3A_367 = arith.addi %mul3A_365, %add3A_366 : vector<16xi32>
      %mul3A_368 = arith.constant 2 : i32
      %mul3A_369 = arith.muli %mul3A_368, %add3A_338 : i32
      %mul3A_370 = arith.constant 16 : i32
      %mul3A_371 = arith.muli %mul3A_369, %mul3A_370 : i32
      %swap3A_372 = arith.index_cast %mul3A_371 : i32 to index
      %swap3A_373 = tpu.vector_load %arg19[%swap3A_372] {strides = array<i32>} : memref<6144xf32, #tpu.memory_space<vmem>>, vector<16xf32>,
      tpu.vector_store %arg19[%swap3A_372], %exp3A_362 {strides = array<i32>} : memref<6144xf32, #tpu.memory_space<vmem>>, vector<16xf32>,
      %mul3A_374 = arith.constant 2 : i32
      %mul3A_375 = arith.muli %mul3A_374, %add3A_338 : i32
      %mul3A_376 = arith.constant 16 : i32
      %mul3A_377 = arith.muli %mul3A_375, %mul3A_376 : i32
      %swap3A_378 = arith.index_cast %mul3A_377 : i32 to index
      %swap3A_379 = tpu.vector_load %arg20[%swap3A_378] {strides = array<i32>} : memref<6144xi32, #tpu.memory_space<vmem>>, vector<16xi32>,
      tpu.vector_store %arg20[%swap3A_378], %add3A_367 {strides = array<i32>} : memref<6144xi32, #tpu.memory_space<vmem>>, vector<16xi32>,
      %mul3A_380 = arith.mulf %exp3A_362, %get3A_17 : vector<16xf32>
      %mul3A_381 = arith.mulf %mul3A_380, %gather3A_351 : vector<16xf32>
      %mul3A_382 = arith.constant 2 : i32
      %mul3A_383 = arith.muli %mul3A_382, %add3A_338 : i32
      %add3A_384 = arith.constant 1 : i32
      %add3A_385 = arith.addi %mul3A_383, %add3A_384 : i32
      %mul3A_386 = arith.constant 16 : i32
      %mul3A_387 = arith.muli %add3A_385, %mul3A_386 : i32
      %swap3A_388 = arith.index_cast %mul3A_387 : i32 to index
      %swap3A_389 = tpu.vector_load %arg19[%swap3A_388] {strides = array<i32>} : memref<6144xf32, #tpu.memory_space<vmem>>, vector<16xf32>,
      tpu.vector_store %arg19[%swap3A_388], %mul3A_381 {strides = array<i32>} : memref<6144xf32, #tpu.memory_space<vmem>>, vector<16xf32>,
      %add3A_390 = arith.constant 2 : i32
      %add3A_391 = vector.broadcast %add3A_390 : i32 to vector<16xi32>
      %add3A_392 = arith.addi %add3A_367, %add3A_391 : vector<16xi32>
      %mul3A_393 = arith.constant 2 : i32
      %mul3A_394 = arith.muli %mul3A_393, %add3A_338 : i32
      %add3A_395 = arith.constant 1 : i32
      %add3A_396 = arith.addi %mul3A_394, %add3A_395 : i32
      %mul3A_397 = arith.constant 16 : i32
      %mul3A_398 = arith.muli %add3A_396, %mul3A_397 : i32
      %swap3A_399 = arith.index_cast %mul3A_398 : i32 to index
      %swap3A_400 = tpu.vector_load %arg20[%swap3A_399] {strides = array<i32>} : memref<6144xi32, #tpu.memory_space<vmem>>, vector<16xi32>,
      tpu.vector_store %arg20[%swap3A_399], %add3A_392 {strides = array<i32>} : memref<6144xi32, #tpu.memory_space<vmem>>, vector<16xi32>,
    }
    %scan3A_55 = arith.constant 48 : i32
    %dma_start3A_56 = arith.constant 0 : i32
    %dma_start3A_57 = tpu.memref_slice %arg23[%dma_start3A_56] : memref<229376xf32, #tpu.memory_space<vmem_shared>> -> memref<229376xf32, #tpu.memory_space<vmem_shared>>
    tpu.enqueue_indirect_dma source(%arg19 : memref<6144xf32, #tpu.memory_space<vmem>>) target(%dma_start3A_57 : memref<229376xf32, #tpu.memory_space<vmem_shared>>) offsets(%arg20 : memref<6144xi32, #tpu.memory_space<vmem>>) semaphore(%arg26 : memref<!tpu.dma_semaphore, #tpu.memory_space<semaphore_mem>>) {add = true}
    %mul3A_58 = arith.constant 66 : i32
    %mul3A_59 = arith.muli %shift_right_arithmetic3A_2, %mul3A_58 : i32
    %add3A_60 = arith.constant 2 : i32
    %add3A_61 = arith.addi %mul3A_59, %add3A_60 : i32
    %mul3A_62 = arith.constant 3072 : i32
    %mul3A_63 = arith.muli %add3A_61, %mul3A_62 : i32
    %dma_start3A_64 = tpu.memref_slice %arg5[%mul3A_63] : memref<1628160xi32, #tpu.memory_space<hbm>> -> memref<3072xi32, #tpu.memory_space<hbm>>
    %dma_start3A_65 = tpu.memref_slice %arg5[%mul3A_63] : memref<1628160xi32, #tpu.memory_space<hbm>> -> memref<3072xi32, #tpu.memory_space<hbm>>
    tpu.enqueue_dma source(%dma_start3A_65 : memref<3072xi32, #tpu.memory_space<hbm>>) target(%arg13 : memref<3072xi32, #tpu.memory_space<vmem>>) target_semaphore(%arg24 : memref<!tpu.dma_semaphore, #tpu.memory_space<semaphore_mem>>)
    %dma_start3A_66 = tpu.memref_slice %arg6[%mul3A_63] : memref<1628160xi32, #tpu.memory_space<hbm>> -> memref<3072xi32, #tpu.memory_space<hbm>>
    %dma_start3A_67 = tpu.memref_slice %arg6[%mul3A_63] : memref<1628160xi32, #tpu.memory_space<hbm>> -> memref<3072xi32, #tpu.memory_space<hbm>>
    tpu.enqueue_dma source(%dma_start3A_67 : memref<3072xi32, #tpu.memory_space<hbm>>) target(%arg14 : memref<3072xi32, #tpu.memory_space<vmem>>) target_semaphore(%arg24 : memref<!tpu.dma_semaphore, #tpu.memory_space<semaphore_mem>>)
    %dma_start3A_68 = tpu.memref_slice %arg7[%mul3A_63] : memref<1628160xi32, #tpu.memory_space<hbm>> -> memref<3072xi32, #tpu.memory_space<hbm>>
    %dma_start3A_69 = tpu.memref_slice %arg7[%mul3A_63] : memref<1628160xi32, #tpu.memory_space<hbm>> -> memref<3072xi32, #tpu.memory_space<hbm>>
    tpu.enqueue_dma source(%dma_start3A_69 : memref<3072xi32, #tpu.memory_space<hbm>>) target(%arg15 : memref<3072xi32, #tpu.memory_space<vmem>>) target_semaphore(%arg24 : memref<!tpu.dma_semaphore, #tpu.memory_space<semaphore_mem>>)
    %dma_wait3A_70 = arith.constant 0 : i32
    %dma_wait3A_71 = tpu.memref_slice %arg5[%dma_wait3A_70] : memref<1628160xi32, #tpu.memory_space<hbm>> -> memref<3072xi32, #tpu.memory_space<hbm>>
    %dma_wait3A_72 = arith.constant 0 : i32
    %dma_wait3A_73 = tpu.memref_slice %arg5[%dma_wait3A_72] : memref<1628160xi32, #tpu.memory_space<hbm>> -> memref<3072xi32, #tpu.memory_space<hbm>>
    tpu.wait_dma2 semaphore(%arg25 : memref<!tpu.dma_semaphore, #tpu.memory_space<semaphore_mem>>) src(%dma_wait3A_73 : memref<3072xi32, #tpu.memory_space<hbm>>) dst(%arg16 : memref<3072xi32, #tpu.memory_space<vmem>>)
    %dma_wait3A_74 = arith.constant 0 : i32
    %dma_wait3A_75 = tpu.memref_slice %arg6[%dma_wait3A_74] : memref<1628160xi32, #tpu.memory_space<hbm>> -> memref<3072xi32, #tpu.memory_space<hbm>>
    %dma_wait3A_76 = arith.constant 0 : i32
    %dma_wait3A_77 = tpu.memref_slice %arg6[%dma_wait3A_76] : memref<1628160xi32, #tpu.memory_space<hbm>> -> memref<3072xi32, #tpu.memory_space<hbm>>
    tpu.wait_dma2 semaphore(%arg25 : memref<!tpu.dma_semaphore, #tpu.memory_space<semaphore_mem>>) src(%dma_wait3A_77 : memref<3072xi32, #tpu.memory_space<hbm>>) dst(%arg17 : memref<3072xi32, #tpu.memory_space<vmem>>)
    %dma_wait3A_78 = arith.constant 0 : i32
    %dma_wait3A_79 = tpu.memref_slice %arg7[%dma_wait3A_78] : memref<1628160xi32, #tpu.memory_space<hbm>> -> memref<3072xi32, #tpu.memory_space<hbm>>
    %dma_wait3A_80 = arith.constant 0 : i32
    %dma_wait3A_81 = tpu.memref_slice %arg7[%dma_wait3A_80] : memref<1628160xi32, #tpu.memory_space<hbm>> -> memref<3072xi32, #tpu.memory_space<hbm>>
    tpu.wait_dma2 semaphore(%arg25 : memref<!tpu.dma_semaphore, #tpu.memory_space<semaphore_mem>>) src(%dma_wait3A_81 : memref<3072xi32, #tpu.memory_space<hbm>>) dst(%arg18 : memref<3072xi32, #tpu.memory_space<vmem>>)
    %scan3A_82 = arith.constant 0 : i32
    %scan3A_83 = arith.constant 48 : i32
    %scan3A_84 = arith.addi %scan3A_82, %scan3A_83 : i32
    %scan3A_85 = arith.constant 1 : i32
    scf.for %scan3A_144 = %scan3A_82 to %scan3A_84 step %scan3A_85  : i32 {
      %mul3A_145 = arith.constant 4 : i32
      %mul3A_146 = arith.muli %scan3A_144, %mul3A_145 : i32
      %add3A_147 = arith.constant 0 : i32
      %add3A_148 = arith.addi %add3A_147, %mul3A_146 : i32
      %add3A_149 = arith.constant 0 : i32
      %add3A_150 = arith.addi %add3A_148, %add3A_149 : i32
      %mul3A_151 = arith.constant 16 : i32
      %mul3A_152 = arith.muli %add3A_150, %mul3A_151 : i32
      %get3A_153 = arith.index_cast %mul3A_152 : i32 to index
      %get3A_154 = tpu.vector_load %arg16[%get3A_153] {strides = array<i32>} : memref<3072xi32, #tpu.memory_space<vmem>>, vector<16xi32>,
      %mul3A_155 = arith.constant 16 : i32
      %mul3A_156 = arith.muli %add3A_150, %mul3A_155 : i32
      %get3A_157 = arith.index_cast %mul3A_156 : i32 to index
      %get3A_158 = tpu.vector_load %arg17[%get3A_157] {strides = array<i32>} : memref<3072xi32, #tpu.memory_space<vmem>>, vector<16xi32>,
      %mul3A_159 = arith.constant 16 : i32
      %mul3A_160 = arith.muli %add3A_150, %mul3A_159 : i32
      %get3A_161 = arith.index_cast %mul3A_160 : i32 to index
      %get3A_162 = tpu.vector_load %arg18[%get3A_161] {strides = array<i32>} : memref<3072xi32, #tpu.memory_space<vmem>>, vector<16xi32>,
      %gather3A = tpu.vector_load_idx %arg10[%get3A_154] : memref<57344xf32, #tpu.memory_space<vmem>>[vector<16xi32>], vector<16xf32>,
      %gather3A_163 = tpu.vector_load_idx %arg10[%get3A_158] : memref<57344xf32, #tpu.memory_space<vmem>>[vector<16xi32>], vector<16xf32>,
      %gather3A_164 = tpu.vector_load_idx %arg11[%get3A_162] : memref<16xf32, #tpu.memory_space<vmem>>[vector<16xi32>], vector<16xf32>,
      %mul3A_165 = arith.mulf %gather3A, %get3A_13 : vector<16xf32>
      %mul3A_166 = arith.mulf %gather3A_163, %get3A_15 : vector<16xf32>
      %add3A_167 = arith.addf %mul3A_165, %mul3A_166 : vector<16xf32>
      %add3A_168 = arith.addf %add3A_167, %gather3A_164 : vector<16xf32>
      %mul3A_169 = arith.constant 2.000000e-01 : f32
      %mul3A_170 = vector.broadcast %mul3A_169 : f32 to vector<16xf32>
      %mul3A_171 = arith.mulf %mul3A_170, %add3A_168 : vector<16xf32>
      %max3A = arith.maximumf %add3A_168, %mul3A_171 : vector<16xf32>
      %exp3A = math.exp %max3A : vector<16xf32>
      %mul3A_172 = arith.constant 4 : i32
      %mul3A_173 = vector.broadcast %mul3A_172 : i32 to vector<16xi32>
      %mul3A_174 = arith.muli %get3A_158, %mul3A_173 : vector<16xi32>
      %add3A_175 = vector.broadcast %and3A_0 : i32 to vector<16xi32>
      %add3A_176 = arith.addi %mul3A_174, %add3A_175 : vector<16xi32>
      %mul3A_177 = arith.constant 2 : i32
      %mul3A_178 = arith.muli %mul3A_177, %add3A_150 : i32
      %mul3A_179 = arith.constant 16 : i32
      %mul3A_180 = arith.muli %mul3A_178, %mul3A_179 : i32
      %swap3A = arith.index_cast %mul3A_180 : i32 to index
      %swap3A_181 = tpu.vector_load %arg21[%swap3A] {strides = array<i32>} : memref<6144xf32, #tpu.memory_space<vmem>>, vector<16xf32>,
      tpu.vector_store %arg21[%swap3A], %exp3A {strides = array<i32>} : memref<6144xf32, #tpu.memory_space<vmem>>, vector<16xf32>,
      %mul3A_182 = arith.constant 2 : i32
      %mul3A_183 = arith.muli %mul3A_182, %add3A_150 : i32
      %mul3A_184 = arith.constant 16 : i32
      %mul3A_185 = arith.muli %mul3A_183, %mul3A_184 : i32
      %swap3A_186 = arith.index_cast %mul3A_185 : i32 to index
      %swap3A_187 = tpu.vector_load %arg22[%swap3A_186] {strides = array<i32>} : memref<6144xi32, #tpu.memory_space<vmem>>, vector<16xi32>,
      tpu.vector_store %arg22[%swap3A_186], %add3A_176 {strides = array<i32>} : memref<6144xi32, #tpu.memory_space<vmem>>, vector<16xi32>,
      %mul3A_188 = arith.mulf %exp3A, %get3A_17 : vector<16xf32>
      %mul3A_189 = arith.mulf %mul3A_188, %gather3A : vector<16xf32>
      %mul3A_190 = arith.constant 2 : i32
      %mul3A_191 = arith.muli %mul3A_190, %add3A_150 : i32
      %add3A_192 = arith.constant 1 : i32
      %add3A_193 = arith.addi %mul3A_191, %add3A_192 : i32
      %mul3A_194 = arith.constant 16 : i32
      %mul3A_195 = arith.muli %add3A_193, %mul3A_194 : i32
      %swap3A_196 = arith.index_cast %mul3A_195 : i32 to index
      %swap3A_197 = tpu.vector_load %arg21[%swap3A_196] {strides = array<i32>} : memref<6144xf32, #tpu.memory_space<vmem>>, vector<16xf32>,
      tpu.vector_store %arg21[%swap3A_196], %mul3A_189 {strides = array<i32>} : memref<6144xf32, #tpu.memory_space<vmem>>, vector<16xf32>,
      %add3A_198 = arith.constant 2 : i32
      %add3A_199 = vector.broadcast %add3A_198 : i32 to vector<16xi32>
      %add3A_200 = arith.addi %add3A_176, %add3A_199 : vector<16xi32>
      %mul3A_201 = arith.constant 2 : i32
      %mul3A_202 = arith.muli %mul3A_201, %add3A_150 : i32
      %add3A_203 = arith.constant 1 : i32
      %add3A_204 = arith.addi %mul3A_202, %add3A_203 : i32
      %mul3A_205 = arith.constant 16 : i32
      %mul3A_206 = arith.muli %add3A_204, %mul3A_205 : i32
      %swap3A_207 = arith.index_cast %mul3A_206 : i32 to index
      %swap3A_208 = tpu.vector_load %arg22[%swap3A_207] {strides = array<i32>} : memref<6144xi32, #tpu.memory_space<vmem>>, vector<16xi32>,
      tpu.vector_store %arg22[%swap3A_207], %add3A_200 {strides = array<i32>} : memref<6144xi32, #tpu.memory_space<vmem>>, vector<16xi32>,
      %add3A_209 = arith.constant 1 : i32
      %add3A_210 = arith.addi %add3A_148, %add3A_209 : i32
      %mul3A_211 = arith.constant 16 : i32
      %mul3A_212 = arith.muli %add3A_210, %mul3A_211 : i32
      %get3A_213 = arith.index_cast %mul3A_212 : i32 to index
      %get3A_214 = tpu.vector_load %arg16[%get3A_213] {strides = array<i32>} : memref<3072xi32, #tpu.memory_space<vmem>>, vector<16xi32>,
      %mul3A_215 = arith.constant 16 : i32
      %mul3A_216 = arith.muli %add3A_210, %mul3A_215 : i32
      %get3A_217 = arith.index_cast %mul3A_216 : i32 to index
      %get3A_218 = tpu.vector_load %arg17[%get3A_217] {strides = array<i32>} : memref<3072xi32, #tpu.memory_space<vmem>>, vector<16xi32>,
      %mul3A_219 = arith.constant 16 : i32
      %mul3A_220 = arith.muli %add3A_210, %mul3A_219 : i32
      %get3A_221 = arith.index_cast %mul3A_220 : i32 to index
      %get3A_222 = tpu.vector_load %arg18[%get3A_221] {strides = array<i32>} : memref<3072xi32, #tpu.memory_space<vmem>>, vector<16xi32>,
      %gather3A_223 = tpu.vector_load_idx %arg10[%get3A_214] : memref<57344xf32, #tpu.memory_space<vmem>>[vector<16xi32>], vector<16xf32>,
      %gather3A_224 = tpu.vector_load_idx %arg10[%get3A_218] : memref<57344xf32, #tpu.memory_space<vmem>>[vector<16xi32>], vector<16xf32>,
      %gather3A_225 = tpu.vector_load_idx %arg11[%get3A_222] : memref<16xf32, #tpu.memory_space<vmem>>[vector<16xi32>], vector<16xf32>,
      %mul3A_226 = arith.mulf %gather3A_223, %get3A_13 : vector<16xf32>
      %mul3A_227 = arith.mulf %gather3A_224, %get3A_15 : vector<16xf32>
      %add3A_228 = arith.addf %mul3A_226, %mul3A_227 : vector<16xf32>
      %add3A_229 = arith.addf %add3A_228, %gather3A_225 : vector<16xf32>
      %mul3A_230 = arith.constant 2.000000e-01 : f32
      %mul3A_231 = vector.broadcast %mul3A_230 : f32 to vector<16xf32>
      %mul3A_232 = arith.mulf %mul3A_231, %add3A_229 : vector<16xf32>
      %max3A_233 = arith.maximumf %add3A_229, %mul3A_232 : vector<16xf32>
      %exp3A_234 = math.exp %max3A_233 : vector<16xf32>
      %mul3A_235 = arith.constant 4 : i32
      %mul3A_236 = vector.broadcast %mul3A_235 : i32 to vector<16xi32>
      %mul3A_237 = arith.muli %get3A_218, %mul3A_236 : vector<16xi32>
      %add3A_238 = vector.broadcast %and3A_0 : i32 to vector<16xi32>
      %add3A_239 = arith.addi %mul3A_237, %add3A_238 : vector<16xi32>
      %mul3A_240 = arith.constant 2 : i32
      %mul3A_241 = arith.muli %mul3A_240, %add3A_210 : i32
      %mul3A_242 = arith.constant 16 : i32
      %mul3A_243 = arith.muli %mul3A_241, %mul3A_242 : i32
      %swap3A_244 = arith.index_cast %mul3A_243 : i32 to index
      %swap3A_245 = tpu.vector_load %arg21[%swap3A_244] {strides = array<i32>} : memref<6144xf32, #tpu.memory_space<vmem>>, vector<16xf32>,
      tpu.vector_store %arg21[%swap3A_244], %exp3A_234 {strides = array<i32>} : memref<6144xf32, #tpu.memory_space<vmem>>, vector<16xf32>,
      %mul3A_246 = arith.constant 2 : i32
      %mul3A_247 = arith.muli %mul3A_246, %add3A_210 : i32
      %mul3A_248 = arith.constant 16 : i32
      %mul3A_249 = arith.muli %mul3A_247, %mul3A_248 : i32
      %swap3A_250 = arith.index_cast %mul3A_249 : i32 to index
      %swap3A_251 = tpu.vector_load %arg22[%swap3A_250] {strides = array<i32>} : memref<6144xi32, #tpu.memory_space<vmem>>, vector<16xi32>,
      tpu.vector_store %arg22[%swap3A_250], %add3A_239 {strides = array<i32>} : memref<6144xi32, #tpu.memory_space<vmem>>, vector<16xi32>,
      %mul3A_252 = arith.mulf %exp3A_234, %get3A_17 : vector<16xf32>
      %mul3A_253 = arith.mulf %mul3A_252, %gather3A_223 : vector<16xf32>
      %mul3A_254 = arith.constant 2 : i32
      %mul3A_255 = arith.muli %mul3A_254, %add3A_210 : i32
      %add3A_256 = arith.constant 1 : i32
      %add3A_257 = arith.addi %mul3A_255, %add3A_256 : i32
      %mul3A_258 = arith.constant 16 : i32
      %mul3A_259 = arith.muli %add3A_257, %mul3A_258 : i32
      %swap3A_260 = arith.index_cast %mul3A_259 : i32 to index
      %swap3A_261 = tpu.vector_load %arg21[%swap3A_260] {strides = array<i32>} : memref<6144xf32, #tpu.memory_space<vmem>>, vector<16xf32>,
      tpu.vector_store %arg21[%swap3A_260], %mul3A_253 {strides = array<i32>} : memref<6144xf32, #tpu.memory_space<vmem>>, vector<16xf32>,
      %add3A_262 = arith.constant 2 : i32
      %add3A_263 = vector.broadcast %add3A_262 : i32 to vector<16xi32>
      %add3A_264 = arith.addi %add3A_239, %add3A_263 : vector<16xi32>
      %mul3A_265 = arith.constant 2 : i32
      %mul3A_266 = arith.muli %mul3A_265, %add3A_210 : i32
      %add3A_267 = arith.constant 1 : i32
      %add3A_268 = arith.addi %mul3A_266, %add3A_267 : i32
      %mul3A_269 = arith.constant 16 : i32
      %mul3A_270 = arith.muli %add3A_268, %mul3A_269 : i32
      %swap3A_271 = arith.index_cast %mul3A_270 : i32 to index
      %swap3A_272 = tpu.vector_load %arg22[%swap3A_271] {strides = array<i32>} : memref<6144xi32, #tpu.memory_space<vmem>>, vector<16xi32>,
      tpu.vector_store %arg22[%swap3A_271], %add3A_264 {strides = array<i32>} : memref<6144xi32, #tpu.memory_space<vmem>>, vector<16xi32>,
      %add3A_273 = arith.constant 2 : i32
      %add3A_274 = arith.addi %add3A_148, %add3A_273 : i32
      %mul3A_275 = arith.constant 16 : i32
      %mul3A_276 = arith.muli %add3A_274, %mul3A_275 : i32
      %get3A_277 = arith.index_cast %mul3A_276 : i32 to index
      %get3A_278 = tpu.vector_load %arg16[%get3A_277] {strides = array<i32>} : memref<3072xi32, #tpu.memory_space<vmem>>, vector<16xi32>,
      %mul3A_279 = arith.constant 16 : i32
      %mul3A_280 = arith.muli %add3A_274, %mul3A_279 : i32
      %get3A_281 = arith.index_cast %mul3A_280 : i32 to index
      %get3A_282 = tpu.vector_load %arg17[%get3A_281] {strides = array<i32>} : memref<3072xi32, #tpu.memory_space<vmem>>, vector<16xi32>,
      %mul3A_283 = arith.constant 16 : i32
      %mul3A_284 = arith.muli %add3A_274, %mul3A_283 : i32
      %get3A_285 = arith.index_cast %mul3A_284 : i32 to index
      %get3A_286 = tpu.vector_load %arg18[%get3A_285] {strides = array<i32>} : memref<3072xi32, #tpu.memory_space<vmem>>, vector<16xi32>,
      %gather3A_287 = tpu.vector_load_idx %arg10[%get3A_278] : memref<57344xf32, #tpu.memory_space<vmem>>[vector<16xi32>], vector<16xf32>,
      %gather3A_288 = tpu.vector_load_idx %arg10[%get3A_282] : memref<57344xf32, #tpu.memory_space<vmem>>[vector<16xi32>], vector<16xf32>,
      %gather3A_289 = tpu.vector_load_idx %arg11[%get3A_286] : memref<16xf32, #tpu.memory_space<vmem>>[vector<16xi32>], vector<16xf32>,
      %mul3A_290 = arith.mulf %gather3A_287, %get3A_13 : vector<16xf32>
      %mul3A_291 = arith.mulf %gather3A_288, %get3A_15 : vector<16xf32>
      %add3A_292 = arith.addf %mul3A_290, %mul3A_291 : vector<16xf32>
      %add3A_293 = arith.addf %add3A_292, %gather3A_289 : vector<16xf32>
      %mul3A_294 = arith.constant 2.000000e-01 : f32
      %mul3A_295 = vector.broadcast %mul3A_294 : f32 to vector<16xf32>
      %mul3A_296 = arith.mulf %mul3A_295, %add3A_293 : vector<16xf32>
      %max3A_297 = arith.maximumf %add3A_293, %mul3A_296 : vector<16xf32>
      %exp3A_298 = math.exp %max3A_297 : vector<16xf32>
      %mul3A_299 = arith.constant 4 : i32
      %mul3A_300 = vector.broadcast %mul3A_299 : i32 to vector<16xi32>
      %mul3A_301 = arith.muli %get3A_282, %mul3A_300 : vector<16xi32>
      %add3A_302 = vector.broadcast %and3A_0 : i32 to vector<16xi32>
      %add3A_303 = arith.addi %mul3A_301, %add3A_302 : vector<16xi32>
      %mul3A_304 = arith.constant 2 : i32
      %mul3A_305 = arith.muli %mul3A_304, %add3A_274 : i32
      %mul3A_306 = arith.constant 16 : i32
      %mul3A_307 = arith.muli %mul3A_305, %mul3A_306 : i32
      %swap3A_308 = arith.index_cast %mul3A_307 : i32 to index
      %swap3A_309 = tpu.vector_load %arg21[%swap3A_308] {strides = array<i32>} : memref<6144xf32, #tpu.memory_space<vmem>>, vector<16xf32>,
      tpu.vector_store %arg21[%swap3A_308], %exp3A_298 {strides = array<i32>} : memref<6144xf32, #tpu.memory_space<vmem>>, vector<16xf32>,
      %mul3A_310 = arith.constant 2 : i32
      %mul3A_311 = arith.muli %mul3A_310, %add3A_274 : i32
      %mul3A_312 = arith.constant 16 : i32
      %mul3A_313 = arith.muli %mul3A_311, %mul3A_312 : i32
      %swap3A_314 = arith.index_cast %mul3A_313 : i32 to index
      %swap3A_315 = tpu.vector_load %arg22[%swap3A_314] {strides = array<i32>} : memref<6144xi32, #tpu.memory_space<vmem>>, vector<16xi32>,
      tpu.vector_store %arg22[%swap3A_314], %add3A_303 {strides = array<i32>} : memref<6144xi32, #tpu.memory_space<vmem>>, vector<16xi32>,
      %mul3A_316 = arith.mulf %exp3A_298, %get3A_17 : vector<16xf32>
      %mul3A_317 = arith.mulf %mul3A_316, %gather3A_287 : vector<16xf32>
      %mul3A_318 = arith.constant 2 : i32
      %mul3A_319 = arith.muli %mul3A_318, %add3A_274 : i32
      %add3A_320 = arith.constant 1 : i32
      %add3A_321 = arith.addi %mul3A_319, %add3A_320 : i32
      %mul3A_322 = arith.constant 16 : i32
      %mul3A_323 = arith.muli %add3A_321, %mul3A_322 : i32
      %swap3A_324 = arith.index_cast %mul3A_323 : i32 to index
      %swap3A_325 = tpu.vector_load %arg21[%swap3A_324] {strides = array<i32>} : memref<6144xf32, #tpu.memory_space<vmem>>, vector<16xf32>,
      tpu.vector_store %arg21[%swap3A_324], %mul3A_317 {strides = array<i32>} : memref<6144xf32, #tpu.memory_space<vmem>>, vector<16xf32>,
      %add3A_326 = arith.constant 2 : i32
      %add3A_327 = vector.broadcast %add3A_326 : i32 to vector<16xi32>
      %add3A_328 = arith.addi %add3A_303, %add3A_327 : vector<16xi32>
      %mul3A_329 = arith.constant 2 : i32
      %mul3A_330 = arith.muli %mul3A_329, %add3A_274 : i32
      %add3A_331 = arith.constant 1 : i32
      %add3A_332 = arith.addi %mul3A_330, %add3A_331 : i32
      %mul3A_333 = arith.constant 16 : i32
      %mul3A_334 = arith.muli %add3A_332, %mul3A_333 : i32
      %swap3A_335 = arith.index_cast %mul3A_334 : i32 to index
      %swap3A_336 = tpu.vector_load %arg22[%swap3A_335] {strides = array<i32>} : memref<6144xi32, #tpu.memory_space<vmem>>, vector<16xi32>,
      tpu.vector_store %arg22[%swap3A_335], %add3A_328 {strides = array<i32>} : memref<6144xi32, #tpu.memory_space<vmem>>, vector<16xi32>,
      %add3A_337 = arith.constant 3 : i32
      %add3A_338 = arith.addi %add3A_148, %add3A_337 : i32
      %mul3A_339 = arith.constant 16 : i32
      %mul3A_340 = arith.muli %add3A_338, %mul3A_339 : i32
      %get3A_341 = arith.index_cast %mul3A_340 : i32 to index
      %get3A_342 = tpu.vector_load %arg16[%get3A_341] {strides = array<i32>} : memref<3072xi32, #tpu.memory_space<vmem>>, vector<16xi32>,
      %mul3A_343 = arith.constant 16 : i32
      %mul3A_344 = arith.muli %add3A_338, %mul3A_343 : i32
      %get3A_345 = arith.index_cast %mul3A_344 : i32 to index
      %get3A_346 = tpu.vector_load %arg17[%get3A_345] {strides = array<i32>} : memref<3072xi32, #tpu.memory_space<vmem>>, vector<16xi32>,
      %mul3A_347 = arith.constant 16 : i32
      %mul3A_348 = arith.muli %add3A_338, %mul3A_347 : i32
      %get3A_349 = arith.index_cast %mul3A_348 : i32 to index
      %get3A_350 = tpu.vector_load %arg18[%get3A_349] {strides = array<i32>} : memref<3072xi32, #tpu.memory_space<vmem>>, vector<16xi32>,
      %gather3A_351 = tpu.vector_load_idx %arg10[%get3A_342] : memref<57344xf32, #tpu.memory_space<vmem>>[vector<16xi32>], vector<16xf32>,
      %gather3A_352 = tpu.vector_load_idx %arg10[%get3A_346] : memref<57344xf32, #tpu.memory_space<vmem>>[vector<16xi32>], vector<16xf32>,
      %gather3A_353 = tpu.vector_load_idx %arg11[%get3A_350] : memref<16xf32, #tpu.memory_space<vmem>>[vector<16xi32>], vector<16xf32>,
      %mul3A_354 = arith.mulf %gather3A_351, %get3A_13 : vector<16xf32>
      %mul3A_355 = arith.mulf %gather3A_352, %get3A_15 : vector<16xf32>
      %add3A_356 = arith.addf %mul3A_354, %mul3A_355 : vector<16xf32>
      %add3A_357 = arith.addf %add3A_356, %gather3A_353 : vector<16xf32>
      %mul3A_358 = arith.constant 2.000000e-01 : f32
      %mul3A_359 = vector.broadcast %mul3A_358 : f32 to vector<16xf32>
      %mul3A_360 = arith.mulf %mul3A_359, %add3A_357 : vector<16xf32>
      %max3A_361 = arith.maximumf %add3A_357, %mul3A_360 : vector<16xf32>
      %exp3A_362 = math.exp %max3A_361 : vector<16xf32>
      %mul3A_363 = arith.constant 4 : i32
      %mul3A_364 = vector.broadcast %mul3A_363 : i32 to vector<16xi32>
      %mul3A_365 = arith.muli %get3A_346, %mul3A_364 : vector<16xi32>
      %add3A_366 = vector.broadcast %and3A_0 : i32 to vector<16xi32>
      %add3A_367 = arith.addi %mul3A_365, %add3A_366 : vector<16xi32>
      %mul3A_368 = arith.constant 2 : i32
      %mul3A_369 = arith.muli %mul3A_368, %add3A_338 : i32
      %mul3A_370 = arith.constant 16 : i32
      %mul3A_371 = arith.muli %mul3A_369, %mul3A_370 : i32
      %swap3A_372 = arith.index_cast %mul3A_371 : i32 to index
      %swap3A_373 = tpu.vector_load %arg21[%swap3A_372] {strides = array<i32>} : memref<6144xf32, #tpu.memory_space<vmem>>, vector<16xf32>,
      tpu.vector_store %arg21[%swap3A_372], %exp3A_362 {strides = array<i32>} : memref<6144xf32, #tpu.memory_space<vmem>>, vector<16xf32>,
      %mul3A_374 = arith.constant 2 : i32
      %mul3A_375 = arith.muli %mul3A_374, %add3A_338 : i32
      %mul3A_376 = arith.constant 16 : i32
      %mul3A_377 = arith.muli %mul3A_375, %mul3A_376 : i32
      %swap3A_378 = arith.index_cast %mul3A_377 : i32 to index
      %swap3A_379 = tpu.vector_load %arg22[%swap3A_378] {strides = array<i32>} : memref<6144xi32, #tpu.memory_space<vmem>>, vector<16xi32>,
      tpu.vector_store %arg22[%swap3A_378], %add3A_367 {strides = array<i32>} : memref<6144xi32, #tpu.memory_space<vmem>>, vector<16xi32>,
      %mul3A_380 = arith.mulf %exp3A_362, %get3A_17 : vector<16xf32>
      %mul3A_381 = arith.mulf %mul3A_380, %gather3A_351 : vector<16xf32>
      %mul3A_382 = arith.constant 2 : i32
      %mul3A_383 = arith.muli %mul3A_382, %add3A_338 : i32
      %add3A_384 = arith.constant 1 : i32
      %add3A_385 = arith.addi %mul3A_383, %add3A_384 : i32
      %mul3A_386 = arith.constant 16 : i32
      %mul3A_387 = arith.muli %add3A_385, %mul3A_386 : i32
      %swap3A_388 = arith.index_cast %mul3A_387 : i32 to index
      %swap3A_389 = tpu.vector_load %arg21[%swap3A_388] {strides = array<i32>} : memref<6144xf32, #tpu.memory_space<vmem>>, vector<16xf32>,
      tpu.vector_store %arg21[%swap3A_388], %mul3A_381 {strides = array<i32>} : memref<6144xf32, #tpu.memory_space<vmem>>, vector<16xf32>,
      %add3A_390 = arith.constant 2 : i32
      %add3A_391 = vector.broadcast %add3A_390 : i32 to vector<16xi32>
      %add3A_392 = arith.addi %add3A_367, %add3A_391 : vector<16xi32>
      %mul3A_393 = arith.constant 2 : i32
      %mul3A_394 = arith.muli %mul3A_393, %add3A_338 : i32
      %add3A_395 = arith.constant 1 : i32
      %add3A_396 = arith.addi %mul3A_394, %add3A_395 : i32
      %mul3A_397 = arith.constant 16 : i32
      %mul3A_398 = arith.muli %add3A_396, %mul3A_397 : i32
      %swap3A_399 = arith.index_cast %mul3A_398 : i32 to index
      %swap3A_400 = tpu.vector_load %arg22[%swap3A_399] {strides = array<i32>} : memref<6144xi32, #tpu.memory_space<vmem>>, vector<16xi32>,
      tpu.vector_store %arg22[%swap3A_399], %add3A_392 {strides = array<i32>} : memref<6144xi32, #tpu.memory_space<vmem>>, vector<16xi32>,
    }
    %scan3A_86 = arith.constant 48 : i32
    %dma_start3A_87 = arith.constant 0 : i32
    %dma_start3A_88 = tpu.memref_slice %arg23[%dma_start3A_87] : memref<229376xf32, #tpu.memory_space<vmem_shared>> -> memref<229376xf32, #tpu.memory_space<vmem_shared>>
    tpu.enqueue_indirect_dma source(%arg21 : memref<6144xf32, #tpu.memory_space<vmem>>) target(%dma_start3A_88 : memref<229376xf32, #tpu.memory_space<vmem_shared>>) offsets(%arg22 : memref<6144xi32, #tpu.memory_space<vmem>>) semaphore(%arg27 : memref<!tpu.dma_semaphore, #tpu.memory_space<semaphore_mem>>) {add = true}
    %mul3A_89 = arith.constant 66 : i32
    %mul3A_90 = arith.muli %shift_right_arithmetic3A_2, %mul3A_89 : i32
    %add3A_91 = arith.constant 3 : i32
    %add3A_92 = arith.addi %mul3A_90, %add3A_91 : i32
    %mul3A_93 = arith.constant 3072 : i32
    %mul3A_94 = arith.muli %add3A_92, %mul3A_93 : i32
    %dma_start3A_95 = tpu.memref_slice %arg5[%mul3A_94] : memref<1628160xi32, #tpu.memory_space<hbm>> -> memref<3072xi32, #tpu.memory_space<hbm>>
    %dma_start3A_96 = tpu.memref_slice %arg5[%mul3A_94] : memref<1628160xi32, #tpu.memory_space<hbm>> -> memref<3072xi32, #tpu.memory_space<hbm>>
    tpu.enqueue_dma source(%dma_start3A_96 : memref<3072xi32, #tpu.memory_space<hbm>>) target(%arg16 : memref<3072xi32, #tpu.memory_space<vmem>>) target_semaphore(%arg25 : memref<!tpu.dma_semaphore, #tpu.memory_space<semaphore_mem>>)
    %dma_start3A_97 = tpu.memref_slice %arg6[%mul3A_94] : memref<1628160xi32, #tpu.memory_space<hbm>> -> memref<3072xi32, #tpu.memory_space<hbm>>
    %dma_start3A_98 = tpu.memref_slice %arg6[%mul3A_94] : memref<1628160xi32, #tpu.memory_space<hbm>> -> memref<3072xi32, #tpu.memory_space<hbm>>
    tpu.enqueue_dma source(%dma_start3A_98 : memref<3072xi32, #tpu.memory_space<hbm>>) target(%arg17 : memref<3072xi32, #tpu.memory_space<vmem>>) target_semaphore(%arg25 : memref<!tpu.dma_semaphore, #tpu.memory_space<semaphore_mem>>)
    %dma_start3A_99 = tpu.memref_slice %arg7[%mul3A_94] : memref<1628160xi32, #tpu.memory_space<hbm>> -> memref<3072xi32, #tpu.memory_space<hbm>>
    %dma_start3A_100 = tpu.memref_slice %arg7[%mul3A_94] : memref<1628160xi32, #tpu.memory_space<hbm>> -> memref<3072xi32, #tpu.memory_space<hbm>>
    tpu.enqueue_dma source(%dma_start3A_100 : memref<3072xi32, #tpu.memory_space<hbm>>) target(%arg18 : memref<3072xi32, #tpu.memory_space<vmem>>) target_semaphore(%arg25 : memref<!tpu.dma_semaphore, #tpu.memory_space<semaphore_mem>>)
    %scan3A_101 = arith.constant 0 : i32
    %scan3A_102 = arith.constant 32 : i32
    %scan3A_103 = arith.addi %scan3A_101, %scan3A_102 : i32
    %scan3A_104 = arith.constant 1 : i32
    scf.for %scan3A_144 = %scan3A_101 to %scan3A_103 step %scan3A_104  : i32 {
      %mul3A_145 = arith.constant 2 : i32
      %mul3A_146 = arith.muli %scan3A_144, %mul3A_145 : i32
      %add3A_147 = arith.constant 2 : i32
      %add3A_148 = arith.addi %add3A_147, %mul3A_146 : i32
      %dma_wait3A_149 = arith.constant 0 : i32
      %dma_wait3A_150 = tpu.memref_slice %arg5[%dma_wait3A_149] : memref<1628160xi32, #tpu.memory_space<hbm>> -> memref<3072xi32, #tpu.memory_space<hbm>>
      %dma_wait3A_151 = arith.constant 0 : i32
      %dma_wait3A_152 = tpu.memref_slice %arg5[%dma_wait3A_151] : memref<1628160xi32, #tpu.memory_space<hbm>> -> memref<3072xi32, #tpu.memory_space<hbm>>
      tpu.wait_dma2 semaphore(%arg24 : memref<!tpu.dma_semaphore, #tpu.memory_space<semaphore_mem>>) src(%dma_wait3A_152 : memref<3072xi32, #tpu.memory_space<hbm>>) dst(%arg13 : memref<3072xi32, #tpu.memory_space<vmem>>)
      %dma_wait3A_153 = arith.constant 0 : i32
      %dma_wait3A_154 = tpu.memref_slice %arg6[%dma_wait3A_153] : memref<1628160xi32, #tpu.memory_space<hbm>> -> memref<3072xi32, #tpu.memory_space<hbm>>
      %dma_wait3A_155 = arith.constant 0 : i32
      %dma_wait3A_156 = tpu.memref_slice %arg6[%dma_wait3A_155] : memref<1628160xi32, #tpu.memory_space<hbm>> -> memref<3072xi32, #tpu.memory_space<hbm>>
      tpu.wait_dma2 semaphore(%arg24 : memref<!tpu.dma_semaphore, #tpu.memory_space<semaphore_mem>>) src(%dma_wait3A_156 : memref<3072xi32, #tpu.memory_space<hbm>>) dst(%arg14 : memref<3072xi32, #tpu.memory_space<vmem>>)
      %dma_wait3A_157 = arith.constant 0 : i32
      %dma_wait3A_158 = tpu.memref_slice %arg7[%dma_wait3A_157] : memref<1628160xi32, #tpu.memory_space<hbm>> -> memref<3072xi32, #tpu.memory_space<hbm>>
      %dma_wait3A_159 = arith.constant 0 : i32
      %dma_wait3A_160 = tpu.memref_slice %arg7[%dma_wait3A_159] : memref<1628160xi32, #tpu.memory_space<hbm>> -> memref<3072xi32, #tpu.memory_space<hbm>>
      tpu.wait_dma2 semaphore(%arg24 : memref<!tpu.dma_semaphore, #tpu.memory_space<semaphore_mem>>) src(%dma_wait3A_160 : memref<3072xi32, #tpu.memory_space<hbm>>) dst(%arg15 : memref<3072xi32, #tpu.memory_space<vmem>>)
      %dma_wait3A_161 = arith.constant 0 : i32
      %dma_wait3A_162 = tpu.memref_slice %arg23[%dma_wait3A_161] : memref<229376xf32, #tpu.memory_space<vmem_shared>> -> memref<229376xf32, #tpu.memory_space<vmem_shared>>
      tpu.wait_indirect_dma semaphore(%arg26 : memref<!tpu.dma_semaphore, #tpu.memory_space<semaphore_mem>>) src(%arg19 : memref<6144xf32, #tpu.memory_space<vmem>>) dst(%dma_wait3A_162 : memref<229376xf32, #tpu.memory_space<vmem_shared>>)
      %scan3A_163 = arith.constant 0 : i32
      %scan3A_164 = arith.constant 48 : i32
      %scan3A_165 = arith.addi %scan3A_163, %scan3A_164 : i32
      %scan3A_166 = arith.constant 1 : i32
      scf.for %scan3A_221 = %scan3A_163 to %scan3A_165 step %scan3A_166  : i32 {
        %mul3A_222 = arith.constant 4 : i32
        %mul3A_223 = arith.muli %scan3A_221, %mul3A_222 : i32
        %add3A_224 = arith.constant 0 : i32
        %add3A_225 = arith.addi %add3A_224, %mul3A_223 : i32
        %add3A_226 = arith.constant 0 : i32
        %add3A_227 = arith.addi %add3A_225, %add3A_226 : i32
        %mul3A_228 = arith.constant 16 : i32
        %mul3A_229 = arith.muli %add3A_227, %mul3A_228 : i32
        %get3A_230 = arith.index_cast %mul3A_229 : i32 to index
        %get3A_231 = tpu.vector_load %arg13[%get3A_230] {strides = array<i32>} : memref<3072xi32, #tpu.memory_space<vmem>>, vector<16xi32>,
        %mul3A_232 = arith.constant 16 : i32
        %mul3A_233 = arith.muli %add3A_227, %mul3A_232 : i32
        %get3A_234 = arith.index_cast %mul3A_233 : i32 to index
        %get3A_235 = tpu.vector_load %arg14[%get3A_234] {strides = array<i32>} : memref<3072xi32, #tpu.memory_space<vmem>>, vector<16xi32>,
        %mul3A_236 = arith.constant 16 : i32
        %mul3A_237 = arith.muli %add3A_227, %mul3A_236 : i32
        %get3A_238 = arith.index_cast %mul3A_237 : i32 to index
        %get3A_239 = tpu.vector_load %arg15[%get3A_238] {strides = array<i32>} : memref<3072xi32, #tpu.memory_space<vmem>>, vector<16xi32>,
        %gather3A = tpu.vector_load_idx %arg10[%get3A_231] : memref<57344xf32, #tpu.memory_space<vmem>>[vector<16xi32>], vector<16xf32>,
        %gather3A_240 = tpu.vector_load_idx %arg10[%get3A_235] : memref<57344xf32, #tpu.memory_space<vmem>>[vector<16xi32>], vector<16xf32>,
        %gather3A_241 = tpu.vector_load_idx %arg11[%get3A_239] : memref<16xf32, #tpu.memory_space<vmem>>[vector<16xi32>], vector<16xf32>,
        %mul3A_242 = arith.mulf %gather3A, %get3A_13 : vector<16xf32>
        %mul3A_243 = arith.mulf %gather3A_240, %get3A_15 : vector<16xf32>
        %add3A_244 = arith.addf %mul3A_242, %mul3A_243 : vector<16xf32>
        %add3A_245 = arith.addf %add3A_244, %gather3A_241 : vector<16xf32>
        %mul3A_246 = arith.constant 2.000000e-01 : f32
        %mul3A_247 = vector.broadcast %mul3A_246 : f32 to vector<16xf32>
        %mul3A_248 = arith.mulf %mul3A_247, %add3A_245 : vector<16xf32>
        %max3A = arith.maximumf %add3A_245, %mul3A_248 : vector<16xf32>
        %exp3A = math.exp %max3A : vector<16xf32>
        %mul3A_249 = arith.constant 4 : i32
        %mul3A_250 = vector.broadcast %mul3A_249 : i32 to vector<16xi32>
        %mul3A_251 = arith.muli %get3A_235, %mul3A_250 : vector<16xi32>
        %add3A_252 = vector.broadcast %and3A_0 : i32 to vector<16xi32>
        %add3A_253 = arith.addi %mul3A_251, %add3A_252 : vector<16xi32>
        %mul3A_254 = arith.constant 2 : i32
        %mul3A_255 = arith.muli %mul3A_254, %add3A_227 : i32
        %mul3A_256 = arith.constant 16 : i32
        %mul3A_257 = arith.muli %mul3A_255, %mul3A_256 : i32
        %swap3A = arith.index_cast %mul3A_257 : i32 to index
        %swap3A_258 = tpu.vector_load %arg19[%swap3A] {strides = array<i32>} : memref<6144xf32, #tpu.memory_space<vmem>>, vector<16xf32>,
        tpu.vector_store %arg19[%swap3A], %exp3A {strides = array<i32>} : memref<6144xf32, #tpu.memory_space<vmem>>, vector<16xf32>,
        %mul3A_259 = arith.constant 2 : i32
        %mul3A_260 = arith.muli %mul3A_259, %add3A_227 : i32
        %mul3A_261 = arith.constant 16 : i32
        %mul3A_262 = arith.muli %mul3A_260, %mul3A_261 : i32
        %swap3A_263 = arith.index_cast %mul3A_262 : i32 to index
        %swap3A_264 = tpu.vector_load %arg20[%swap3A_263] {strides = array<i32>} : memref<6144xi32, #tpu.memory_space<vmem>>, vector<16xi32>,
        tpu.vector_store %arg20[%swap3A_263], %add3A_253 {strides = array<i32>} : memref<6144xi32, #tpu.memory_space<vmem>>, vector<16xi32>,
        %mul3A_265 = arith.mulf %exp3A, %get3A_17 : vector<16xf32>
        %mul3A_266 = arith.mulf %mul3A_265, %gather3A : vector<16xf32>
        %mul3A_267 = arith.constant 2 : i32
        %mul3A_268 = arith.muli %mul3A_267, %add3A_227 : i32
        %add3A_269 = arith.constant 1 : i32
        %add3A_270 = arith.addi %mul3A_268, %add3A_269 : i32
        %mul3A_271 = arith.constant 16 : i32
        %mul3A_272 = arith.muli %add3A_270, %mul3A_271 : i32
        %swap3A_273 = arith.index_cast %mul3A_272 : i32 to index
        %swap3A_274 = tpu.vector_load %arg19[%swap3A_273] {strides = array<i32>} : memref<6144xf32, #tpu.memory_space<vmem>>, vector<16xf32>,
        tpu.vector_store %arg19[%swap3A_273], %mul3A_266 {strides = array<i32>} : memref<6144xf32, #tpu.memory_space<vmem>>, vector<16xf32>,
        %add3A_275 = arith.constant 2 : i32
        %add3A_276 = vector.broadcast %add3A_275 : i32 to vector<16xi32>
        %add3A_277 = arith.addi %add3A_253, %add3A_276 : vector<16xi32>
        %mul3A_278 = arith.constant 2 : i32
        %mul3A_279 = arith.muli %mul3A_278, %add3A_227 : i32
        %add3A_280 = arith.constant 1 : i32
        %add3A_281 = arith.addi %mul3A_279, %add3A_280 : i32
        %mul3A_282 = arith.constant 16 : i32
        %mul3A_283 = arith.muli %add3A_281, %mul3A_282 : i32
        %swap3A_284 = arith.index_cast %mul3A_283 : i32 to index
        %swap3A_285 = tpu.vector_load %arg20[%swap3A_284] {strides = array<i32>} : memref<6144xi32, #tpu.memory_space<vmem>>, vector<16xi32>,
        tpu.vector_store %arg20[%swap3A_284], %add3A_277 {strides = array<i32>} : memref<6144xi32, #tpu.memory_space<vmem>>, vector<16xi32>,
        %add3A_286 = arith.constant 1 : i32
        %add3A_287 = arith.addi %add3A_225, %add3A_286 : i32
        %mul3A_288 = arith.constant 16 : i32
        %mul3A_289 = arith.muli %add3A_287, %mul3A_288 : i32
        %get3A_290 = arith.index_cast %mul3A_289 : i32 to index
        %get3A_291 = tpu.vector_load %arg13[%get3A_290] {strides = array<i32>} : memref<3072xi32, #tpu.memory_space<vmem>>, vector<16xi32>,
        %mul3A_292 = arith.constant 16 : i32
        %mul3A_293 = arith.muli %add3A_287, %mul3A_292 : i32
        %get3A_294 = arith.index_cast %mul3A_293 : i32 to index
        %get3A_295 = tpu.vector_load %arg14[%get3A_294] {strides = array<i32>} : memref<3072xi32, #tpu.memory_space<vmem>>, vector<16xi32>,
        %mul3A_296 = arith.constant 16 : i32
        %mul3A_297 = arith.muli %add3A_287, %mul3A_296 : i32
        %get3A_298 = arith.index_cast %mul3A_297 : i32 to index
        %get3A_299 = tpu.vector_load %arg15[%get3A_298] {strides = array<i32>} : memref<3072xi32, #tpu.memory_space<vmem>>, vector<16xi32>,
        %gather3A_300 = tpu.vector_load_idx %arg10[%get3A_291] : memref<57344xf32, #tpu.memory_space<vmem>>[vector<16xi32>], vector<16xf32>,
        %gather3A_301 = tpu.vector_load_idx %arg10[%get3A_295] : memref<57344xf32, #tpu.memory_space<vmem>>[vector<16xi32>], vector<16xf32>,
        %gather3A_302 = tpu.vector_load_idx %arg11[%get3A_299] : memref<16xf32, #tpu.memory_space<vmem>>[vector<16xi32>], vector<16xf32>,
        %mul3A_303 = arith.mulf %gather3A_300, %get3A_13 : vector<16xf32>
        %mul3A_304 = arith.mulf %gather3A_301, %get3A_15 : vector<16xf32>
        %add3A_305 = arith.addf %mul3A_303, %mul3A_304 : vector<16xf32>
        %add3A_306 = arith.addf %add3A_305, %gather3A_302 : vector<16xf32>
        %mul3A_307 = arith.constant 2.000000e-01 : f32
        %mul3A_308 = vector.broadcast %mul3A_307 : f32 to vector<16xf32>
        %mul3A_309 = arith.mulf %mul3A_308, %add3A_306 : vector<16xf32>
        %max3A_310 = arith.maximumf %add3A_306, %mul3A_309 : vector<16xf32>
        %exp3A_311 = math.exp %max3A_310 : vector<16xf32>
        %mul3A_312 = arith.constant 4 : i32
        %mul3A_313 = vector.broadcast %mul3A_312 : i32 to vector<16xi32>
        %mul3A_314 = arith.muli %get3A_295, %mul3A_313 : vector<16xi32>
        %add3A_315 = vector.broadcast %and3A_0 : i32 to vector<16xi32>
        %add3A_316 = arith.addi %mul3A_314, %add3A_315 : vector<16xi32>
        %mul3A_317 = arith.constant 2 : i32
        %mul3A_318 = arith.muli %mul3A_317, %add3A_287 : i32
        %mul3A_319 = arith.constant 16 : i32
        %mul3A_320 = arith.muli %mul3A_318, %mul3A_319 : i32
        %swap3A_321 = arith.index_cast %mul3A_320 : i32 to index
        %swap3A_322 = tpu.vector_load %arg19[%swap3A_321] {strides = array<i32>} : memref<6144xf32, #tpu.memory_space<vmem>>, vector<16xf32>,
        tpu.vector_store %arg19[%swap3A_321], %exp3A_311 {strides = array<i32>} : memref<6144xf32, #tpu.memory_space<vmem>>, vector<16xf32>,
        %mul3A_323 = arith.constant 2 : i32
        %mul3A_324 = arith.muli %mul3A_323, %add3A_287 : i32
        %mul3A_325 = arith.constant 16 : i32
        %mul3A_326 = arith.muli %mul3A_324, %mul3A_325 : i32
        %swap3A_327 = arith.index_cast %mul3A_326 : i32 to index
        %swap3A_328 = tpu.vector_load %arg20[%swap3A_327] {strides = array<i32>} : memref<6144xi32, #tpu.memory_space<vmem>>, vector<16xi32>,
        tpu.vector_store %arg20[%swap3A_327], %add3A_316 {strides = array<i32>} : memref<6144xi32, #tpu.memory_space<vmem>>, vector<16xi32>,
        %mul3A_329 = arith.mulf %exp3A_311, %get3A_17 : vector<16xf32>
        %mul3A_330 = arith.mulf %mul3A_329, %gather3A_300 : vector<16xf32>
        %mul3A_331 = arith.constant 2 : i32
        %mul3A_332 = arith.muli %mul3A_331, %add3A_287 : i32
        %add3A_333 = arith.constant 1 : i32
        %add3A_334 = arith.addi %mul3A_332, %add3A_333 : i32
        %mul3A_335 = arith.constant 16 : i32
        %mul3A_336 = arith.muli %add3A_334, %mul3A_335 : i32
        %swap3A_337 = arith.index_cast %mul3A_336 : i32 to index
        %swap3A_338 = tpu.vector_load %arg19[%swap3A_337] {strides = array<i32>} : memref<6144xf32, #tpu.memory_space<vmem>>, vector<16xf32>,
        tpu.vector_store %arg19[%swap3A_337], %mul3A_330 {strides = array<i32>} : memref<6144xf32, #tpu.memory_space<vmem>>, vector<16xf32>,
        %add3A_339 = arith.constant 2 : i32
        %add3A_340 = vector.broadcast %add3A_339 : i32 to vector<16xi32>
        %add3A_341 = arith.addi %add3A_316, %add3A_340 : vector<16xi32>
        %mul3A_342 = arith.constant 2 : i32
        %mul3A_343 = arith.muli %mul3A_342, %add3A_287 : i32
        %add3A_344 = arith.constant 1 : i32
        %add3A_345 = arith.addi %mul3A_343, %add3A_344 : i32
        %mul3A_346 = arith.constant 16 : i32
        %mul3A_347 = arith.muli %add3A_345, %mul3A_346 : i32
        %swap3A_348 = arith.index_cast %mul3A_347 : i32 to index
        %swap3A_349 = tpu.vector_load %arg20[%swap3A_348] {strides = array<i32>} : memref<6144xi32, #tpu.memory_space<vmem>>, vector<16xi32>,
        tpu.vector_store %arg20[%swap3A_348], %add3A_341 {strides = array<i32>} : memref<6144xi32, #tpu.memory_space<vmem>>, vector<16xi32>,
        %add3A_350 = arith.constant 2 : i32
        %add3A_351 = arith.addi %add3A_225, %add3A_350 : i32
        %mul3A_352 = arith.constant 16 : i32
        %mul3A_353 = arith.muli %add3A_351, %mul3A_352 : i32
        %get3A_354 = arith.index_cast %mul3A_353 : i32 to index
        %get3A_355 = tpu.vector_load %arg13[%get3A_354] {strides = array<i32>} : memref<3072xi32, #tpu.memory_space<vmem>>, vector<16xi32>,
        %mul3A_356 = arith.constant 16 : i32
        %mul3A_357 = arith.muli %add3A_351, %mul3A_356 : i32
        %get3A_358 = arith.index_cast %mul3A_357 : i32 to index
        %get3A_359 = tpu.vector_load %arg14[%get3A_358] {strides = array<i32>} : memref<3072xi32, #tpu.memory_space<vmem>>, vector<16xi32>,
        %mul3A_360 = arith.constant 16 : i32
        %mul3A_361 = arith.muli %add3A_351, %mul3A_360 : i32
        %get3A_362 = arith.index_cast %mul3A_361 : i32 to index
        %get3A_363 = tpu.vector_load %arg15[%get3A_362] {strides = array<i32>} : memref<3072xi32, #tpu.memory_space<vmem>>, vector<16xi32>,
        %gather3A_364 = tpu.vector_load_idx %arg10[%get3A_355] : memref<57344xf32, #tpu.memory_space<vmem>>[vector<16xi32>], vector<16xf32>,
        %gather3A_365 = tpu.vector_load_idx %arg10[%get3A_359] : memref<57344xf32, #tpu.memory_space<vmem>>[vector<16xi32>], vector<16xf32>,
        %gather3A_366 = tpu.vector_load_idx %arg11[%get3A_363] : memref<16xf32, #tpu.memory_space<vmem>>[vector<16xi32>], vector<16xf32>,
        %mul3A_367 = arith.mulf %gather3A_364, %get3A_13 : vector<16xf32>
        %mul3A_368 = arith.mulf %gather3A_365, %get3A_15 : vector<16xf32>
        %add3A_369 = arith.addf %mul3A_367, %mul3A_368 : vector<16xf32>
        %add3A_370 = arith.addf %add3A_369, %gather3A_366 : vector<16xf32>
        %mul3A_371 = arith.constant 2.000000e-01 : f32
        %mul3A_372 = vector.broadcast %mul3A_371 : f32 to vector<16xf32>
        %mul3A_373 = arith.mulf %mul3A_372, %add3A_370 : vector<16xf32>
        %max3A_374 = arith.maximumf %add3A_370, %mul3A_373 : vector<16xf32>
        %exp3A_375 = math.exp %max3A_374 : vector<16xf32>
        %mul3A_376 = arith.constant 4 : i32
        %mul3A_377 = vector.broadcast %mul3A_376 : i32 to vector<16xi32>
        %mul3A_378 = arith.muli %get3A_359, %mul3A_377 : vector<16xi32>
        %add3A_379 = vector.broadcast %and3A_0 : i32 to vector<16xi32>
        %add3A_380 = arith.addi %mul3A_378, %add3A_379 : vector<16xi32>
        %mul3A_381 = arith.constant 2 : i32
        %mul3A_382 = arith.muli %mul3A_381, %add3A_351 : i32
        %mul3A_383 = arith.constant 16 : i32
        %mul3A_384 = arith.muli %mul3A_382, %mul3A_383 : i32
        %swap3A_385 = arith.index_cast %mul3A_384 : i32 to index
        %swap3A_386 = tpu.vector_load %arg19[%swap3A_385] {strides = array<i32>} : memref<6144xf32, #tpu.memory_space<vmem>>, vector<16xf32>,
        tpu.vector_store %arg19[%swap3A_385], %exp3A_375 {strides = array<i32>} : memref<6144xf32, #tpu.memory_space<vmem>>, vector<16xf32>,
        %mul3A_387 = arith.constant 2 : i32
        %mul3A_388 = arith.muli %mul3A_387, %add3A_351 : i32
        %mul3A_389 = arith.constant 16 : i32
        %mul3A_390 = arith.muli %mul3A_388, %mul3A_389 : i32
        %swap3A_391 = arith.index_cast %mul3A_390 : i32 to index
        %swap3A_392 = tpu.vector_load %arg20[%swap3A_391] {strides = array<i32>} : memref<6144xi32, #tpu.memory_space<vmem>>, vector<16xi32>,
        tpu.vector_store %arg20[%swap3A_391], %add3A_380 {strides = array<i32>} : memref<6144xi32, #tpu.memory_space<vmem>>, vector<16xi32>,
        %mul3A_393 = arith.mulf %exp3A_375, %get3A_17 : vector<16xf32>
        %mul3A_394 = arith.mulf %mul3A_393, %gather3A_364 : vector<16xf32>
        %mul3A_395 = arith.constant 2 : i32
        %mul3A_396 = arith.muli %mul3A_395, %add3A_351 : i32
        %add3A_397 = arith.constant 1 : i32
        %add3A_398 = arith.addi %mul3A_396, %add3A_397 : i32
        %mul3A_399 = arith.constant 16 : i32
        %mul3A_400 = arith.muli %add3A_398, %mul3A_399 : i32
        %swap3A_401 = arith.index_cast %mul3A_400 : i32 to index
        %swap3A_402 = tpu.vector_load %arg19[%swap3A_401] {strides = array<i32>} : memref<6144xf32, #tpu.memory_space<vmem>>, vector<16xf32>,
        tpu.vector_store %arg19[%swap3A_401], %mul3A_394 {strides = array<i32>} : memref<6144xf32, #tpu.memory_space<vmem>>, vector<16xf32>,
        %add3A_403 = arith.constant 2 : i32
        %add3A_404 = vector.broadcast %add3A_403 : i32 to vector<16xi32>
        %add3A_405 = arith.addi %add3A_380, %add3A_404 : vector<16xi32>
        %mul3A_406 = arith.constant 2 : i32
        %mul3A_407 = arith.muli %mul3A_406, %add3A_351 : i32
        %add3A_408 = arith.constant 1 : i32
        %add3A_409 = arith.addi %mul3A_407, %add3A_408 : i32
        %mul3A_410 = arith.constant 16 : i32
        %mul3A_411 = arith.muli %add3A_409, %mul3A_410 : i32
        %swap3A_412 = arith.index_cast %mul3A_411 : i32 to index
        %swap3A_413 = tpu.vector_load %arg20[%swap3A_412] {strides = array<i32>} : memref<6144xi32, #tpu.memory_space<vmem>>, vector<16xi32>,
        tpu.vector_store %arg20[%swap3A_412], %add3A_405 {strides = array<i32>} : memref<6144xi32, #tpu.memory_space<vmem>>, vector<16xi32>,
        %add3A_414 = arith.constant 3 : i32
        %add3A_415 = arith.addi %add3A_225, %add3A_414 : i32
        %mul3A_416 = arith.constant 16 : i32
        %mul3A_417 = arith.muli %add3A_415, %mul3A_416 : i32
        %get3A_418 = arith.index_cast %mul3A_417 : i32 to index
        %get3A_419 = tpu.vector_load %arg13[%get3A_418] {strides = array<i32>} : memref<3072xi32, #tpu.memory_space<vmem>>, vector<16xi32>,
        %mul3A_420 = arith.constant 16 : i32
        %mul3A_421 = arith.muli %add3A_415, %mul3A_420 : i32
        %get3A_422 = arith.index_cast %mul3A_421 : i32 to index
        %get3A_423 = tpu.vector_load %arg14[%get3A_422] {strides = array<i32>} : memref<3072xi32, #tpu.memory_space<vmem>>, vector<16xi32>,
        %mul3A_424 = arith.constant 16 : i32
        %mul3A_425 = arith.muli %add3A_415, %mul3A_424 : i32
        %get3A_426 = arith.index_cast %mul3A_425 : i32 to index
        %get3A_427 = tpu.vector_load %arg15[%get3A_426] {strides = array<i32>} : memref<3072xi32, #tpu.memory_space<vmem>>, vector<16xi32>,
        %gather3A_428 = tpu.vector_load_idx %arg10[%get3A_419] : memref<57344xf32, #tpu.memory_space<vmem>>[vector<16xi32>], vector<16xf32>,
        %gather3A_429 = tpu.vector_load_idx %arg10[%get3A_423] : memref<57344xf32, #tpu.memory_space<vmem>>[vector<16xi32>], vector<16xf32>,
        %gather3A_430 = tpu.vector_load_idx %arg11[%get3A_427] : memref<16xf32, #tpu.memory_space<vmem>>[vector<16xi32>], vector<16xf32>,
        %mul3A_431 = arith.mulf %gather3A_428, %get3A_13 : vector<16xf32>
        %mul3A_432 = arith.mulf %gather3A_429, %get3A_15 : vector<16xf32>
        %add3A_433 = arith.addf %mul3A_431, %mul3A_432 : vector<16xf32>
        %add3A_434 = arith.addf %add3A_433, %gather3A_430 : vector<16xf32>
        %mul3A_435 = arith.constant 2.000000e-01 : f32
        %mul3A_436 = vector.broadcast %mul3A_435 : f32 to vector<16xf32>
        %mul3A_437 = arith.mulf %mul3A_436, %add3A_434 : vector<16xf32>
        %max3A_438 = arith.maximumf %add3A_434, %mul3A_437 : vector<16xf32>
        %exp3A_439 = math.exp %max3A_438 : vector<16xf32>
        %mul3A_440 = arith.constant 4 : i32
        %mul3A_441 = vector.broadcast %mul3A_440 : i32 to vector<16xi32>
        %mul3A_442 = arith.muli %get3A_423, %mul3A_441 : vector<16xi32>
        %add3A_443 = vector.broadcast %and3A_0 : i32 to vector<16xi32>
        %add3A_444 = arith.addi %mul3A_442, %add3A_443 : vector<16xi32>
        %mul3A_445 = arith.constant 2 : i32
        %mul3A_446 = arith.muli %mul3A_445, %add3A_415 : i32
        %mul3A_447 = arith.constant 16 : i32
        %mul3A_448 = arith.muli %mul3A_446, %mul3A_447 : i32
        %swap3A_449 = arith.index_cast %mul3A_448 : i32 to index
        %swap3A_450 = tpu.vector_load %arg19[%swap3A_449] {strides = array<i32>} : memref<6144xf32, #tpu.memory_space<vmem>>, vector<16xf32>,
        tpu.vector_store %arg19[%swap3A_449], %exp3A_439 {strides = array<i32>} : memref<6144xf32, #tpu.memory_space<vmem>>, vector<16xf32>,
        %mul3A_451 = arith.constant 2 : i32
        %mul3A_452 = arith.muli %mul3A_451, %add3A_415 : i32
        %mul3A_453 = arith.constant 16 : i32
        %mul3A_454 = arith.muli %mul3A_452, %mul3A_453 : i32
        %swap3A_455 = arith.index_cast %mul3A_454 : i32 to index
        %swap3A_456 = tpu.vector_load %arg20[%swap3A_455] {strides = array<i32>} : memref<6144xi32, #tpu.memory_space<vmem>>, vector<16xi32>,
        tpu.vector_store %arg20[%swap3A_455], %add3A_444 {strides = array<i32>} : memref<6144xi32, #tpu.memory_space<vmem>>, vector<16xi32>,
        %mul3A_457 = arith.mulf %exp3A_439, %get3A_17 : vector<16xf32>
        %mul3A_458 = arith.mulf %mul3A_457, %gather3A_428 : vector<16xf32>
        %mul3A_459 = arith.constant 2 : i32
        %mul3A_460 = arith.muli %mul3A_459, %add3A_415 : i32
        %add3A_461 = arith.constant 1 : i32
        %add3A_462 = arith.addi %mul3A_460, %add3A_461 : i32
        %mul3A_463 = arith.constant 16 : i32
        %mul3A_464 = arith.muli %add3A_462, %mul3A_463 : i32
        %swap3A_465 = arith.index_cast %mul3A_464 : i32 to index
        %swap3A_466 = tpu.vector_load %arg19[%swap3A_465] {strides = array<i32>} : memref<6144xf32, #tpu.memory_space<vmem>>, vector<16xf32>,
        tpu.vector_store %arg19[%swap3A_465], %mul3A_458 {strides = array<i32>} : memref<6144xf32, #tpu.memory_space<vmem>>, vector<16xf32>,
        %add3A_467 = arith.constant 2 : i32
        %add3A_468 = vector.broadcast %add3A_467 : i32 to vector<16xi32>
        %add3A_469 = arith.addi %add3A_444, %add3A_468 : vector<16xi32>
        %mul3A_470 = arith.constant 2 : i32
        %mul3A_471 = arith.muli %mul3A_470, %add3A_415 : i32
        %add3A_472 = arith.constant 1 : i32
        %add3A_473 = arith.addi %mul3A_471, %add3A_472 : i32
        %mul3A_474 = arith.constant 16 : i32
        %mul3A_475 = arith.muli %add3A_473, %mul3A_474 : i32
        %swap3A_476 = arith.index_cast %mul3A_475 : i32 to index
        %swap3A_477 = tpu.vector_load %arg20[%swap3A_476] {strides = array<i32>} : memref<6144xi32, #tpu.memory_space<vmem>>, vector<16xi32>,
        tpu.vector_store %arg20[%swap3A_476], %add3A_469 {strides = array<i32>} : memref<6144xi32, #tpu.memory_space<vmem>>, vector<16xi32>,
      }
      %scan3A_167 = arith.constant 48 : i32
      %dma_start3A_168 = arith.constant 0 : i32
      %dma_start3A_169 = tpu.memref_slice %arg23[%dma_start3A_168] : memref<229376xf32, #tpu.memory_space<vmem_shared>> -> memref<229376xf32, #tpu.memory_space<vmem_shared>>
      tpu.enqueue_indirect_dma source(%arg19 : memref<6144xf32, #tpu.memory_space<vmem>>) target(%dma_start3A_169 : memref<229376xf32, #tpu.memory_space<vmem_shared>>) offsets(%arg20 : memref<6144xi32, #tpu.memory_space<vmem>>) semaphore(%arg26 : memref<!tpu.dma_semaphore, #tpu.memory_space<semaphore_mem>>) {add = true}
      %add3A_170 = arith.constant 0 : i32
      %add3A_171 = arith.addi %add3A_148, %add3A_170 : i32
      %add3A_172 = arith.constant 2 : i32
      %add3A_173 = arith.addi %add3A_171, %add3A_172 : i32
      %mul3A_174 = arith.constant 66 : i32
      %mul3A_175 = arith.muli %shift_right_arithmetic3A_2, %mul3A_174 : i32
      %add3A_176 = arith.addi %mul3A_175, %add3A_173 : i32
      %mul3A_177 = arith.constant 3072 : i32
      %mul3A_178 = arith.muli %add3A_176, %mul3A_177 : i32
      %dma_start3A_179 = tpu.memref_slice %arg5[%mul3A_178] : memref<1628160xi32, #tpu.memory_space<hbm>> -> memref<3072xi32, #tpu.memory_space<hbm>>
      %dma_start3A_180 = tpu.memref_slice %arg5[%mul3A_178] : memref<1628160xi32, #tpu.memory_space<hbm>> -> memref<3072xi32, #tpu.memory_space<hbm>>
      tpu.enqueue_dma source(%dma_start3A_180 : memref<3072xi32, #tpu.memory_space<hbm>>) target(%arg13 : memref<3072xi32, #tpu.memory_space<vmem>>) target_semaphore(%arg24 : memref<!tpu.dma_semaphore, #tpu.memory_space<semaphore_mem>>)
      %dma_start3A_181 = tpu.memref_slice %arg6[%mul3A_178] : memref<1628160xi32, #tpu.memory_space<hbm>> -> memref<3072xi32, #tpu.memory_space<hbm>>
      %dma_start3A_182 = tpu.memref_slice %arg6[%mul3A_178] : memref<1628160xi32, #tpu.memory_space<hbm>> -> memref<3072xi32, #tpu.memory_space<hbm>>
      tpu.enqueue_dma source(%dma_start3A_182 : memref<3072xi32, #tpu.memory_space<hbm>>) target(%arg14 : memref<3072xi32, #tpu.memory_space<vmem>>) target_semaphore(%arg24 : memref<!tpu.dma_semaphore, #tpu.memory_space<semaphore_mem>>)
      %dma_start3A_183 = tpu.memref_slice %arg7[%mul3A_178] : memref<1628160xi32, #tpu.memory_space<hbm>> -> memref<3072xi32, #tpu.memory_space<hbm>>
      %dma_start3A_184 = tpu.memref_slice %arg7[%mul3A_178] : memref<1628160xi32, #tpu.memory_space<hbm>> -> memref<3072xi32, #tpu.memory_space<hbm>>
      tpu.enqueue_dma source(%dma_start3A_184 : memref<3072xi32, #tpu.memory_space<hbm>>) target(%arg15 : memref<3072xi32, #tpu.memory_space<vmem>>) target_semaphore(%arg24 : memref<!tpu.dma_semaphore, #tpu.memory_space<semaphore_mem>>)
      %dma_wait3A_185 = arith.constant 0 : i32
      %dma_wait3A_186 = tpu.memref_slice %arg5[%dma_wait3A_185] : memref<1628160xi32, #tpu.memory_space<hbm>> -> memref<3072xi32, #tpu.memory_space<hbm>>
      %dma_wait3A_187 = arith.constant 0 : i32
      %dma_wait3A_188 = tpu.memref_slice %arg5[%dma_wait3A_187] : memref<1628160xi32, #tpu.memory_space<hbm>> -> memref<3072xi32, #tpu.memory_space<hbm>>
      tpu.wait_dma2 semaphore(%arg25 : memref<!tpu.dma_semaphore, #tpu.memory_space<semaphore_mem>>) src(%dma_wait3A_188 : memref<3072xi32, #tpu.memory_space<hbm>>) dst(%arg16 : memref<3072xi32, #tpu.memory_space<vmem>>)
      %dma_wait3A_189 = arith.constant 0 : i32
      %dma_wait3A_190 = tpu.memref_slice %arg6[%dma_wait3A_189] : memref<1628160xi32, #tpu.memory_space<hbm>> -> memref<3072xi32, #tpu.memory_space<hbm>>
      %dma_wait3A_191 = arith.constant 0 : i32
      %dma_wait3A_192 = tpu.memref_slice %arg6[%dma_wait3A_191] : memref<1628160xi32, #tpu.memory_space<hbm>> -> memref<3072xi32, #tpu.memory_space<hbm>>
      tpu.wait_dma2 semaphore(%arg25 : memref<!tpu.dma_semaphore, #tpu.memory_space<semaphore_mem>>) src(%dma_wait3A_192 : memref<3072xi32, #tpu.memory_space<hbm>>) dst(%arg17 : memref<3072xi32, #tpu.memory_space<vmem>>)
      %dma_wait3A_193 = arith.constant 0 : i32
      %dma_wait3A_194 = tpu.memref_slice %arg7[%dma_wait3A_193] : memref<1628160xi32, #tpu.memory_space<hbm>> -> memref<3072xi32, #tpu.memory_space<hbm>>
      %dma_wait3A_195 = arith.constant 0 : i32
      %dma_wait3A_196 = tpu.memref_slice %arg7[%dma_wait3A_195] : memref<1628160xi32, #tpu.memory_space<hbm>> -> memref<3072xi32, #tpu.memory_space<hbm>>
      tpu.wait_dma2 semaphore(%arg25 : memref<!tpu.dma_semaphore, #tpu.memory_space<semaphore_mem>>) src(%dma_wait3A_196 : memref<3072xi32, #tpu.memory_space<hbm>>) dst(%arg18 : memref<3072xi32, #tpu.memory_space<vmem>>)
      %dma_wait3A_197 = arith.constant 0 : i32
      %dma_wait3A_198 = tpu.memref_slice %arg23[%dma_wait3A_197] : memref<229376xf32, #tpu.memory_space<vmem_shared>> -> memref<229376xf32, #tpu.memory_space<vmem_shared>>
      tpu.wait_indirect_dma semaphore(%arg27 : memref<!tpu.dma_semaphore, #tpu.memory_space<semaphore_mem>>) src(%arg21 : memref<6144xf32, #tpu.memory_space<vmem>>) dst(%dma_wait3A_198 : memref<229376xf32, #tpu.memory_space<vmem_shared>>)
      %scan3A_199 = arith.constant 0 : i32
      %scan3A_200 = arith.constant 48 : i32
      %scan3A_201 = arith.addi %scan3A_199, %scan3A_200 : i32
      %scan3A_202 = arith.constant 1 : i32
      scf.for %scan3A_221 = %scan3A_199 to %scan3A_201 step %scan3A_202  : i32 {
        %mul3A_222 = arith.constant 4 : i32
        %mul3A_223 = arith.muli %scan3A_221, %mul3A_222 : i32
        %add3A_224 = arith.constant 0 : i32
        %add3A_225 = arith.addi %add3A_224, %mul3A_223 : i32
        %add3A_226 = arith.constant 0 : i32
        %add3A_227 = arith.addi %add3A_225, %add3A_226 : i32
        %mul3A_228 = arith.constant 16 : i32
        %mul3A_229 = arith.muli %add3A_227, %mul3A_228 : i32
        %get3A_230 = arith.index_cast %mul3A_229 : i32 to index
        %get3A_231 = tpu.vector_load %arg16[%get3A_230] {strides = array<i32>} : memref<3072xi32, #tpu.memory_space<vmem>>, vector<16xi32>,
        %mul3A_232 = arith.constant 16 : i32
        %mul3A_233 = arith.muli %add3A_227, %mul3A_232 : i32
        %get3A_234 = arith.index_cast %mul3A_233 : i32 to index
        %get3A_235 = tpu.vector_load %arg17[%get3A_234] {strides = array<i32>} : memref<3072xi32, #tpu.memory_space<vmem>>, vector<16xi32>,
        %mul3A_236 = arith.constant 16 : i32
        %mul3A_237 = arith.muli %add3A_227, %mul3A_236 : i32
        %get3A_238 = arith.index_cast %mul3A_237 : i32 to index
        %get3A_239 = tpu.vector_load %arg18[%get3A_238] {strides = array<i32>} : memref<3072xi32, #tpu.memory_space<vmem>>, vector<16xi32>,
        %gather3A = tpu.vector_load_idx %arg10[%get3A_231] : memref<57344xf32, #tpu.memory_space<vmem>>[vector<16xi32>], vector<16xf32>,
        %gather3A_240 = tpu.vector_load_idx %arg10[%get3A_235] : memref<57344xf32, #tpu.memory_space<vmem>>[vector<16xi32>], vector<16xf32>,
        %gather3A_241 = tpu.vector_load_idx %arg11[%get3A_239] : memref<16xf32, #tpu.memory_space<vmem>>[vector<16xi32>], vector<16xf32>,
        %mul3A_242 = arith.mulf %gather3A, %get3A_13 : vector<16xf32>
        %mul3A_243 = arith.mulf %gather3A_240, %get3A_15 : vector<16xf32>
        %add3A_244 = arith.addf %mul3A_242, %mul3A_243 : vector<16xf32>
        %add3A_245 = arith.addf %add3A_244, %gather3A_241 : vector<16xf32>
        %mul3A_246 = arith.constant 2.000000e-01 : f32
        %mul3A_247 = vector.broadcast %mul3A_246 : f32 to vector<16xf32>
        %mul3A_248 = arith.mulf %mul3A_247, %add3A_245 : vector<16xf32>
        %max3A = arith.maximumf %add3A_245, %mul3A_248 : vector<16xf32>
        %exp3A = math.exp %max3A : vector<16xf32>
        %mul3A_249 = arith.constant 4 : i32
        %mul3A_250 = vector.broadcast %mul3A_249 : i32 to vector<16xi32>
        %mul3A_251 = arith.muli %get3A_235, %mul3A_250 : vector<16xi32>
        %add3A_252 = vector.broadcast %and3A_0 : i32 to vector<16xi32>
        %add3A_253 = arith.addi %mul3A_251, %add3A_252 : vector<16xi32>
        %mul3A_254 = arith.constant 2 : i32
        %mul3A_255 = arith.muli %mul3A_254, %add3A_227 : i32
        %mul3A_256 = arith.constant 16 : i32
        %mul3A_257 = arith.muli %mul3A_255, %mul3A_256 : i32
        %swap3A = arith.index_cast %mul3A_257 : i32 to index
        %swap3A_258 = tpu.vector_load %arg21[%swap3A] {strides = array<i32>} : memref<6144xf32, #tpu.memory_space<vmem>>, vector<16xf32>,
        tpu.vector_store %arg21[%swap3A], %exp3A {strides = array<i32>} : memref<6144xf32, #tpu.memory_space<vmem>>, vector<16xf32>,
        %mul3A_259 = arith.constant 2 : i32
        %mul3A_260 = arith.muli %mul3A_259, %add3A_227 : i32
        %mul3A_261 = arith.constant 16 : i32
        %mul3A_262 = arith.muli %mul3A_260, %mul3A_261 : i32
        %swap3A_263 = arith.index_cast %mul3A_262 : i32 to index
        %swap3A_264 = tpu.vector_load %arg22[%swap3A_263] {strides = array<i32>} : memref<6144xi32, #tpu.memory_space<vmem>>, vector<16xi32>,
        tpu.vector_store %arg22[%swap3A_263], %add3A_253 {strides = array<i32>} : memref<6144xi32, #tpu.memory_space<vmem>>, vector<16xi32>,
        %mul3A_265 = arith.mulf %exp3A, %get3A_17 : vector<16xf32>
        %mul3A_266 = arith.mulf %mul3A_265, %gather3A : vector<16xf32>
        %mul3A_267 = arith.constant 2 : i32
        %mul3A_268 = arith.muli %mul3A_267, %add3A_227 : i32
        %add3A_269 = arith.constant 1 : i32
        %add3A_270 = arith.addi %mul3A_268, %add3A_269 : i32
        %mul3A_271 = arith.constant 16 : i32
        %mul3A_272 = arith.muli %add3A_270, %mul3A_271 : i32
        %swap3A_273 = arith.index_cast %mul3A_272 : i32 to index
        %swap3A_274 = tpu.vector_load %arg21[%swap3A_273] {strides = array<i32>} : memref<6144xf32, #tpu.memory_space<vmem>>, vector<16xf32>,
        tpu.vector_store %arg21[%swap3A_273], %mul3A_266 {strides = array<i32>} : memref<6144xf32, #tpu.memory_space<vmem>>, vector<16xf32>,
        %add3A_275 = arith.constant 2 : i32
        %add3A_276 = vector.broadcast %add3A_275 : i32 to vector<16xi32>
        %add3A_277 = arith.addi %add3A_253, %add3A_276 : vector<16xi32>
        %mul3A_278 = arith.constant 2 : i32
        %mul3A_279 = arith.muli %mul3A_278, %add3A_227 : i32
        %add3A_280 = arith.constant 1 : i32
        %add3A_281 = arith.addi %mul3A_279, %add3A_280 : i32
        %mul3A_282 = arith.constant 16 : i32
        %mul3A_283 = arith.muli %add3A_281, %mul3A_282 : i32
        %swap3A_284 = arith.index_cast %mul3A_283 : i32 to index
        %swap3A_285 = tpu.vector_load %arg22[%swap3A_284] {strides = array<i32>} : memref<6144xi32, #tpu.memory_space<vmem>>, vector<16xi32>,
        tpu.vector_store %arg22[%swap3A_284], %add3A_277 {strides = array<i32>} : memref<6144xi32, #tpu.memory_space<vmem>>, vector<16xi32>,
        %add3A_286 = arith.constant 1 : i32
        %add3A_287 = arith.addi %add3A_225, %add3A_286 : i32
        %mul3A_288 = arith.constant 16 : i32
        %mul3A_289 = arith.muli %add3A_287, %mul3A_288 : i32
        %get3A_290 = arith.index_cast %mul3A_289 : i32 to index
        %get3A_291 = tpu.vector_load %arg16[%get3A_290] {strides = array<i32>} : memref<3072xi32, #tpu.memory_space<vmem>>, vector<16xi32>,
        %mul3A_292 = arith.constant 16 : i32
        %mul3A_293 = arith.muli %add3A_287, %mul3A_292 : i32
        %get3A_294 = arith.index_cast %mul3A_293 : i32 to index
        %get3A_295 = tpu.vector_load %arg17[%get3A_294] {strides = array<i32>} : memref<3072xi32, #tpu.memory_space<vmem>>, vector<16xi32>,
        %mul3A_296 = arith.constant 16 : i32
        %mul3A_297 = arith.muli %add3A_287, %mul3A_296 : i32
        %get3A_298 = arith.index_cast %mul3A_297 : i32 to index
        %get3A_299 = tpu.vector_load %arg18[%get3A_298] {strides = array<i32>} : memref<3072xi32, #tpu.memory_space<vmem>>, vector<16xi32>,
        %gather3A_300 = tpu.vector_load_idx %arg10[%get3A_291] : memref<57344xf32, #tpu.memory_space<vmem>>[vector<16xi32>], vector<16xf32>,
        %gather3A_301 = tpu.vector_load_idx %arg10[%get3A_295] : memref<57344xf32, #tpu.memory_space<vmem>>[vector<16xi32>], vector<16xf32>,
        %gather3A_302 = tpu.vector_load_idx %arg11[%get3A_299] : memref<16xf32, #tpu.memory_space<vmem>>[vector<16xi32>], vector<16xf32>,
        %mul3A_303 = arith.mulf %gather3A_300, %get3A_13 : vector<16xf32>
        %mul3A_304 = arith.mulf %gather3A_301, %get3A_15 : vector<16xf32>
        %add3A_305 = arith.addf %mul3A_303, %mul3A_304 : vector<16xf32>
        %add3A_306 = arith.addf %add3A_305, %gather3A_302 : vector<16xf32>
        %mul3A_307 = arith.constant 2.000000e-01 : f32
        %mul3A_308 = vector.broadcast %mul3A_307 : f32 to vector<16xf32>
        %mul3A_309 = arith.mulf %mul3A_308, %add3A_306 : vector<16xf32>
        %max3A_310 = arith.maximumf %add3A_306, %mul3A_309 : vector<16xf32>
        %exp3A_311 = math.exp %max3A_310 : vector<16xf32>
        %mul3A_312 = arith.constant 4 : i32
        %mul3A_313 = vector.broadcast %mul3A_312 : i32 to vector<16xi32>
        %mul3A_314 = arith.muli %get3A_295, %mul3A_313 : vector<16xi32>
        %add3A_315 = vector.broadcast %and3A_0 : i32 to vector<16xi32>
        %add3A_316 = arith.addi %mul3A_314, %add3A_315 : vector<16xi32>
        %mul3A_317 = arith.constant 2 : i32
        %mul3A_318 = arith.muli %mul3A_317, %add3A_287 : i32
        %mul3A_319 = arith.constant 16 : i32
        %mul3A_320 = arith.muli %mul3A_318, %mul3A_319 : i32
        %swap3A_321 = arith.index_cast %mul3A_320 : i32 to index
        %swap3A_322 = tpu.vector_load %arg21[%swap3A_321] {strides = array<i32>} : memref<6144xf32, #tpu.memory_space<vmem>>, vector<16xf32>,
        tpu.vector_store %arg21[%swap3A_321], %exp3A_311 {strides = array<i32>} : memref<6144xf32, #tpu.memory_space<vmem>>, vector<16xf32>,
        %mul3A_323 = arith.constant 2 : i32
        %mul3A_324 = arith.muli %mul3A_323, %add3A_287 : i32
        %mul3A_325 = arith.constant 16 : i32
        %mul3A_326 = arith.muli %mul3A_324, %mul3A_325 : i32
        %swap3A_327 = arith.index_cast %mul3A_326 : i32 to index
        %swap3A_328 = tpu.vector_load %arg22[%swap3A_327] {strides = array<i32>} : memref<6144xi32, #tpu.memory_space<vmem>>, vector<16xi32>,
        tpu.vector_store %arg22[%swap3A_327], %add3A_316 {strides = array<i32>} : memref<6144xi32, #tpu.memory_space<vmem>>, vector<16xi32>,
        %mul3A_329 = arith.mulf %exp3A_311, %get3A_17 : vector<16xf32>
        %mul3A_330 = arith.mulf %mul3A_329, %gather3A_300 : vector<16xf32>
        %mul3A_331 = arith.constant 2 : i32
        %mul3A_332 = arith.muli %mul3A_331, %add3A_287 : i32
        %add3A_333 = arith.constant 1 : i32
        %add3A_334 = arith.addi %mul3A_332, %add3A_333 : i32
        %mul3A_335 = arith.constant 16 : i32
        %mul3A_336 = arith.muli %add3A_334, %mul3A_335 : i32
        %swap3A_337 = arith.index_cast %mul3A_336 : i32 to index
        %swap3A_338 = tpu.vector_load %arg21[%swap3A_337] {strides = array<i32>} : memref<6144xf32, #tpu.memory_space<vmem>>, vector<16xf32>,
        tpu.vector_store %arg21[%swap3A_337], %mul3A_330 {strides = array<i32>} : memref<6144xf32, #tpu.memory_space<vmem>>, vector<16xf32>,
        %add3A_339 = arith.constant 2 : i32
        %add3A_340 = vector.broadcast %add3A_339 : i32 to vector<16xi32>
        %add3A_341 = arith.addi %add3A_316, %add3A_340 : vector<16xi32>
        %mul3A_342 = arith.constant 2 : i32
        %mul3A_343 = arith.muli %mul3A_342, %add3A_287 : i32
        %add3A_344 = arith.constant 1 : i32
        %add3A_345 = arith.addi %mul3A_343, %add3A_344 : i32
        %mul3A_346 = arith.constant 16 : i32
        %mul3A_347 = arith.muli %add3A_345, %mul3A_346 : i32
        %swap3A_348 = arith.index_cast %mul3A_347 : i32 to index
        %swap3A_349 = tpu.vector_load %arg22[%swap3A_348] {strides = array<i32>} : memref<6144xi32, #tpu.memory_space<vmem>>, vector<16xi32>,
        tpu.vector_store %arg22[%swap3A_348], %add3A_341 {strides = array<i32>} : memref<6144xi32, #tpu.memory_space<vmem>>, vector<16xi32>,
        %add3A_350 = arith.constant 2 : i32
        %add3A_351 = arith.addi %add3A_225, %add3A_350 : i32
        %mul3A_352 = arith.constant 16 : i32
        %mul3A_353 = arith.muli %add3A_351, %mul3A_352 : i32
        %get3A_354 = arith.index_cast %mul3A_353 : i32 to index
        %get3A_355 = tpu.vector_load %arg16[%get3A_354] {strides = array<i32>} : memref<3072xi32, #tpu.memory_space<vmem>>, vector<16xi32>,
        %mul3A_356 = arith.constant 16 : i32
        %mul3A_357 = arith.muli %add3A_351, %mul3A_356 : i32
        %get3A_358 = arith.index_cast %mul3A_357 : i32 to index
        %get3A_359 = tpu.vector_load %arg17[%get3A_358] {strides = array<i32>} : memref<3072xi32, #tpu.memory_space<vmem>>, vector<16xi32>,
        %mul3A_360 = arith.constant 16 : i32
        %mul3A_361 = arith.muli %add3A_351, %mul3A_360 : i32
        %get3A_362 = arith.index_cast %mul3A_361 : i32 to index
        %get3A_363 = tpu.vector_load %arg18[%get3A_362] {strides = array<i32>} : memref<3072xi32, #tpu.memory_space<vmem>>, vector<16xi32>,
        %gather3A_364 = tpu.vector_load_idx %arg10[%get3A_355] : memref<57344xf32, #tpu.memory_space<vmem>>[vector<16xi32>], vector<16xf32>,
        %gather3A_365 = tpu.vector_load_idx %arg10[%get3A_359] : memref<57344xf32, #tpu.memory_space<vmem>>[vector<16xi32>], vector<16xf32>,
        %gather3A_366 = tpu.vector_load_idx %arg11[%get3A_363] : memref<16xf32, #tpu.memory_space<vmem>>[vector<16xi32>], vector<16xf32>,
        %mul3A_367 = arith.mulf %gather3A_364, %get3A_13 : vector<16xf32>
        %mul3A_368 = arith.mulf %gather3A_365, %get3A_15 : vector<16xf32>
        %add3A_369 = arith.addf %mul3A_367, %mul3A_368 : vector<16xf32>
        %add3A_370 = arith.addf %add3A_369, %gather3A_366 : vector<16xf32>
        %mul3A_371 = arith.constant 2.000000e-01 : f32
        %mul3A_372 = vector.broadcast %mul3A_371 : f32 to vector<16xf32>
        %mul3A_373 = arith.mulf %mul3A_372, %add3A_370 : vector<16xf32>
        %max3A_374 = arith.maximumf %add3A_370, %mul3A_373 : vector<16xf32>
        %exp3A_375 = math.exp %max3A_374 : vector<16xf32>
        %mul3A_376 = arith.constant 4 : i32
        %mul3A_377 = vector.broadcast %mul3A_376 : i32 to vector<16xi32>
        %mul3A_378 = arith.muli %get3A_359, %mul3A_377 : vector<16xi32>
        %add3A_379 = vector.broadcast %and3A_0 : i32 to vector<16xi32>
        %add3A_380 = arith.addi %mul3A_378, %add3A_379 : vector<16xi32>
        %mul3A_381 = arith.constant 2 : i32
        %mul3A_382 = arith.muli %mul3A_381, %add3A_351 : i32
        %mul3A_383 = arith.constant 16 : i32
        %mul3A_384 = arith.muli %mul3A_382, %mul3A_383 : i32
        %swap3A_385 = arith.index_cast %mul3A_384 : i32 to index
        %swap3A_386 = tpu.vector_load %arg21[%swap3A_385] {strides = array<i32>} : memref<6144xf32, #tpu.memory_space<vmem>>, vector<16xf32>,
        tpu.vector_store %arg21[%swap3A_385], %exp3A_375 {strides = array<i32>} : memref<6144xf32, #tpu.memory_space<vmem>>, vector<16xf32>,
        %mul3A_387 = arith.constant 2 : i32
        %mul3A_388 = arith.muli %mul3A_387, %add3A_351 : i32
        %mul3A_389 = arith.constant 16 : i32
        %mul3A_390 = arith.muli %mul3A_388, %mul3A_389 : i32
        %swap3A_391 = arith.index_cast %mul3A_390 : i32 to index
        %swap3A_392 = tpu.vector_load %arg22[%swap3A_391] {strides = array<i32>} : memref<6144xi32, #tpu.memory_space<vmem>>, vector<16xi32>,
        tpu.vector_store %arg22[%swap3A_391], %add3A_380 {strides = array<i32>} : memref<6144xi32, #tpu.memory_space<vmem>>, vector<16xi32>,
        %mul3A_393 = arith.mulf %exp3A_375, %get3A_17 : vector<16xf32>
        %mul3A_394 = arith.mulf %mul3A_393, %gather3A_364 : vector<16xf32>
        %mul3A_395 = arith.constant 2 : i32
        %mul3A_396 = arith.muli %mul3A_395, %add3A_351 : i32
        %add3A_397 = arith.constant 1 : i32
        %add3A_398 = arith.addi %mul3A_396, %add3A_397 : i32
        %mul3A_399 = arith.constant 16 : i32
        %mul3A_400 = arith.muli %add3A_398, %mul3A_399 : i32
        %swap3A_401 = arith.index_cast %mul3A_400 : i32 to index
        %swap3A_402 = tpu.vector_load %arg21[%swap3A_401] {strides = array<i32>} : memref<6144xf32, #tpu.memory_space<vmem>>, vector<16xf32>,
        tpu.vector_store %arg21[%swap3A_401], %mul3A_394 {strides = array<i32>} : memref<6144xf32, #tpu.memory_space<vmem>>, vector<16xf32>,
        %add3A_403 = arith.constant 2 : i32
        %add3A_404 = vector.broadcast %add3A_403 : i32 to vector<16xi32>
        %add3A_405 = arith.addi %add3A_380, %add3A_404 : vector<16xi32>
        %mul3A_406 = arith.constant 2 : i32
        %mul3A_407 = arith.muli %mul3A_406, %add3A_351 : i32
        %add3A_408 = arith.constant 1 : i32
        %add3A_409 = arith.addi %mul3A_407, %add3A_408 : i32
        %mul3A_410 = arith.constant 16 : i32
        %mul3A_411 = arith.muli %add3A_409, %mul3A_410 : i32
        %swap3A_412 = arith.index_cast %mul3A_411 : i32 to index
        %swap3A_413 = tpu.vector_load %arg22[%swap3A_412] {strides = array<i32>} : memref<6144xi32, #tpu.memory_space<vmem>>, vector<16xi32>,
        tpu.vector_store %arg22[%swap3A_412], %add3A_405 {strides = array<i32>} : memref<6144xi32, #tpu.memory_space<vmem>>, vector<16xi32>,
        %add3A_414 = arith.constant 3 : i32
        %add3A_415 = arith.addi %add3A_225, %add3A_414 : i32
        %mul3A_416 = arith.constant 16 : i32
        %mul3A_417 = arith.muli %add3A_415, %mul3A_416 : i32
        %get3A_418 = arith.index_cast %mul3A_417 : i32 to index
        %get3A_419 = tpu.vector_load %arg16[%get3A_418] {strides = array<i32>} : memref<3072xi32, #tpu.memory_space<vmem>>, vector<16xi32>,
        %mul3A_420 = arith.constant 16 : i32
        %mul3A_421 = arith.muli %add3A_415, %mul3A_420 : i32
        %get3A_422 = arith.index_cast %mul3A_421 : i32 to index
        %get3A_423 = tpu.vector_load %arg17[%get3A_422] {strides = array<i32>} : memref<3072xi32, #tpu.memory_space<vmem>>, vector<16xi32>,
        %mul3A_424 = arith.constant 16 : i32
        %mul3A_425 = arith.muli %add3A_415, %mul3A_424 : i32
        %get3A_426 = arith.index_cast %mul3A_425 : i32 to index
        %get3A_427 = tpu.vector_load %arg18[%get3A_426] {strides = array<i32>} : memref<3072xi32, #tpu.memory_space<vmem>>, vector<16xi32>,
        %gather3A_428 = tpu.vector_load_idx %arg10[%get3A_419] : memref<57344xf32, #tpu.memory_space<vmem>>[vector<16xi32>], vector<16xf32>,
        %gather3A_429 = tpu.vector_load_idx %arg10[%get3A_423] : memref<57344xf32, #tpu.memory_space<vmem>>[vector<16xi32>], vector<16xf32>,
        %gather3A_430 = tpu.vector_load_idx %arg11[%get3A_427] : memref<16xf32, #tpu.memory_space<vmem>>[vector<16xi32>], vector<16xf32>,
        %mul3A_431 = arith.mulf %gather3A_428, %get3A_13 : vector<16xf32>
        %mul3A_432 = arith.mulf %gather3A_429, %get3A_15 : vector<16xf32>
        %add3A_433 = arith.addf %mul3A_431, %mul3A_432 : vector<16xf32>
        %add3A_434 = arith.addf %add3A_433, %gather3A_430 : vector<16xf32>
        %mul3A_435 = arith.constant 2.000000e-01 : f32
        %mul3A_436 = vector.broadcast %mul3A_435 : f32 to vector<16xf32>
        %mul3A_437 = arith.mulf %mul3A_436, %add3A_434 : vector<16xf32>
        %max3A_438 = arith.maximumf %add3A_434, %mul3A_437 : vector<16xf32>
        %exp3A_439 = math.exp %max3A_438 : vector<16xf32>
        %mul3A_440 = arith.constant 4 : i32
        %mul3A_441 = vector.broadcast %mul3A_440 : i32 to vector<16xi32>
        %mul3A_442 = arith.muli %get3A_423, %mul3A_441 : vector<16xi32>
        %add3A_443 = vector.broadcast %and3A_0 : i32 to vector<16xi32>
        %add3A_444 = arith.addi %mul3A_442, %add3A_443 : vector<16xi32>
        %mul3A_445 = arith.constant 2 : i32
        %mul3A_446 = arith.muli %mul3A_445, %add3A_415 : i32
        %mul3A_447 = arith.constant 16 : i32
        %mul3A_448 = arith.muli %mul3A_446, %mul3A_447 : i32
        %swap3A_449 = arith.index_cast %mul3A_448 : i32 to index
        %swap3A_450 = tpu.vector_load %arg21[%swap3A_449] {strides = array<i32>} : memref<6144xf32, #tpu.memory_space<vmem>>, vector<16xf32>,
        tpu.vector_store %arg21[%swap3A_449], %exp3A_439 {strides = array<i32>} : memref<6144xf32, #tpu.memory_space<vmem>>, vector<16xf32>,
        %mul3A_451 = arith.constant 2 : i32
        %mul3A_452 = arith.muli %mul3A_451, %add3A_415 : i32
        %mul3A_453 = arith.constant 16 : i32
        %mul3A_454 = arith.muli %mul3A_452, %mul3A_453 : i32
        %swap3A_455 = arith.index_cast %mul3A_454 : i32 to index
        %swap3A_456 = tpu.vector_load %arg22[%swap3A_455] {strides = array<i32>} : memref<6144xi32, #tpu.memory_space<vmem>>, vector<16xi32>,
        tpu.vector_store %arg22[%swap3A_455], %add3A_444 {strides = array<i32>} : memref<6144xi32, #tpu.memory_space<vmem>>, vector<16xi32>,
        %mul3A_457 = arith.mulf %exp3A_439, %get3A_17 : vector<16xf32>
        %mul3A_458 = arith.mulf %mul3A_457, %gather3A_428 : vector<16xf32>
        %mul3A_459 = arith.constant 2 : i32
        %mul3A_460 = arith.muli %mul3A_459, %add3A_415 : i32
        %add3A_461 = arith.constant 1 : i32
        %add3A_462 = arith.addi %mul3A_460, %add3A_461 : i32
        %mul3A_463 = arith.constant 16 : i32
        %mul3A_464 = arith.muli %add3A_462, %mul3A_463 : i32
        %swap3A_465 = arith.index_cast %mul3A_464 : i32 to index
        %swap3A_466 = tpu.vector_load %arg21[%swap3A_465] {strides = array<i32>} : memref<6144xf32, #tpu.memory_space<vmem>>, vector<16xf32>,
        tpu.vector_store %arg21[%swap3A_465], %mul3A_458 {strides = array<i32>} : memref<6144xf32, #tpu.memory_space<vmem>>, vector<16xf32>,
        %add3A_467 = arith.constant 2 : i32
        %add3A_468 = vector.broadcast %add3A_467 : i32 to vector<16xi32>
        %add3A_469 = arith.addi %add3A_444, %add3A_468 : vector<16xi32>
        %mul3A_470 = arith.constant 2 : i32
        %mul3A_471 = arith.muli %mul3A_470, %add3A_415 : i32
        %add3A_472 = arith.constant 1 : i32
        %add3A_473 = arith.addi %mul3A_471, %add3A_472 : i32
        %mul3A_474 = arith.constant 16 : i32
        %mul3A_475 = arith.muli %add3A_473, %mul3A_474 : i32
        %swap3A_476 = arith.index_cast %mul3A_475 : i32 to index
        %swap3A_477 = tpu.vector_load %arg22[%swap3A_476] {strides = array<i32>} : memref<6144xi32, #tpu.memory_space<vmem>>, vector<16xi32>,
        tpu.vector_store %arg22[%swap3A_476], %add3A_469 {strides = array<i32>} : memref<6144xi32, #tpu.memory_space<vmem>>, vector<16xi32>,
      }
      %scan3A_203 = arith.constant 48 : i32
      %dma_start3A_204 = arith.constant 0 : i32
      %dma_start3A_205 = tpu.memref_slice %arg23[%dma_start3A_204] : memref<229376xf32, #tpu.memory_space<vmem_shared>> -> memref<229376xf32, #tpu.memory_space<vmem_shared>>
      tpu.enqueue_indirect_dma source(%arg21 : memref<6144xf32, #tpu.memory_space<vmem>>) target(%dma_start3A_205 : memref<229376xf32, #tpu.memory_space<vmem_shared>>) offsets(%arg22 : memref<6144xi32, #tpu.memory_space<vmem>>) semaphore(%arg27 : memref<!tpu.dma_semaphore, #tpu.memory_space<semaphore_mem>>) {add = true}
      %add3A_206 = arith.constant 1 : i32
      %add3A_207 = arith.addi %add3A_148, %add3A_206 : i32
      %add3A_208 = arith.constant 2 : i32
      %add3A_209 = arith.addi %add3A_207, %add3A_208 : i32
      %mul3A_210 = arith.constant 66 : i32
      %mul3A_211 = arith.muli %shift_right_arithmetic3A_2, %mul3A_210 : i32
      %add3A_212 = arith.addi %mul3A_211, %add3A_209 : i32
      %mul3A_213 = arith.constant 3072 : i32
      %mul3A_214 = arith.muli %add3A_212, %mul3A_213 : i32
      %dma_start3A_215 = tpu.memref_slice %arg5[%mul3A_214] : memref<1628160xi32, #tpu.memory_space<hbm>> -> memref<3072xi32, #tpu.memory_space<hbm>>
      %dma_start3A_216 = tpu.memref_slice %arg5[%mul3A_214] : memref<1628160xi32, #tpu.memory_space<hbm>> -> memref<3072xi32, #tpu.memory_space<hbm>>
      tpu.enqueue_dma source(%dma_start3A_216 : memref<3072xi32, #tpu.memory_space<hbm>>) target(%arg16 : memref<3072xi32, #tpu.memory_space<vmem>>) target_semaphore(%arg25 : memref<!tpu.dma_semaphore, #tpu.memory_space<semaphore_mem>>)
      %dma_start3A_217 = tpu.memref_slice %arg6[%mul3A_214] : memref<1628160xi32, #tpu.memory_space<hbm>> -> memref<3072xi32, #tpu.memory_space<hbm>>
      %dma_start3A_218 = tpu.memref_slice %arg6[%mul3A_214] : memref<1628160xi32, #tpu.memory_space<hbm>> -> memref<3072xi32, #tpu.memory_space<hbm>>
      tpu.enqueue_dma source(%dma_start3A_218 : memref<3072xi32, #tpu.memory_space<hbm>>) target(%arg17 : memref<3072xi32, #tpu.memory_space<vmem>>) target_semaphore(%arg25 : memref<!tpu.dma_semaphore, #tpu.memory_space<semaphore_mem>>)
      %dma_start3A_219 = tpu.memref_slice %arg7[%mul3A_214] : memref<1628160xi32, #tpu.memory_space<hbm>> -> memref<3072xi32, #tpu.memory_space<hbm>>
      %dma_start3A_220 = tpu.memref_slice %arg7[%mul3A_214] : memref<1628160xi32, #tpu.memory_space<hbm>> -> memref<3072xi32, #tpu.memory_space<hbm>>
      tpu.enqueue_dma source(%dma_start3A_220 : memref<3072xi32, #tpu.memory_space<hbm>>) target(%arg18 : memref<3072xi32, #tpu.memory_space<vmem>>) target_semaphore(%arg25 : memref<!tpu.dma_semaphore, #tpu.memory_space<semaphore_mem>>)
    }
    %scan3A_105 = arith.constant 32 : i32
    %dma_wait3A_106 = arith.constant 0 : i32
    %dma_wait3A_107 = tpu.memref_slice %arg5[%dma_wait3A_106] : memref<1628160xi32, #tpu.memory_space<hbm>> -> memref<3072xi32, #tpu.memory_space<hbm>>
    %dma_wait3A_108 = arith.constant 0 : i32
    %dma_wait3A_109 = tpu.memref_slice %arg5[%dma_wait3A_108] : memref<1628160xi32, #tpu.memory_space<hbm>> -> memref<3072xi32, #tpu.memory_space<hbm>>
    tpu.wait_dma2 semaphore(%arg24 : memref<!tpu.dma_semaphore, #tpu.memory_space<semaphore_mem>>) src(%dma_wait3A_109 : memref<3072xi32, #tpu.memory_space<hbm>>) dst(%arg13 : memref<3072xi32, #tpu.memory_space<vmem>>)
    %dma_wait3A_110 = arith.constant 0 : i32
    %dma_wait3A_111 = tpu.memref_slice %arg6[%dma_wait3A_110] : memref<1628160xi32, #tpu.memory_space<hbm>> -> memref<3072xi32, #tpu.memory_space<hbm>>
    %dma_wait3A_112 = arith.constant 0 : i32
    %dma_wait3A_113 = tpu.memref_slice %arg6[%dma_wait3A_112] : memref<1628160xi32, #tpu.memory_space<hbm>> -> memref<3072xi32, #tpu.memory_space<hbm>>
    tpu.wait_dma2 semaphore(%arg24 : memref<!tpu.dma_semaphore, #tpu.memory_space<semaphore_mem>>) src(%dma_wait3A_113 : memref<3072xi32, #tpu.memory_space<hbm>>) dst(%arg14 : memref<3072xi32, #tpu.memory_space<vmem>>)
    %dma_wait3A_114 = arith.constant 0 : i32
    %dma_wait3A_115 = tpu.memref_slice %arg7[%dma_wait3A_114] : memref<1628160xi32, #tpu.memory_space<hbm>> -> memref<3072xi32, #tpu.memory_space<hbm>>
    %dma_wait3A_116 = arith.constant 0 : i32
    %dma_wait3A_117 = tpu.memref_slice %arg7[%dma_wait3A_116] : memref<1628160xi32, #tpu.memory_space<hbm>> -> memref<3072xi32, #tpu.memory_space<hbm>>
    tpu.wait_dma2 semaphore(%arg24 : memref<!tpu.dma_semaphore, #tpu.memory_space<semaphore_mem>>) src(%dma_wait3A_117 : memref<3072xi32, #tpu.memory_space<hbm>>) dst(%arg15 : memref<3072xi32, #tpu.memory_space<vmem>>)
    %dma_wait3A_118 = arith.constant 0 : i32
    %dma_wait3A_119 = tpu.memref_slice %arg23[%dma_wait3A_118] : memref<229376xf32, #tpu.memory_space<vmem_shared>> -> memref<229376xf32, #tpu.memory_space<vmem_shared>>
    tpu.wait_indirect_dma semaphore(%arg26 : memref<!tpu.dma_semaphore, #tpu.memory_space<semaphore_mem>>) src(%arg19 : memref<6144xf32, #tpu.memory_space<vmem>>) dst(%dma_wait3A_119 : memref<229376xf32, #tpu.memory_space<vmem_shared>>)
    %dma_wait3A_120 = arith.constant 0 : i32
    %dma_wait3A_121 = tpu.memref_slice %arg5[%dma_wait3A_120] : memref<1628160xi32, #tpu.memory_space<hbm>> -> memref<3072xi32, #tpu.memory_space<hbm>>
    %dma_wait3A_122 = arith.constant 0 : i32
    %dma_wait3A_123 = tpu.memref_slice %arg5[%dma_wait3A_122] : memref<1628160xi32, #tpu.memory_space<hbm>> -> memref<3072xi32, #tpu.memory_space<hbm>>
    tpu.wait_dma2 semaphore(%arg25 : memref<!tpu.dma_semaphore, #tpu.memory_space<semaphore_mem>>) src(%dma_wait3A_123 : memref<3072xi32, #tpu.memory_space<hbm>>) dst(%arg16 : memref<3072xi32, #tpu.memory_space<vmem>>)
    %dma_wait3A_124 = arith.constant 0 : i32
    %dma_wait3A_125 = tpu.memref_slice %arg6[%dma_wait3A_124] : memref<1628160xi32, #tpu.memory_space<hbm>> -> memref<3072xi32, #tpu.memory_space<hbm>>
    %dma_wait3A_126 = arith.constant 0 : i32
    %dma_wait3A_127 = tpu.memref_slice %arg6[%dma_wait3A_126] : memref<1628160xi32, #tpu.memory_space<hbm>> -> memref<3072xi32, #tpu.memory_space<hbm>>
    tpu.wait_dma2 semaphore(%arg25 : memref<!tpu.dma_semaphore, #tpu.memory_space<semaphore_mem>>) src(%dma_wait3A_127 : memref<3072xi32, #tpu.memory_space<hbm>>) dst(%arg17 : memref<3072xi32, #tpu.memory_space<vmem>>)
    %dma_wait3A_128 = arith.constant 0 : i32
    %dma_wait3A_129 = tpu.memref_slice %arg7[%dma_wait3A_128] : memref<1628160xi32, #tpu.memory_space<hbm>> -> memref<3072xi32, #tpu.memory_space<hbm>>
    %dma_wait3A_130 = arith.constant 0 : i32
    %dma_wait3A_131 = tpu.memref_slice %arg7[%dma_wait3A_130] : memref<1628160xi32, #tpu.memory_space<hbm>> -> memref<3072xi32, #tpu.memory_space<hbm>>
    tpu.wait_dma2 semaphore(%arg25 : memref<!tpu.dma_semaphore, #tpu.memory_space<semaphore_mem>>) src(%dma_wait3A_131 : memref<3072xi32, #tpu.memory_space<hbm>>) dst(%arg18 : memref<3072xi32, #tpu.memory_space<vmem>>)
    %dma_wait3A_132 = arith.constant 0 : i32
    %dma_wait3A_133 = tpu.memref_slice %arg23[%dma_wait3A_132] : memref<229376xf32, #tpu.memory_space<vmem_shared>> -> memref<229376xf32, #tpu.memory_space<vmem_shared>>
    tpu.wait_indirect_dma semaphore(%arg27 : memref<!tpu.dma_semaphore, #tpu.memory_space<semaphore_mem>>) src(%arg21 : memref<6144xf32, #tpu.memory_space<vmem>>) dst(%dma_wait3A_133 : memref<229376xf32, #tpu.memory_space<vmem_shared>>)
    %barrier3A_134 = arith.constant 0 : index
    tpu.barrier barrier_id(%barrier3A_134)
    %mul3A_135 = arith.constant 14336 : i32
    %mul3A_136 = arith.muli %arg1, %mul3A_135 : i32
    %mul3A_137 = arith.constant 57344 : i32
    %mul3A_138 = arith.muli %arg0, %mul3A_137 : i32
    %mul3A_139 = arith.constant 4 : i32
    %mul3A_140 = arith.muli %mul3A_138, %mul3A_139 : i32
    %mul3A_141 = arith.constant 14336 : i32
    %mul3A_142 = arith.muli %arg1, %mul3A_141 : i32
    %add3A_143 = arith.addi %mul3A_140, %mul3A_142 : i32
    "tpu.region"() ({
      %run_scoped3A = tpu.sem_alloc : memref<!tpu.dma_semaphore, #tpu.memory_space<semaphore_mem>>
      %dma_start3A_144 = tpu.memref_slice %arg9[%add3A_143] : memref<458752xf32, #tpu.memory_space<hbm>> -> memref<14336xf32, #tpu.memory_space<hbm>>
      %dma_start3A_145 = tpu.memref_slice %arg23[%mul3A_136] : memref<229376xf32, #tpu.memory_space<vmem_shared>> -> memref<14336xf32, #tpu.memory_space<vmem_shared>>
      tpu.enqueue_dma source(%dma_start3A_145 : memref<14336xf32, #tpu.memory_space<vmem_shared>>) target(%dma_start3A_144 : memref<14336xf32, #tpu.memory_space<hbm>>) target_semaphore(%run_scoped3A : memref<!tpu.dma_semaphore, #tpu.memory_space<semaphore_mem>>)
      %dma_wait3A_146 = tpu.memref_slice %arg9[%add3A_143] : memref<458752xf32, #tpu.memory_space<hbm>> -> memref<14336xf32, #tpu.memory_space<hbm>>
      %dma_wait3A_147 = tpu.memref_slice %arg23[%mul3A_136] : memref<229376xf32, #tpu.memory_space<vmem_shared>> -> memref<14336xf32, #tpu.memory_space<vmem_shared>>
      tpu.wait_dma2 semaphore(%run_scoped3A : memref<!tpu.dma_semaphore, #tpu.memory_space<semaphore_mem>>) src(%dma_wait3A_147 : memref<14336xf32, #tpu.memory_space<vmem_shared>>) dst(%dma_wait3A_146 : memref<14336xf32, #tpu.memory_space<hbm>>)
      tpu.yield
    }) : () -> ()
    return
  }
}

#map = affine_map<(d0, d1) -> (0)>
module attributes {stable_mosaic.version = 14 : i64} {
  func.func @edge_kernel(%arg0: i32, %arg1: i32, %arg2: memref<458752xf32, #tpu.memory_space<hbm>>, %arg3: memref<64xf32, #tpu.memory_space<hbm>>, %arg4: memref<192xf32, #tpu.memory_space<hbm>>, %arg5: memref<1628160xi32, #tpu.memory_space<hbm>>, %arg6: memref<1628160xi32, #tpu.memory_space<hbm>>, %arg7: memref<1628160xi32, #tpu.memory_space<hbm>>, %arg8: memref<229376xf32, #tpu.memory_space<hbm>>, %arg9: memref<57344xf32, #tpu.memory_space<hbm>>, %arg10: memref<128xf32, #tpu.memory_space<hbm>>, %arg11: memref<114688xf32, #tpu.memory_space<hbm>>, %arg12: memref<114688xf32, #tpu.memory_space<hbm>>, %arg13: memref<57344xf32, #tpu.memory_space<vmem>>, %arg14: memref<16xf32, #tpu.memory_space<vmem>>, %arg15: memref<48xf32, #tpu.memory_space<vmem>>, %arg16: memref<3072xi32, #tpu.memory_space<vmem>>, %arg17: memref<3072xi32, #tpu.memory_space<vmem>>, %arg18: memref<3072xi32, #tpu.memory_space<vmem>>, %arg19: memref<3072xi32, #tpu.memory_space<vmem>>, %arg20: memref<3072xi32, #tpu.memory_space<vmem>>, %arg21: memref<3072xi32, #tpu.memory_space<vmem>>, %arg22: memref<6144xf32, #tpu.memory_space<vmem>>, %arg23: memref<6144xi32, #tpu.memory_space<vmem>>, %arg24: memref<6144xf32, #tpu.memory_space<vmem>>, %arg25: memref<6144xi32, #tpu.memory_space<vmem>>, %arg26: memref<3584xf32, #tpu.memory_space<vmem>>, %arg27: memref<3584xf32, #tpu.memory_space<vmem>>, %arg28: memref<896xf32, #tpu.memory_space<vmem>>, %arg29: memref<896xf32, #tpu.memory_space<vmem>>, %arg30: memref<64xf32, #tpu.memory_space<vmem>>, %arg31: memref<229376xf32, #tpu.memory_space<vmem_shared>>, %arg32: memref<!tpu.dma_semaphore, #tpu.memory_space<semaphore_mem>>, %arg33: memref<!tpu.dma_semaphore, #tpu.memory_space<semaphore_mem>>, %arg34: memref<!tpu.dma_semaphore, #tpu.memory_space<semaphore_mem>>, %arg35: memref<!tpu.dma_semaphore, #tpu.memory_space<semaphore_mem>>) attributes {dimension_semantics = [#tpu.dimension_semantics<core_parallel>, #tpu.dimension_semantics<subcore_parallel>], iteration_bounds = array<i64: 2, 16>, scalar_prefetch = 0 : i64, scratch_operands = 23 : i64, tpu.core_type = #tpu.core_type<sc_vector_subcore>, window_params = [{transform_indices = #map}, {transform_indices = #map}, {transform_indices = #map}, {transform_indices = #map}, {transform_indices = #map}, {transform_indices = #map}, {transform_indices = #map}, {transform_indices = #map}, {transform_indices = #map}, {transform_indices = #map}, {transform_indices = #map}]} {
    %and3A = arith.constant 1 : i32
    %and3A_0 = arith.andi %arg1, %and3A : i32
    %mul3A = arith.constant 2 : i32
    %mul3A_1 = arith.muli %mul3A, %arg0 : i32
    %add3A = arith.addi %mul3A_1, %and3A_0 : i32
    %shift_right_arithmetic3A = arith.constant 1 : i32
    %shift_right_arithmetic3A_2 = arith.shrsi %arg1, %shift_right_arithmetic3A : i32
    %mul3A_3 = arith.constant 16 : i32
    %mul3A_4 = arith.muli %add3A, %mul3A_3 : i32
    "tpu.region"() ({
      %run_scoped3A = tpu.sem_alloc : memref<!tpu.dma_semaphore, #tpu.memory_space<semaphore_mem>>
      %dma_start3A_162 = tpu.memref_slice %arg3[%mul3A_4] : memref<64xf32, #tpu.memory_space<hbm>> -> memref<16xf32, #tpu.memory_space<hbm>>
      %dma_start3A_163 = tpu.memref_slice %arg3[%mul3A_4] : memref<64xf32, #tpu.memory_space<hbm>> -> memref<16xf32, #tpu.memory_space<hbm>>
      tpu.enqueue_dma source(%dma_start3A_163 : memref<16xf32, #tpu.memory_space<hbm>>) target(%arg14 : memref<16xf32, #tpu.memory_space<vmem>>) target_semaphore(%run_scoped3A : memref<!tpu.dma_semaphore, #tpu.memory_space<semaphore_mem>>)
      %dma_wait3A_164 = tpu.memref_slice %arg3[%mul3A_4] : memref<64xf32, #tpu.memory_space<hbm>> -> memref<16xf32, #tpu.memory_space<hbm>>
      %dma_wait3A_165 = tpu.memref_slice %arg3[%mul3A_4] : memref<64xf32, #tpu.memory_space<hbm>> -> memref<16xf32, #tpu.memory_space<hbm>>
      tpu.wait_dma2 semaphore(%run_scoped3A : memref<!tpu.dma_semaphore, #tpu.memory_space<semaphore_mem>>) src(%dma_wait3A_165 : memref<16xf32, #tpu.memory_space<hbm>>) dst(%arg14 : memref<16xf32, #tpu.memory_space<vmem>>)
      tpu.yield
    }) : () -> ()
    %mul3A_5 = arith.constant 48 : i32
    %mul3A_6 = arith.muli %add3A, %mul3A_5 : i32
    "tpu.region"() ({
      %run_scoped3A = tpu.sem_alloc : memref<!tpu.dma_semaphore, #tpu.memory_space<semaphore_mem>>
      %dma_start3A_162 = tpu.memref_slice %arg4[%mul3A_6] : memref<192xf32, #tpu.memory_space<hbm>> -> memref<48xf32, #tpu.memory_space<hbm>>
      %dma_start3A_163 = tpu.memref_slice %arg4[%mul3A_6] : memref<192xf32, #tpu.memory_space<hbm>> -> memref<48xf32, #tpu.memory_space<hbm>>
      tpu.enqueue_dma source(%dma_start3A_163 : memref<48xf32, #tpu.memory_space<hbm>>) target(%arg15 : memref<48xf32, #tpu.memory_space<vmem>>) target_semaphore(%run_scoped3A : memref<!tpu.dma_semaphore, #tpu.memory_space<semaphore_mem>>)
      %dma_wait3A_164 = tpu.memref_slice %arg4[%mul3A_6] : memref<192xf32, #tpu.memory_space<hbm>> -> memref<48xf32, #tpu.memory_space<hbm>>
      %dma_wait3A_165 = tpu.memref_slice %arg4[%mul3A_6] : memref<192xf32, #tpu.memory_space<hbm>> -> memref<48xf32, #tpu.memory_space<hbm>>
      tpu.wait_dma2 semaphore(%run_scoped3A : memref<!tpu.dma_semaphore, #tpu.memory_space<semaphore_mem>>) src(%dma_wait3A_165 : memref<48xf32, #tpu.memory_space<hbm>>) dst(%arg15 : memref<48xf32, #tpu.memory_space<vmem>>)
      tpu.yield
    }) : () -> ()
    %mul3A_7 = arith.constant 64 : i32
    %mul3A_8 = arith.muli %arg0, %mul3A_7 : i32
    "tpu.region"() ({
      %run_scoped3A = tpu.sem_alloc : memref<!tpu.dma_semaphore, #tpu.memory_space<semaphore_mem>>
      %dma_start3A_162 = tpu.memref_slice %arg10[%mul3A_8] : memref<128xf32, #tpu.memory_space<hbm>> -> memref<64xf32, #tpu.memory_space<hbm>>
      %dma_start3A_163 = tpu.memref_slice %arg10[%mul3A_8] : memref<128xf32, #tpu.memory_space<hbm>> -> memref<64xf32, #tpu.memory_space<hbm>>
      tpu.enqueue_dma source(%dma_start3A_163 : memref<64xf32, #tpu.memory_space<hbm>>) target(%arg30 : memref<64xf32, #tpu.memory_space<vmem>>) target_semaphore(%run_scoped3A : memref<!tpu.dma_semaphore, #tpu.memory_space<semaphore_mem>>)
      %dma_wait3A_164 = tpu.memref_slice %arg10[%mul3A_8] : memref<128xf32, #tpu.memory_space<hbm>> -> memref<64xf32, #tpu.memory_space<hbm>>
      %dma_wait3A_165 = tpu.memref_slice %arg10[%mul3A_8] : memref<128xf32, #tpu.memory_space<hbm>> -> memref<64xf32, #tpu.memory_space<hbm>>
      tpu.wait_dma2 semaphore(%run_scoped3A : memref<!tpu.dma_semaphore, #tpu.memory_space<semaphore_mem>>) src(%dma_wait3A_165 : memref<64xf32, #tpu.memory_space<hbm>>) dst(%arg30 : memref<64xf32, #tpu.memory_space<vmem>>)
      tpu.yield
    }) : () -> ()
    %mul3A_9 = arith.constant 14336 : i32
    %mul3A_10 = arith.muli %arg1, %mul3A_9 : i32
    %mul3A_11 = arith.constant 14336 : i32
    %mul3A_12 = arith.muli %arg1, %mul3A_11 : i32
    "tpu.region"() ({
      %run_scoped3A = tpu.sem_alloc : memref<!tpu.dma_semaphore, #tpu.memory_space<semaphore_mem>>
      %dma_start3A_162 = tpu.memref_slice %arg31[%mul3A_12] : memref<229376xf32, #tpu.memory_space<vmem_shared>> -> memref<14336xf32, #tpu.memory_space<vmem_shared>>
      %dma_start3A_163 = tpu.memref_slice %arg8[%mul3A_10] : memref<229376xf32, #tpu.memory_space<hbm>> -> memref<14336xf32, #tpu.memory_space<hbm>>
      tpu.enqueue_dma source(%dma_start3A_163 : memref<14336xf32, #tpu.memory_space<hbm>>) target(%dma_start3A_162 : memref<14336xf32, #tpu.memory_space<vmem_shared>>) target_semaphore(%run_scoped3A : memref<!tpu.dma_semaphore, #tpu.memory_space<semaphore_mem>>)
      %dma_wait3A_164 = tpu.memref_slice %arg31[%mul3A_12] : memref<229376xf32, #tpu.memory_space<vmem_shared>> -> memref<14336xf32, #tpu.memory_space<vmem_shared>>
      %dma_wait3A_165 = tpu.memref_slice %arg8[%mul3A_10] : memref<229376xf32, #tpu.memory_space<hbm>> -> memref<14336xf32, #tpu.memory_space<hbm>>
      tpu.wait_dma2 semaphore(%run_scoped3A : memref<!tpu.dma_semaphore, #tpu.memory_space<semaphore_mem>>) src(%dma_wait3A_165 : memref<14336xf32, #tpu.memory_space<hbm>>) dst(%dma_wait3A_164 : memref<14336xf32, #tpu.memory_space<vmem_shared>>)
      tpu.yield
    }) : () -> ()
    %iota3A = tpu.iota {dimensions = array<i32: 0>} : vector<16xi32>
    %mul3A_13 = arith.constant 4 : i32
    %mul3A_14 = vector.broadcast %mul3A_13 : i32 to vector<16xi32>
    %mul3A_15 = arith.muli %iota3A, %mul3A_14 : vector<16xi32>
    %scan3A = arith.constant 0 : i32
    %scan3A_16 = arith.constant 4 : i32
    %scan3A_17 = arith.addi %scan3A, %scan3A_16 : i32
    %scan3A_18 = arith.constant 1 : i32
    scf.for %scan3A_162 = %scan3A to %scan3A_17 step %scan3A_18  : i32 {
      %mul3A_163 = arith.constant 1 : i32
      %mul3A_164 = arith.muli %scan3A_162, %mul3A_163 : i32
      %add3A_165 = arith.constant 0 : i32
      %add3A_166 = arith.addi %add3A_165, %mul3A_164 : i32
      %mul3A_167 = arith.constant 14336 : i32
      %mul3A_168 = arith.muli %arg1, %mul3A_167 : i32
      %mul3A_169 = arith.constant 3584 : i32
      %mul3A_170 = arith.muli %add3A_166, %mul3A_169 : i32
      %add3A_171 = arith.addi %mul3A_168, %mul3A_170 : i32
      "tpu.region"() ({
        %run_scoped3A = tpu.sem_alloc : memref<!tpu.dma_semaphore, #tpu.memory_space<semaphore_mem>>
        %dma_start3A_192 = tpu.memref_slice %arg2[%add3A_171] : memref<458752xf32, #tpu.memory_space<hbm>> -> memref<3584xf32, #tpu.memory_space<hbm>>
        %dma_start3A_193 = tpu.memref_slice %arg2[%add3A_171] : memref<458752xf32, #tpu.memory_space<hbm>> -> memref<3584xf32, #tpu.memory_space<hbm>>
        tpu.enqueue_dma source(%dma_start3A_193 : memref<3584xf32, #tpu.memory_space<hbm>>) target(%arg26 : memref<3584xf32, #tpu.memory_space<vmem>>) target_semaphore(%run_scoped3A : memref<!tpu.dma_semaphore, #tpu.memory_space<semaphore_mem>>)
        %dma_wait3A_194 = tpu.memref_slice %arg2[%add3A_171] : memref<458752xf32, #tpu.memory_space<hbm>> -> memref<3584xf32, #tpu.memory_space<hbm>>
        %dma_wait3A_195 = tpu.memref_slice %arg2[%add3A_171] : memref<458752xf32, #tpu.memory_space<hbm>> -> memref<3584xf32, #tpu.memory_space<hbm>>
        tpu.wait_dma2 semaphore(%run_scoped3A : memref<!tpu.dma_semaphore, #tpu.memory_space<semaphore_mem>>) src(%dma_wait3A_195 : memref<3584xf32, #tpu.memory_space<hbm>>) dst(%arg26 : memref<3584xf32, #tpu.memory_space<vmem>>)
        tpu.yield
      }) : () -> ()
      %mul3A_172 = arith.constant 14336 : i32
      %mul3A_173 = arith.muli %arg1, %mul3A_172 : i32
      %add3A_174 = arith.constant 229376 : i32
      %add3A_175 = arith.addi %add3A_174, %mul3A_173 : i32
      %mul3A_176 = arith.constant 3584 : i32
      %mul3A_177 = arith.muli %add3A_166, %mul3A_176 : i32
      %add3A_178 = arith.addi %add3A_175, %mul3A_177 : i32
      "tpu.region"() ({
        %run_scoped3A = tpu.sem_alloc : memref<!tpu.dma_semaphore, #tpu.memory_space<semaphore_mem>>
        %dma_start3A_192 = tpu.memref_slice %arg2[%add3A_178] : memref<458752xf32, #tpu.memory_space<hbm>> -> memref<3584xf32, #tpu.memory_space<hbm>>
        %dma_start3A_193 = tpu.memref_slice %arg2[%add3A_178] : memref<458752xf32, #tpu.memory_space<hbm>> -> memref<3584xf32, #tpu.memory_space<hbm>>
        tpu.enqueue_dma source(%dma_start3A_193 : memref<3584xf32, #tpu.memory_space<hbm>>) target(%arg27 : memref<3584xf32, #tpu.memory_space<vmem>>) target_semaphore(%run_scoped3A : memref<!tpu.dma_semaphore, #tpu.memory_space<semaphore_mem>>)
        %dma_wait3A_194 = tpu.memref_slice %arg2[%add3A_178] : memref<458752xf32, #tpu.memory_space<hbm>> -> memref<3584xf32, #tpu.memory_space<hbm>>
        %dma_wait3A_195 = tpu.memref_slice %arg2[%add3A_178] : memref<458752xf32, #tpu.memory_space<hbm>> -> memref<3584xf32, #tpu.memory_space<hbm>>
        tpu.wait_dma2 semaphore(%run_scoped3A : memref<!tpu.dma_semaphore, #tpu.memory_space<semaphore_mem>>) src(%dma_wait3A_195 : memref<3584xf32, #tpu.memory_space<hbm>>) dst(%arg27 : memref<3584xf32, #tpu.memory_space<vmem>>)
        tpu.yield
      }) : () -> ()
      %scan3A_179 = arith.constant 0 : i32
      %scan3A_180 = arith.constant 56 : i32
      %scan3A_181 = arith.addi %scan3A_179, %scan3A_180 : i32
      %scan3A_182 = arith.constant 1 : i32
      scf.for %scan3A_192 = %scan3A_179 to %scan3A_181 step %scan3A_182  : i32 {
        %mul3A_193 = arith.constant 1 : i32
        %mul3A_194 = arith.muli %scan3A_192, %mul3A_193 : i32
        %add3A_195 = arith.constant 0 : i32
        %add3A_196 = arith.addi %add3A_195, %mul3A_194 : i32
        %mul3A_197 = arith.constant 64 : i32
        %mul3A_198 = arith.muli %mul3A_197, %add3A_196 : i32
        %add3A_199 = vector.broadcast %mul3A_198 : i32 to vector<16xi32>
        %add3A_200 = arith.addi %mul3A_15, %add3A_199 : vector<16xi32>
        %gather3A = tpu.vector_load_idx %arg26[%add3A_200] : memref<3584xf32, #tpu.memory_space<vmem>>[vector<16xi32>], vector<16xf32>,
        %add3A_201 = arith.constant 1 : i32
        %add3A_202 = vector.broadcast %add3A_201 : i32 to vector<16xi32>
        %add3A_203 = arith.addi %add3A_200, %add3A_202 : vector<16xi32>
        %gather3A_204 = tpu.vector_load_idx %arg26[%add3A_203] : memref<3584xf32, #tpu.memory_space<vmem>>[vector<16xi32>], vector<16xf32>,
        %add3A_205 = arith.constant 2 : i32
        %add3A_206 = vector.broadcast %add3A_205 : i32 to vector<16xi32>
        %add3A_207 = arith.addi %add3A_200, %add3A_206 : vector<16xi32>
        %gather3A_208 = tpu.vector_load_idx %arg26[%add3A_207] : memref<3584xf32, #tpu.memory_space<vmem>>[vector<16xi32>], vector<16xf32>,
        %add3A_209 = arith.constant 3 : i32
        %add3A_210 = vector.broadcast %add3A_209 : i32 to vector<16xi32>
        %add3A_211 = arith.addi %add3A_200, %add3A_210 : vector<16xi32>
        %gather3A_212 = tpu.vector_load_idx %arg26[%add3A_211] : memref<3584xf32, #tpu.memory_space<vmem>>[vector<16xi32>], vector<16xf32>,
        %add3A_213 = arith.constant 9.99999971E-10 : f32
        %add3A_214 = vector.broadcast %add3A_213 : f32 to vector<16xf32>
        %add3A_215 = arith.addf %gather3A, %add3A_214 : vector<16xf32>
        %div3A = arith.divf %gather3A_208, %add3A_215 : vector<16xf32>
        %max3A = arith.constant 0.000000e+00 : f32
        %max3A_216 = vector.broadcast %max3A : f32 to vector<16xf32>
        %max3A_217 = arith.maximumf %div3A, %max3A_216 : vector<16xf32>
        %add3A_218 = arith.constant 9.99999971E-10 : f32
        %add3A_219 = vector.broadcast %add3A_218 : f32 to vector<16xf32>
        %add3A_220 = arith.addf %gather3A_204, %add3A_219 : vector<16xf32>
        %div3A_221 = arith.divf %gather3A_212, %add3A_220 : vector<16xf32>
        %max3A_222 = arith.constant 0.000000e+00 : f32
        %max3A_223 = vector.broadcast %max3A_222 : f32 to vector<16xf32>
        %max3A_224 = arith.maximumf %div3A_221, %max3A_223 : vector<16xf32>
        %add3A_225 = arith.addf %max3A_217, %max3A_224 : vector<16xf32>
        %gather3A_226 = tpu.vector_load_idx %arg27[%add3A_200] : memref<3584xf32, #tpu.memory_space<vmem>>[vector<16xi32>], vector<16xf32>,
        %add3A_227 = arith.constant 1 : i32
        %add3A_228 = vector.broadcast %add3A_227 : i32 to vector<16xi32>
        %add3A_229 = arith.addi %add3A_200, %add3A_228 : vector<16xi32>
        %gather3A_230 = tpu.vector_load_idx %arg27[%add3A_229] : memref<3584xf32, #tpu.memory_space<vmem>>[vector<16xi32>], vector<16xf32>,
        %add3A_231 = arith.constant 2 : i32
        %add3A_232 = vector.broadcast %add3A_231 : i32 to vector<16xi32>
        %add3A_233 = arith.addi %add3A_200, %add3A_232 : vector<16xi32>
        %gather3A_234 = tpu.vector_load_idx %arg27[%add3A_233] : memref<3584xf32, #tpu.memory_space<vmem>>[vector<16xi32>], vector<16xf32>,
        %add3A_235 = arith.constant 3 : i32
        %add3A_236 = vector.broadcast %add3A_235 : i32 to vector<16xi32>
        %add3A_237 = arith.addi %add3A_200, %add3A_236 : vector<16xi32>
        %gather3A_238 = tpu.vector_load_idx %arg27[%add3A_237] : memref<3584xf32, #tpu.memory_space<vmem>>[vector<16xi32>], vector<16xf32>,
        %add3A_239 = arith.constant 9.99999971E-10 : f32
        %add3A_240 = vector.broadcast %add3A_239 : f32 to vector<16xf32>
        %add3A_241 = arith.addf %gather3A_226, %add3A_240 : vector<16xf32>
        %div3A_242 = arith.divf %gather3A_234, %add3A_241 : vector<16xf32>
        %max3A_243 = arith.constant 0.000000e+00 : f32
        %max3A_244 = vector.broadcast %max3A_243 : f32 to vector<16xf32>
        %max3A_245 = arith.maximumf %div3A_242, %max3A_244 : vector<16xf32>
        %add3A_246 = arith.constant 9.99999971E-10 : f32
        %add3A_247 = vector.broadcast %add3A_246 : f32 to vector<16xf32>
        %add3A_248 = arith.addf %gather3A_230, %add3A_247 : vector<16xf32>
        %div3A_249 = arith.divf %gather3A_238, %add3A_248 : vector<16xf32>
        %max3A_250 = arith.constant 0.000000e+00 : f32
        %max3A_251 = vector.broadcast %max3A_250 : f32 to vector<16xf32>
        %max3A_252 = arith.maximumf %div3A_249, %max3A_251 : vector<16xf32>
        %add3A_253 = arith.addf %max3A_245, %max3A_252 : vector<16xf32>
        %add3A_254 = arith.addf %add3A_225, %add3A_253 : vector<16xf32>
        %mul3A_255 = arith.constant 2.500000e-01 : f32
        %mul3A_256 = vector.broadcast %mul3A_255 : f32 to vector<16xf32>
        %mul3A_257 = arith.mulf %add3A_254, %mul3A_256 : vector<16xf32>
        %mul3A_258 = arith.constant 16 : i32
        %mul3A_259 = arith.muli %add3A_196, %mul3A_258 : i32
        %swap3A = arith.index_cast %mul3A_259 : i32 to index
        %swap3A_260 = tpu.vector_load %arg28[%swap3A] {strides = array<i32>} : memref<896xf32, #tpu.memory_space<vmem>>, vector<16xf32>,
        tpu.vector_store %arg28[%swap3A], %mul3A_257 {strides = array<i32>} : memref<896xf32, #tpu.memory_space<vmem>>, vector<16xf32>,
      }
      %scan3A_183 = arith.constant 56 : i32
      %mul3A_184 = arith.constant 57344 : i32
      %mul3A_185 = arith.muli %arg0, %mul3A_184 : i32
      %mul3A_186 = arith.constant 3584 : i32
      %mul3A_187 = arith.muli %arg1, %mul3A_186 : i32
      %add3A_188 = arith.addi %mul3A_185, %mul3A_187 : i32
      %mul3A_189 = arith.constant 896 : i32
      %mul3A_190 = arith.muli %add3A_166, %mul3A_189 : i32
      %add3A_191 = arith.addi %add3A_188, %mul3A_190 : i32
      "tpu.region"() ({
        %run_scoped3A = tpu.sem_alloc : memref<!tpu.dma_semaphore, #tpu.memory_space<semaphore_mem>>
        %dma_start3A_192 = tpu.memref_slice %arg12[%add3A_191] : memref<114688xf32, #tpu.memory_space<hbm>> -> memref<896xf32, #tpu.memory_space<hbm>>
        %dma_start3A_193 = tpu.memref_slice %arg12[%add3A_191] : memref<114688xf32, #tpu.memory_space<hbm>> -> memref<896xf32, #tpu.memory_space<hbm>>
        tpu.enqueue_dma source(%arg28 : memref<896xf32, #tpu.memory_space<vmem>>) target(%dma_start3A_193 : memref<896xf32, #tpu.memory_space<hbm>>) target_semaphore(%run_scoped3A : memref<!tpu.dma_semaphore, #tpu.memory_space<semaphore_mem>>)
        %dma_wait3A_194 = tpu.memref_slice %arg12[%add3A_191] : memref<114688xf32, #tpu.memory_space<hbm>> -> memref<896xf32, #tpu.memory_space<hbm>>
        %dma_wait3A_195 = tpu.memref_slice %arg12[%add3A_191] : memref<114688xf32, #tpu.memory_space<hbm>> -> memref<896xf32, #tpu.memory_space<hbm>>
        tpu.wait_dma2 semaphore(%run_scoped3A : memref<!tpu.dma_semaphore, #tpu.memory_space<semaphore_mem>>) src(%arg28 : memref<896xf32, #tpu.memory_space<vmem>>) dst(%dma_wait3A_195 : memref<896xf32, #tpu.memory_space<hbm>>)
        tpu.yield
      }) : () -> ()
    }
    %scan3A_19 = arith.constant 4 : i32
    %barrier3A = arith.constant 0 : index
    tpu.barrier barrier_id(%barrier3A)
    %mul3A_20 = arith.constant 57344 : i32
    %mul3A_21 = arith.muli %arg0, %mul3A_20 : i32
    "tpu.region"() ({
      %run_scoped3A = tpu.sem_alloc : memref<!tpu.dma_semaphore, #tpu.memory_space<semaphore_mem>>
      %dma_start3A_162 = tpu.memref_slice %arg12[%mul3A_21] : memref<114688xf32, #tpu.memory_space<hbm>> -> memref<57344xf32, #tpu.memory_space<hbm>>
      %dma_start3A_163 = tpu.memref_slice %arg12[%mul3A_21] : memref<114688xf32, #tpu.memory_space<hbm>> -> memref<57344xf32, #tpu.memory_space<hbm>>
      tpu.enqueue_dma source(%dma_start3A_163 : memref<57344xf32, #tpu.memory_space<hbm>>) target(%arg13 : memref<57344xf32, #tpu.memory_space<vmem>>) target_semaphore(%run_scoped3A : memref<!tpu.dma_semaphore, #tpu.memory_space<semaphore_mem>>)
      %dma_wait3A_164 = tpu.memref_slice %arg12[%mul3A_21] : memref<114688xf32, #tpu.memory_space<hbm>> -> memref<57344xf32, #tpu.memory_space<hbm>>
      %dma_wait3A_165 = tpu.memref_slice %arg12[%mul3A_21] : memref<114688xf32, #tpu.memory_space<hbm>> -> memref<57344xf32, #tpu.memory_space<hbm>>
      tpu.wait_dma2 semaphore(%run_scoped3A : memref<!tpu.dma_semaphore, #tpu.memory_space<semaphore_mem>>) src(%dma_wait3A_165 : memref<57344xf32, #tpu.memory_space<hbm>>) dst(%arg13 : memref<57344xf32, #tpu.memory_space<vmem>>)
      tpu.yield
    }) : () -> ()
    %get3A = arith.constant 0 : index
    %get3A_22 = tpu.vector_load %arg15[%get3A] {strides = array<i32>} : memref<48xf32, #tpu.memory_space<vmem>>, vector<16xf32>,
    %get3A_23 = arith.constant 16 : index
    %get3A_24 = tpu.vector_load %arg15[%get3A_23] {strides = array<i32>} : memref<48xf32, #tpu.memory_space<vmem>>, vector<16xf32>,
    %get3A_25 = arith.constant 32 : index
    %get3A_26 = tpu.vector_load %arg15[%get3A_25] {strides = array<i32>} : memref<48xf32, #tpu.memory_space<vmem>>, vector<16xf32>,
    %mul3A_27 = arith.constant 66 : i32
    %mul3A_28 = arith.muli %shift_right_arithmetic3A_2, %mul3A_27 : i32
    %add3A_29 = arith.constant 0 : i32
    %add3A_30 = arith.addi %mul3A_28, %add3A_29 : i32
    %mul3A_31 = arith.constant 3072 : i32
    %mul3A_32 = arith.muli %add3A_30, %mul3A_31 : i32
    %dma_start3A = tpu.memref_slice %arg5[%mul3A_32] : memref<1628160xi32, #tpu.memory_space<hbm>> -> memref<3072xi32, #tpu.memory_space<hbm>>
    %dma_start3A_33 = tpu.memref_slice %arg5[%mul3A_32] : memref<1628160xi32, #tpu.memory_space<hbm>> -> memref<3072xi32, #tpu.memory_space<hbm>>
    tpu.enqueue_dma source(%dma_start3A_33 : memref<3072xi32, #tpu.memory_space<hbm>>) target(%arg16 : memref<3072xi32, #tpu.memory_space<vmem>>) target_semaphore(%arg32 : memref<!tpu.dma_semaphore, #tpu.memory_space<semaphore_mem>>)
    %dma_start3A_34 = tpu.memref_slice %arg6[%mul3A_32] : memref<1628160xi32, #tpu.memory_space<hbm>> -> memref<3072xi32, #tpu.memory_space<hbm>>
    %dma_start3A_35 = tpu.memref_slice %arg6[%mul3A_32] : memref<1628160xi32, #tpu.memory_space<hbm>> -> memref<3072xi32, #tpu.memory_space<hbm>>
    tpu.enqueue_dma source(%dma_start3A_35 : memref<3072xi32, #tpu.memory_space<hbm>>) target(%arg17 : memref<3072xi32, #tpu.memory_space<vmem>>) target_semaphore(%arg32 : memref<!tpu.dma_semaphore, #tpu.memory_space<semaphore_mem>>)
    %dma_start3A_36 = tpu.memref_slice %arg7[%mul3A_32] : memref<1628160xi32, #tpu.memory_space<hbm>> -> memref<3072xi32, #tpu.memory_space<hbm>>
    %dma_start3A_37 = tpu.memref_slice %arg7[%mul3A_32] : memref<1628160xi32, #tpu.memory_space<hbm>> -> memref<3072xi32, #tpu.memory_space<hbm>>
    tpu.enqueue_dma source(%dma_start3A_37 : memref<3072xi32, #tpu.memory_space<hbm>>) target(%arg18 : memref<3072xi32, #tpu.memory_space<vmem>>) target_semaphore(%arg32 : memref<!tpu.dma_semaphore, #tpu.memory_space<semaphore_mem>>)
    %mul3A_38 = arith.constant 66 : i32
    %mul3A_39 = arith.muli %shift_right_arithmetic3A_2, %mul3A_38 : i32
    %add3A_40 = arith.constant 1 : i32
    %add3A_41 = arith.addi %mul3A_39, %add3A_40 : i32
    %mul3A_42 = arith.constant 3072 : i32
    %mul3A_43 = arith.muli %add3A_41, %mul3A_42 : i32
    %dma_start3A_44 = tpu.memref_slice %arg5[%mul3A_43] : memref<1628160xi32, #tpu.memory_space<hbm>> -> memref<3072xi32, #tpu.memory_space<hbm>>
    %dma_start3A_45 = tpu.memref_slice %arg5[%mul3A_43] : memref<1628160xi32, #tpu.memory_space<hbm>> -> memref<3072xi32, #tpu.memory_space<hbm>>
    tpu.enqueue_dma source(%dma_start3A_45 : memref<3072xi32, #tpu.memory_space<hbm>>) target(%arg19 : memref<3072xi32, #tpu.memory_space<vmem>>) target_semaphore(%arg33 : memref<!tpu.dma_semaphore, #tpu.memory_space<semaphore_mem>>)
    %dma_start3A_46 = tpu.memref_slice %arg6[%mul3A_43] : memref<1628160xi32, #tpu.memory_space<hbm>> -> memref<3072xi32, #tpu.memory_space<hbm>>
    %dma_start3A_47 = tpu.memref_slice %arg6[%mul3A_43] : memref<1628160xi32, #tpu.memory_space<hbm>> -> memref<3072xi32, #tpu.memory_space<hbm>>
    tpu.enqueue_dma source(%dma_start3A_47 : memref<3072xi32, #tpu.memory_space<hbm>>) target(%arg20 : memref<3072xi32, #tpu.memory_space<vmem>>) target_semaphore(%arg33 : memref<!tpu.dma_semaphore, #tpu.memory_space<semaphore_mem>>)
    %dma_start3A_48 = tpu.memref_slice %arg7[%mul3A_43] : memref<1628160xi32, #tpu.memory_space<hbm>> -> memref<3072xi32, #tpu.memory_space<hbm>>
    %dma_start3A_49 = tpu.memref_slice %arg7[%mul3A_43] : memref<1628160xi32, #tpu.memory_space<hbm>> -> memref<3072xi32, #tpu.memory_space<hbm>>
    tpu.enqueue_dma source(%dma_start3A_49 : memref<3072xi32, #tpu.memory_space<hbm>>) target(%arg21 : memref<3072xi32, #tpu.memory_space<vmem>>) target_semaphore(%arg33 : memref<!tpu.dma_semaphore, #tpu.memory_space<semaphore_mem>>)
    %dma_wait3A = arith.constant 0 : i32
    %dma_wait3A_50 = tpu.memref_slice %arg5[%dma_wait3A] : memref<1628160xi32, #tpu.memory_space<hbm>> -> memref<3072xi32, #tpu.memory_space<hbm>>
    %dma_wait3A_51 = arith.constant 0 : i32
    %dma_wait3A_52 = tpu.memref_slice %arg5[%dma_wait3A_51] : memref<1628160xi32, #tpu.memory_space<hbm>> -> memref<3072xi32, #tpu.memory_space<hbm>>
    tpu.wait_dma2 semaphore(%arg32 : memref<!tpu.dma_semaphore, #tpu.memory_space<semaphore_mem>>) src(%dma_wait3A_52 : memref<3072xi32, #tpu.memory_space<hbm>>) dst(%arg16 : memref<3072xi32, #tpu.memory_space<vmem>>)
    %dma_wait3A_53 = arith.constant 0 : i32
    %dma_wait3A_54 = tpu.memref_slice %arg6[%dma_wait3A_53] : memref<1628160xi32, #tpu.memory_space<hbm>> -> memref<3072xi32, #tpu.memory_space<hbm>>
    %dma_wait3A_55 = arith.constant 0 : i32
    %dma_wait3A_56 = tpu.memref_slice %arg6[%dma_wait3A_55] : memref<1628160xi32, #tpu.memory_space<hbm>> -> memref<3072xi32, #tpu.memory_space<hbm>>
    tpu.wait_dma2 semaphore(%arg32 : memref<!tpu.dma_semaphore, #tpu.memory_space<semaphore_mem>>) src(%dma_wait3A_56 : memref<3072xi32, #tpu.memory_space<hbm>>) dst(%arg17 : memref<3072xi32, #tpu.memory_space<vmem>>)
    %dma_wait3A_57 = arith.constant 0 : i32
    %dma_wait3A_58 = tpu.memref_slice %arg7[%dma_wait3A_57] : memref<1628160xi32, #tpu.memory_space<hbm>> -> memref<3072xi32, #tpu.memory_space<hbm>>
    %dma_wait3A_59 = arith.constant 0 : i32
    %dma_wait3A_60 = tpu.memref_slice %arg7[%dma_wait3A_59] : memref<1628160xi32, #tpu.memory_space<hbm>> -> memref<3072xi32, #tpu.memory_space<hbm>>
    tpu.wait_dma2 semaphore(%arg32 : memref<!tpu.dma_semaphore, #tpu.memory_space<semaphore_mem>>) src(%dma_wait3A_60 : memref<3072xi32, #tpu.memory_space<hbm>>) dst(%arg18 : memref<3072xi32, #tpu.memory_space<vmem>>)
    %scan3A_61 = arith.constant 0 : i32
    %scan3A_62 = arith.constant 48 : i32
    %scan3A_63 = arith.addi %scan3A_61, %scan3A_62 : i32
    %scan3A_64 = arith.constant 1 : i32
    scf.for %scan3A_162 = %scan3A_61 to %scan3A_63 step %scan3A_64  : i32 {
      %mul3A_163 = arith.constant 4 : i32
      %mul3A_164 = arith.muli %scan3A_162, %mul3A_163 : i32
      %add3A_165 = arith.constant 0 : i32
      %add3A_166 = arith.addi %add3A_165, %mul3A_164 : i32
      %add3A_167 = arith.constant 0 : i32
      %add3A_168 = arith.addi %add3A_166, %add3A_167 : i32
      %mul3A_169 = arith.constant 16 : i32
      %mul3A_170 = arith.muli %add3A_168, %mul3A_169 : i32
      %get3A_171 = arith.index_cast %mul3A_170 : i32 to index
      %get3A_172 = tpu.vector_load %arg16[%get3A_171] {strides = array<i32>} : memref<3072xi32, #tpu.memory_space<vmem>>, vector<16xi32>,
      %mul3A_173 = arith.constant 16 : i32
      %mul3A_174 = arith.muli %add3A_168, %mul3A_173 : i32
      %get3A_175 = arith.index_cast %mul3A_174 : i32 to index
      %get3A_176 = tpu.vector_load %arg17[%get3A_175] {strides = array<i32>} : memref<3072xi32, #tpu.memory_space<vmem>>, vector<16xi32>,
      %mul3A_177 = arith.constant 16 : i32
      %mul3A_178 = arith.muli %add3A_168, %mul3A_177 : i32
      %get3A_179 = arith.index_cast %mul3A_178 : i32 to index
      %get3A_180 = tpu.vector_load %arg18[%get3A_179] {strides = array<i32>} : memref<3072xi32, #tpu.memory_space<vmem>>, vector<16xi32>,
      %gather3A = tpu.vector_load_idx %arg13[%get3A_172] : memref<57344xf32, #tpu.memory_space<vmem>>[vector<16xi32>], vector<16xf32>,
      %gather3A_181 = tpu.vector_load_idx %arg13[%get3A_176] : memref<57344xf32, #tpu.memory_space<vmem>>[vector<16xi32>], vector<16xf32>,
      %gather3A_182 = tpu.vector_load_idx %arg14[%get3A_180] : memref<16xf32, #tpu.memory_space<vmem>>[vector<16xi32>], vector<16xf32>,
      %mul3A_183 = arith.mulf %gather3A, %get3A_22 : vector<16xf32>
      %mul3A_184 = arith.mulf %gather3A_181, %get3A_24 : vector<16xf32>
      %add3A_185 = arith.addf %mul3A_183, %mul3A_184 : vector<16xf32>
      %add3A_186 = arith.addf %add3A_185, %gather3A_182 : vector<16xf32>
      %mul3A_187 = arith.constant 2.000000e-01 : f32
      %mul3A_188 = vector.broadcast %mul3A_187 : f32 to vector<16xf32>
      %mul3A_189 = arith.mulf %mul3A_188, %add3A_186 : vector<16xf32>
      %max3A = arith.maximumf %add3A_186, %mul3A_189 : vector<16xf32>
      %exp3A = math.exp %max3A : vector<16xf32>
      %mul3A_190 = arith.constant 4 : i32
      %mul3A_191 = vector.broadcast %mul3A_190 : i32 to vector<16xi32>
      %mul3A_192 = arith.muli %get3A_176, %mul3A_191 : vector<16xi32>
      %add3A_193 = vector.broadcast %and3A_0 : i32 to vector<16xi32>
      %add3A_194 = arith.addi %mul3A_192, %add3A_193 : vector<16xi32>
      %mul3A_195 = arith.constant 2 : i32
      %mul3A_196 = arith.muli %mul3A_195, %add3A_168 : i32
      %mul3A_197 = arith.constant 16 : i32
      %mul3A_198 = arith.muli %mul3A_196, %mul3A_197 : i32
      %swap3A = arith.index_cast %mul3A_198 : i32 to index
      %swap3A_199 = tpu.vector_load %arg22[%swap3A] {strides = array<i32>} : memref<6144xf32, #tpu.memory_space<vmem>>, vector<16xf32>,
      tpu.vector_store %arg22[%swap3A], %exp3A {strides = array<i32>} : memref<6144xf32, #tpu.memory_space<vmem>>, vector<16xf32>,
      %mul3A_200 = arith.constant 2 : i32
      %mul3A_201 = arith.muli %mul3A_200, %add3A_168 : i32
      %mul3A_202 = arith.constant 16 : i32
      %mul3A_203 = arith.muli %mul3A_201, %mul3A_202 : i32
      %swap3A_204 = arith.index_cast %mul3A_203 : i32 to index
      %swap3A_205 = tpu.vector_load %arg23[%swap3A_204] {strides = array<i32>} : memref<6144xi32, #tpu.memory_space<vmem>>, vector<16xi32>,
      tpu.vector_store %arg23[%swap3A_204], %add3A_194 {strides = array<i32>} : memref<6144xi32, #tpu.memory_space<vmem>>, vector<16xi32>,
      %mul3A_206 = arith.mulf %exp3A, %get3A_26 : vector<16xf32>
      %mul3A_207 = arith.mulf %mul3A_206, %gather3A : vector<16xf32>
      %mul3A_208 = arith.constant 2 : i32
      %mul3A_209 = arith.muli %mul3A_208, %add3A_168 : i32
      %add3A_210 = arith.constant 1 : i32
      %add3A_211 = arith.addi %mul3A_209, %add3A_210 : i32
      %mul3A_212 = arith.constant 16 : i32
      %mul3A_213 = arith.muli %add3A_211, %mul3A_212 : i32
      %swap3A_214 = arith.index_cast %mul3A_213 : i32 to index
      %swap3A_215 = tpu.vector_load %arg22[%swap3A_214] {strides = array<i32>} : memref<6144xf32, #tpu.memory_space<vmem>>, vector<16xf32>,
      tpu.vector_store %arg22[%swap3A_214], %mul3A_207 {strides = array<i32>} : memref<6144xf32, #tpu.memory_space<vmem>>, vector<16xf32>,
      %add3A_216 = arith.constant 2 : i32
      %add3A_217 = vector.broadcast %add3A_216 : i32 to vector<16xi32>
      %add3A_218 = arith.addi %add3A_194, %add3A_217 : vector<16xi32>
      %mul3A_219 = arith.constant 2 : i32
      %mul3A_220 = arith.muli %mul3A_219, %add3A_168 : i32
      %add3A_221 = arith.constant 1 : i32
      %add3A_222 = arith.addi %mul3A_220, %add3A_221 : i32
      %mul3A_223 = arith.constant 16 : i32
      %mul3A_224 = arith.muli %add3A_222, %mul3A_223 : i32
      %swap3A_225 = arith.index_cast %mul3A_224 : i32 to index
      %swap3A_226 = tpu.vector_load %arg23[%swap3A_225] {strides = array<i32>} : memref<6144xi32, #tpu.memory_space<vmem>>, vector<16xi32>,
      tpu.vector_store %arg23[%swap3A_225], %add3A_218 {strides = array<i32>} : memref<6144xi32, #tpu.memory_space<vmem>>, vector<16xi32>,
      %add3A_227 = arith.constant 1 : i32
      %add3A_228 = arith.addi %add3A_166, %add3A_227 : i32
      %mul3A_229 = arith.constant 16 : i32
      %mul3A_230 = arith.muli %add3A_228, %mul3A_229 : i32
      %get3A_231 = arith.index_cast %mul3A_230 : i32 to index
      %get3A_232 = tpu.vector_load %arg16[%get3A_231] {strides = array<i32>} : memref<3072xi32, #tpu.memory_space<vmem>>, vector<16xi32>,
      %mul3A_233 = arith.constant 16 : i32
      %mul3A_234 = arith.muli %add3A_228, %mul3A_233 : i32
      %get3A_235 = arith.index_cast %mul3A_234 : i32 to index
      %get3A_236 = tpu.vector_load %arg17[%get3A_235] {strides = array<i32>} : memref<3072xi32, #tpu.memory_space<vmem>>, vector<16xi32>,
      %mul3A_237 = arith.constant 16 : i32
      %mul3A_238 = arith.muli %add3A_228, %mul3A_237 : i32
      %get3A_239 = arith.index_cast %mul3A_238 : i32 to index
      %get3A_240 = tpu.vector_load %arg18[%get3A_239] {strides = array<i32>} : memref<3072xi32, #tpu.memory_space<vmem>>, vector<16xi32>,
      %gather3A_241 = tpu.vector_load_idx %arg13[%get3A_232] : memref<57344xf32, #tpu.memory_space<vmem>>[vector<16xi32>], vector<16xf32>,
      %gather3A_242 = tpu.vector_load_idx %arg13[%get3A_236] : memref<57344xf32, #tpu.memory_space<vmem>>[vector<16xi32>], vector<16xf32>,
      %gather3A_243 = tpu.vector_load_idx %arg14[%get3A_240] : memref<16xf32, #tpu.memory_space<vmem>>[vector<16xi32>], vector<16xf32>,
      %mul3A_244 = arith.mulf %gather3A_241, %get3A_22 : vector<16xf32>
      %mul3A_245 = arith.mulf %gather3A_242, %get3A_24 : vector<16xf32>
      %add3A_246 = arith.addf %mul3A_244, %mul3A_245 : vector<16xf32>
      %add3A_247 = arith.addf %add3A_246, %gather3A_243 : vector<16xf32>
      %mul3A_248 = arith.constant 2.000000e-01 : f32
      %mul3A_249 = vector.broadcast %mul3A_248 : f32 to vector<16xf32>
      %mul3A_250 = arith.mulf %mul3A_249, %add3A_247 : vector<16xf32>
      %max3A_251 = arith.maximumf %add3A_247, %mul3A_250 : vector<16xf32>
      %exp3A_252 = math.exp %max3A_251 : vector<16xf32>
      %mul3A_253 = arith.constant 4 : i32
      %mul3A_254 = vector.broadcast %mul3A_253 : i32 to vector<16xi32>
      %mul3A_255 = arith.muli %get3A_236, %mul3A_254 : vector<16xi32>
      %add3A_256 = vector.broadcast %and3A_0 : i32 to vector<16xi32>
      %add3A_257 = arith.addi %mul3A_255, %add3A_256 : vector<16xi32>
      %mul3A_258 = arith.constant 2 : i32
      %mul3A_259 = arith.muli %mul3A_258, %add3A_228 : i32
      %mul3A_260 = arith.constant 16 : i32
      %mul3A_261 = arith.muli %mul3A_259, %mul3A_260 : i32
      %swap3A_262 = arith.index_cast %mul3A_261 : i32 to index
      %swap3A_263 = tpu.vector_load %arg22[%swap3A_262] {strides = array<i32>} : memref<6144xf32, #tpu.memory_space<vmem>>, vector<16xf32>,
      tpu.vector_store %arg22[%swap3A_262], %exp3A_252 {strides = array<i32>} : memref<6144xf32, #tpu.memory_space<vmem>>, vector<16xf32>,
      %mul3A_264 = arith.constant 2 : i32
      %mul3A_265 = arith.muli %mul3A_264, %add3A_228 : i32
      %mul3A_266 = arith.constant 16 : i32
      %mul3A_267 = arith.muli %mul3A_265, %mul3A_266 : i32
      %swap3A_268 = arith.index_cast %mul3A_267 : i32 to index
      %swap3A_269 = tpu.vector_load %arg23[%swap3A_268] {strides = array<i32>} : memref<6144xi32, #tpu.memory_space<vmem>>, vector<16xi32>,
      tpu.vector_store %arg23[%swap3A_268], %add3A_257 {strides = array<i32>} : memref<6144xi32, #tpu.memory_space<vmem>>, vector<16xi32>,
      %mul3A_270 = arith.mulf %exp3A_252, %get3A_26 : vector<16xf32>
      %mul3A_271 = arith.mulf %mul3A_270, %gather3A_241 : vector<16xf32>
      %mul3A_272 = arith.constant 2 : i32
      %mul3A_273 = arith.muli %mul3A_272, %add3A_228 : i32
      %add3A_274 = arith.constant 1 : i32
      %add3A_275 = arith.addi %mul3A_273, %add3A_274 : i32
      %mul3A_276 = arith.constant 16 : i32
      %mul3A_277 = arith.muli %add3A_275, %mul3A_276 : i32
      %swap3A_278 = arith.index_cast %mul3A_277 : i32 to index
      %swap3A_279 = tpu.vector_load %arg22[%swap3A_278] {strides = array<i32>} : memref<6144xf32, #tpu.memory_space<vmem>>, vector<16xf32>,
      tpu.vector_store %arg22[%swap3A_278], %mul3A_271 {strides = array<i32>} : memref<6144xf32, #tpu.memory_space<vmem>>, vector<16xf32>,
      %add3A_280 = arith.constant 2 : i32
      %add3A_281 = vector.broadcast %add3A_280 : i32 to vector<16xi32>
      %add3A_282 = arith.addi %add3A_257, %add3A_281 : vector<16xi32>
      %mul3A_283 = arith.constant 2 : i32
      %mul3A_284 = arith.muli %mul3A_283, %add3A_228 : i32
      %add3A_285 = arith.constant 1 : i32
      %add3A_286 = arith.addi %mul3A_284, %add3A_285 : i32
      %mul3A_287 = arith.constant 16 : i32
      %mul3A_288 = arith.muli %add3A_286, %mul3A_287 : i32
      %swap3A_289 = arith.index_cast %mul3A_288 : i32 to index
      %swap3A_290 = tpu.vector_load %arg23[%swap3A_289] {strides = array<i32>} : memref<6144xi32, #tpu.memory_space<vmem>>, vector<16xi32>,
      tpu.vector_store %arg23[%swap3A_289], %add3A_282 {strides = array<i32>} : memref<6144xi32, #tpu.memory_space<vmem>>, vector<16xi32>,
      %add3A_291 = arith.constant 2 : i32
      %add3A_292 = arith.addi %add3A_166, %add3A_291 : i32
      %mul3A_293 = arith.constant 16 : i32
      %mul3A_294 = arith.muli %add3A_292, %mul3A_293 : i32
      %get3A_295 = arith.index_cast %mul3A_294 : i32 to index
      %get3A_296 = tpu.vector_load %arg16[%get3A_295] {strides = array<i32>} : memref<3072xi32, #tpu.memory_space<vmem>>, vector<16xi32>,
      %mul3A_297 = arith.constant 16 : i32
      %mul3A_298 = arith.muli %add3A_292, %mul3A_297 : i32
      %get3A_299 = arith.index_cast %mul3A_298 : i32 to index
      %get3A_300 = tpu.vector_load %arg17[%get3A_299] {strides = array<i32>} : memref<3072xi32, #tpu.memory_space<vmem>>, vector<16xi32>,
      %mul3A_301 = arith.constant 16 : i32
      %mul3A_302 = arith.muli %add3A_292, %mul3A_301 : i32
      %get3A_303 = arith.index_cast %mul3A_302 : i32 to index
      %get3A_304 = tpu.vector_load %arg18[%get3A_303] {strides = array<i32>} : memref<3072xi32, #tpu.memory_space<vmem>>, vector<16xi32>,
      %gather3A_305 = tpu.vector_load_idx %arg13[%get3A_296] : memref<57344xf32, #tpu.memory_space<vmem>>[vector<16xi32>], vector<16xf32>,
      %gather3A_306 = tpu.vector_load_idx %arg13[%get3A_300] : memref<57344xf32, #tpu.memory_space<vmem>>[vector<16xi32>], vector<16xf32>,
      %gather3A_307 = tpu.vector_load_idx %arg14[%get3A_304] : memref<16xf32, #tpu.memory_space<vmem>>[vector<16xi32>], vector<16xf32>,
      %mul3A_308 = arith.mulf %gather3A_305, %get3A_22 : vector<16xf32>
      %mul3A_309 = arith.mulf %gather3A_306, %get3A_24 : vector<16xf32>
      %add3A_310 = arith.addf %mul3A_308, %mul3A_309 : vector<16xf32>
      %add3A_311 = arith.addf %add3A_310, %gather3A_307 : vector<16xf32>
      %mul3A_312 = arith.constant 2.000000e-01 : f32
      %mul3A_313 = vector.broadcast %mul3A_312 : f32 to vector<16xf32>
      %mul3A_314 = arith.mulf %mul3A_313, %add3A_311 : vector<16xf32>
      %max3A_315 = arith.maximumf %add3A_311, %mul3A_314 : vector<16xf32>
      %exp3A_316 = math.exp %max3A_315 : vector<16xf32>
      %mul3A_317 = arith.constant 4 : i32
      %mul3A_318 = vector.broadcast %mul3A_317 : i32 to vector<16xi32>
      %mul3A_319 = arith.muli %get3A_300, %mul3A_318 : vector<16xi32>
      %add3A_320 = vector.broadcast %and3A_0 : i32 to vector<16xi32>
      %add3A_321 = arith.addi %mul3A_319, %add3A_320 : vector<16xi32>
      %mul3A_322 = arith.constant 2 : i32
      %mul3A_323 = arith.muli %mul3A_322, %add3A_292 : i32
      %mul3A_324 = arith.constant 16 : i32
      %mul3A_325 = arith.muli %mul3A_323, %mul3A_324 : i32
      %swap3A_326 = arith.index_cast %mul3A_325 : i32 to index
      %swap3A_327 = tpu.vector_load %arg22[%swap3A_326] {strides = array<i32>} : memref<6144xf32, #tpu.memory_space<vmem>>, vector<16xf32>,
      tpu.vector_store %arg22[%swap3A_326], %exp3A_316 {strides = array<i32>} : memref<6144xf32, #tpu.memory_space<vmem>>, vector<16xf32>,
      %mul3A_328 = arith.constant 2 : i32
      %mul3A_329 = arith.muli %mul3A_328, %add3A_292 : i32
      %mul3A_330 = arith.constant 16 : i32
      %mul3A_331 = arith.muli %mul3A_329, %mul3A_330 : i32
      %swap3A_332 = arith.index_cast %mul3A_331 : i32 to index
      %swap3A_333 = tpu.vector_load %arg23[%swap3A_332] {strides = array<i32>} : memref<6144xi32, #tpu.memory_space<vmem>>, vector<16xi32>,
      tpu.vector_store %arg23[%swap3A_332], %add3A_321 {strides = array<i32>} : memref<6144xi32, #tpu.memory_space<vmem>>, vector<16xi32>,
      %mul3A_334 = arith.mulf %exp3A_316, %get3A_26 : vector<16xf32>
      %mul3A_335 = arith.mulf %mul3A_334, %gather3A_305 : vector<16xf32>
      %mul3A_336 = arith.constant 2 : i32
      %mul3A_337 = arith.muli %mul3A_336, %add3A_292 : i32
      %add3A_338 = arith.constant 1 : i32
      %add3A_339 = arith.addi %mul3A_337, %add3A_338 : i32
      %mul3A_340 = arith.constant 16 : i32
      %mul3A_341 = arith.muli %add3A_339, %mul3A_340 : i32
      %swap3A_342 = arith.index_cast %mul3A_341 : i32 to index
      %swap3A_343 = tpu.vector_load %arg22[%swap3A_342] {strides = array<i32>} : memref<6144xf32, #tpu.memory_space<vmem>>, vector<16xf32>,
      tpu.vector_store %arg22[%swap3A_342], %mul3A_335 {strides = array<i32>} : memref<6144xf32, #tpu.memory_space<vmem>>, vector<16xf32>,
      %add3A_344 = arith.constant 2 : i32
      %add3A_345 = vector.broadcast %add3A_344 : i32 to vector<16xi32>
      %add3A_346 = arith.addi %add3A_321, %add3A_345 : vector<16xi32>
      %mul3A_347 = arith.constant 2 : i32
      %mul3A_348 = arith.muli %mul3A_347, %add3A_292 : i32
      %add3A_349 = arith.constant 1 : i32
      %add3A_350 = arith.addi %mul3A_348, %add3A_349 : i32
      %mul3A_351 = arith.constant 16 : i32
      %mul3A_352 = arith.muli %add3A_350, %mul3A_351 : i32
      %swap3A_353 = arith.index_cast %mul3A_352 : i32 to index
      %swap3A_354 = tpu.vector_load %arg23[%swap3A_353] {strides = array<i32>} : memref<6144xi32, #tpu.memory_space<vmem>>, vector<16xi32>,
      tpu.vector_store %arg23[%swap3A_353], %add3A_346 {strides = array<i32>} : memref<6144xi32, #tpu.memory_space<vmem>>, vector<16xi32>,
      %add3A_355 = arith.constant 3 : i32
      %add3A_356 = arith.addi %add3A_166, %add3A_355 : i32
      %mul3A_357 = arith.constant 16 : i32
      %mul3A_358 = arith.muli %add3A_356, %mul3A_357 : i32
      %get3A_359 = arith.index_cast %mul3A_358 : i32 to index
      %get3A_360 = tpu.vector_load %arg16[%get3A_359] {strides = array<i32>} : memref<3072xi32, #tpu.memory_space<vmem>>, vector<16xi32>,
      %mul3A_361 = arith.constant 16 : i32
      %mul3A_362 = arith.muli %add3A_356, %mul3A_361 : i32
      %get3A_363 = arith.index_cast %mul3A_362 : i32 to index
      %get3A_364 = tpu.vector_load %arg17[%get3A_363] {strides = array<i32>} : memref<3072xi32, #tpu.memory_space<vmem>>, vector<16xi32>,
      %mul3A_365 = arith.constant 16 : i32
      %mul3A_366 = arith.muli %add3A_356, %mul3A_365 : i32
      %get3A_367 = arith.index_cast %mul3A_366 : i32 to index
      %get3A_368 = tpu.vector_load %arg18[%get3A_367] {strides = array<i32>} : memref<3072xi32, #tpu.memory_space<vmem>>, vector<16xi32>,
      %gather3A_369 = tpu.vector_load_idx %arg13[%get3A_360] : memref<57344xf32, #tpu.memory_space<vmem>>[vector<16xi32>], vector<16xf32>,
      %gather3A_370 = tpu.vector_load_idx %arg13[%get3A_364] : memref<57344xf32, #tpu.memory_space<vmem>>[vector<16xi32>], vector<16xf32>,
      %gather3A_371 = tpu.vector_load_idx %arg14[%get3A_368] : memref<16xf32, #tpu.memory_space<vmem>>[vector<16xi32>], vector<16xf32>,
      %mul3A_372 = arith.mulf %gather3A_369, %get3A_22 : vector<16xf32>
      %mul3A_373 = arith.mulf %gather3A_370, %get3A_24 : vector<16xf32>
      %add3A_374 = arith.addf %mul3A_372, %mul3A_373 : vector<16xf32>
      %add3A_375 = arith.addf %add3A_374, %gather3A_371 : vector<16xf32>
      %mul3A_376 = arith.constant 2.000000e-01 : f32
      %mul3A_377 = vector.broadcast %mul3A_376 : f32 to vector<16xf32>
      %mul3A_378 = arith.mulf %mul3A_377, %add3A_375 : vector<16xf32>
      %max3A_379 = arith.maximumf %add3A_375, %mul3A_378 : vector<16xf32>
      %exp3A_380 = math.exp %max3A_379 : vector<16xf32>
      %mul3A_381 = arith.constant 4 : i32
      %mul3A_382 = vector.broadcast %mul3A_381 : i32 to vector<16xi32>
      %mul3A_383 = arith.muli %get3A_364, %mul3A_382 : vector<16xi32>
      %add3A_384 = vector.broadcast %and3A_0 : i32 to vector<16xi32>
      %add3A_385 = arith.addi %mul3A_383, %add3A_384 : vector<16xi32>
      %mul3A_386 = arith.constant 2 : i32
      %mul3A_387 = arith.muli %mul3A_386, %add3A_356 : i32
      %mul3A_388 = arith.constant 16 : i32
      %mul3A_389 = arith.muli %mul3A_387, %mul3A_388 : i32
      %swap3A_390 = arith.index_cast %mul3A_389 : i32 to index
      %swap3A_391 = tpu.vector_load %arg22[%swap3A_390] {strides = array<i32>} : memref<6144xf32, #tpu.memory_space<vmem>>, vector<16xf32>,
      tpu.vector_store %arg22[%swap3A_390], %exp3A_380 {strides = array<i32>} : memref<6144xf32, #tpu.memory_space<vmem>>, vector<16xf32>,
      %mul3A_392 = arith.constant 2 : i32
      %mul3A_393 = arith.muli %mul3A_392, %add3A_356 : i32
      %mul3A_394 = arith.constant 16 : i32
      %mul3A_395 = arith.muli %mul3A_393, %mul3A_394 : i32
      %swap3A_396 = arith.index_cast %mul3A_395 : i32 to index
      %swap3A_397 = tpu.vector_load %arg23[%swap3A_396] {strides = array<i32>} : memref<6144xi32, #tpu.memory_space<vmem>>, vector<16xi32>,
      tpu.vector_store %arg23[%swap3A_396], %add3A_385 {strides = array<i32>} : memref<6144xi32, #tpu.memory_space<vmem>>, vector<16xi32>,
      %mul3A_398 = arith.mulf %exp3A_380, %get3A_26 : vector<16xf32>
      %mul3A_399 = arith.mulf %mul3A_398, %gather3A_369 : vector<16xf32>
      %mul3A_400 = arith.constant 2 : i32
      %mul3A_401 = arith.muli %mul3A_400, %add3A_356 : i32
      %add3A_402 = arith.constant 1 : i32
      %add3A_403 = arith.addi %mul3A_401, %add3A_402 : i32
      %mul3A_404 = arith.constant 16 : i32
      %mul3A_405 = arith.muli %add3A_403, %mul3A_404 : i32
      %swap3A_406 = arith.index_cast %mul3A_405 : i32 to index
      %swap3A_407 = tpu.vector_load %arg22[%swap3A_406] {strides = array<i32>} : memref<6144xf32, #tpu.memory_space<vmem>>, vector<16xf32>,
      tpu.vector_store %arg22[%swap3A_406], %mul3A_399 {strides = array<i32>} : memref<6144xf32, #tpu.memory_space<vmem>>, vector<16xf32>,
      %add3A_408 = arith.constant 2 : i32
      %add3A_409 = vector.broadcast %add3A_408 : i32 to vector<16xi32>
      %add3A_410 = arith.addi %add3A_385, %add3A_409 : vector<16xi32>
      %mul3A_411 = arith.constant 2 : i32
      %mul3A_412 = arith.muli %mul3A_411, %add3A_356 : i32
      %add3A_413 = arith.constant 1 : i32
      %add3A_414 = arith.addi %mul3A_412, %add3A_413 : i32
      %mul3A_415 = arith.constant 16 : i32
      %mul3A_416 = arith.muli %add3A_414, %mul3A_415 : i32
      %swap3A_417 = arith.index_cast %mul3A_416 : i32 to index
      %swap3A_418 = tpu.vector_load %arg23[%swap3A_417] {strides = array<i32>} : memref<6144xi32, #tpu.memory_space<vmem>>, vector<16xi32>,
      tpu.vector_store %arg23[%swap3A_417], %add3A_410 {strides = array<i32>} : memref<6144xi32, #tpu.memory_space<vmem>>, vector<16xi32>,
    }
    %scan3A_65 = arith.constant 48 : i32
    %dma_start3A_66 = arith.constant 0 : i32
    %dma_start3A_67 = tpu.memref_slice %arg31[%dma_start3A_66] : memref<229376xf32, #tpu.memory_space<vmem_shared>> -> memref<229376xf32, #tpu.memory_space<vmem_shared>>
    tpu.enqueue_indirect_dma source(%arg22 : memref<6144xf32, #tpu.memory_space<vmem>>) target(%dma_start3A_67 : memref<229376xf32, #tpu.memory_space<vmem_shared>>) offsets(%arg23 : memref<6144xi32, #tpu.memory_space<vmem>>) semaphore(%arg34 : memref<!tpu.dma_semaphore, #tpu.memory_space<semaphore_mem>>) {add = true}
    %mul3A_68 = arith.constant 66 : i32
    %mul3A_69 = arith.muli %shift_right_arithmetic3A_2, %mul3A_68 : i32
    %add3A_70 = arith.constant 2 : i32
    %add3A_71 = arith.addi %mul3A_69, %add3A_70 : i32
    %mul3A_72 = arith.constant 3072 : i32
    %mul3A_73 = arith.muli %add3A_71, %mul3A_72 : i32
    %dma_start3A_74 = tpu.memref_slice %arg5[%mul3A_73] : memref<1628160xi32, #tpu.memory_space<hbm>> -> memref<3072xi32, #tpu.memory_space<hbm>>
    %dma_start3A_75 = tpu.memref_slice %arg5[%mul3A_73] : memref<1628160xi32, #tpu.memory_space<hbm>> -> memref<3072xi32, #tpu.memory_space<hbm>>
    tpu.enqueue_dma source(%dma_start3A_75 : memref<3072xi32, #tpu.memory_space<hbm>>) target(%arg16 : memref<3072xi32, #tpu.memory_space<vmem>>) target_semaphore(%arg32 : memref<!tpu.dma_semaphore, #tpu.memory_space<semaphore_mem>>)
    %dma_start3A_76 = tpu.memref_slice %arg6[%mul3A_73] : memref<1628160xi32, #tpu.memory_space<hbm>> -> memref<3072xi32, #tpu.memory_space<hbm>>
    %dma_start3A_77 = tpu.memref_slice %arg6[%mul3A_73] : memref<1628160xi32, #tpu.memory_space<hbm>> -> memref<3072xi32, #tpu.memory_space<hbm>>
    tpu.enqueue_dma source(%dma_start3A_77 : memref<3072xi32, #tpu.memory_space<hbm>>) target(%arg17 : memref<3072xi32, #tpu.memory_space<vmem>>) target_semaphore(%arg32 : memref<!tpu.dma_semaphore, #tpu.memory_space<semaphore_mem>>)
    %dma_start3A_78 = tpu.memref_slice %arg7[%mul3A_73] : memref<1628160xi32, #tpu.memory_space<hbm>> -> memref<3072xi32, #tpu.memory_space<hbm>>
    %dma_start3A_79 = tpu.memref_slice %arg7[%mul3A_73] : memref<1628160xi32, #tpu.memory_space<hbm>> -> memref<3072xi32, #tpu.memory_space<hbm>>
    tpu.enqueue_dma source(%dma_start3A_79 : memref<3072xi32, #tpu.memory_space<hbm>>) target(%arg18 : memref<3072xi32, #tpu.memory_space<vmem>>) target_semaphore(%arg32 : memref<!tpu.dma_semaphore, #tpu.memory_space<semaphore_mem>>)
    %dma_wait3A_80 = arith.constant 0 : i32
    %dma_wait3A_81 = tpu.memref_slice %arg5[%dma_wait3A_80] : memref<1628160xi32, #tpu.memory_space<hbm>> -> memref<3072xi32, #tpu.memory_space<hbm>>
    %dma_wait3A_82 = arith.constant 0 : i32
    %dma_wait3A_83 = tpu.memref_slice %arg5[%dma_wait3A_82] : memref<1628160xi32, #tpu.memory_space<hbm>> -> memref<3072xi32, #tpu.memory_space<hbm>>
    tpu.wait_dma2 semaphore(%arg33 : memref<!tpu.dma_semaphore, #tpu.memory_space<semaphore_mem>>) src(%dma_wait3A_83 : memref<3072xi32, #tpu.memory_space<hbm>>) dst(%arg19 : memref<3072xi32, #tpu.memory_space<vmem>>)
    %dma_wait3A_84 = arith.constant 0 : i32
    %dma_wait3A_85 = tpu.memref_slice %arg6[%dma_wait3A_84] : memref<1628160xi32, #tpu.memory_space<hbm>> -> memref<3072xi32, #tpu.memory_space<hbm>>
    %dma_wait3A_86 = arith.constant 0 : i32
    %dma_wait3A_87 = tpu.memref_slice %arg6[%dma_wait3A_86] : memref<1628160xi32, #tpu.memory_space<hbm>> -> memref<3072xi32, #tpu.memory_space<hbm>>
    tpu.wait_dma2 semaphore(%arg33 : memref<!tpu.dma_semaphore, #tpu.memory_space<semaphore_mem>>) src(%dma_wait3A_87 : memref<3072xi32, #tpu.memory_space<hbm>>) dst(%arg20 : memref<3072xi32, #tpu.memory_space<vmem>>)
    %dma_wait3A_88 = arith.constant 0 : i32
    %dma_wait3A_89 = tpu.memref_slice %arg7[%dma_wait3A_88] : memref<1628160xi32, #tpu.memory_space<hbm>> -> memref<3072xi32, #tpu.memory_space<hbm>>
    %dma_wait3A_90 = arith.constant 0 : i32
    %dma_wait3A_91 = tpu.memref_slice %arg7[%dma_wait3A_90] : memref<1628160xi32, #tpu.memory_space<hbm>> -> memref<3072xi32, #tpu.memory_space<hbm>>
    tpu.wait_dma2 semaphore(%arg33 : memref<!tpu.dma_semaphore, #tpu.memory_space<semaphore_mem>>) src(%dma_wait3A_91 : memref<3072xi32, #tpu.memory_space<hbm>>) dst(%arg21 : memref<3072xi32, #tpu.memory_space<vmem>>)
    %scan3A_92 = arith.constant 0 : i32
    %scan3A_93 = arith.constant 48 : i32
    %scan3A_94 = arith.addi %scan3A_92, %scan3A_93 : i32
    %scan3A_95 = arith.constant 1 : i32
    scf.for %scan3A_162 = %scan3A_92 to %scan3A_94 step %scan3A_95  : i32 {
      %mul3A_163 = arith.constant 4 : i32
      %mul3A_164 = arith.muli %scan3A_162, %mul3A_163 : i32
      %add3A_165 = arith.constant 0 : i32
      %add3A_166 = arith.addi %add3A_165, %mul3A_164 : i32
      %add3A_167 = arith.constant 0 : i32
      %add3A_168 = arith.addi %add3A_166, %add3A_167 : i32
      %mul3A_169 = arith.constant 16 : i32
      %mul3A_170 = arith.muli %add3A_168, %mul3A_169 : i32
      %get3A_171 = arith.index_cast %mul3A_170 : i32 to index
      %get3A_172 = tpu.vector_load %arg19[%get3A_171] {strides = array<i32>} : memref<3072xi32, #tpu.memory_space<vmem>>, vector<16xi32>,
      %mul3A_173 = arith.constant 16 : i32
      %mul3A_174 = arith.muli %add3A_168, %mul3A_173 : i32
      %get3A_175 = arith.index_cast %mul3A_174 : i32 to index
      %get3A_176 = tpu.vector_load %arg20[%get3A_175] {strides = array<i32>} : memref<3072xi32, #tpu.memory_space<vmem>>, vector<16xi32>,
      %mul3A_177 = arith.constant 16 : i32
      %mul3A_178 = arith.muli %add3A_168, %mul3A_177 : i32
      %get3A_179 = arith.index_cast %mul3A_178 : i32 to index
      %get3A_180 = tpu.vector_load %arg21[%get3A_179] {strides = array<i32>} : memref<3072xi32, #tpu.memory_space<vmem>>, vector<16xi32>,
      %gather3A = tpu.vector_load_idx %arg13[%get3A_172] : memref<57344xf32, #tpu.memory_space<vmem>>[vector<16xi32>], vector<16xf32>,
      %gather3A_181 = tpu.vector_load_idx %arg13[%get3A_176] : memref<57344xf32, #tpu.memory_space<vmem>>[vector<16xi32>], vector<16xf32>,
      %gather3A_182 = tpu.vector_load_idx %arg14[%get3A_180] : memref<16xf32, #tpu.memory_space<vmem>>[vector<16xi32>], vector<16xf32>,
      %mul3A_183 = arith.mulf %gather3A, %get3A_22 : vector<16xf32>
      %mul3A_184 = arith.mulf %gather3A_181, %get3A_24 : vector<16xf32>
      %add3A_185 = arith.addf %mul3A_183, %mul3A_184 : vector<16xf32>
      %add3A_186 = arith.addf %add3A_185, %gather3A_182 : vector<16xf32>
      %mul3A_187 = arith.constant 2.000000e-01 : f32
      %mul3A_188 = vector.broadcast %mul3A_187 : f32 to vector<16xf32>
      %mul3A_189 = arith.mulf %mul3A_188, %add3A_186 : vector<16xf32>
      %max3A = arith.maximumf %add3A_186, %mul3A_189 : vector<16xf32>
      %exp3A = math.exp %max3A : vector<16xf32>
      %mul3A_190 = arith.constant 4 : i32
      %mul3A_191 = vector.broadcast %mul3A_190 : i32 to vector<16xi32>
      %mul3A_192 = arith.muli %get3A_176, %mul3A_191 : vector<16xi32>
      %add3A_193 = vector.broadcast %and3A_0 : i32 to vector<16xi32>
      %add3A_194 = arith.addi %mul3A_192, %add3A_193 : vector<16xi32>
      %mul3A_195 = arith.constant 2 : i32
      %mul3A_196 = arith.muli %mul3A_195, %add3A_168 : i32
      %mul3A_197 = arith.constant 16 : i32
      %mul3A_198 = arith.muli %mul3A_196, %mul3A_197 : i32
      %swap3A = arith.index_cast %mul3A_198 : i32 to index
      %swap3A_199 = tpu.vector_load %arg24[%swap3A] {strides = array<i32>} : memref<6144xf32, #tpu.memory_space<vmem>>, vector<16xf32>,
      tpu.vector_store %arg24[%swap3A], %exp3A {strides = array<i32>} : memref<6144xf32, #tpu.memory_space<vmem>>, vector<16xf32>,
      %mul3A_200 = arith.constant 2 : i32
      %mul3A_201 = arith.muli %mul3A_200, %add3A_168 : i32
      %mul3A_202 = arith.constant 16 : i32
      %mul3A_203 = arith.muli %mul3A_201, %mul3A_202 : i32
      %swap3A_204 = arith.index_cast %mul3A_203 : i32 to index
      %swap3A_205 = tpu.vector_load %arg25[%swap3A_204] {strides = array<i32>} : memref<6144xi32, #tpu.memory_space<vmem>>, vector<16xi32>,
      tpu.vector_store %arg25[%swap3A_204], %add3A_194 {strides = array<i32>} : memref<6144xi32, #tpu.memory_space<vmem>>, vector<16xi32>,
      %mul3A_206 = arith.mulf %exp3A, %get3A_26 : vector<16xf32>
      %mul3A_207 = arith.mulf %mul3A_206, %gather3A : vector<16xf32>
      %mul3A_208 = arith.constant 2 : i32
      %mul3A_209 = arith.muli %mul3A_208, %add3A_168 : i32
      %add3A_210 = arith.constant 1 : i32
      %add3A_211 = arith.addi %mul3A_209, %add3A_210 : i32
      %mul3A_212 = arith.constant 16 : i32
      %mul3A_213 = arith.muli %add3A_211, %mul3A_212 : i32
      %swap3A_214 = arith.index_cast %mul3A_213 : i32 to index
      %swap3A_215 = tpu.vector_load %arg24[%swap3A_214] {strides = array<i32>} : memref<6144xf32, #tpu.memory_space<vmem>>, vector<16xf32>,
      tpu.vector_store %arg24[%swap3A_214], %mul3A_207 {strides = array<i32>} : memref<6144xf32, #tpu.memory_space<vmem>>, vector<16xf32>,
      %add3A_216 = arith.constant 2 : i32
      %add3A_217 = vector.broadcast %add3A_216 : i32 to vector<16xi32>
      %add3A_218 = arith.addi %add3A_194, %add3A_217 : vector<16xi32>
      %mul3A_219 = arith.constant 2 : i32
      %mul3A_220 = arith.muli %mul3A_219, %add3A_168 : i32
      %add3A_221 = arith.constant 1 : i32
      %add3A_222 = arith.addi %mul3A_220, %add3A_221 : i32
      %mul3A_223 = arith.constant 16 : i32
      %mul3A_224 = arith.muli %add3A_222, %mul3A_223 : i32
      %swap3A_225 = arith.index_cast %mul3A_224 : i32 to index
      %swap3A_226 = tpu.vector_load %arg25[%swap3A_225] {strides = array<i32>} : memref<6144xi32, #tpu.memory_space<vmem>>, vector<16xi32>,
      tpu.vector_store %arg25[%swap3A_225], %add3A_218 {strides = array<i32>} : memref<6144xi32, #tpu.memory_space<vmem>>, vector<16xi32>,
      %add3A_227 = arith.constant 1 : i32
      %add3A_228 = arith.addi %add3A_166, %add3A_227 : i32
      %mul3A_229 = arith.constant 16 : i32
      %mul3A_230 = arith.muli %add3A_228, %mul3A_229 : i32
      %get3A_231 = arith.index_cast %mul3A_230 : i32 to index
      %get3A_232 = tpu.vector_load %arg19[%get3A_231] {strides = array<i32>} : memref<3072xi32, #tpu.memory_space<vmem>>, vector<16xi32>,
      %mul3A_233 = arith.constant 16 : i32
      %mul3A_234 = arith.muli %add3A_228, %mul3A_233 : i32
      %get3A_235 = arith.index_cast %mul3A_234 : i32 to index
      %get3A_236 = tpu.vector_load %arg20[%get3A_235] {strides = array<i32>} : memref<3072xi32, #tpu.memory_space<vmem>>, vector<16xi32>,
      %mul3A_237 = arith.constant 16 : i32
      %mul3A_238 = arith.muli %add3A_228, %mul3A_237 : i32
      %get3A_239 = arith.index_cast %mul3A_238 : i32 to index
      %get3A_240 = tpu.vector_load %arg21[%get3A_239] {strides = array<i32>} : memref<3072xi32, #tpu.memory_space<vmem>>, vector<16xi32>,
      %gather3A_241 = tpu.vector_load_idx %arg13[%get3A_232] : memref<57344xf32, #tpu.memory_space<vmem>>[vector<16xi32>], vector<16xf32>,
      %gather3A_242 = tpu.vector_load_idx %arg13[%get3A_236] : memref<57344xf32, #tpu.memory_space<vmem>>[vector<16xi32>], vector<16xf32>,
      %gather3A_243 = tpu.vector_load_idx %arg14[%get3A_240] : memref<16xf32, #tpu.memory_space<vmem>>[vector<16xi32>], vector<16xf32>,
      %mul3A_244 = arith.mulf %gather3A_241, %get3A_22 : vector<16xf32>
      %mul3A_245 = arith.mulf %gather3A_242, %get3A_24 : vector<16xf32>
      %add3A_246 = arith.addf %mul3A_244, %mul3A_245 : vector<16xf32>
      %add3A_247 = arith.addf %add3A_246, %gather3A_243 : vector<16xf32>
      %mul3A_248 = arith.constant 2.000000e-01 : f32
      %mul3A_249 = vector.broadcast %mul3A_248 : f32 to vector<16xf32>
      %mul3A_250 = arith.mulf %mul3A_249, %add3A_247 : vector<16xf32>
      %max3A_251 = arith.maximumf %add3A_247, %mul3A_250 : vector<16xf32>
      %exp3A_252 = math.exp %max3A_251 : vector<16xf32>
      %mul3A_253 = arith.constant 4 : i32
      %mul3A_254 = vector.broadcast %mul3A_253 : i32 to vector<16xi32>
      %mul3A_255 = arith.muli %get3A_236, %mul3A_254 : vector<16xi32>
      %add3A_256 = vector.broadcast %and3A_0 : i32 to vector<16xi32>
      %add3A_257 = arith.addi %mul3A_255, %add3A_256 : vector<16xi32>
      %mul3A_258 = arith.constant 2 : i32
      %mul3A_259 = arith.muli %mul3A_258, %add3A_228 : i32
      %mul3A_260 = arith.constant 16 : i32
      %mul3A_261 = arith.muli %mul3A_259, %mul3A_260 : i32
      %swap3A_262 = arith.index_cast %mul3A_261 : i32 to index
      %swap3A_263 = tpu.vector_load %arg24[%swap3A_262] {strides = array<i32>} : memref<6144xf32, #tpu.memory_space<vmem>>, vector<16xf32>,
      tpu.vector_store %arg24[%swap3A_262], %exp3A_252 {strides = array<i32>} : memref<6144xf32, #tpu.memory_space<vmem>>, vector<16xf32>,
      %mul3A_264 = arith.constant 2 : i32
      %mul3A_265 = arith.muli %mul3A_264, %add3A_228 : i32
      %mul3A_266 = arith.constant 16 : i32
      %mul3A_267 = arith.muli %mul3A_265, %mul3A_266 : i32
      %swap3A_268 = arith.index_cast %mul3A_267 : i32 to index
      %swap3A_269 = tpu.vector_load %arg25[%swap3A_268] {strides = array<i32>} : memref<6144xi32, #tpu.memory_space<vmem>>, vector<16xi32>,
      tpu.vector_store %arg25[%swap3A_268], %add3A_257 {strides = array<i32>} : memref<6144xi32, #tpu.memory_space<vmem>>, vector<16xi32>,
      %mul3A_270 = arith.mulf %exp3A_252, %get3A_26 : vector<16xf32>
      %mul3A_271 = arith.mulf %mul3A_270, %gather3A_241 : vector<16xf32>
      %mul3A_272 = arith.constant 2 : i32
      %mul3A_273 = arith.muli %mul3A_272, %add3A_228 : i32
      %add3A_274 = arith.constant 1 : i32
      %add3A_275 = arith.addi %mul3A_273, %add3A_274 : i32
      %mul3A_276 = arith.constant 16 : i32
      %mul3A_277 = arith.muli %add3A_275, %mul3A_276 : i32
      %swap3A_278 = arith.index_cast %mul3A_277 : i32 to index
      %swap3A_279 = tpu.vector_load %arg24[%swap3A_278] {strides = array<i32>} : memref<6144xf32, #tpu.memory_space<vmem>>, vector<16xf32>,
      tpu.vector_store %arg24[%swap3A_278], %mul3A_271 {strides = array<i32>} : memref<6144xf32, #tpu.memory_space<vmem>>, vector<16xf32>,
      %add3A_280 = arith.constant 2 : i32
      %add3A_281 = vector.broadcast %add3A_280 : i32 to vector<16xi32>
      %add3A_282 = arith.addi %add3A_257, %add3A_281 : vector<16xi32>
      %mul3A_283 = arith.constant 2 : i32
      %mul3A_284 = arith.muli %mul3A_283, %add3A_228 : i32
      %add3A_285 = arith.constant 1 : i32
      %add3A_286 = arith.addi %mul3A_284, %add3A_285 : i32
      %mul3A_287 = arith.constant 16 : i32
      %mul3A_288 = arith.muli %add3A_286, %mul3A_287 : i32
      %swap3A_289 = arith.index_cast %mul3A_288 : i32 to index
      %swap3A_290 = tpu.vector_load %arg25[%swap3A_289] {strides = array<i32>} : memref<6144xi32, #tpu.memory_space<vmem>>, vector<16xi32>,
      tpu.vector_store %arg25[%swap3A_289], %add3A_282 {strides = array<i32>} : memref<6144xi32, #tpu.memory_space<vmem>>, vector<16xi32>,
      %add3A_291 = arith.constant 2 : i32
      %add3A_292 = arith.addi %add3A_166, %add3A_291 : i32
      %mul3A_293 = arith.constant 16 : i32
      %mul3A_294 = arith.muli %add3A_292, %mul3A_293 : i32
      %get3A_295 = arith.index_cast %mul3A_294 : i32 to index
      %get3A_296 = tpu.vector_load %arg19[%get3A_295] {strides = array<i32>} : memref<3072xi32, #tpu.memory_space<vmem>>, vector<16xi32>,
      %mul3A_297 = arith.constant 16 : i32
      %mul3A_298 = arith.muli %add3A_292, %mul3A_297 : i32
      %get3A_299 = arith.index_cast %mul3A_298 : i32 to index
      %get3A_300 = tpu.vector_load %arg20[%get3A_299] {strides = array<i32>} : memref<3072xi32, #tpu.memory_space<vmem>>, vector<16xi32>,
      %mul3A_301 = arith.constant 16 : i32
      %mul3A_302 = arith.muli %add3A_292, %mul3A_301 : i32
      %get3A_303 = arith.index_cast %mul3A_302 : i32 to index
      %get3A_304 = tpu.vector_load %arg21[%get3A_303] {strides = array<i32>} : memref<3072xi32, #tpu.memory_space<vmem>>, vector<16xi32>,
      %gather3A_305 = tpu.vector_load_idx %arg13[%get3A_296] : memref<57344xf32, #tpu.memory_space<vmem>>[vector<16xi32>], vector<16xf32>,
      %gather3A_306 = tpu.vector_load_idx %arg13[%get3A_300] : memref<57344xf32, #tpu.memory_space<vmem>>[vector<16xi32>], vector<16xf32>,
      %gather3A_307 = tpu.vector_load_idx %arg14[%get3A_304] : memref<16xf32, #tpu.memory_space<vmem>>[vector<16xi32>], vector<16xf32>,
      %mul3A_308 = arith.mulf %gather3A_305, %get3A_22 : vector<16xf32>
      %mul3A_309 = arith.mulf %gather3A_306, %get3A_24 : vector<16xf32>
      %add3A_310 = arith.addf %mul3A_308, %mul3A_309 : vector<16xf32>
      %add3A_311 = arith.addf %add3A_310, %gather3A_307 : vector<16xf32>
      %mul3A_312 = arith.constant 2.000000e-01 : f32
      %mul3A_313 = vector.broadcast %mul3A_312 : f32 to vector<16xf32>
      %mul3A_314 = arith.mulf %mul3A_313, %add3A_311 : vector<16xf32>
      %max3A_315 = arith.maximumf %add3A_311, %mul3A_314 : vector<16xf32>
      %exp3A_316 = math.exp %max3A_315 : vector<16xf32>
      %mul3A_317 = arith.constant 4 : i32
      %mul3A_318 = vector.broadcast %mul3A_317 : i32 to vector<16xi32>
      %mul3A_319 = arith.muli %get3A_300, %mul3A_318 : vector<16xi32>
      %add3A_320 = vector.broadcast %and3A_0 : i32 to vector<16xi32>
      %add3A_321 = arith.addi %mul3A_319, %add3A_320 : vector<16xi32>
      %mul3A_322 = arith.constant 2 : i32
      %mul3A_323 = arith.muli %mul3A_322, %add3A_292 : i32
      %mul3A_324 = arith.constant 16 : i32
      %mul3A_325 = arith.muli %mul3A_323, %mul3A_324 : i32
      %swap3A_326 = arith.index_cast %mul3A_325 : i32 to index
      %swap3A_327 = tpu.vector_load %arg24[%swap3A_326] {strides = array<i32>} : memref<6144xf32, #tpu.memory_space<vmem>>, vector<16xf32>,
      tpu.vector_store %arg24[%swap3A_326], %exp3A_316 {strides = array<i32>} : memref<6144xf32, #tpu.memory_space<vmem>>, vector<16xf32>,
      %mul3A_328 = arith.constant 2 : i32
      %mul3A_329 = arith.muli %mul3A_328, %add3A_292 : i32
      %mul3A_330 = arith.constant 16 : i32
      %mul3A_331 = arith.muli %mul3A_329, %mul3A_330 : i32
      %swap3A_332 = arith.index_cast %mul3A_331 : i32 to index
      %swap3A_333 = tpu.vector_load %arg25[%swap3A_332] {strides = array<i32>} : memref<6144xi32, #tpu.memory_space<vmem>>, vector<16xi32>,
      tpu.vector_store %arg25[%swap3A_332], %add3A_321 {strides = array<i32>} : memref<6144xi32, #tpu.memory_space<vmem>>, vector<16xi32>,
      %mul3A_334 = arith.mulf %exp3A_316, %get3A_26 : vector<16xf32>
      %mul3A_335 = arith.mulf %mul3A_334, %gather3A_305 : vector<16xf32>
      %mul3A_336 = arith.constant 2 : i32
      %mul3A_337 = arith.muli %mul3A_336, %add3A_292 : i32
      %add3A_338 = arith.constant 1 : i32
      %add3A_339 = arith.addi %mul3A_337, %add3A_338 : i32
      %mul3A_340 = arith.constant 16 : i32
      %mul3A_341 = arith.muli %add3A_339, %mul3A_340 : i32
      %swap3A_342 = arith.index_cast %mul3A_341 : i32 to index
      %swap3A_343 = tpu.vector_load %arg24[%swap3A_342] {strides = array<i32>} : memref<6144xf32, #tpu.memory_space<vmem>>, vector<16xf32>,
      tpu.vector_store %arg24[%swap3A_342], %mul3A_335 {strides = array<i32>} : memref<6144xf32, #tpu.memory_space<vmem>>, vector<16xf32>,
      %add3A_344 = arith.constant 2 : i32
      %add3A_345 = vector.broadcast %add3A_344 : i32 to vector<16xi32>
      %add3A_346 = arith.addi %add3A_321, %add3A_345 : vector<16xi32>
      %mul3A_347 = arith.constant 2 : i32
      %mul3A_348 = arith.muli %mul3A_347, %add3A_292 : i32
      %add3A_349 = arith.constant 1 : i32
      %add3A_350 = arith.addi %mul3A_348, %add3A_349 : i32
      %mul3A_351 = arith.constant 16 : i32
      %mul3A_352 = arith.muli %add3A_350, %mul3A_351 : i32
      %swap3A_353 = arith.index_cast %mul3A_352 : i32 to index
      %swap3A_354 = tpu.vector_load %arg25[%swap3A_353] {strides = array<i32>} : memref<6144xi32, #tpu.memory_space<vmem>>, vector<16xi32>,
      tpu.vector_store %arg25[%swap3A_353], %add3A_346 {strides = array<i32>} : memref<6144xi32, #tpu.memory_space<vmem>>, vector<16xi32>,
      %add3A_355 = arith.constant 3 : i32
      %add3A_356 = arith.addi %add3A_166, %add3A_355 : i32
      %mul3A_357 = arith.constant 16 : i32
      %mul3A_358 = arith.muli %add3A_356, %mul3A_357 : i32
      %get3A_359 = arith.index_cast %mul3A_358 : i32 to index
      %get3A_360 = tpu.vector_load %arg19[%get3A_359] {strides = array<i32>} : memref<3072xi32, #tpu.memory_space<vmem>>, vector<16xi32>,
      %mul3A_361 = arith.constant 16 : i32
      %mul3A_362 = arith.muli %add3A_356, %mul3A_361 : i32
      %get3A_363 = arith.index_cast %mul3A_362 : i32 to index
      %get3A_364 = tpu.vector_load %arg20[%get3A_363] {strides = array<i32>} : memref<3072xi32, #tpu.memory_space<vmem>>, vector<16xi32>,
      %mul3A_365 = arith.constant 16 : i32
      %mul3A_366 = arith.muli %add3A_356, %mul3A_365 : i32
      %get3A_367 = arith.index_cast %mul3A_366 : i32 to index
      %get3A_368 = tpu.vector_load %arg21[%get3A_367] {strides = array<i32>} : memref<3072xi32, #tpu.memory_space<vmem>>, vector<16xi32>,
      %gather3A_369 = tpu.vector_load_idx %arg13[%get3A_360] : memref<57344xf32, #tpu.memory_space<vmem>>[vector<16xi32>], vector<16xf32>,
      %gather3A_370 = tpu.vector_load_idx %arg13[%get3A_364] : memref<57344xf32, #tpu.memory_space<vmem>>[vector<16xi32>], vector<16xf32>,
      %gather3A_371 = tpu.vector_load_idx %arg14[%get3A_368] : memref<16xf32, #tpu.memory_space<vmem>>[vector<16xi32>], vector<16xf32>,
      %mul3A_372 = arith.mulf %gather3A_369, %get3A_22 : vector<16xf32>
      %mul3A_373 = arith.mulf %gather3A_370, %get3A_24 : vector<16xf32>
      %add3A_374 = arith.addf %mul3A_372, %mul3A_373 : vector<16xf32>
      %add3A_375 = arith.addf %add3A_374, %gather3A_371 : vector<16xf32>
      %mul3A_376 = arith.constant 2.000000e-01 : f32
      %mul3A_377 = vector.broadcast %mul3A_376 : f32 to vector<16xf32>
      %mul3A_378 = arith.mulf %mul3A_377, %add3A_375 : vector<16xf32>
      %max3A_379 = arith.maximumf %add3A_375, %mul3A_378 : vector<16xf32>
      %exp3A_380 = math.exp %max3A_379 : vector<16xf32>
      %mul3A_381 = arith.constant 4 : i32
      %mul3A_382 = vector.broadcast %mul3A_381 : i32 to vector<16xi32>
      %mul3A_383 = arith.muli %get3A_364, %mul3A_382 : vector<16xi32>
      %add3A_384 = vector.broadcast %and3A_0 : i32 to vector<16xi32>
      %add3A_385 = arith.addi %mul3A_383, %add3A_384 : vector<16xi32>
      %mul3A_386 = arith.constant 2 : i32
      %mul3A_387 = arith.muli %mul3A_386, %add3A_356 : i32
      %mul3A_388 = arith.constant 16 : i32
      %mul3A_389 = arith.muli %mul3A_387, %mul3A_388 : i32
      %swap3A_390 = arith.index_cast %mul3A_389 : i32 to index
      %swap3A_391 = tpu.vector_load %arg24[%swap3A_390] {strides = array<i32>} : memref<6144xf32, #tpu.memory_space<vmem>>, vector<16xf32>,
      tpu.vector_store %arg24[%swap3A_390], %exp3A_380 {strides = array<i32>} : memref<6144xf32, #tpu.memory_space<vmem>>, vector<16xf32>,
      %mul3A_392 = arith.constant 2 : i32
      %mul3A_393 = arith.muli %mul3A_392, %add3A_356 : i32
      %mul3A_394 = arith.constant 16 : i32
      %mul3A_395 = arith.muli %mul3A_393, %mul3A_394 : i32
      %swap3A_396 = arith.index_cast %mul3A_395 : i32 to index
      %swap3A_397 = tpu.vector_load %arg25[%swap3A_396] {strides = array<i32>} : memref<6144xi32, #tpu.memory_space<vmem>>, vector<16xi32>,
      tpu.vector_store %arg25[%swap3A_396], %add3A_385 {strides = array<i32>} : memref<6144xi32, #tpu.memory_space<vmem>>, vector<16xi32>,
      %mul3A_398 = arith.mulf %exp3A_380, %get3A_26 : vector<16xf32>
      %mul3A_399 = arith.mulf %mul3A_398, %gather3A_369 : vector<16xf32>
      %mul3A_400 = arith.constant 2 : i32
      %mul3A_401 = arith.muli %mul3A_400, %add3A_356 : i32
      %add3A_402 = arith.constant 1 : i32
      %add3A_403 = arith.addi %mul3A_401, %add3A_402 : i32
      %mul3A_404 = arith.constant 16 : i32
      %mul3A_405 = arith.muli %add3A_403, %mul3A_404 : i32
      %swap3A_406 = arith.index_cast %mul3A_405 : i32 to index
      %swap3A_407 = tpu.vector_load %arg24[%swap3A_406] {strides = array<i32>} : memref<6144xf32, #tpu.memory_space<vmem>>, vector<16xf32>,
      tpu.vector_store %arg24[%swap3A_406], %mul3A_399 {strides = array<i32>} : memref<6144xf32, #tpu.memory_space<vmem>>, vector<16xf32>,
      %add3A_408 = arith.constant 2 : i32
      %add3A_409 = vector.broadcast %add3A_408 : i32 to vector<16xi32>
      %add3A_410 = arith.addi %add3A_385, %add3A_409 : vector<16xi32>
      %mul3A_411 = arith.constant 2 : i32
      %mul3A_412 = arith.muli %mul3A_411, %add3A_356 : i32
      %add3A_413 = arith.constant 1 : i32
      %add3A_414 = arith.addi %mul3A_412, %add3A_413 : i32
      %mul3A_415 = arith.constant 16 : i32
      %mul3A_416 = arith.muli %add3A_414, %mul3A_415 : i32
      %swap3A_417 = arith.index_cast %mul3A_416 : i32 to index
      %swap3A_418 = tpu.vector_load %arg25[%swap3A_417] {strides = array<i32>} : memref<6144xi32, #tpu.memory_space<vmem>>, vector<16xi32>,
      tpu.vector_store %arg25[%swap3A_417], %add3A_410 {strides = array<i32>} : memref<6144xi32, #tpu.memory_space<vmem>>, vector<16xi32>,
    }
    %scan3A_96 = arith.constant 48 : i32
    %dma_start3A_97 = arith.constant 0 : i32
    %dma_start3A_98 = tpu.memref_slice %arg31[%dma_start3A_97] : memref<229376xf32, #tpu.memory_space<vmem_shared>> -> memref<229376xf32, #tpu.memory_space<vmem_shared>>
    tpu.enqueue_indirect_dma source(%arg24 : memref<6144xf32, #tpu.memory_space<vmem>>) target(%dma_start3A_98 : memref<229376xf32, #tpu.memory_space<vmem_shared>>) offsets(%arg25 : memref<6144xi32, #tpu.memory_space<vmem>>) semaphore(%arg35 : memref<!tpu.dma_semaphore, #tpu.memory_space<semaphore_mem>>) {add = true}
    %mul3A_99 = arith.constant 66 : i32
    %mul3A_100 = arith.muli %shift_right_arithmetic3A_2, %mul3A_99 : i32
    %add3A_101 = arith.constant 3 : i32
    %add3A_102 = arith.addi %mul3A_100, %add3A_101 : i32
    %mul3A_103 = arith.constant 3072 : i32
    %mul3A_104 = arith.muli %add3A_102, %mul3A_103 : i32
    %dma_start3A_105 = tpu.memref_slice %arg5[%mul3A_104] : memref<1628160xi32, #tpu.memory_space<hbm>> -> memref<3072xi32, #tpu.memory_space<hbm>>
    %dma_start3A_106 = tpu.memref_slice %arg5[%mul3A_104] : memref<1628160xi32, #tpu.memory_space<hbm>> -> memref<3072xi32, #tpu.memory_space<hbm>>
    tpu.enqueue_dma source(%dma_start3A_106 : memref<3072xi32, #tpu.memory_space<hbm>>) target(%arg19 : memref<3072xi32, #tpu.memory_space<vmem>>) target_semaphore(%arg33 : memref<!tpu.dma_semaphore, #tpu.memory_space<semaphore_mem>>)
    %dma_start3A_107 = tpu.memref_slice %arg6[%mul3A_104] : memref<1628160xi32, #tpu.memory_space<hbm>> -> memref<3072xi32, #tpu.memory_space<hbm>>
    %dma_start3A_108 = tpu.memref_slice %arg6[%mul3A_104] : memref<1628160xi32, #tpu.memory_space<hbm>> -> memref<3072xi32, #tpu.memory_space<hbm>>
    tpu.enqueue_dma source(%dma_start3A_108 : memref<3072xi32, #tpu.memory_space<hbm>>) target(%arg20 : memref<3072xi32, #tpu.memory_space<vmem>>) target_semaphore(%arg33 : memref<!tpu.dma_semaphore, #tpu.memory_space<semaphore_mem>>)
    %dma_start3A_109 = tpu.memref_slice %arg7[%mul3A_104] : memref<1628160xi32, #tpu.memory_space<hbm>> -> memref<3072xi32, #tpu.memory_space<hbm>>
    %dma_start3A_110 = tpu.memref_slice %arg7[%mul3A_104] : memref<1628160xi32, #tpu.memory_space<hbm>> -> memref<3072xi32, #tpu.memory_space<hbm>>
    tpu.enqueue_dma source(%dma_start3A_110 : memref<3072xi32, #tpu.memory_space<hbm>>) target(%arg21 : memref<3072xi32, #tpu.memory_space<vmem>>) target_semaphore(%arg33 : memref<!tpu.dma_semaphore, #tpu.memory_space<semaphore_mem>>)
    %scan3A_111 = arith.constant 0 : i32
    %scan3A_112 = arith.constant 32 : i32
    %scan3A_113 = arith.addi %scan3A_111, %scan3A_112 : i32
    %scan3A_114 = arith.constant 1 : i32
    scf.for %scan3A_162 = %scan3A_111 to %scan3A_113 step %scan3A_114  : i32 {
      %mul3A_163 = arith.constant 2 : i32
      %mul3A_164 = arith.muli %scan3A_162, %mul3A_163 : i32
      %add3A_165 = arith.constant 2 : i32
      %add3A_166 = arith.addi %add3A_165, %mul3A_164 : i32
      %dma_wait3A_167 = arith.constant 0 : i32
      %dma_wait3A_168 = tpu.memref_slice %arg5[%dma_wait3A_167] : memref<1628160xi32, #tpu.memory_space<hbm>> -> memref<3072xi32, #tpu.memory_space<hbm>>
      %dma_wait3A_169 = arith.constant 0 : i32
      %dma_wait3A_170 = tpu.memref_slice %arg5[%dma_wait3A_169] : memref<1628160xi32, #tpu.memory_space<hbm>> -> memref<3072xi32, #tpu.memory_space<hbm>>
      tpu.wait_dma2 semaphore(%arg32 : memref<!tpu.dma_semaphore, #tpu.memory_space<semaphore_mem>>) src(%dma_wait3A_170 : memref<3072xi32, #tpu.memory_space<hbm>>) dst(%arg16 : memref<3072xi32, #tpu.memory_space<vmem>>)
      %dma_wait3A_171 = arith.constant 0 : i32
      %dma_wait3A_172 = tpu.memref_slice %arg6[%dma_wait3A_171] : memref<1628160xi32, #tpu.memory_space<hbm>> -> memref<3072xi32, #tpu.memory_space<hbm>>
      %dma_wait3A_173 = arith.constant 0 : i32
      %dma_wait3A_174 = tpu.memref_slice %arg6[%dma_wait3A_173] : memref<1628160xi32, #tpu.memory_space<hbm>> -> memref<3072xi32, #tpu.memory_space<hbm>>
      tpu.wait_dma2 semaphore(%arg32 : memref<!tpu.dma_semaphore, #tpu.memory_space<semaphore_mem>>) src(%dma_wait3A_174 : memref<3072xi32, #tpu.memory_space<hbm>>) dst(%arg17 : memref<3072xi32, #tpu.memory_space<vmem>>)
      %dma_wait3A_175 = arith.constant 0 : i32
      %dma_wait3A_176 = tpu.memref_slice %arg7[%dma_wait3A_175] : memref<1628160xi32, #tpu.memory_space<hbm>> -> memref<3072xi32, #tpu.memory_space<hbm>>
      %dma_wait3A_177 = arith.constant 0 : i32
      %dma_wait3A_178 = tpu.memref_slice %arg7[%dma_wait3A_177] : memref<1628160xi32, #tpu.memory_space<hbm>> -> memref<3072xi32, #tpu.memory_space<hbm>>
      tpu.wait_dma2 semaphore(%arg32 : memref<!tpu.dma_semaphore, #tpu.memory_space<semaphore_mem>>) src(%dma_wait3A_178 : memref<3072xi32, #tpu.memory_space<hbm>>) dst(%arg18 : memref<3072xi32, #tpu.memory_space<vmem>>)
      %dma_wait3A_179 = arith.constant 0 : i32
      %dma_wait3A_180 = tpu.memref_slice %arg31[%dma_wait3A_179] : memref<229376xf32, #tpu.memory_space<vmem_shared>> -> memref<229376xf32, #tpu.memory_space<vmem_shared>>
      tpu.wait_indirect_dma semaphore(%arg34 : memref<!tpu.dma_semaphore, #tpu.memory_space<semaphore_mem>>) src(%arg22 : memref<6144xf32, #tpu.memory_space<vmem>>) dst(%dma_wait3A_180 : memref<229376xf32, #tpu.memory_space<vmem_shared>>)
      %scan3A_181 = arith.constant 0 : i32
      %scan3A_182 = arith.constant 48 : i32
      %scan3A_183 = arith.addi %scan3A_181, %scan3A_182 : i32
      %scan3A_184 = arith.constant 1 : i32
      scf.for %scan3A_239 = %scan3A_181 to %scan3A_183 step %scan3A_184  : i32 {
        %mul3A_240 = arith.constant 4 : i32
        %mul3A_241 = arith.muli %scan3A_239, %mul3A_240 : i32
        %add3A_242 = arith.constant 0 : i32
        %add3A_243 = arith.addi %add3A_242, %mul3A_241 : i32
        %add3A_244 = arith.constant 0 : i32
        %add3A_245 = arith.addi %add3A_243, %add3A_244 : i32
        %mul3A_246 = arith.constant 16 : i32
        %mul3A_247 = arith.muli %add3A_245, %mul3A_246 : i32
        %get3A_248 = arith.index_cast %mul3A_247 : i32 to index
        %get3A_249 = tpu.vector_load %arg16[%get3A_248] {strides = array<i32>} : memref<3072xi32, #tpu.memory_space<vmem>>, vector<16xi32>,
        %mul3A_250 = arith.constant 16 : i32
        %mul3A_251 = arith.muli %add3A_245, %mul3A_250 : i32
        %get3A_252 = arith.index_cast %mul3A_251 : i32 to index
        %get3A_253 = tpu.vector_load %arg17[%get3A_252] {strides = array<i32>} : memref<3072xi32, #tpu.memory_space<vmem>>, vector<16xi32>,
        %mul3A_254 = arith.constant 16 : i32
        %mul3A_255 = arith.muli %add3A_245, %mul3A_254 : i32
        %get3A_256 = arith.index_cast %mul3A_255 : i32 to index
        %get3A_257 = tpu.vector_load %arg18[%get3A_256] {strides = array<i32>} : memref<3072xi32, #tpu.memory_space<vmem>>, vector<16xi32>,
        %gather3A = tpu.vector_load_idx %arg13[%get3A_249] : memref<57344xf32, #tpu.memory_space<vmem>>[vector<16xi32>], vector<16xf32>,
        %gather3A_258 = tpu.vector_load_idx %arg13[%get3A_253] : memref<57344xf32, #tpu.memory_space<vmem>>[vector<16xi32>], vector<16xf32>,
        %gather3A_259 = tpu.vector_load_idx %arg14[%get3A_257] : memref<16xf32, #tpu.memory_space<vmem>>[vector<16xi32>], vector<16xf32>,
        %mul3A_260 = arith.mulf %gather3A, %get3A_22 : vector<16xf32>
        %mul3A_261 = arith.mulf %gather3A_258, %get3A_24 : vector<16xf32>
        %add3A_262 = arith.addf %mul3A_260, %mul3A_261 : vector<16xf32>
        %add3A_263 = arith.addf %add3A_262, %gather3A_259 : vector<16xf32>
        %mul3A_264 = arith.constant 2.000000e-01 : f32
        %mul3A_265 = vector.broadcast %mul3A_264 : f32 to vector<16xf32>
        %mul3A_266 = arith.mulf %mul3A_265, %add3A_263 : vector<16xf32>
        %max3A = arith.maximumf %add3A_263, %mul3A_266 : vector<16xf32>
        %exp3A = math.exp %max3A : vector<16xf32>
        %mul3A_267 = arith.constant 4 : i32
        %mul3A_268 = vector.broadcast %mul3A_267 : i32 to vector<16xi32>
        %mul3A_269 = arith.muli %get3A_253, %mul3A_268 : vector<16xi32>
        %add3A_270 = vector.broadcast %and3A_0 : i32 to vector<16xi32>
        %add3A_271 = arith.addi %mul3A_269, %add3A_270 : vector<16xi32>
        %mul3A_272 = arith.constant 2 : i32
        %mul3A_273 = arith.muli %mul3A_272, %add3A_245 : i32
        %mul3A_274 = arith.constant 16 : i32
        %mul3A_275 = arith.muli %mul3A_273, %mul3A_274 : i32
        %swap3A = arith.index_cast %mul3A_275 : i32 to index
        %swap3A_276 = tpu.vector_load %arg22[%swap3A] {strides = array<i32>} : memref<6144xf32, #tpu.memory_space<vmem>>, vector<16xf32>,
        tpu.vector_store %arg22[%swap3A], %exp3A {strides = array<i32>} : memref<6144xf32, #tpu.memory_space<vmem>>, vector<16xf32>,
        %mul3A_277 = arith.constant 2 : i32
        %mul3A_278 = arith.muli %mul3A_277, %add3A_245 : i32
        %mul3A_279 = arith.constant 16 : i32
        %mul3A_280 = arith.muli %mul3A_278, %mul3A_279 : i32
        %swap3A_281 = arith.index_cast %mul3A_280 : i32 to index
        %swap3A_282 = tpu.vector_load %arg23[%swap3A_281] {strides = array<i32>} : memref<6144xi32, #tpu.memory_space<vmem>>, vector<16xi32>,
        tpu.vector_store %arg23[%swap3A_281], %add3A_271 {strides = array<i32>} : memref<6144xi32, #tpu.memory_space<vmem>>, vector<16xi32>,
        %mul3A_283 = arith.mulf %exp3A, %get3A_26 : vector<16xf32>
        %mul3A_284 = arith.mulf %mul3A_283, %gather3A : vector<16xf32>
        %mul3A_285 = arith.constant 2 : i32
        %mul3A_286 = arith.muli %mul3A_285, %add3A_245 : i32
        %add3A_287 = arith.constant 1 : i32
        %add3A_288 = arith.addi %mul3A_286, %add3A_287 : i32
        %mul3A_289 = arith.constant 16 : i32
        %mul3A_290 = arith.muli %add3A_288, %mul3A_289 : i32
        %swap3A_291 = arith.index_cast %mul3A_290 : i32 to index
        %swap3A_292 = tpu.vector_load %arg22[%swap3A_291] {strides = array<i32>} : memref<6144xf32, #tpu.memory_space<vmem>>, vector<16xf32>,
        tpu.vector_store %arg22[%swap3A_291], %mul3A_284 {strides = array<i32>} : memref<6144xf32, #tpu.memory_space<vmem>>, vector<16xf32>,
        %add3A_293 = arith.constant 2 : i32
        %add3A_294 = vector.broadcast %add3A_293 : i32 to vector<16xi32>
        %add3A_295 = arith.addi %add3A_271, %add3A_294 : vector<16xi32>
        %mul3A_296 = arith.constant 2 : i32
        %mul3A_297 = arith.muli %mul3A_296, %add3A_245 : i32
        %add3A_298 = arith.constant 1 : i32
        %add3A_299 = arith.addi %mul3A_297, %add3A_298 : i32
        %mul3A_300 = arith.constant 16 : i32
        %mul3A_301 = arith.muli %add3A_299, %mul3A_300 : i32
        %swap3A_302 = arith.index_cast %mul3A_301 : i32 to index
        %swap3A_303 = tpu.vector_load %arg23[%swap3A_302] {strides = array<i32>} : memref<6144xi32, #tpu.memory_space<vmem>>, vector<16xi32>,
        tpu.vector_store %arg23[%swap3A_302], %add3A_295 {strides = array<i32>} : memref<6144xi32, #tpu.memory_space<vmem>>, vector<16xi32>,
        %add3A_304 = arith.constant 1 : i32
        %add3A_305 = arith.addi %add3A_243, %add3A_304 : i32
        %mul3A_306 = arith.constant 16 : i32
        %mul3A_307 = arith.muli %add3A_305, %mul3A_306 : i32
        %get3A_308 = arith.index_cast %mul3A_307 : i32 to index
        %get3A_309 = tpu.vector_load %arg16[%get3A_308] {strides = array<i32>} : memref<3072xi32, #tpu.memory_space<vmem>>, vector<16xi32>,
        %mul3A_310 = arith.constant 16 : i32
        %mul3A_311 = arith.muli %add3A_305, %mul3A_310 : i32
        %get3A_312 = arith.index_cast %mul3A_311 : i32 to index
        %get3A_313 = tpu.vector_load %arg17[%get3A_312] {strides = array<i32>} : memref<3072xi32, #tpu.memory_space<vmem>>, vector<16xi32>,
        %mul3A_314 = arith.constant 16 : i32
        %mul3A_315 = arith.muli %add3A_305, %mul3A_314 : i32
        %get3A_316 = arith.index_cast %mul3A_315 : i32 to index
        %get3A_317 = tpu.vector_load %arg18[%get3A_316] {strides = array<i32>} : memref<3072xi32, #tpu.memory_space<vmem>>, vector<16xi32>,
        %gather3A_318 = tpu.vector_load_idx %arg13[%get3A_309] : memref<57344xf32, #tpu.memory_space<vmem>>[vector<16xi32>], vector<16xf32>,
        %gather3A_319 = tpu.vector_load_idx %arg13[%get3A_313] : memref<57344xf32, #tpu.memory_space<vmem>>[vector<16xi32>], vector<16xf32>,
        %gather3A_320 = tpu.vector_load_idx %arg14[%get3A_317] : memref<16xf32, #tpu.memory_space<vmem>>[vector<16xi32>], vector<16xf32>,
        %mul3A_321 = arith.mulf %gather3A_318, %get3A_22 : vector<16xf32>
        %mul3A_322 = arith.mulf %gather3A_319, %get3A_24 : vector<16xf32>
        %add3A_323 = arith.addf %mul3A_321, %mul3A_322 : vector<16xf32>
        %add3A_324 = arith.addf %add3A_323, %gather3A_320 : vector<16xf32>
        %mul3A_325 = arith.constant 2.000000e-01 : f32
        %mul3A_326 = vector.broadcast %mul3A_325 : f32 to vector<16xf32>
        %mul3A_327 = arith.mulf %mul3A_326, %add3A_324 : vector<16xf32>
        %max3A_328 = arith.maximumf %add3A_324, %mul3A_327 : vector<16xf32>
        %exp3A_329 = math.exp %max3A_328 : vector<16xf32>
        %mul3A_330 = arith.constant 4 : i32
        %mul3A_331 = vector.broadcast %mul3A_330 : i32 to vector<16xi32>
        %mul3A_332 = arith.muli %get3A_313, %mul3A_331 : vector<16xi32>
        %add3A_333 = vector.broadcast %and3A_0 : i32 to vector<16xi32>
        %add3A_334 = arith.addi %mul3A_332, %add3A_333 : vector<16xi32>
        %mul3A_335 = arith.constant 2 : i32
        %mul3A_336 = arith.muli %mul3A_335, %add3A_305 : i32
        %mul3A_337 = arith.constant 16 : i32
        %mul3A_338 = arith.muli %mul3A_336, %mul3A_337 : i32
        %swap3A_339 = arith.index_cast %mul3A_338 : i32 to index
        %swap3A_340 = tpu.vector_load %arg22[%swap3A_339] {strides = array<i32>} : memref<6144xf32, #tpu.memory_space<vmem>>, vector<16xf32>,
        tpu.vector_store %arg22[%swap3A_339], %exp3A_329 {strides = array<i32>} : memref<6144xf32, #tpu.memory_space<vmem>>, vector<16xf32>,
        %mul3A_341 = arith.constant 2 : i32
        %mul3A_342 = arith.muli %mul3A_341, %add3A_305 : i32
        %mul3A_343 = arith.constant 16 : i32
        %mul3A_344 = arith.muli %mul3A_342, %mul3A_343 : i32
        %swap3A_345 = arith.index_cast %mul3A_344 : i32 to index
        %swap3A_346 = tpu.vector_load %arg23[%swap3A_345] {strides = array<i32>} : memref<6144xi32, #tpu.memory_space<vmem>>, vector<16xi32>,
        tpu.vector_store %arg23[%swap3A_345], %add3A_334 {strides = array<i32>} : memref<6144xi32, #tpu.memory_space<vmem>>, vector<16xi32>,
        %mul3A_347 = arith.mulf %exp3A_329, %get3A_26 : vector<16xf32>
        %mul3A_348 = arith.mulf %mul3A_347, %gather3A_318 : vector<16xf32>
        %mul3A_349 = arith.constant 2 : i32
        %mul3A_350 = arith.muli %mul3A_349, %add3A_305 : i32
        %add3A_351 = arith.constant 1 : i32
        %add3A_352 = arith.addi %mul3A_350, %add3A_351 : i32
        %mul3A_353 = arith.constant 16 : i32
        %mul3A_354 = arith.muli %add3A_352, %mul3A_353 : i32
        %swap3A_355 = arith.index_cast %mul3A_354 : i32 to index
        %swap3A_356 = tpu.vector_load %arg22[%swap3A_355] {strides = array<i32>} : memref<6144xf32, #tpu.memory_space<vmem>>, vector<16xf32>,
        tpu.vector_store %arg22[%swap3A_355], %mul3A_348 {strides = array<i32>} : memref<6144xf32, #tpu.memory_space<vmem>>, vector<16xf32>,
        %add3A_357 = arith.constant 2 : i32
        %add3A_358 = vector.broadcast %add3A_357 : i32 to vector<16xi32>
        %add3A_359 = arith.addi %add3A_334, %add3A_358 : vector<16xi32>
        %mul3A_360 = arith.constant 2 : i32
        %mul3A_361 = arith.muli %mul3A_360, %add3A_305 : i32
        %add3A_362 = arith.constant 1 : i32
        %add3A_363 = arith.addi %mul3A_361, %add3A_362 : i32
        %mul3A_364 = arith.constant 16 : i32
        %mul3A_365 = arith.muli %add3A_363, %mul3A_364 : i32
        %swap3A_366 = arith.index_cast %mul3A_365 : i32 to index
        %swap3A_367 = tpu.vector_load %arg23[%swap3A_366] {strides = array<i32>} : memref<6144xi32, #tpu.memory_space<vmem>>, vector<16xi32>,
        tpu.vector_store %arg23[%swap3A_366], %add3A_359 {strides = array<i32>} : memref<6144xi32, #tpu.memory_space<vmem>>, vector<16xi32>,
        %add3A_368 = arith.constant 2 : i32
        %add3A_369 = arith.addi %add3A_243, %add3A_368 : i32
        %mul3A_370 = arith.constant 16 : i32
        %mul3A_371 = arith.muli %add3A_369, %mul3A_370 : i32
        %get3A_372 = arith.index_cast %mul3A_371 : i32 to index
        %get3A_373 = tpu.vector_load %arg16[%get3A_372] {strides = array<i32>} : memref<3072xi32, #tpu.memory_space<vmem>>, vector<16xi32>,
        %mul3A_374 = arith.constant 16 : i32
        %mul3A_375 = arith.muli %add3A_369, %mul3A_374 : i32
        %get3A_376 = arith.index_cast %mul3A_375 : i32 to index
        %get3A_377 = tpu.vector_load %arg17[%get3A_376] {strides = array<i32>} : memref<3072xi32, #tpu.memory_space<vmem>>, vector<16xi32>,
        %mul3A_378 = arith.constant 16 : i32
        %mul3A_379 = arith.muli %add3A_369, %mul3A_378 : i32
        %get3A_380 = arith.index_cast %mul3A_379 : i32 to index
        %get3A_381 = tpu.vector_load %arg18[%get3A_380] {strides = array<i32>} : memref<3072xi32, #tpu.memory_space<vmem>>, vector<16xi32>,
        %gather3A_382 = tpu.vector_load_idx %arg13[%get3A_373] : memref<57344xf32, #tpu.memory_space<vmem>>[vector<16xi32>], vector<16xf32>,
        %gather3A_383 = tpu.vector_load_idx %arg13[%get3A_377] : memref<57344xf32, #tpu.memory_space<vmem>>[vector<16xi32>], vector<16xf32>,
        %gather3A_384 = tpu.vector_load_idx %arg14[%get3A_381] : memref<16xf32, #tpu.memory_space<vmem>>[vector<16xi32>], vector<16xf32>,
        %mul3A_385 = arith.mulf %gather3A_382, %get3A_22 : vector<16xf32>
        %mul3A_386 = arith.mulf %gather3A_383, %get3A_24 : vector<16xf32>
        %add3A_387 = arith.addf %mul3A_385, %mul3A_386 : vector<16xf32>
        %add3A_388 = arith.addf %add3A_387, %gather3A_384 : vector<16xf32>
        %mul3A_389 = arith.constant 2.000000e-01 : f32
        %mul3A_390 = vector.broadcast %mul3A_389 : f32 to vector<16xf32>
        %mul3A_391 = arith.mulf %mul3A_390, %add3A_388 : vector<16xf32>
        %max3A_392 = arith.maximumf %add3A_388, %mul3A_391 : vector<16xf32>
        %exp3A_393 = math.exp %max3A_392 : vector<16xf32>
        %mul3A_394 = arith.constant 4 : i32
        %mul3A_395 = vector.broadcast %mul3A_394 : i32 to vector<16xi32>
        %mul3A_396 = arith.muli %get3A_377, %mul3A_395 : vector<16xi32>
        %add3A_397 = vector.broadcast %and3A_0 : i32 to vector<16xi32>
        %add3A_398 = arith.addi %mul3A_396, %add3A_397 : vector<16xi32>
        %mul3A_399 = arith.constant 2 : i32
        %mul3A_400 = arith.muli %mul3A_399, %add3A_369 : i32
        %mul3A_401 = arith.constant 16 : i32
        %mul3A_402 = arith.muli %mul3A_400, %mul3A_401 : i32
        %swap3A_403 = arith.index_cast %mul3A_402 : i32 to index
        %swap3A_404 = tpu.vector_load %arg22[%swap3A_403] {strides = array<i32>} : memref<6144xf32, #tpu.memory_space<vmem>>, vector<16xf32>,
        tpu.vector_store %arg22[%swap3A_403], %exp3A_393 {strides = array<i32>} : memref<6144xf32, #tpu.memory_space<vmem>>, vector<16xf32>,
        %mul3A_405 = arith.constant 2 : i32
        %mul3A_406 = arith.muli %mul3A_405, %add3A_369 : i32
        %mul3A_407 = arith.constant 16 : i32
        %mul3A_408 = arith.muli %mul3A_406, %mul3A_407 : i32
        %swap3A_409 = arith.index_cast %mul3A_408 : i32 to index
        %swap3A_410 = tpu.vector_load %arg23[%swap3A_409] {strides = array<i32>} : memref<6144xi32, #tpu.memory_space<vmem>>, vector<16xi32>,
        tpu.vector_store %arg23[%swap3A_409], %add3A_398 {strides = array<i32>} : memref<6144xi32, #tpu.memory_space<vmem>>, vector<16xi32>,
        %mul3A_411 = arith.mulf %exp3A_393, %get3A_26 : vector<16xf32>
        %mul3A_412 = arith.mulf %mul3A_411, %gather3A_382 : vector<16xf32>
        %mul3A_413 = arith.constant 2 : i32
        %mul3A_414 = arith.muli %mul3A_413, %add3A_369 : i32
        %add3A_415 = arith.constant 1 : i32
        %add3A_416 = arith.addi %mul3A_414, %add3A_415 : i32
        %mul3A_417 = arith.constant 16 : i32
        %mul3A_418 = arith.muli %add3A_416, %mul3A_417 : i32
        %swap3A_419 = arith.index_cast %mul3A_418 : i32 to index
        %swap3A_420 = tpu.vector_load %arg22[%swap3A_419] {strides = array<i32>} : memref<6144xf32, #tpu.memory_space<vmem>>, vector<16xf32>,
        tpu.vector_store %arg22[%swap3A_419], %mul3A_412 {strides = array<i32>} : memref<6144xf32, #tpu.memory_space<vmem>>, vector<16xf32>,
        %add3A_421 = arith.constant 2 : i32
        %add3A_422 = vector.broadcast %add3A_421 : i32 to vector<16xi32>
        %add3A_423 = arith.addi %add3A_398, %add3A_422 : vector<16xi32>
        %mul3A_424 = arith.constant 2 : i32
        %mul3A_425 = arith.muli %mul3A_424, %add3A_369 : i32
        %add3A_426 = arith.constant 1 : i32
        %add3A_427 = arith.addi %mul3A_425, %add3A_426 : i32
        %mul3A_428 = arith.constant 16 : i32
        %mul3A_429 = arith.muli %add3A_427, %mul3A_428 : i32
        %swap3A_430 = arith.index_cast %mul3A_429 : i32 to index
        %swap3A_431 = tpu.vector_load %arg23[%swap3A_430] {strides = array<i32>} : memref<6144xi32, #tpu.memory_space<vmem>>, vector<16xi32>,
        tpu.vector_store %arg23[%swap3A_430], %add3A_423 {strides = array<i32>} : memref<6144xi32, #tpu.memory_space<vmem>>, vector<16xi32>,
        %add3A_432 = arith.constant 3 : i32
        %add3A_433 = arith.addi %add3A_243, %add3A_432 : i32
        %mul3A_434 = arith.constant 16 : i32
        %mul3A_435 = arith.muli %add3A_433, %mul3A_434 : i32
        %get3A_436 = arith.index_cast %mul3A_435 : i32 to index
        %get3A_437 = tpu.vector_load %arg16[%get3A_436] {strides = array<i32>} : memref<3072xi32, #tpu.memory_space<vmem>>, vector<16xi32>,
        %mul3A_438 = arith.constant 16 : i32
        %mul3A_439 = arith.muli %add3A_433, %mul3A_438 : i32
        %get3A_440 = arith.index_cast %mul3A_439 : i32 to index
        %get3A_441 = tpu.vector_load %arg17[%get3A_440] {strides = array<i32>} : memref<3072xi32, #tpu.memory_space<vmem>>, vector<16xi32>,
        %mul3A_442 = arith.constant 16 : i32
        %mul3A_443 = arith.muli %add3A_433, %mul3A_442 : i32
        %get3A_444 = arith.index_cast %mul3A_443 : i32 to index
        %get3A_445 = tpu.vector_load %arg18[%get3A_444] {strides = array<i32>} : memref<3072xi32, #tpu.memory_space<vmem>>, vector<16xi32>,
        %gather3A_446 = tpu.vector_load_idx %arg13[%get3A_437] : memref<57344xf32, #tpu.memory_space<vmem>>[vector<16xi32>], vector<16xf32>,
        %gather3A_447 = tpu.vector_load_idx %arg13[%get3A_441] : memref<57344xf32, #tpu.memory_space<vmem>>[vector<16xi32>], vector<16xf32>,
        %gather3A_448 = tpu.vector_load_idx %arg14[%get3A_445] : memref<16xf32, #tpu.memory_space<vmem>>[vector<16xi32>], vector<16xf32>,
        %mul3A_449 = arith.mulf %gather3A_446, %get3A_22 : vector<16xf32>
        %mul3A_450 = arith.mulf %gather3A_447, %get3A_24 : vector<16xf32>
        %add3A_451 = arith.addf %mul3A_449, %mul3A_450 : vector<16xf32>
        %add3A_452 = arith.addf %add3A_451, %gather3A_448 : vector<16xf32>
        %mul3A_453 = arith.constant 2.000000e-01 : f32
        %mul3A_454 = vector.broadcast %mul3A_453 : f32 to vector<16xf32>
        %mul3A_455 = arith.mulf %mul3A_454, %add3A_452 : vector<16xf32>
        %max3A_456 = arith.maximumf %add3A_452, %mul3A_455 : vector<16xf32>
        %exp3A_457 = math.exp %max3A_456 : vector<16xf32>
        %mul3A_458 = arith.constant 4 : i32
        %mul3A_459 = vector.broadcast %mul3A_458 : i32 to vector<16xi32>
        %mul3A_460 = arith.muli %get3A_441, %mul3A_459 : vector<16xi32>
        %add3A_461 = vector.broadcast %and3A_0 : i32 to vector<16xi32>
        %add3A_462 = arith.addi %mul3A_460, %add3A_461 : vector<16xi32>
        %mul3A_463 = arith.constant 2 : i32
        %mul3A_464 = arith.muli %mul3A_463, %add3A_433 : i32
        %mul3A_465 = arith.constant 16 : i32
        %mul3A_466 = arith.muli %mul3A_464, %mul3A_465 : i32
        %swap3A_467 = arith.index_cast %mul3A_466 : i32 to index
        %swap3A_468 = tpu.vector_load %arg22[%swap3A_467] {strides = array<i32>} : memref<6144xf32, #tpu.memory_space<vmem>>, vector<16xf32>,
        tpu.vector_store %arg22[%swap3A_467], %exp3A_457 {strides = array<i32>} : memref<6144xf32, #tpu.memory_space<vmem>>, vector<16xf32>,
        %mul3A_469 = arith.constant 2 : i32
        %mul3A_470 = arith.muli %mul3A_469, %add3A_433 : i32
        %mul3A_471 = arith.constant 16 : i32
        %mul3A_472 = arith.muli %mul3A_470, %mul3A_471 : i32
        %swap3A_473 = arith.index_cast %mul3A_472 : i32 to index
        %swap3A_474 = tpu.vector_load %arg23[%swap3A_473] {strides = array<i32>} : memref<6144xi32, #tpu.memory_space<vmem>>, vector<16xi32>,
        tpu.vector_store %arg23[%swap3A_473], %add3A_462 {strides = array<i32>} : memref<6144xi32, #tpu.memory_space<vmem>>, vector<16xi32>,
        %mul3A_475 = arith.mulf %exp3A_457, %get3A_26 : vector<16xf32>
        %mul3A_476 = arith.mulf %mul3A_475, %gather3A_446 : vector<16xf32>
        %mul3A_477 = arith.constant 2 : i32
        %mul3A_478 = arith.muli %mul3A_477, %add3A_433 : i32
        %add3A_479 = arith.constant 1 : i32
        %add3A_480 = arith.addi %mul3A_478, %add3A_479 : i32
        %mul3A_481 = arith.constant 16 : i32
        %mul3A_482 = arith.muli %add3A_480, %mul3A_481 : i32
        %swap3A_483 = arith.index_cast %mul3A_482 : i32 to index
        %swap3A_484 = tpu.vector_load %arg22[%swap3A_483] {strides = array<i32>} : memref<6144xf32, #tpu.memory_space<vmem>>, vector<16xf32>,
        tpu.vector_store %arg22[%swap3A_483], %mul3A_476 {strides = array<i32>} : memref<6144xf32, #tpu.memory_space<vmem>>, vector<16xf32>,
        %add3A_485 = arith.constant 2 : i32
        %add3A_486 = vector.broadcast %add3A_485 : i32 to vector<16xi32>
        %add3A_487 = arith.addi %add3A_462, %add3A_486 : vector<16xi32>
        %mul3A_488 = arith.constant 2 : i32
        %mul3A_489 = arith.muli %mul3A_488, %add3A_433 : i32
        %add3A_490 = arith.constant 1 : i32
        %add3A_491 = arith.addi %mul3A_489, %add3A_490 : i32
        %mul3A_492 = arith.constant 16 : i32
        %mul3A_493 = arith.muli %add3A_491, %mul3A_492 : i32
        %swap3A_494 = arith.index_cast %mul3A_493 : i32 to index
        %swap3A_495 = tpu.vector_load %arg23[%swap3A_494] {strides = array<i32>} : memref<6144xi32, #tpu.memory_space<vmem>>, vector<16xi32>,
        tpu.vector_store %arg23[%swap3A_494], %add3A_487 {strides = array<i32>} : memref<6144xi32, #tpu.memory_space<vmem>>, vector<16xi32>,
      }
      %scan3A_185 = arith.constant 48 : i32
      %dma_start3A_186 = arith.constant 0 : i32
      %dma_start3A_187 = tpu.memref_slice %arg31[%dma_start3A_186] : memref<229376xf32, #tpu.memory_space<vmem_shared>> -> memref<229376xf32, #tpu.memory_space<vmem_shared>>
      tpu.enqueue_indirect_dma source(%arg22 : memref<6144xf32, #tpu.memory_space<vmem>>) target(%dma_start3A_187 : memref<229376xf32, #tpu.memory_space<vmem_shared>>) offsets(%arg23 : memref<6144xi32, #tpu.memory_space<vmem>>) semaphore(%arg34 : memref<!tpu.dma_semaphore, #tpu.memory_space<semaphore_mem>>) {add = true}
      %add3A_188 = arith.constant 0 : i32
      %add3A_189 = arith.addi %add3A_166, %add3A_188 : i32
      %add3A_190 = arith.constant 2 : i32
      %add3A_191 = arith.addi %add3A_189, %add3A_190 : i32
      %mul3A_192 = arith.constant 66 : i32
      %mul3A_193 = arith.muli %shift_right_arithmetic3A_2, %mul3A_192 : i32
      %add3A_194 = arith.addi %mul3A_193, %add3A_191 : i32
      %mul3A_195 = arith.constant 3072 : i32
      %mul3A_196 = arith.muli %add3A_194, %mul3A_195 : i32
      %dma_start3A_197 = tpu.memref_slice %arg5[%mul3A_196] : memref<1628160xi32, #tpu.memory_space<hbm>> -> memref<3072xi32, #tpu.memory_space<hbm>>
      %dma_start3A_198 = tpu.memref_slice %arg5[%mul3A_196] : memref<1628160xi32, #tpu.memory_space<hbm>> -> memref<3072xi32, #tpu.memory_space<hbm>>
      tpu.enqueue_dma source(%dma_start3A_198 : memref<3072xi32, #tpu.memory_space<hbm>>) target(%arg16 : memref<3072xi32, #tpu.memory_space<vmem>>) target_semaphore(%arg32 : memref<!tpu.dma_semaphore, #tpu.memory_space<semaphore_mem>>)
      %dma_start3A_199 = tpu.memref_slice %arg6[%mul3A_196] : memref<1628160xi32, #tpu.memory_space<hbm>> -> memref<3072xi32, #tpu.memory_space<hbm>>
      %dma_start3A_200 = tpu.memref_slice %arg6[%mul3A_196] : memref<1628160xi32, #tpu.memory_space<hbm>> -> memref<3072xi32, #tpu.memory_space<hbm>>
      tpu.enqueue_dma source(%dma_start3A_200 : memref<3072xi32, #tpu.memory_space<hbm>>) target(%arg17 : memref<3072xi32, #tpu.memory_space<vmem>>) target_semaphore(%arg32 : memref<!tpu.dma_semaphore, #tpu.memory_space<semaphore_mem>>)
      %dma_start3A_201 = tpu.memref_slice %arg7[%mul3A_196] : memref<1628160xi32, #tpu.memory_space<hbm>> -> memref<3072xi32, #tpu.memory_space<hbm>>
      %dma_start3A_202 = tpu.memref_slice %arg7[%mul3A_196] : memref<1628160xi32, #tpu.memory_space<hbm>> -> memref<3072xi32, #tpu.memory_space<hbm>>
      tpu.enqueue_dma source(%dma_start3A_202 : memref<3072xi32, #tpu.memory_space<hbm>>) target(%arg18 : memref<3072xi32, #tpu.memory_space<vmem>>) target_semaphore(%arg32 : memref<!tpu.dma_semaphore, #tpu.memory_space<semaphore_mem>>)
      %dma_wait3A_203 = arith.constant 0 : i32
      %dma_wait3A_204 = tpu.memref_slice %arg5[%dma_wait3A_203] : memref<1628160xi32, #tpu.memory_space<hbm>> -> memref<3072xi32, #tpu.memory_space<hbm>>
      %dma_wait3A_205 = arith.constant 0 : i32
      %dma_wait3A_206 = tpu.memref_slice %arg5[%dma_wait3A_205] : memref<1628160xi32, #tpu.memory_space<hbm>> -> memref<3072xi32, #tpu.memory_space<hbm>>
      tpu.wait_dma2 semaphore(%arg33 : memref<!tpu.dma_semaphore, #tpu.memory_space<semaphore_mem>>) src(%dma_wait3A_206 : memref<3072xi32, #tpu.memory_space<hbm>>) dst(%arg19 : memref<3072xi32, #tpu.memory_space<vmem>>)
      %dma_wait3A_207 = arith.constant 0 : i32
      %dma_wait3A_208 = tpu.memref_slice %arg6[%dma_wait3A_207] : memref<1628160xi32, #tpu.memory_space<hbm>> -> memref<3072xi32, #tpu.memory_space<hbm>>
      %dma_wait3A_209 = arith.constant 0 : i32
      %dma_wait3A_210 = tpu.memref_slice %arg6[%dma_wait3A_209] : memref<1628160xi32, #tpu.memory_space<hbm>> -> memref<3072xi32, #tpu.memory_space<hbm>>
      tpu.wait_dma2 semaphore(%arg33 : memref<!tpu.dma_semaphore, #tpu.memory_space<semaphore_mem>>) src(%dma_wait3A_210 : memref<3072xi32, #tpu.memory_space<hbm>>) dst(%arg20 : memref<3072xi32, #tpu.memory_space<vmem>>)
      %dma_wait3A_211 = arith.constant 0 : i32
      %dma_wait3A_212 = tpu.memref_slice %arg7[%dma_wait3A_211] : memref<1628160xi32, #tpu.memory_space<hbm>> -> memref<3072xi32, #tpu.memory_space<hbm>>
      %dma_wait3A_213 = arith.constant 0 : i32
      %dma_wait3A_214 = tpu.memref_slice %arg7[%dma_wait3A_213] : memref<1628160xi32, #tpu.memory_space<hbm>> -> memref<3072xi32, #tpu.memory_space<hbm>>
      tpu.wait_dma2 semaphore(%arg33 : memref<!tpu.dma_semaphore, #tpu.memory_space<semaphore_mem>>) src(%dma_wait3A_214 : memref<3072xi32, #tpu.memory_space<hbm>>) dst(%arg21 : memref<3072xi32, #tpu.memory_space<vmem>>)
      %dma_wait3A_215 = arith.constant 0 : i32
      %dma_wait3A_216 = tpu.memref_slice %arg31[%dma_wait3A_215] : memref<229376xf32, #tpu.memory_space<vmem_shared>> -> memref<229376xf32, #tpu.memory_space<vmem_shared>>
      tpu.wait_indirect_dma semaphore(%arg35 : memref<!tpu.dma_semaphore, #tpu.memory_space<semaphore_mem>>) src(%arg24 : memref<6144xf32, #tpu.memory_space<vmem>>) dst(%dma_wait3A_216 : memref<229376xf32, #tpu.memory_space<vmem_shared>>)
      %scan3A_217 = arith.constant 0 : i32
      %scan3A_218 = arith.constant 48 : i32
      %scan3A_219 = arith.addi %scan3A_217, %scan3A_218 : i32
      %scan3A_220 = arith.constant 1 : i32
      scf.for %scan3A_239 = %scan3A_217 to %scan3A_219 step %scan3A_220  : i32 {
        %mul3A_240 = arith.constant 4 : i32
        %mul3A_241 = arith.muli %scan3A_239, %mul3A_240 : i32
        %add3A_242 = arith.constant 0 : i32
        %add3A_243 = arith.addi %add3A_242, %mul3A_241 : i32
        %add3A_244 = arith.constant 0 : i32
        %add3A_245 = arith.addi %add3A_243, %add3A_244 : i32
        %mul3A_246 = arith.constant 16 : i32
        %mul3A_247 = arith.muli %add3A_245, %mul3A_246 : i32
        %get3A_248 = arith.index_cast %mul3A_247 : i32 to index
        %get3A_249 = tpu.vector_load %arg19[%get3A_248] {strides = array<i32>} : memref<3072xi32, #tpu.memory_space<vmem>>, vector<16xi32>,
        %mul3A_250 = arith.constant 16 : i32
        %mul3A_251 = arith.muli %add3A_245, %mul3A_250 : i32
        %get3A_252 = arith.index_cast %mul3A_251 : i32 to index
        %get3A_253 = tpu.vector_load %arg20[%get3A_252] {strides = array<i32>} : memref<3072xi32, #tpu.memory_space<vmem>>, vector<16xi32>,
        %mul3A_254 = arith.constant 16 : i32
        %mul3A_255 = arith.muli %add3A_245, %mul3A_254 : i32
        %get3A_256 = arith.index_cast %mul3A_255 : i32 to index
        %get3A_257 = tpu.vector_load %arg21[%get3A_256] {strides = array<i32>} : memref<3072xi32, #tpu.memory_space<vmem>>, vector<16xi32>,
        %gather3A = tpu.vector_load_idx %arg13[%get3A_249] : memref<57344xf32, #tpu.memory_space<vmem>>[vector<16xi32>], vector<16xf32>,
        %gather3A_258 = tpu.vector_load_idx %arg13[%get3A_253] : memref<57344xf32, #tpu.memory_space<vmem>>[vector<16xi32>], vector<16xf32>,
        %gather3A_259 = tpu.vector_load_idx %arg14[%get3A_257] : memref<16xf32, #tpu.memory_space<vmem>>[vector<16xi32>], vector<16xf32>,
        %mul3A_260 = arith.mulf %gather3A, %get3A_22 : vector<16xf32>
        %mul3A_261 = arith.mulf %gather3A_258, %get3A_24 : vector<16xf32>
        %add3A_262 = arith.addf %mul3A_260, %mul3A_261 : vector<16xf32>
        %add3A_263 = arith.addf %add3A_262, %gather3A_259 : vector<16xf32>
        %mul3A_264 = arith.constant 2.000000e-01 : f32
        %mul3A_265 = vector.broadcast %mul3A_264 : f32 to vector<16xf32>
        %mul3A_266 = arith.mulf %mul3A_265, %add3A_263 : vector<16xf32>
        %max3A = arith.maximumf %add3A_263, %mul3A_266 : vector<16xf32>
        %exp3A = math.exp %max3A : vector<16xf32>
        %mul3A_267 = arith.constant 4 : i32
        %mul3A_268 = vector.broadcast %mul3A_267 : i32 to vector<16xi32>
        %mul3A_269 = arith.muli %get3A_253, %mul3A_268 : vector<16xi32>
        %add3A_270 = vector.broadcast %and3A_0 : i32 to vector<16xi32>
        %add3A_271 = arith.addi %mul3A_269, %add3A_270 : vector<16xi32>
        %mul3A_272 = arith.constant 2 : i32
        %mul3A_273 = arith.muli %mul3A_272, %add3A_245 : i32
        %mul3A_274 = arith.constant 16 : i32
        %mul3A_275 = arith.muli %mul3A_273, %mul3A_274 : i32
        %swap3A = arith.index_cast %mul3A_275 : i32 to index
        %swap3A_276 = tpu.vector_load %arg24[%swap3A] {strides = array<i32>} : memref<6144xf32, #tpu.memory_space<vmem>>, vector<16xf32>,
        tpu.vector_store %arg24[%swap3A], %exp3A {strides = array<i32>} : memref<6144xf32, #tpu.memory_space<vmem>>, vector<16xf32>,
        %mul3A_277 = arith.constant 2 : i32
        %mul3A_278 = arith.muli %mul3A_277, %add3A_245 : i32
        %mul3A_279 = arith.constant 16 : i32
        %mul3A_280 = arith.muli %mul3A_278, %mul3A_279 : i32
        %swap3A_281 = arith.index_cast %mul3A_280 : i32 to index
        %swap3A_282 = tpu.vector_load %arg25[%swap3A_281] {strides = array<i32>} : memref<6144xi32, #tpu.memory_space<vmem>>, vector<16xi32>,
        tpu.vector_store %arg25[%swap3A_281], %add3A_271 {strides = array<i32>} : memref<6144xi32, #tpu.memory_space<vmem>>, vector<16xi32>,
        %mul3A_283 = arith.mulf %exp3A, %get3A_26 : vector<16xf32>
        %mul3A_284 = arith.mulf %mul3A_283, %gather3A : vector<16xf32>
        %mul3A_285 = arith.constant 2 : i32
        %mul3A_286 = arith.muli %mul3A_285, %add3A_245 : i32
        %add3A_287 = arith.constant 1 : i32
        %add3A_288 = arith.addi %mul3A_286, %add3A_287 : i32
        %mul3A_289 = arith.constant 16 : i32
        %mul3A_290 = arith.muli %add3A_288, %mul3A_289 : i32
        %swap3A_291 = arith.index_cast %mul3A_290 : i32 to index
        %swap3A_292 = tpu.vector_load %arg24[%swap3A_291] {strides = array<i32>} : memref<6144xf32, #tpu.memory_space<vmem>>, vector<16xf32>,
        tpu.vector_store %arg24[%swap3A_291], %mul3A_284 {strides = array<i32>} : memref<6144xf32, #tpu.memory_space<vmem>>, vector<16xf32>,
        %add3A_293 = arith.constant 2 : i32
        %add3A_294 = vector.broadcast %add3A_293 : i32 to vector<16xi32>
        %add3A_295 = arith.addi %add3A_271, %add3A_294 : vector<16xi32>
        %mul3A_296 = arith.constant 2 : i32
        %mul3A_297 = arith.muli %mul3A_296, %add3A_245 : i32
        %add3A_298 = arith.constant 1 : i32
        %add3A_299 = arith.addi %mul3A_297, %add3A_298 : i32
        %mul3A_300 = arith.constant 16 : i32
        %mul3A_301 = arith.muli %add3A_299, %mul3A_300 : i32
        %swap3A_302 = arith.index_cast %mul3A_301 : i32 to index
        %swap3A_303 = tpu.vector_load %arg25[%swap3A_302] {strides = array<i32>} : memref<6144xi32, #tpu.memory_space<vmem>>, vector<16xi32>,
        tpu.vector_store %arg25[%swap3A_302], %add3A_295 {strides = array<i32>} : memref<6144xi32, #tpu.memory_space<vmem>>, vector<16xi32>,
        %add3A_304 = arith.constant 1 : i32
        %add3A_305 = arith.addi %add3A_243, %add3A_304 : i32
        %mul3A_306 = arith.constant 16 : i32
        %mul3A_307 = arith.muli %add3A_305, %mul3A_306 : i32
        %get3A_308 = arith.index_cast %mul3A_307 : i32 to index
        %get3A_309 = tpu.vector_load %arg19[%get3A_308] {strides = array<i32>} : memref<3072xi32, #tpu.memory_space<vmem>>, vector<16xi32>,
        %mul3A_310 = arith.constant 16 : i32
        %mul3A_311 = arith.muli %add3A_305, %mul3A_310 : i32
        %get3A_312 = arith.index_cast %mul3A_311 : i32 to index
        %get3A_313 = tpu.vector_load %arg20[%get3A_312] {strides = array<i32>} : memref<3072xi32, #tpu.memory_space<vmem>>, vector<16xi32>,
        %mul3A_314 = arith.constant 16 : i32
        %mul3A_315 = arith.muli %add3A_305, %mul3A_314 : i32
        %get3A_316 = arith.index_cast %mul3A_315 : i32 to index
        %get3A_317 = tpu.vector_load %arg21[%get3A_316] {strides = array<i32>} : memref<3072xi32, #tpu.memory_space<vmem>>, vector<16xi32>,
        %gather3A_318 = tpu.vector_load_idx %arg13[%get3A_309] : memref<57344xf32, #tpu.memory_space<vmem>>[vector<16xi32>], vector<16xf32>,
        %gather3A_319 = tpu.vector_load_idx %arg13[%get3A_313] : memref<57344xf32, #tpu.memory_space<vmem>>[vector<16xi32>], vector<16xf32>,
        %gather3A_320 = tpu.vector_load_idx %arg14[%get3A_317] : memref<16xf32, #tpu.memory_space<vmem>>[vector<16xi32>], vector<16xf32>,
        %mul3A_321 = arith.mulf %gather3A_318, %get3A_22 : vector<16xf32>
        %mul3A_322 = arith.mulf %gather3A_319, %get3A_24 : vector<16xf32>
        %add3A_323 = arith.addf %mul3A_321, %mul3A_322 : vector<16xf32>
        %add3A_324 = arith.addf %add3A_323, %gather3A_320 : vector<16xf32>
        %mul3A_325 = arith.constant 2.000000e-01 : f32
        %mul3A_326 = vector.broadcast %mul3A_325 : f32 to vector<16xf32>
        %mul3A_327 = arith.mulf %mul3A_326, %add3A_324 : vector<16xf32>
        %max3A_328 = arith.maximumf %add3A_324, %mul3A_327 : vector<16xf32>
        %exp3A_329 = math.exp %max3A_328 : vector<16xf32>
        %mul3A_330 = arith.constant 4 : i32
        %mul3A_331 = vector.broadcast %mul3A_330 : i32 to vector<16xi32>
        %mul3A_332 = arith.muli %get3A_313, %mul3A_331 : vector<16xi32>
        %add3A_333 = vector.broadcast %and3A_0 : i32 to vector<16xi32>
        %add3A_334 = arith.addi %mul3A_332, %add3A_333 : vector<16xi32>
        %mul3A_335 = arith.constant 2 : i32
        %mul3A_336 = arith.muli %mul3A_335, %add3A_305 : i32
        %mul3A_337 = arith.constant 16 : i32
        %mul3A_338 = arith.muli %mul3A_336, %mul3A_337 : i32
        %swap3A_339 = arith.index_cast %mul3A_338 : i32 to index
        %swap3A_340 = tpu.vector_load %arg24[%swap3A_339] {strides = array<i32>} : memref<6144xf32, #tpu.memory_space<vmem>>, vector<16xf32>,
        tpu.vector_store %arg24[%swap3A_339], %exp3A_329 {strides = array<i32>} : memref<6144xf32, #tpu.memory_space<vmem>>, vector<16xf32>,
        %mul3A_341 = arith.constant 2 : i32
        %mul3A_342 = arith.muli %mul3A_341, %add3A_305 : i32
        %mul3A_343 = arith.constant 16 : i32
        %mul3A_344 = arith.muli %mul3A_342, %mul3A_343 : i32
        %swap3A_345 = arith.index_cast %mul3A_344 : i32 to index
        %swap3A_346 = tpu.vector_load %arg25[%swap3A_345] {strides = array<i32>} : memref<6144xi32, #tpu.memory_space<vmem>>, vector<16xi32>,
        tpu.vector_store %arg25[%swap3A_345], %add3A_334 {strides = array<i32>} : memref<6144xi32, #tpu.memory_space<vmem>>, vector<16xi32>,
        %mul3A_347 = arith.mulf %exp3A_329, %get3A_26 : vector<16xf32>
        %mul3A_348 = arith.mulf %mul3A_347, %gather3A_318 : vector<16xf32>
        %mul3A_349 = arith.constant 2 : i32
        %mul3A_350 = arith.muli %mul3A_349, %add3A_305 : i32
        %add3A_351 = arith.constant 1 : i32
        %add3A_352 = arith.addi %mul3A_350, %add3A_351 : i32
        %mul3A_353 = arith.constant 16 : i32
        %mul3A_354 = arith.muli %add3A_352, %mul3A_353 : i32
        %swap3A_355 = arith.index_cast %mul3A_354 : i32 to index
        %swap3A_356 = tpu.vector_load %arg24[%swap3A_355] {strides = array<i32>} : memref<6144xf32, #tpu.memory_space<vmem>>, vector<16xf32>,
        tpu.vector_store %arg24[%swap3A_355], %mul3A_348 {strides = array<i32>} : memref<6144xf32, #tpu.memory_space<vmem>>, vector<16xf32>,
        %add3A_357 = arith.constant 2 : i32
        %add3A_358 = vector.broadcast %add3A_357 : i32 to vector<16xi32>
        %add3A_359 = arith.addi %add3A_334, %add3A_358 : vector<16xi32>
        %mul3A_360 = arith.constant 2 : i32
        %mul3A_361 = arith.muli %mul3A_360, %add3A_305 : i32
        %add3A_362 = arith.constant 1 : i32
        %add3A_363 = arith.addi %mul3A_361, %add3A_362 : i32
        %mul3A_364 = arith.constant 16 : i32
        %mul3A_365 = arith.muli %add3A_363, %mul3A_364 : i32
        %swap3A_366 = arith.index_cast %mul3A_365 : i32 to index
        %swap3A_367 = tpu.vector_load %arg25[%swap3A_366] {strides = array<i32>} : memref<6144xi32, #tpu.memory_space<vmem>>, vector<16xi32>,
        tpu.vector_store %arg25[%swap3A_366], %add3A_359 {strides = array<i32>} : memref<6144xi32, #tpu.memory_space<vmem>>, vector<16xi32>,
        %add3A_368 = arith.constant 2 : i32
        %add3A_369 = arith.addi %add3A_243, %add3A_368 : i32
        %mul3A_370 = arith.constant 16 : i32
        %mul3A_371 = arith.muli %add3A_369, %mul3A_370 : i32
        %get3A_372 = arith.index_cast %mul3A_371 : i32 to index
        %get3A_373 = tpu.vector_load %arg19[%get3A_372] {strides = array<i32>} : memref<3072xi32, #tpu.memory_space<vmem>>, vector<16xi32>,
        %mul3A_374 = arith.constant 16 : i32
        %mul3A_375 = arith.muli %add3A_369, %mul3A_374 : i32
        %get3A_376 = arith.index_cast %mul3A_375 : i32 to index
        %get3A_377 = tpu.vector_load %arg20[%get3A_376] {strides = array<i32>} : memref<3072xi32, #tpu.memory_space<vmem>>, vector<16xi32>,
        %mul3A_378 = arith.constant 16 : i32
        %mul3A_379 = arith.muli %add3A_369, %mul3A_378 : i32
        %get3A_380 = arith.index_cast %mul3A_379 : i32 to index
        %get3A_381 = tpu.vector_load %arg21[%get3A_380] {strides = array<i32>} : memref<3072xi32, #tpu.memory_space<vmem>>, vector<16xi32>,
        %gather3A_382 = tpu.vector_load_idx %arg13[%get3A_373] : memref<57344xf32, #tpu.memory_space<vmem>>[vector<16xi32>], vector<16xf32>,
        %gather3A_383 = tpu.vector_load_idx %arg13[%get3A_377] : memref<57344xf32, #tpu.memory_space<vmem>>[vector<16xi32>], vector<16xf32>,
        %gather3A_384 = tpu.vector_load_idx %arg14[%get3A_381] : memref<16xf32, #tpu.memory_space<vmem>>[vector<16xi32>], vector<16xf32>,
        %mul3A_385 = arith.mulf %gather3A_382, %get3A_22 : vector<16xf32>
        %mul3A_386 = arith.mulf %gather3A_383, %get3A_24 : vector<16xf32>
        %add3A_387 = arith.addf %mul3A_385, %mul3A_386 : vector<16xf32>
        %add3A_388 = arith.addf %add3A_387, %gather3A_384 : vector<16xf32>
        %mul3A_389 = arith.constant 2.000000e-01 : f32
        %mul3A_390 = vector.broadcast %mul3A_389 : f32 to vector<16xf32>
        %mul3A_391 = arith.mulf %mul3A_390, %add3A_388 : vector<16xf32>
        %max3A_392 = arith.maximumf %add3A_388, %mul3A_391 : vector<16xf32>
        %exp3A_393 = math.exp %max3A_392 : vector<16xf32>
        %mul3A_394 = arith.constant 4 : i32
        %mul3A_395 = vector.broadcast %mul3A_394 : i32 to vector<16xi32>
        %mul3A_396 = arith.muli %get3A_377, %mul3A_395 : vector<16xi32>
        %add3A_397 = vector.broadcast %and3A_0 : i32 to vector<16xi32>
        %add3A_398 = arith.addi %mul3A_396, %add3A_397 : vector<16xi32>
        %mul3A_399 = arith.constant 2 : i32
        %mul3A_400 = arith.muli %mul3A_399, %add3A_369 : i32
        %mul3A_401 = arith.constant 16 : i32
        %mul3A_402 = arith.muli %mul3A_400, %mul3A_401 : i32
        %swap3A_403 = arith.index_cast %mul3A_402 : i32 to index
        %swap3A_404 = tpu.vector_load %arg24[%swap3A_403] {strides = array<i32>} : memref<6144xf32, #tpu.memory_space<vmem>>, vector<16xf32>,
        tpu.vector_store %arg24[%swap3A_403], %exp3A_393 {strides = array<i32>} : memref<6144xf32, #tpu.memory_space<vmem>>, vector<16xf32>,
        %mul3A_405 = arith.constant 2 : i32
        %mul3A_406 = arith.muli %mul3A_405, %add3A_369 : i32
        %mul3A_407 = arith.constant 16 : i32
        %mul3A_408 = arith.muli %mul3A_406, %mul3A_407 : i32
        %swap3A_409 = arith.index_cast %mul3A_408 : i32 to index
        %swap3A_410 = tpu.vector_load %arg25[%swap3A_409] {strides = array<i32>} : memref<6144xi32, #tpu.memory_space<vmem>>, vector<16xi32>,
        tpu.vector_store %arg25[%swap3A_409], %add3A_398 {strides = array<i32>} : memref<6144xi32, #tpu.memory_space<vmem>>, vector<16xi32>,
        %mul3A_411 = arith.mulf %exp3A_393, %get3A_26 : vector<16xf32>
        %mul3A_412 = arith.mulf %mul3A_411, %gather3A_382 : vector<16xf32>
        %mul3A_413 = arith.constant 2 : i32
        %mul3A_414 = arith.muli %mul3A_413, %add3A_369 : i32
        %add3A_415 = arith.constant 1 : i32
        %add3A_416 = arith.addi %mul3A_414, %add3A_415 : i32
        %mul3A_417 = arith.constant 16 : i32
        %mul3A_418 = arith.muli %add3A_416, %mul3A_417 : i32
        %swap3A_419 = arith.index_cast %mul3A_418 : i32 to index
        %swap3A_420 = tpu.vector_load %arg24[%swap3A_419] {strides = array<i32>} : memref<6144xf32, #tpu.memory_space<vmem>>, vector<16xf32>,
        tpu.vector_store %arg24[%swap3A_419], %mul3A_412 {strides = array<i32>} : memref<6144xf32, #tpu.memory_space<vmem>>, vector<16xf32>,
        %add3A_421 = arith.constant 2 : i32
        %add3A_422 = vector.broadcast %add3A_421 : i32 to vector<16xi32>
        %add3A_423 = arith.addi %add3A_398, %add3A_422 : vector<16xi32>
        %mul3A_424 = arith.constant 2 : i32
        %mul3A_425 = arith.muli %mul3A_424, %add3A_369 : i32
        %add3A_426 = arith.constant 1 : i32
        %add3A_427 = arith.addi %mul3A_425, %add3A_426 : i32
        %mul3A_428 = arith.constant 16 : i32
        %mul3A_429 = arith.muli %add3A_427, %mul3A_428 : i32
        %swap3A_430 = arith.index_cast %mul3A_429 : i32 to index
        %swap3A_431 = tpu.vector_load %arg25[%swap3A_430] {strides = array<i32>} : memref<6144xi32, #tpu.memory_space<vmem>>, vector<16xi32>,
        tpu.vector_store %arg25[%swap3A_430], %add3A_423 {strides = array<i32>} : memref<6144xi32, #tpu.memory_space<vmem>>, vector<16xi32>,
        %add3A_432 = arith.constant 3 : i32
        %add3A_433 = arith.addi %add3A_243, %add3A_432 : i32
        %mul3A_434 = arith.constant 16 : i32
        %mul3A_435 = arith.muli %add3A_433, %mul3A_434 : i32
        %get3A_436 = arith.index_cast %mul3A_435 : i32 to index
        %get3A_437 = tpu.vector_load %arg19[%get3A_436] {strides = array<i32>} : memref<3072xi32, #tpu.memory_space<vmem>>, vector<16xi32>,
        %mul3A_438 = arith.constant 16 : i32
        %mul3A_439 = arith.muli %add3A_433, %mul3A_438 : i32
        %get3A_440 = arith.index_cast %mul3A_439 : i32 to index
        %get3A_441 = tpu.vector_load %arg20[%get3A_440] {strides = array<i32>} : memref<3072xi32, #tpu.memory_space<vmem>>, vector<16xi32>,
        %mul3A_442 = arith.constant 16 : i32
        %mul3A_443 = arith.muli %add3A_433, %mul3A_442 : i32
        %get3A_444 = arith.index_cast %mul3A_443 : i32 to index
        %get3A_445 = tpu.vector_load %arg21[%get3A_444] {strides = array<i32>} : memref<3072xi32, #tpu.memory_space<vmem>>, vector<16xi32>,
        %gather3A_446 = tpu.vector_load_idx %arg13[%get3A_437] : memref<57344xf32, #tpu.memory_space<vmem>>[vector<16xi32>], vector<16xf32>,
        %gather3A_447 = tpu.vector_load_idx %arg13[%get3A_441] : memref<57344xf32, #tpu.memory_space<vmem>>[vector<16xi32>], vector<16xf32>,
        %gather3A_448 = tpu.vector_load_idx %arg14[%get3A_445] : memref<16xf32, #tpu.memory_space<vmem>>[vector<16xi32>], vector<16xf32>,
        %mul3A_449 = arith.mulf %gather3A_446, %get3A_22 : vector<16xf32>
        %mul3A_450 = arith.mulf %gather3A_447, %get3A_24 : vector<16xf32>
        %add3A_451 = arith.addf %mul3A_449, %mul3A_450 : vector<16xf32>
        %add3A_452 = arith.addf %add3A_451, %gather3A_448 : vector<16xf32>
        %mul3A_453 = arith.constant 2.000000e-01 : f32
        %mul3A_454 = vector.broadcast %mul3A_453 : f32 to vector<16xf32>
        %mul3A_455 = arith.mulf %mul3A_454, %add3A_452 : vector<16xf32>
        %max3A_456 = arith.maximumf %add3A_452, %mul3A_455 : vector<16xf32>
        %exp3A_457 = math.exp %max3A_456 : vector<16xf32>
        %mul3A_458 = arith.constant 4 : i32
        %mul3A_459 = vector.broadcast %mul3A_458 : i32 to vector<16xi32>
        %mul3A_460 = arith.muli %get3A_441, %mul3A_459 : vector<16xi32>
        %add3A_461 = vector.broadcast %and3A_0 : i32 to vector<16xi32>
        %add3A_462 = arith.addi %mul3A_460, %add3A_461 : vector<16xi32>
        %mul3A_463 = arith.constant 2 : i32
        %mul3A_464 = arith.muli %mul3A_463, %add3A_433 : i32
        %mul3A_465 = arith.constant 16 : i32
        %mul3A_466 = arith.muli %mul3A_464, %mul3A_465 : i32
        %swap3A_467 = arith.index_cast %mul3A_466 : i32 to index
        %swap3A_468 = tpu.vector_load %arg24[%swap3A_467] {strides = array<i32>} : memref<6144xf32, #tpu.memory_space<vmem>>, vector<16xf32>,
        tpu.vector_store %arg24[%swap3A_467], %exp3A_457 {strides = array<i32>} : memref<6144xf32, #tpu.memory_space<vmem>>, vector<16xf32>,
        %mul3A_469 = arith.constant 2 : i32
        %mul3A_470 = arith.muli %mul3A_469, %add3A_433 : i32
        %mul3A_471 = arith.constant 16 : i32
        %mul3A_472 = arith.muli %mul3A_470, %mul3A_471 : i32
        %swap3A_473 = arith.index_cast %mul3A_472 : i32 to index
        %swap3A_474 = tpu.vector_load %arg25[%swap3A_473] {strides = array<i32>} : memref<6144xi32, #tpu.memory_space<vmem>>, vector<16xi32>,
        tpu.vector_store %arg25[%swap3A_473], %add3A_462 {strides = array<i32>} : memref<6144xi32, #tpu.memory_space<vmem>>, vector<16xi32>,
        %mul3A_475 = arith.mulf %exp3A_457, %get3A_26 : vector<16xf32>
        %mul3A_476 = arith.mulf %mul3A_475, %gather3A_446 : vector<16xf32>
        %mul3A_477 = arith.constant 2 : i32
        %mul3A_478 = arith.muli %mul3A_477, %add3A_433 : i32
        %add3A_479 = arith.constant 1 : i32
        %add3A_480 = arith.addi %mul3A_478, %add3A_479 : i32
        %mul3A_481 = arith.constant 16 : i32
        %mul3A_482 = arith.muli %add3A_480, %mul3A_481 : i32
        %swap3A_483 = arith.index_cast %mul3A_482 : i32 to index
        %swap3A_484 = tpu.vector_load %arg24[%swap3A_483] {strides = array<i32>} : memref<6144xf32, #tpu.memory_space<vmem>>, vector<16xf32>,
        tpu.vector_store %arg24[%swap3A_483], %mul3A_476 {strides = array<i32>} : memref<6144xf32, #tpu.memory_space<vmem>>, vector<16xf32>,
        %add3A_485 = arith.constant 2 : i32
        %add3A_486 = vector.broadcast %add3A_485 : i32 to vector<16xi32>
        %add3A_487 = arith.addi %add3A_462, %add3A_486 : vector<16xi32>
        %mul3A_488 = arith.constant 2 : i32
        %mul3A_489 = arith.muli %mul3A_488, %add3A_433 : i32
        %add3A_490 = arith.constant 1 : i32
        %add3A_491 = arith.addi %mul3A_489, %add3A_490 : i32
        %mul3A_492 = arith.constant 16 : i32
        %mul3A_493 = arith.muli %add3A_491, %mul3A_492 : i32
        %swap3A_494 = arith.index_cast %mul3A_493 : i32 to index
        %swap3A_495 = tpu.vector_load %arg25[%swap3A_494] {strides = array<i32>} : memref<6144xi32, #tpu.memory_space<vmem>>, vector<16xi32>,
        tpu.vector_store %arg25[%swap3A_494], %add3A_487 {strides = array<i32>} : memref<6144xi32, #tpu.memory_space<vmem>>, vector<16xi32>,
      }
      %scan3A_221 = arith.constant 48 : i32
      %dma_start3A_222 = arith.constant 0 : i32
      %dma_start3A_223 = tpu.memref_slice %arg31[%dma_start3A_222] : memref<229376xf32, #tpu.memory_space<vmem_shared>> -> memref<229376xf32, #tpu.memory_space<vmem_shared>>
      tpu.enqueue_indirect_dma source(%arg24 : memref<6144xf32, #tpu.memory_space<vmem>>) target(%dma_start3A_223 : memref<229376xf32, #tpu.memory_space<vmem_shared>>) offsets(%arg25 : memref<6144xi32, #tpu.memory_space<vmem>>) semaphore(%arg35 : memref<!tpu.dma_semaphore, #tpu.memory_space<semaphore_mem>>) {add = true}
      %add3A_224 = arith.constant 1 : i32
      %add3A_225 = arith.addi %add3A_166, %add3A_224 : i32
      %add3A_226 = arith.constant 2 : i32
      %add3A_227 = arith.addi %add3A_225, %add3A_226 : i32
      %mul3A_228 = arith.constant 66 : i32
      %mul3A_229 = arith.muli %shift_right_arithmetic3A_2, %mul3A_228 : i32
      %add3A_230 = arith.addi %mul3A_229, %add3A_227 : i32
      %mul3A_231 = arith.constant 3072 : i32
      %mul3A_232 = arith.muli %add3A_230, %mul3A_231 : i32
      %dma_start3A_233 = tpu.memref_slice %arg5[%mul3A_232] : memref<1628160xi32, #tpu.memory_space<hbm>> -> memref<3072xi32, #tpu.memory_space<hbm>>
      %dma_start3A_234 = tpu.memref_slice %arg5[%mul3A_232] : memref<1628160xi32, #tpu.memory_space<hbm>> -> memref<3072xi32, #tpu.memory_space<hbm>>
      tpu.enqueue_dma source(%dma_start3A_234 : memref<3072xi32, #tpu.memory_space<hbm>>) target(%arg19 : memref<3072xi32, #tpu.memory_space<vmem>>) target_semaphore(%arg33 : memref<!tpu.dma_semaphore, #tpu.memory_space<semaphore_mem>>)
      %dma_start3A_235 = tpu.memref_slice %arg6[%mul3A_232] : memref<1628160xi32, #tpu.memory_space<hbm>> -> memref<3072xi32, #tpu.memory_space<hbm>>
      %dma_start3A_236 = tpu.memref_slice %arg6[%mul3A_232] : memref<1628160xi32, #tpu.memory_space<hbm>> -> memref<3072xi32, #tpu.memory_space<hbm>>
      tpu.enqueue_dma source(%dma_start3A_236 : memref<3072xi32, #tpu.memory_space<hbm>>) target(%arg20 : memref<3072xi32, #tpu.memory_space<vmem>>) target_semaphore(%arg33 : memref<!tpu.dma_semaphore, #tpu.memory_space<semaphore_mem>>)
      %dma_start3A_237 = tpu.memref_slice %arg7[%mul3A_232] : memref<1628160xi32, #tpu.memory_space<hbm>> -> memref<3072xi32, #tpu.memory_space<hbm>>
      %dma_start3A_238 = tpu.memref_slice %arg7[%mul3A_232] : memref<1628160xi32, #tpu.memory_space<hbm>> -> memref<3072xi32, #tpu.memory_space<hbm>>
      tpu.enqueue_dma source(%dma_start3A_238 : memref<3072xi32, #tpu.memory_space<hbm>>) target(%arg21 : memref<3072xi32, #tpu.memory_space<vmem>>) target_semaphore(%arg33 : memref<!tpu.dma_semaphore, #tpu.memory_space<semaphore_mem>>)
    }
    %scan3A_115 = arith.constant 32 : i32
    %dma_wait3A_116 = arith.constant 0 : i32
    %dma_wait3A_117 = tpu.memref_slice %arg5[%dma_wait3A_116] : memref<1628160xi32, #tpu.memory_space<hbm>> -> memref<3072xi32, #tpu.memory_space<hbm>>
    %dma_wait3A_118 = arith.constant 0 : i32
    %dma_wait3A_119 = tpu.memref_slice %arg5[%dma_wait3A_118] : memref<1628160xi32, #tpu.memory_space<hbm>> -> memref<3072xi32, #tpu.memory_space<hbm>>
    tpu.wait_dma2 semaphore(%arg32 : memref<!tpu.dma_semaphore, #tpu.memory_space<semaphore_mem>>) src(%dma_wait3A_119 : memref<3072xi32, #tpu.memory_space<hbm>>) dst(%arg16 : memref<3072xi32, #tpu.memory_space<vmem>>)
    %dma_wait3A_120 = arith.constant 0 : i32
    %dma_wait3A_121 = tpu.memref_slice %arg6[%dma_wait3A_120] : memref<1628160xi32, #tpu.memory_space<hbm>> -> memref<3072xi32, #tpu.memory_space<hbm>>
    %dma_wait3A_122 = arith.constant 0 : i32
    %dma_wait3A_123 = tpu.memref_slice %arg6[%dma_wait3A_122] : memref<1628160xi32, #tpu.memory_space<hbm>> -> memref<3072xi32, #tpu.memory_space<hbm>>
    tpu.wait_dma2 semaphore(%arg32 : memref<!tpu.dma_semaphore, #tpu.memory_space<semaphore_mem>>) src(%dma_wait3A_123 : memref<3072xi32, #tpu.memory_space<hbm>>) dst(%arg17 : memref<3072xi32, #tpu.memory_space<vmem>>)
    %dma_wait3A_124 = arith.constant 0 : i32
    %dma_wait3A_125 = tpu.memref_slice %arg7[%dma_wait3A_124] : memref<1628160xi32, #tpu.memory_space<hbm>> -> memref<3072xi32, #tpu.memory_space<hbm>>
    %dma_wait3A_126 = arith.constant 0 : i32
    %dma_wait3A_127 = tpu.memref_slice %arg7[%dma_wait3A_126] : memref<1628160xi32, #tpu.memory_space<hbm>> -> memref<3072xi32, #tpu.memory_space<hbm>>
    tpu.wait_dma2 semaphore(%arg32 : memref<!tpu.dma_semaphore, #tpu.memory_space<semaphore_mem>>) src(%dma_wait3A_127 : memref<3072xi32, #tpu.memory_space<hbm>>) dst(%arg18 : memref<3072xi32, #tpu.memory_space<vmem>>)
    %dma_wait3A_128 = arith.constant 0 : i32
    %dma_wait3A_129 = tpu.memref_slice %arg31[%dma_wait3A_128] : memref<229376xf32, #tpu.memory_space<vmem_shared>> -> memref<229376xf32, #tpu.memory_space<vmem_shared>>
    tpu.wait_indirect_dma semaphore(%arg34 : memref<!tpu.dma_semaphore, #tpu.memory_space<semaphore_mem>>) src(%arg22 : memref<6144xf32, #tpu.memory_space<vmem>>) dst(%dma_wait3A_129 : memref<229376xf32, #tpu.memory_space<vmem_shared>>)
    %dma_wait3A_130 = arith.constant 0 : i32
    %dma_wait3A_131 = tpu.memref_slice %arg5[%dma_wait3A_130] : memref<1628160xi32, #tpu.memory_space<hbm>> -> memref<3072xi32, #tpu.memory_space<hbm>>
    %dma_wait3A_132 = arith.constant 0 : i32
    %dma_wait3A_133 = tpu.memref_slice %arg5[%dma_wait3A_132] : memref<1628160xi32, #tpu.memory_space<hbm>> -> memref<3072xi32, #tpu.memory_space<hbm>>
    tpu.wait_dma2 semaphore(%arg33 : memref<!tpu.dma_semaphore, #tpu.memory_space<semaphore_mem>>) src(%dma_wait3A_133 : memref<3072xi32, #tpu.memory_space<hbm>>) dst(%arg19 : memref<3072xi32, #tpu.memory_space<vmem>>)
    %dma_wait3A_134 = arith.constant 0 : i32
    %dma_wait3A_135 = tpu.memref_slice %arg6[%dma_wait3A_134] : memref<1628160xi32, #tpu.memory_space<hbm>> -> memref<3072xi32, #tpu.memory_space<hbm>>
    %dma_wait3A_136 = arith.constant 0 : i32
    %dma_wait3A_137 = tpu.memref_slice %arg6[%dma_wait3A_136] : memref<1628160xi32, #tpu.memory_space<hbm>> -> memref<3072xi32, #tpu.memory_space<hbm>>
    tpu.wait_dma2 semaphore(%arg33 : memref<!tpu.dma_semaphore, #tpu.memory_space<semaphore_mem>>) src(%dma_wait3A_137 : memref<3072xi32, #tpu.memory_space<hbm>>) dst(%arg20 : memref<3072xi32, #tpu.memory_space<vmem>>)
    %dma_wait3A_138 = arith.constant 0 : i32
    %dma_wait3A_139 = tpu.memref_slice %arg7[%dma_wait3A_138] : memref<1628160xi32, #tpu.memory_space<hbm>> -> memref<3072xi32, #tpu.memory_space<hbm>>
    %dma_wait3A_140 = arith.constant 0 : i32
    %dma_wait3A_141 = tpu.memref_slice %arg7[%dma_wait3A_140] : memref<1628160xi32, #tpu.memory_space<hbm>> -> memref<3072xi32, #tpu.memory_space<hbm>>
    tpu.wait_dma2 semaphore(%arg33 : memref<!tpu.dma_semaphore, #tpu.memory_space<semaphore_mem>>) src(%dma_wait3A_141 : memref<3072xi32, #tpu.memory_space<hbm>>) dst(%arg21 : memref<3072xi32, #tpu.memory_space<vmem>>)
    %dma_wait3A_142 = arith.constant 0 : i32
    %dma_wait3A_143 = tpu.memref_slice %arg31[%dma_wait3A_142] : memref<229376xf32, #tpu.memory_space<vmem_shared>> -> memref<229376xf32, #tpu.memory_space<vmem_shared>>
    tpu.wait_indirect_dma semaphore(%arg35 : memref<!tpu.dma_semaphore, #tpu.memory_space<semaphore_mem>>) src(%arg24 : memref<6144xf32, #tpu.memory_space<vmem>>) dst(%dma_wait3A_143 : memref<229376xf32, #tpu.memory_space<vmem_shared>>)
    %barrier3A_144 = arith.constant 0 : index
    tpu.barrier barrier_id(%barrier3A_144)
    %iota3A_145 = tpu.iota {dimensions = array<i32: 0>} : vector<16xi32>
    %mul3A_146 = arith.constant 4 : i32
    %mul3A_147 = vector.broadcast %mul3A_146 : i32 to vector<16xi32>
    %mul3A_148 = arith.muli %iota3A_145, %mul3A_147 : vector<16xi32>
    %get3A_149 = arith.constant 0 : index
    %get3A_150 = tpu.vector_load %arg30[%get3A_149] {strides = array<i32>} : memref<64xf32, #tpu.memory_space<vmem>>, vector<16xf32>,
    %get3A_151 = arith.constant 16 : index
    %get3A_152 = tpu.vector_load %arg30[%get3A_151] {strides = array<i32>} : memref<64xf32, #tpu.memory_space<vmem>>, vector<16xf32>,
    %get3A_153 = arith.constant 32 : index
    %get3A_154 = tpu.vector_load %arg30[%get3A_153] {strides = array<i32>} : memref<64xf32, #tpu.memory_space<vmem>>, vector<16xf32>,
    %get3A_155 = arith.constant 48 : index
    %get3A_156 = tpu.vector_load %arg30[%get3A_155] {strides = array<i32>} : memref<64xf32, #tpu.memory_space<vmem>>, vector<16xf32>,
    %scan3A_157 = arith.constant 0 : i32
    %scan3A_158 = arith.constant 4 : i32
    %scan3A_159 = arith.addi %scan3A_157, %scan3A_158 : i32
    %scan3A_160 = arith.constant 1 : i32
    scf.for %scan3A_162 = %scan3A_157 to %scan3A_159 step %scan3A_160  : i32 {
      %mul3A_163 = arith.constant 1 : i32
      %mul3A_164 = arith.muli %scan3A_162, %mul3A_163 : i32
      %add3A_165 = arith.constant 0 : i32
      %add3A_166 = arith.addi %add3A_165, %mul3A_164 : i32
      %mul3A_167 = arith.constant 14336 : i32
      %mul3A_168 = arith.muli %arg1, %mul3A_167 : i32
      %mul3A_169 = arith.constant 3584 : i32
      %mul3A_170 = arith.muli %add3A_166, %mul3A_169 : i32
      %add3A_171 = arith.addi %mul3A_168, %mul3A_170 : i32
      "tpu.region"() ({
        %run_scoped3A = tpu.sem_alloc : memref<!tpu.dma_semaphore, #tpu.memory_space<semaphore_mem>>
        %dma_start3A_190 = tpu.memref_slice %arg31[%add3A_171] : memref<229376xf32, #tpu.memory_space<vmem_shared>> -> memref<3584xf32, #tpu.memory_space<vmem_shared>>
        %dma_start3A_191 = tpu.memref_slice %arg31[%add3A_171] : memref<229376xf32, #tpu.memory_space<vmem_shared>> -> memref<3584xf32, #tpu.memory_space<vmem_shared>>
        tpu.enqueue_dma source(%dma_start3A_191 : memref<3584xf32, #tpu.memory_space<vmem_shared>>) target(%arg26 : memref<3584xf32, #tpu.memory_space<vmem>>) target_semaphore(%run_scoped3A : memref<!tpu.dma_semaphore, #tpu.memory_space<semaphore_mem>>)
        %dma_wait3A_192 = tpu.memref_slice %arg31[%add3A_171] : memref<229376xf32, #tpu.memory_space<vmem_shared>> -> memref<3584xf32, #tpu.memory_space<vmem_shared>>
        %dma_wait3A_193 = tpu.memref_slice %arg31[%add3A_171] : memref<229376xf32, #tpu.memory_space<vmem_shared>> -> memref<3584xf32, #tpu.memory_space<vmem_shared>>
        tpu.wait_dma2 semaphore(%run_scoped3A : memref<!tpu.dma_semaphore, #tpu.memory_space<semaphore_mem>>) src(%dma_wait3A_193 : memref<3584xf32, #tpu.memory_space<vmem_shared>>) dst(%arg26 : memref<3584xf32, #tpu.memory_space<vmem>>)
        tpu.yield
      }) : () -> ()
      %mul3A_172 = arith.constant 3584 : i32
      %mul3A_173 = arith.muli %arg1, %mul3A_172 : i32
      %mul3A_174 = arith.constant 896 : i32
      %mul3A_175 = arith.muli %add3A_166, %mul3A_174 : i32
      %add3A_176 = arith.addi %mul3A_173, %mul3A_175 : i32
      "tpu.region"() ({
        %run_scoped3A = tpu.sem_alloc : memref<!tpu.dma_semaphore, #tpu.memory_space<semaphore_mem>>
        %dma_start3A_190 = tpu.memref_slice %arg9[%add3A_176] : memref<57344xf32, #tpu.memory_space<hbm>> -> memref<896xf32, #tpu.memory_space<hbm>>
        %dma_start3A_191 = tpu.memref_slice %arg9[%add3A_176] : memref<57344xf32, #tpu.memory_space<hbm>> -> memref<896xf32, #tpu.memory_space<hbm>>
        tpu.enqueue_dma source(%dma_start3A_191 : memref<896xf32, #tpu.memory_space<hbm>>) target(%arg28 : memref<896xf32, #tpu.memory_space<vmem>>) target_semaphore(%run_scoped3A : memref<!tpu.dma_semaphore, #tpu.memory_space<semaphore_mem>>)
        %dma_wait3A_192 = tpu.memref_slice %arg9[%add3A_176] : memref<57344xf32, #tpu.memory_space<hbm>> -> memref<896xf32, #tpu.memory_space<hbm>>
        %dma_wait3A_193 = tpu.memref_slice %arg9[%add3A_176] : memref<57344xf32, #tpu.memory_space<hbm>> -> memref<896xf32, #tpu.memory_space<hbm>>
        tpu.wait_dma2 semaphore(%run_scoped3A : memref<!tpu.dma_semaphore, #tpu.memory_space<semaphore_mem>>) src(%dma_wait3A_193 : memref<896xf32, #tpu.memory_space<hbm>>) dst(%arg28 : memref<896xf32, #tpu.memory_space<vmem>>)
        tpu.yield
      }) : () -> ()
      %scan3A_177 = arith.constant 0 : i32
      %scan3A_178 = arith.constant 56 : i32
      %scan3A_179 = arith.addi %scan3A_177, %scan3A_178 : i32
      %scan3A_180 = arith.constant 1 : i32
      scf.for %scan3A_190 = %scan3A_177 to %scan3A_179 step %scan3A_180  : i32 {
        %mul3A_191 = arith.constant 1 : i32
        %mul3A_192 = arith.muli %scan3A_190, %mul3A_191 : i32
        %add3A_193 = arith.constant 0 : i32
        %add3A_194 = arith.addi %add3A_193, %mul3A_192 : i32
        %mul3A_195 = arith.constant 64 : i32
        %mul3A_196 = arith.muli %mul3A_195, %add3A_194 : i32
        %add3A_197 = vector.broadcast %mul3A_196 : i32 to vector<16xi32>
        %add3A_198 = arith.addi %mul3A_148, %add3A_197 : vector<16xi32>
        %gather3A = tpu.vector_load_idx %arg26[%add3A_198] : memref<3584xf32, #tpu.memory_space<vmem>>[vector<16xi32>], vector<16xf32>,
        %add3A_199 = arith.constant 1 : i32
        %add3A_200 = vector.broadcast %add3A_199 : i32 to vector<16xi32>
        %add3A_201 = arith.addi %add3A_198, %add3A_200 : vector<16xi32>
        %gather3A_202 = tpu.vector_load_idx %arg26[%add3A_201] : memref<3584xf32, #tpu.memory_space<vmem>>[vector<16xi32>], vector<16xf32>,
        %add3A_203 = arith.constant 2 : i32
        %add3A_204 = vector.broadcast %add3A_203 : i32 to vector<16xi32>
        %add3A_205 = arith.addi %add3A_198, %add3A_204 : vector<16xi32>
        %gather3A_206 = tpu.vector_load_idx %arg26[%add3A_205] : memref<3584xf32, #tpu.memory_space<vmem>>[vector<16xi32>], vector<16xf32>,
        %add3A_207 = arith.constant 3 : i32
        %add3A_208 = vector.broadcast %add3A_207 : i32 to vector<16xi32>
        %add3A_209 = arith.addi %add3A_198, %add3A_208 : vector<16xi32>
        %gather3A_210 = tpu.vector_load_idx %arg26[%add3A_209] : memref<3584xf32, #tpu.memory_space<vmem>>[vector<16xi32>], vector<16xf32>,
        %add3A_211 = arith.constant 9.99999971E-10 : f32
        %add3A_212 = vector.broadcast %add3A_211 : f32 to vector<16xf32>
        %add3A_213 = arith.addf %gather3A, %add3A_212 : vector<16xf32>
        %div3A = arith.divf %gather3A_206, %add3A_213 : vector<16xf32>
        %max3A = arith.constant 0.000000e+00 : f32
        %max3A_214 = vector.broadcast %max3A : f32 to vector<16xf32>
        %max3A_215 = arith.maximumf %div3A, %max3A_214 : vector<16xf32>
        %add3A_216 = arith.constant 9.99999971E-10 : f32
        %add3A_217 = vector.broadcast %add3A_216 : f32 to vector<16xf32>
        %add3A_218 = arith.addf %gather3A_202, %add3A_217 : vector<16xf32>
        %div3A_219 = arith.divf %gather3A_210, %add3A_218 : vector<16xf32>
        %max3A_220 = arith.constant 0.000000e+00 : f32
        %max3A_221 = vector.broadcast %max3A_220 : f32 to vector<16xf32>
        %max3A_222 = arith.maximumf %div3A_219, %max3A_221 : vector<16xf32>
        %mul3A_223 = arith.constant 16 : i32
        %mul3A_224 = arith.muli %add3A_194, %mul3A_223 : i32
        %get3A_225 = arith.index_cast %mul3A_224 : i32 to index
        %get3A_226 = tpu.vector_load %arg28[%get3A_225] {strides = array<i32>} : memref<896xf32, #tpu.memory_space<vmem>>, vector<16xf32>,
        %mul3A_227 = arith.mulf %get3A_226, %get3A_150 : vector<16xf32>
        %add3A_228 = arith.addf %mul3A_227, %get3A_154 : vector<16xf32>
        %mul3A_229 = arith.mulf %add3A_228, %max3A_215 : vector<16xf32>
        %mul3A_230 = arith.mulf %get3A_226, %get3A_152 : vector<16xf32>
        %add3A_231 = arith.addf %mul3A_230, %get3A_156 : vector<16xf32>
        %mul3A_232 = arith.mulf %add3A_231, %max3A_222 : vector<16xf32>
        %add3A_233 = arith.addf %mul3A_229, %mul3A_232 : vector<16xf32>
        %mul3A_234 = arith.constant 16 : i32
        %mul3A_235 = arith.muli %add3A_194, %mul3A_234 : i32
        %swap3A = arith.index_cast %mul3A_235 : i32 to index
        %swap3A_236 = tpu.vector_load %arg29[%swap3A] {strides = array<i32>} : memref<896xf32, #tpu.memory_space<vmem>>, vector<16xf32>,
        tpu.vector_store %arg29[%swap3A], %add3A_233 {strides = array<i32>} : memref<896xf32, #tpu.memory_space<vmem>>, vector<16xf32>,
      }
      %scan3A_181 = arith.constant 56 : i32
      %mul3A_182 = arith.constant 57344 : i32
      %mul3A_183 = arith.muli %arg0, %mul3A_182 : i32
      %mul3A_184 = arith.constant 3584 : i32
      %mul3A_185 = arith.muli %arg1, %mul3A_184 : i32
      %add3A_186 = arith.addi %mul3A_183, %mul3A_185 : i32
      %mul3A_187 = arith.constant 896 : i32
      %mul3A_188 = arith.muli %add3A_166, %mul3A_187 : i32
      %add3A_189 = arith.addi %add3A_186, %mul3A_188 : i32
      "tpu.region"() ({
        %run_scoped3A = tpu.sem_alloc : memref<!tpu.dma_semaphore, #tpu.memory_space<semaphore_mem>>
        %dma_start3A_190 = tpu.memref_slice %arg11[%add3A_189] : memref<114688xf32, #tpu.memory_space<hbm>> -> memref<896xf32, #tpu.memory_space<hbm>>
        %dma_start3A_191 = tpu.memref_slice %arg11[%add3A_189] : memref<114688xf32, #tpu.memory_space<hbm>> -> memref<896xf32, #tpu.memory_space<hbm>>
        tpu.enqueue_dma source(%arg29 : memref<896xf32, #tpu.memory_space<vmem>>) target(%dma_start3A_191 : memref<896xf32, #tpu.memory_space<hbm>>) target_semaphore(%run_scoped3A : memref<!tpu.dma_semaphore, #tpu.memory_space<semaphore_mem>>)
        %dma_wait3A_192 = tpu.memref_slice %arg11[%add3A_189] : memref<114688xf32, #tpu.memory_space<hbm>> -> memref<896xf32, #tpu.memory_space<hbm>>
        %dma_wait3A_193 = tpu.memref_slice %arg11[%add3A_189] : memref<114688xf32, #tpu.memory_space<hbm>> -> memref<896xf32, #tpu.memory_space<hbm>>
        tpu.wait_dma2 semaphore(%run_scoped3A : memref<!tpu.dma_semaphore, #tpu.memory_space<semaphore_mem>>) src(%arg29 : memref<896xf32, #tpu.memory_space<vmem>>) dst(%dma_wait3A_193 : memref<896xf32, #tpu.memory_space<hbm>>)
        tpu.yield
      }) : () -> ()
    }
    %scan3A_161 = arith.constant 4 : i32
    return
  }
}

module attributes {stable_mosaic.version = 14 : i64} {
  func.func @_scoring_body(%arg0: i32, %arg1: memref<400x256xf32, #tpu.memory_space<vmem>>, %arg2: memref<256x768xf32, #tpu.memory_space<vmem>>, %arg3: memref<1x768xf32, #tpu.memory_space<vmem>>, %arg4: memref<768x4xf32, #tpu.memory_space<vmem>>, %arg5: memref<1x4xf32, #tpu.memory_space<vmem>>, %arg6: memref<400x4xf32, #tpu.memory_space<vmem>>) attributes {dimension_semantics = [#tpu.dimension_semantics<arbitrary>], iteration_bounds = array<i64: 125>, scalar_prefetch = 0 : i64, scratch_operands = 0 : i64, tpu.core_type = #tpu.core_type<tc>, window_params = [{transform_indices = @transform_0, window_bounds = array<i64: 400, 256>}, {pipeline_mode = #tpu.pipeline_mode<synchronous>, transform_indices = @transform_1, window_bounds = array<i64: 256, 768>}, {pipeline_mode = #tpu.pipeline_mode<synchronous>, transform_indices = @transform_2, window_bounds = array<i64: 1, 768>}, {pipeline_mode = #tpu.pipeline_mode<synchronous>, transform_indices = @transform_3, window_bounds = array<i64: 768, 4>}, {pipeline_mode = #tpu.pipeline_mode<synchronous>, transform_indices = @transform_4, window_bounds = array<i64: 1, 4>}, {transform_indices = @transform_5, window_bounds = array<i64: 400, 4>}]} {
    %get3A = arith.constant 0 : index
    %get3A_0 = arith.constant 0 : index
    %get3A_1 = vector.load %arg1[%get3A, %get3A_0] : memref<400x256xf32, #tpu.memory_space<vmem>>, vector<400x256xf32>
    %get3A_2 = arith.constant 0 : index
    %get3A_3 = arith.constant 0 : index
    %get3A_4 = vector.load %arg2[%get3A_2, %get3A_3] : memref<256x768xf32, #tpu.memory_space<vmem>>, vector<256x768xf32>
    %dot_general3A = arith.constant dense<0.000000e+00> : vector<400x768xf32>
    %dot_general3A_5 = tpu.matmul %get3A_1, %get3A_4, %dot_general3A {dimension_numbers = #tpu.dot_dimension_numbers<[1], [0], [0], [1], [0, 0, 1, 1], [], []>, transpose_lhs_hint = false} : vector<400x256xf32>, vector<256x768xf32>, vector<400x768xf32> -> vector<400x768xf32>
    %get3A_6 = arith.constant 0 : index
    %get3A_7 = arith.constant 0 : index
    %get3A_8 = vector.load %arg3[%get3A_6, %get3A_7] : memref<1x768xf32, #tpu.memory_space<vmem>>, vector<1x768xf32>
    %add3A = vector.broadcast %get3A_8 : vector<1x768xf32> to vector<400x768xf32>
    %add3A_9 = arith.addf %dot_general3A_5, %add3A : vector<400x768xf32>
    %max3A = arith.constant 0.000000e+00 : f32
    %max3A_10 = vector.broadcast %max3A : f32 to vector<400x768xf32>
    %max3A_11 = arith.maximumf %add3A_9, %max3A_10 : vector<400x768xf32>
    %get3A_12 = arith.constant 0 : index
    %get3A_13 = arith.constant 0 : index
    %get3A_14 = vector.load %arg4[%get3A_12, %get3A_13] : memref<768x4xf32, #tpu.memory_space<vmem>>, vector<768x4xf32>
    %dot_general3A_15 = arith.constant dense<0.000000e+00> : vector<400x4xf32>
    %dot_general3A_16 = tpu.matmul %max3A_11, %get3A_14, %dot_general3A_15 {dimension_numbers = #tpu.dot_dimension_numbers<[1], [0], [0], [1], [0, 0, 1, 1], [], []>, transpose_lhs_hint = false} : vector<400x768xf32>, vector<768x4xf32>, vector<400x4xf32> -> vector<400x4xf32>
    %get3A_17 = arith.constant 0 : index
    %get3A_18 = arith.constant 0 : index
    %get3A_19 = vector.load %arg5[%get3A_17, %get3A_18] : memref<1x4xf32, #tpu.memory_space<vmem>>, vector<1x4xf32>
    %add3A_20 = vector.broadcast %get3A_19 : vector<1x4xf32> to vector<400x4xf32>
    %add3A_21 = arith.addf %dot_general3A_16, %add3A_20 : vector<400x4xf32>
    %swap3A = arith.constant 0 : index
    %swap3A_22 = arith.constant 0 : index
    %swap3A_23 = vector.load %arg6[%swap3A, %swap3A_22] : memref<400x4xf32, #tpu.memory_space<vmem>>, vector<400x4xf32>
    tpu.vector_store %arg6[%swap3A, %swap3A_22], %add3A_21 {strides = array<i32>} : memref<400x4xf32, #tpu.memory_space<vmem>>, vector<400x4xf32>,
    return
  }
  func.func @transform_0(%arg0: i32) -> (i32, i32) {
    %c0_i32 = arith.constant 0 : i32
    %c0_i32_0 = arith.constant 0 : i32
    return %arg0, %c0_i32 : i32, i32
  }
  func.func @transform_1(%arg0: i32) -> (i32, i32) {
    %c0_i32 = arith.constant 0 : i32
    %c0_i32_0 = arith.constant 0 : i32
    %c0_i32_1 = arith.constant 0 : i32
    return %c0_i32, %c0_i32_0 : i32, i32
  }
  func.func @transform_2(%arg0: i32) -> (i32, i32) {
    %c0_i32 = arith.constant 0 : i32
    %c0_i32_0 = arith.constant 0 : i32
    %c0_i32_1 = arith.constant 0 : i32
    return %c0_i32, %c0_i32_0 : i32, i32
  }
  func.func @transform_3(%arg0: i32) -> (i32, i32) {
    %c0_i32 = arith.constant 0 : i32
    %c0_i32_0 = arith.constant 0 : i32
    %c0_i32_1 = arith.constant 0 : i32
    return %c0_i32, %c0_i32_0 : i32, i32
  }
  func.func @transform_4(%arg0: i32) -> (i32, i32) {
    %c0_i32 = arith.constant 0 : i32
    %c0_i32_0 = arith.constant 0 : i32
    %c0_i32_1 = arith.constant 0 : i32
    return %c0_i32, %c0_i32_0 : i32, i32
  }
  func.func @transform_5(%arg0: i32) -> (i32, i32) {
    %c0_i32 = arith.constant 0 : i32
    %c0_i32_0 = arith.constant 0 : i32
    return %arg0, %c0_i32 : i32, i32
  }
}

module attributes {stable_mosaic.version = 14 : i64} {
  func.func @_combine_body(%arg0: i32, %arg1: memref<2x448x128xf32, #tpu.memory_space<vmem>>, %arg2: memref<448x128xf32, #tpu.memory_space<vmem>>) attributes {dimension_semantics = [#tpu.dimension_semantics<arbitrary>], iteration_bounds = array<i64: 1>, scalar_prefetch = 0 : i64, scratch_operands = 0 : i64, tpu.core_type = #tpu.core_type<tc>, window_params = [{pipeline_mode = #tpu.pipeline_mode<synchronous>, transform_indices = @transform_0, window_bounds = array<i64: 2, 448, 128>}, {pipeline_mode = #tpu.pipeline_mode<synchronous>, transform_indices = @transform_1, window_bounds = array<i64: 448, 128>}]} {
    %get3A = arith.constant 0 : index
    %get3A_0 = arith.constant 0 : index
    %get3A_1 = arith.constant 0 : index
    %get3A_2 = vector.load %arg1[%get3A, %get3A_0, %get3A_1] : memref<2x448x128xf32, #tpu.memory_space<vmem>>, vector<2x448x128xf32>
    %slice3A = vector.extract_strided_slice %get3A_2 {offsets = [0, 0, 0], sizes = [1, 448, 128], strides = [1, 1, 1]} : vector<2x448x128xf32> to vector<1x448x128xf32>
    %squeeze3A = vector.shape_cast %slice3A : vector<1x448x128xf32> to vector<448x128xf32>
    %slice3A_3 = vector.extract_strided_slice %get3A_2 {offsets = [1, 0, 0], sizes = [1, 448, 128], strides = [1, 1, 1]} : vector<2x448x128xf32> to vector<1x448x128xf32>
    %squeeze3A_4 = vector.shape_cast %slice3A_3 : vector<1x448x128xf32> to vector<448x128xf32>
    %add3A = arith.addf %squeeze3A, %squeeze3A_4 : vector<448x128xf32>
    %mul3A = arith.constant 2.500000e-01 : f32
    %mul3A_5 = vector.broadcast %mul3A : f32 to vector<448x128xf32>
    %mul3A_6 = arith.mulf %add3A, %mul3A_5 : vector<448x128xf32>
    %max3A = arith.constant 0.000000e+00 : f32
    %max3A_7 = vector.broadcast %max3A : f32 to vector<448x128xf32>
    %max3A_8 = arith.maximumf %mul3A_6, %max3A_7 : vector<448x128xf32>
    %swap3A = arith.constant 0 : index
    %swap3A_9 = arith.constant 0 : index
    %swap3A_10 = vector.load %arg2[%swap3A, %swap3A_9] : memref<448x128xf32, #tpu.memory_space<vmem>>, vector<448x128xf32>
    tpu.vector_store %arg2[%swap3A, %swap3A_9], %max3A_8 {strides = array<i32>} : memref<448x128xf32, #tpu.memory_space<vmem>>, vector<448x128xf32>,
    return
  }
  func.func @transform_0(%arg0: i32) -> (i32, i32, i32) {
    %c0_i32 = arith.constant 0 : i32
    %c0_i32_0 = arith.constant 0 : i32
    %c0_i32_1 = arith.constant 0 : i32
    %c0_i32_2 = arith.constant 0 : i32
    return %c0_i32, %c0_i32_0, %c0_i32_1 : i32, i32, i32
  }
  func.func @transform_1(%arg0: i32) -> (i32, i32) {
    %c0_i32 = arith.constant 0 : i32
    %c0_i32_0 = arith.constant 0 : i32
    %c0_i32_1 = arith.constant 0 : i32
    return %c0_i32, %c0_i32_0 : i32, i32
  }
}

</mosaic_0001>

<sc_bundles>
// kernel: kernel.6.cloned.1.call-start
scs
__scs_entry_jumppad:
0x0: {  	(pc) =	sbr.rel $0x88, $3  }
0x1: {  	(tag) =	ssettag $0x0;
	lr =	simm.s32 $0x1  }
0x2: {  	[smem:$0x3F92] =	sst lr;
	_ =	strace $0xD0000000  }
0x3: {  	_ = 	snop  }
0x4: {  	_ = 	snop  }
0x5: {  	_ = 	snop  }
0x6: {  	_ = 	snop  }
0x7: {  	_ = 	snop  }
__scs_overlays_trampoline_lowered:
0x8: {  	[smem:$0x3FA1] =	sst s0  }
0x9: {  	[smem:$0x3FA2] =	sst s1  }
0xa: {  	[smem:$0x3FA3] =	sst s2  }
0xb: {  	[smem:$0x3FA4] =	sst s3  }
0xc: {  	[smem:$0x3FA5] =	sst s4  }
0xd: {  	[smem:$0x3FA6] =	sst s5  }
0xe: {  	[smem:$0x3FA7] =	sst s6  }
0xf: {  	[smem:$0x3FA8] =	sst s7  }
0x10: {  	[smem:$0x3FA9] =	sst s8  }
0x11: {  	[smem:$0x3FAA] =	sst s9;
	s0 =	simm.s32 @!p0 $0x0  }
0x12: {  	s1 =	sld [smem:$0x3F90];
	s0 =	simm.s32 @p0 $0x1  }
0x13: {  	[smem:$0x3FAB] =	sst s0;
	s0 =	simm.s32 @!p1 $0x0  }
0x14: {  	s2 =	sld [smem:$0x3F8F];
	s0 =	simm.s32 @p1 $0x1  }
0x15: {  	[smem:$0x3FAC] =	sst s0;
	s0 =	simm.s32 @!p2 $0x0  }
0x16: {  	s3 =	sld [smem:$0x3FDB];
	s0 =	simm.s32 @p2 $0x1  }
0x17: {  	s4 =	simm.s32 $0x1BF5;
	[smem:$0x3FAE] =	sst s0  }
0x18: {  	s0 =	sld [smem:$0x3F91];
	_ =	swait.ge [sflag:s4], $0x0  }
0x19: {  	s7 =	sld [smem:$0x3F92]  }
0x1a: {  	s8 =	sadd.s32 $0xFFFFE003, lr  }
0x1b: {  	s9 =	sadd.s32 $0xFFFFFEF7, lr;
	s5 =	simm.s32 $0xFFFFFFFF;
	p2 =	slt.u32 s8, $0xFFFFF086  }
0x1c: {  	p1 =	slt.u32 s9, $0xF7A;
	s5 =	simm.s32 @!p2 $0x0  }
0x1d: {  	s5 =	simm.s32 @p1 $0x1;
	p0 =	seq.s32 s7, s2  }
0x1e: {  	s7 =	smul.u32 @!p0 $0xF7A, s2;
	p2 =	seq.s32 @!p0 s5, $0x0  }
0x1f: {  	s9 =	smul.u32 $0xF7A, s1;
	s8 =	simm.s32 @!p0 $0x1BF5;
	p2 =	por !p2, p0  }
0x20: {  	[sflag:s8] =	ssyncset.s32 @!p0 $0xFFFFF086;
	s6 =	sadd.s32 @!p0 s3, s7;
	s7 =	simm.s32 @!p0 $0x108  }
0x21: {  	s3 =	sadd.s32 s3, s9;
	s6 =	sadd.s32 @!p0 $0x88, s6;
	s7 =	simm.s32 @p2 $0x1082  }
0x22: {  	[simem:s7], [sflag:s8] =	dma.local @!p0 [hbm:s6], $0xF7A  }
0x23: {  	s9 =	sor.u32 $0xD0000000, s2;
	s6 =	simm.s32 $0x108;
	_ =	swait.ge @!p0 [sflag:s8], $0x0  }
0x24: {  	s3 =	sadd.s32 $0x88, s3;
	s6 =	simm.s32 @!p1 $0x1082;
	[sflag:s4] =	ssyncset.s32 $0xFFFFF086  }
0x25: {  	[simem:s6], [sflag:s4] =	dma.local [hbm:s3], $0xF7A  }
0x26: {  	[smem:$0x3F92] =	sst s1;
	(tag) =	ssettag s2;
	_ =	strace s9  }
0x27: {  	s1 =	sld [smem:$0x3FA2]  }
0x28: {  	s2 =	sld [smem:$0x3FA3]  }
0x29: {  	s4 =	sld [smem:$0x3FA5]  }
0x2a: {  	p0 =	seq.s32 s5, $0x0;
	s5 =	sld [smem:$0x3FA6]  }
0x2b: {  	s6 =	sld [smem:$0x3FA7]  }
0x2c: {  	s7 =	sld [smem:$0x3FA8]  }
0x2d: {  	s3 =	simm.s32 $0x108;
	s8 =	sld [smem:$0x3FA9]  }
0x2e: {  	s3 =	simm.s32 @!p0 $0x1082;
	s9 =	sld [smem:$0x3FAA]  }
0x2f: {  	lr =	sadd.s32 s0, s3;
	s0 =	sld [smem:$0x3FA1]  }
0x30: {  	s3 =	sld [smem:$0x3FA4]  }
0x31: {  	[smem:$0x3FAD] =	sst s10  }
0x32: {  	s10 =	sld [smem:$0x3FAB];
	_ =	sdelay $0x3  }
0x33: {  	p0 =	seq.s32 s10, $0x1;
	s10 =	sld [smem:$0x3FAD];
	_ =	sdelay $0x3  }
0x34: {  	[smem:$0x3FAD] =	sst s10  }
0x35: {  	s10 =	sld [smem:$0x3FAC];
	_ =	sdelay $0x3  }
0x36: {  	p1 =	seq.s32 s10, $0x1;
	s10 =	sld [smem:$0x3FAD];
	_ =	sdelay $0x3  }
0x37: {  	[smem:$0x3FAD] =	sst s10  }
0x38: {  	s10 =	sld [smem:$0x3FAE]  }
0x39: {  	_ = 	snop;
	(pc) =	sbr.ind lr, $3  }
0x3a: {  	_ = 	snop  }
0x3b: {  	_ = 	snop  }
0x3c: {  	p2 =	seq.s32 s10, $0x1;
	s10 =	sld [smem:$0x3FAD]  }
0x3d: {  	_ =	shalt  }
0x3e: {  	_ =	shalt  }
0x3f: {  	_ =	shalt  }
0x40: {  	_ =	shalt  }
0x41: {  	_ =	shalt  }
0x42: {  	_ =	shalt  }
0x43: {  	_ =	shalt  }
0x44: {  	_ =	shalt  }
0x45: {  	_ =	shalt  }
0x46: {  	_ =	shalt  }
0x47: {  	_ =	shalt  }
0x48: {  	_ =	shalt  }
0x49: {  	_ =	shalt  }
0x4a: {  	_ =	shalt  }
0x4b: {  	_ =	shalt  }
0x4c: {  	_ =	shalt  }
0x4d: {  	_ =	shalt  }
0x4e: {  	_ =	shalt  }
0x4f: {  	_ =	shalt  }
0x50: {  	_ =	shalt  }
0x51: {  	_ =	shalt  }
0x52: {  	_ =	shalt  }
0x53: {  	_ =	shalt  }
0x54: {  	_ =	shalt  }
0x55: {  	_ =	shalt  }
0x56: {  	_ =	shalt  }
0x57: {  	_ =	shalt  }
0x58: {  	_ =	shalt  }
0x59: {  	_ =	shalt  }
0x5a: {  	_ =	shalt  }
0x5b: {  	_ =	shalt  }
0x5c: {  	_ =	shalt  }
0x5d: {  	_ =	shalt  }
0x5e: {  	_ =	shalt  }
0x5f: {  	_ =	shalt  }
0x60: {  	_ =	shalt  }
0x61: {  	_ =	shalt  }
0x62: {  	_ =	shalt  }
0x63: {  	_ =	shalt  }
0x64: {  	_ =	shalt  }
0x65: {  	_ =	shalt  }
0x66: {  	_ =	shalt  }
0x67: {  	_ =	shalt  }
0x68: {  	_ =	shalt  }
0x69: {  	_ =	shalt  }
0x6a: {  	_ =	shalt  }
0x6b: {  	_ =	shalt  }
0x6c: {  	_ =	shalt  }
0x6d: {  	_ =	shalt  }
0x6e: {  	_ =	shalt  }
0x6f: {  	_ =	shalt  }
0x70: {  	_ =	shalt  }
0x71: {  	_ =	shalt  }
0x72: {  	_ =	shalt  }
0x73: {  	_ =	shalt  }
0x74: {  	_ =	shalt  }
0x75: {  	_ =	shalt  }
0x76: {  	_ =	shalt  }
0x77: {  	_ =	shalt  }
0x78: {  	_ =	shalt  }
0x79: {  	_ =	shalt  }
0x7a: {  	_ =	shalt  }
0x7b: {  	_ =	shalt  }
0x7c: {  	_ =	shalt  }
0x7d: {  	_ =	shalt  }
0x7e: {  	_ =	shalt  }
0x7f: {  	_ =	shalt  }
0x80: {  	_ =	shalt  }
0x81: {  	_ =	shalt  }
0x82: {  	_ =	shalt  }
0x83: {  	_ =	shalt  }
0x84: {  	_ =	shalt  }
0x85: {  	_ =	shalt  }
0x86: {  	_ =	shalt  }
0x87: {  	_ =	shalt  }
.Lfunc_end0:
.L_simem_size_0:
called_computation_lowered:
.L_overlay_start_0:
0x88: {  	s2 =	sld [smem:$0x3FD9]  }
0x89: {  	s3 =	sld [smem:$0x3FFE];
	_ =	sdelay $0x1  }
0x8a: {  	s1 =	srdreg.scid  }
0x8b: {  	s0 =	sand.u32 $0x1, s1  }
0x8c: {  	s17 =	sshll.u32 s0, $0xA;
	s2 =	sadd.s32 s3, s2  }
0x8d: {  	s2 =	sadd.s32 s2, s17  }
0x8e: {  	[smem:$0x3FB9] =	sst s2  }
0x8f: {  	_ = 	snop  }
0x90: {  	s2 =	sld [smem:$0x3FD0];
	(tm) =	ssettm $0x1  }
0x91: {  	s18 =	sld [smem:$0x3FFB];
	_ =	sdelay $0x3  }
0x92: {  	_ =	strace s18  }
0x93: {  	s3 =	sld [smem:$0x3FFC];
	_ =	sdelay $0x3  }
0x94: {  	_ =	strace s3  }
0x95: {  	s3 =	sld [smem:$0x3FFD];
	_ =	sdelay $0x3  }
0x96: {  	_ =	strace s3  }
0x97: {  	_ =	strace $0x8FFFFFFF  }
0x98: {  	s19 =	sld [smem:$0x3FDB];
	_ =	sdelay $0x1  }
0x99: {  	s4 =	simm.s32 $_scs_section_size  }
0x9a: {  	s5 =	simm.s32 $_size__tile_overlayer_lowered;
	s6 =	simm.s32 $_tile_overlayer_lowered  }
0x9b: {  	s22 =	simm.s32 $0x1BFF;
	s21 =	sshll.u32 s6, $0x1;
	s3 =	sadd.s32 s4, s19  }
0x9c: {  	s7 =	simm.s32 $0x0;
	s20 =	sshll.u32 s5, $0x1;
	s5 =	sadd.s32 s21, s3  }
0x9d: {  	[timem:s7], [sflag:s22] =	dma.local [hbm:s5], s20  }
0x9e: {  	_ =	swait.ge [sflag:s22], s20  }
0x9f: {  	s4 =	ssub.s32 $0x0, s20;
	[sflag:s22] =	ssyncset.done $0x0  }
0xa0: {  	[sflag:s22] =	ssyncadd.s32 s4;
	_ =	sdelay $0x1  }
0xa1: {  	s23 =	simm.s32 $0x1B8B  }
0xa2: {  	_ =	swait.ge [sflag:s23], $0x1  }
0xa3: {  	[sflag:s23] =	ssyncset.done $0x0  }
0xa4: {  	s25 =	simm.s32 $0x1B8E;
	s24 =	sld [smem:$0x3FFE];
	[sflag:s23] =	ssyncadd.s32 $0xFFFFFFFF  }
0xa5: {  	s26 =	simm.s32 $execute0_lowered;
	[smem:$0x3FD2] =	sst s25  }
0xa6: {  	s5 =	sshll.u32 s26, $0x1;
	_ =	strace $0x80000046;
	[dreg:$0x1] =	wrdreg $0xFFFFFFFF  }
0xa7: {  	s28 =	simm.s32 $_size_execute0_lowered;
	s3 =	sadd.s32 s3, s5;
	[dreg:$0x0] =	wrdreg $0x0  }
0xa8: {  	s5 =	sshll.u32 s28, $0x1;
	[dreg:$0x2] =	wrdreg s3  }
0xa9: {  	[dreg:$0x3] =	wrdreg s5  }
0xaa: {  	[dreg:$0x4] =	wrdreg $0xC0  }
0xab: {  	_ =	task [dreg:s7], $0x5FFFF  }
0xac: {  	[dreg:$0x1] =	wrdreg $0xFFFFFFFF  }
0xad: {  	[dreg:$0x0] =	wrdreg $0x60  }
0xae: {  	[dreg:$0x2] =	wrdreg s24  }
0xaf: {  	[dreg:$0x3] =	wrdreg s2  }
0xb0: {  	[dreg:$0x4] =	wrdreg $0x189000  }
0xb1: {  	[dreg:$0x5] =	wrdreg $0x9  }
0xb2: {  	_ =	task.clear_ibuf [dreg:s7], $0x6FFFF;
	_ =	strace $0x90000046  }
0xb3: {  	s29 =	simm.s32 $0x9;
	_ =	strace $0x80000048  }
0xb4: {  	_ =	swait.ge [sflag:s29], $0x1  }
0xb5: {  	[sflag:s29] =	ssyncadd.s32 $0xFFFFFFFF  }
0xb6: {  	_ =	strace $0x90000048  }
0xb7: {  	_ =	sfence  }
0xb8: {  	s30 =	sld [smem:$0x0];
	_ =	sdelay $0x2  }
0xb9: {  	s31 =	sshll.u32 s1, $0xD;
	s1 =	sshrl.u32 s1, $0x2  }
0xba: {  	s3 =	sand.u32 $0x4000, s31;
	s1 =	sadd.s32 s1, s30  }
0xbb: {  	s0 =	sor.u32 s3, s0;
	s1 =	sshll.u32 s1, $0x11  }
0xbc: {  	s0 =	sor.u32 s1, s0  }
0xbd: {  	s0 =	sadd.s32 $0x8F2B, s0  }
0xbe: {  	[sflag:s0] =	ssyncadd.remote.s32 $0x1  }
0xbf: {  	_ =	sfence.sel $0xFFFF  }
0xc0: {  	[dreg:$0x0] =	wrdreg $0xFFFFFFFF;
	(pc) =	sbr.abs _section_cstart, $3  }
0xc1: {  	[dreg:$0x1] =	wrdreg $0xFFFFFFFF  }
0xc2: {  	_ =	task.clear_ibuf [dreg:s7], $0x2FFFF;
	_ =	strace $0x9FFFFFFF  }
0xc3: {  	(tm) =	ssettm $0x7FFFFFFF  }
tec
execute0_lowered:
.L_overlay_start_1:
0x0: {  	(tag) =	ssettag $0x1  }
0x1: {  	s0 =	rddreg [dreg:$0x0]  }
0x2: {  	s1 =	srdreg.scid;
	s7 =	rddreg [dreg:$0x1]  }
0x3: {  	s16 =	stileid.u32;
	s2 =	rddreg [dreg:$0x2]  }
0x4: {  	s3 =	simm.s32 $0x0;
	s29 =	simm.s32 $0xE000;
	s30 =	simm.s32 $0x5  }
0x5: {  	s31 =	simm.s32 $0xED00;
	s1 =	sand.u32 $0x1, s1;
	s14 =	sand.u32 $0x1, s16  }
0x6: {  	[smem:$0x7FF] =	sst s3;
	s9 =	smul.u32 $0x3800, s16;
	s5 =	sadd.s32 $0x6CA00, s0  }
0x7: {  	s6 =	sadd.s32 $0x3AE00, s0;
	s16 =	sshrl.u32 s16, $0x1;
	s11 =	smul.u32 $0x38000, s1  }
0x8: {  	s4 =	sshll.u32 s1, $0x1;
	_ =	strace $0x80000047;
	s28 =	smul.u32 $0x31800, s16  }
0x9: {  	s1 =	ssub.s32 $0x2, s1;
	s19 =	smul.u32 $0x42, s16;
	s16 =	simm.s32 $0x15900  }
0xa: {  	s8 =	sor.u32 s14, s4;
	s13 =	sshrl.u32 s9, $0x3;
	s15 =	sshrl.u32 s1, $0x1  }
0xb: {  	v0 =	vmov s14;
	s14 =	simm.s32 $0x2;
	s4 =	smul.u32 $0x1C00, s8;
	s26 =	sshll.u32 s8, $0x1  }
0xc: {  	s11 =	sadd.s32 s9, s11;
	s8 =	smul.u32 $0x6, s8;
	s12 =	sadd.s32 s26, s0  }
0xd: {  	s13 =	sadd.s32 s13, s0;
	s1 =	ssub.s32 s1, s15;
	s12 =	sadd.s32 $0x9000, s12  }
0xe: {  	s11 =	sshrl.u32 s11, $0x3;
	s7 =	sadd.s32 s7, s8;
	[dreg:$0x4] =	wrdreg s12  }
0xf: {  	s10 =	sadd.s32 s4, s0;
	s8 =	sadd.s32 s9, s2;
	[dreg:$0x5] =	wrdreg s7  }
0x10: {  	s4 =	sadd.s32 $0x9200, s0;
	s9 =	sadd.s32 $0x9E600, s13;
	[dreg:$0x6] =	wrdreg s8  }
0x11: {  	s0 =	sadd.s32 s11, s0;
	[dreg:$0x7] =	wrdreg s9;
	s10 =	sadd.s32 $0x2000, s10  }
0x12: {  	s11 =	simm.s32 $0x1800;
	s0 =	sadd.s32 $0xA5600, s0;
	[dreg:$0x8] =	wrdreg s10  }
0x13: {  	s12 =	sshrl.u32 s28, $0x3;
	s28 =	smax.u32 s1, $0x1;
	[dreg:$0x15] =	wrdreg s0  }
0x14: {  	s1 =	simm.s32 $0xE100;
	s13 =	sadd.s32 s4, s12;
	[dreg:$0x16] =	wrdreg s28  }
0x15: {  	s9 =	simm.s32 $0x11D00;
	s15 =	sadd.s32 s5, s12;
	[dreg:$0x9] =	wrdreg s13  }
0x16: {  	s17 =	sadd.s32 $0x180, s12;
	s18 =	sadd.s32 s6, s12;
	[dreg:$0xa] =	wrdreg s15  }
0x17: {  	s22 =	sadd.s32 $0x300, s12;
	[dreg:$0xb] =	wrdreg s18;
	s20 =	sadd.s32 s4, s17  }
0x18: {  	s7 =	sadd.s32 $0x480, s12;
	s21 =	sadd.s32 s5, s17;
	[dreg:$0xc] =	wrdreg s20  }
0x19: {  	s0 =	simm.s32 $0xF900;
	s8 =	sadd.s32 s6, s17;
	[dreg:$0xd] =	wrdreg s21  }
0x1a: {  	s10 =	simm.s32 $0x1;
	s23 =	sadd.s32 s4, s22;
	[dreg:$0xe] =	wrdreg s8  }
0x1b: {  	s12 =	simm.s32 $0x14100;
	s24 =	sadd.s32 s5, s22;
	[dreg:$0xf] =	wrdreg s23  }
0x1c: {  	s25 =	sadd.s32 s4, s7;
	s26 =	sadd.s32 s5, s7;
	[dreg:$0x10] =	wrdreg s24  }
0x1d: {  	s7 =	sadd.s32 s6, s7;
	s13 =	simm.s32 $0x12900;
	[dreg:$0x12] =	wrdreg s25  }
0x1e: {  	s15 =	simm.s32 $0x17100;
	s17 =	simm.s32 $0x3;
	[dreg:$0x13] =	wrdreg s26  }
0x1f: {  	s18 =	simm.s32 $0x4;
	s8 =	sadd.s32 s6, s22;
	[dreg:$0x14] =	wrdreg s7  }
0x20: {  	s24 =	sadd.s32 $0x4, s19;
	s25 =	sadd.s32 $0x5, s19;
	s7 =	simm.s32 $0x10500  }
0x21: {  	v1 =	vor.u32 $0x2, v0;
	s19 =	simm.s32 $0x0;
	[dreg:$0x11] =	wrdreg s8;
	s8 =	simm.s32 $0x11100  }
.LBB2_1:
0x22: {  	s20 =	rddreg [dreg:$0x4]  }
0x23: {  	[tilespmem:s29], [sflag:$0x5] =	stream.linear.gather [hbm4b:s20+s3], $0x10, $0x38;
	[tilespmem:$0x1C100] =	vst v63  }
0x24: {  	s26 =	stileid.u32;
	_ =	swait.ge [sflag:s30], $0x10  }
0x25: {  	s21 =	simm.s32 $0xE080;
	s20 =	sshll.u32 s26, $0x6;
	[sflag:s30] =	ssyncset.done $0x0  }
0x26: {  	s28 =	sor.u32 $0x1C05, s20;
	s23 =	rddreg [dreg:$0x5];
	[sflag:s30] =	ssyncadd.s32 $0xFFFFFFF0  }
0x27: {  	[tilespmem:s21], [sflag:$0x5] =	stream.linear.gather [hbm4b:s23+s3], $0x30, $0x38;
	[tilespmem:$0x1C100] =	vst v63  }
0x28: {  	_ =	swait.ge [sflag:s30], $0x30;
	[dreg:$0x17] =	wrdreg s28  }
0x29: {  	s22 =	rddreg [dreg:$0x6]  }
0x2a: {  	[sflag:s30] =	ssyncset.done $0x0;
	s23 =	rddreg [dreg:$0x7];
	s22 =	sshrl.u32 s22, $0x3  }
0x2b: {  	[sflag:s30] =	ssyncadd.s32 $0xFFFFFFD0;
	[dreg:$0x18] =	wrdreg s22  }
0x2c: {  	[spmem:s22], [sflag:s28] =	dma.local [hbm:s23], $0x700  }
0x2d: {  	_ =	swait.ge [sflag:s30], $0x700  }
0x2e: {  	[sflag:s30] =	ssyncset.done $0x0  }
0x2f: {  	s26 =	rddreg [dreg:$0x8];
	[sflag:s30] =	ssyncadd.s32 $0xFFFFF900  }
0x30: {  	[tilespmem:s3], [sflag:$0x5] =	stream.linear.gather [hbm4b:s26+s3], $0xE000, $0x38;
	[tilespmem:$0x1C100] =	vst v63  }
0x31: {  	_ =	swait.ge [sflag:s30], $0xE000  }
0x32: {  	[sflag:s30] =	ssyncset.done $0x0  }
0x33: {  	[sflag:s30] =	ssyncadd.s32 $0xFFFF2000  }
0x34: {  	[bflag:$0x0] =	sbarrier.arrive $0xFFFF  }
0x35: {  	v2 =	vld [tilespmem:$0xE080]  }
0x36: {  	v3 =	vld [tilespmem:$0xE090];
	s28 =	rddreg [dreg:$0x9]  }
0x37: {  	v4 =	vld [tilespmem:$0xE0A0];
	[tilespmem:s1], [sflag:$0x1] =	stream.linear.gather [hbm4b:s28+s3], $0xC00, $0x38  }
0x38: {  	s21 =	rddreg [dreg:$0xa]  }
0x39: {  	[tilespmem:s31], [sflag:$0x1] =	stream.linear.gather [hbm4b:s21+s3], $0xC00, $0x38;
	[tilespmem:$0x1C100] =	vst v63  }
0x3a: {  	s22 =	rddreg [dreg:$0xb]  }
0x3b: {  	[tilespmem:s0], [sflag:$0x1] =	stream.linear.gather [hbm4b:s22+s3], $0xC00, $0x38;
	[tilespmem:$0x1C100] =	vst v63  }
0x3c: {  	s23 =	rddreg [dreg:$0xc]  }
0x3d: {  	[tilespmem:s7], [sflag:$0x2] =	stream.linear.gather [hbm4b:s23+s3], $0xC00, $0x38;
	[tilespmem:$0x1C100] =	vst v63  }
0x3e: {  	s26 =	rddreg [dreg:$0xd]  }
0x3f: {  	[tilespmem:s8], [sflag:$0x2] =	stream.linear.gather [hbm4b:s26+s3], $0xC00, $0x38;
	[tilespmem:$0x1C100] =	vst v63  }
0x40: {  	s28 =	rddreg [dreg:$0xe]  }
0x41: {  	[tilespmem:s9], [sflag:$0x2] =	stream.linear.gather [hbm4b:s28+s3], $0xC00, $0x38;
	[tilespmem:$0x1C100] =	vst v63  }
0x42: {  	_ =	swait.ge [sflag:s10], $0xC00  }
0x43: {  	[sflag:s10] =	ssyncset.done $0x0  }
0x44: {  	[sflag:s10] =	ssyncadd.s32 $0xFFFFF400  }
0x45: {  	_ =	swait.ge [sflag:s10], $0xC00  }
0x46: {  	[sflag:s10] =	ssyncset.done $0x0  }
0x47: {  	[sflag:s10] =	ssyncadd.s32 $0xFFFFF400  }
0x48: {  	_ =	swait.ge [sflag:s10], $0xC00  }
0x49: {  	s22 =	simm.s32 $0xC0;
	[sflag:s10] =	ssyncset.done $0x0  }
0x4a: {  	s23 =	simm.s32 $0x14140;
	s26 =	simm.s32 $0x12940;
	[sflag:s10] =	ssyncadd.s32 $0xFFFFF400  }
.LBB2_2:
0x4b: {  	s20 =	sshra.s32 s22, $0x2  }
0x4c: {  	v5 =	vld [tilespmem:s20+$0xE0D0]  }
0x4d: {  	v6 =	vld [tilespmem:s20+$0xECD0];
	_ =	sdelay $0x3  }
0x4e: {  	v7 =	vld [tilespmem:s20+$0xF8D0];
	_ =	sdelay $0x2  }
0x4f: {  	v5 =	vld.idx.msk [tilespmem:v5+s3+$0x0], $0xffff  }
0x50: {  	v8 =	vld.idx.msk [tilespmem:v6+s3+$0x0], $0xffff;
	_ =	sdelay $0x3  }
0x51: {  	v7 =	vld.idx.msk [tilespmem:v7+s29+$0x0], $0xffff  }
0x52: {  	v9 =	vmul.f32 v5, v2;
	v8 =	vmul.f32 v8, v3;
	_ =	sdelay $0x1  }
0x53: {  	v8 =	vadd.f32 v8, v9;
	_ =	sdelay $0x1  }
0x54: {  	v7 =	vadd.f32 v8, v7;
	_ =	sdelay $0x1  }
0x55: {  	v8 =	vmul.f32 $2.000000030e-01, v7;
	_ =	sdelay $0x1  }
0x56: {  	v7 =	vmax.f32 v7, v8  }
0x57: {  	v7 =	vmul.f32 $1.442695020e+00, v7;
	_ =	sdelay $0x1  }
0x58: {  	(erf) = vpow2.f32 v7;
	_ =	sdelay $0x8  }
0x59: {  	v7 =	vpop (erf)  }
0x5a: {  	v50 =	vmul.f32 v7, v4  }
0x5b: {  	v6 =	vshll.u32 v6, $0x2  }
0x5c: {  	v51 =	vor.u32 v0, v6;
	[tilespmem:s26+$0xFFFFFFC0] =	vst v7;
	v5 =	vmul.f32 v50, v5  }
0x5d: {  	[tilespmem:s23+$0xFFFFFFC0] =	vst v51  }
0x5e: {  	[tilespmem:s26+$0xFFFFFFD0] =	vst v5;
	v5 =	vor.u32 v1, v6  }
0x5f: {  	[tilespmem:s23+$0xFFFFFFD0] =	vst v5  }
0x60: {  	v5 =	vld [tilespmem:s20+$0xE0E0]  }
0x61: {  	v6 =	vld [tilespmem:s20+$0xECE0];
	_ =	sdelay $0x3  }
0x62: {  	v7 =	vld [tilespmem:s20+$0xF8E0];
	_ =	sdelay $0x2  }
0x63: {  	v5 =	vld.idx.msk [tilespmem:v5+s3+$0x0], $0xffff  }
0x64: {  	v52 =	vld.idx.msk [tilespmem:v6+s3+$0x0], $0xffff;
	_ =	sdelay $0x3  }
0x65: {  	v7 =	vld.idx.msk [tilespmem:v7+s29+$0x0], $0xffff  }
0x66: {  	v53 =	vmul.f32 v5, v2;
	v8 =	vmul.f32 v52, v3;
	_ =	sdelay $0x1  }
0x67: {  	v8 =	vadd.f32 v8, v53;
	_ =	sdelay $0x1  }
0x68: {  	v7 =	vadd.f32 v8, v7;
	_ =	sdelay $0x1  }
0x69: {  	v8 =	vmul.f32 $2.000000030e-01, v7;
	_ =	sdelay $0x1  }
0x6a: {  	v7 =	vmax.f32 v7, v8  }
0x6b: {  	v7 =	vmul.f32 $1.442695020e+00, v7;
	_ =	sdelay $0x1  }
0x6c: {  	(erf) = vpow2.f32 v7;
	_ =	sdelay $0x8  }
0x6d: {  	v7 =	vpop (erf)  }
0x6e: {  	v54 =	vmul.f32 v7, v4  }
0x6f: {  	v6 =	vshll.u32 v6, $0x2  }
0x70: {  	v55 =	vor.u32 v0, v6;
	[tilespmem:s26+$0xFFFFFFE0] =	vst v7;
	v5 =	vmul.f32 v54, v5  }
0x71: {  	[tilespmem:s23+$0xFFFFFFE0] =	vst v55  }
0x72: {  	[tilespmem:s26+$0xFFFFFFF0] =	vst v5;
	v5 =	vor.u32 v1, v6  }
0x73: {  	[tilespmem:s23+$0xFFFFFFF0] =	vst v5  }
0x74: {  	v5 =	vld [tilespmem:s20+$0xE0F0]  }
0x75: {  	v6 =	vld [tilespmem:s20+$0xECF0];
	_ =	sdelay $0x3  }
0x76: {  	v7 =	vld [tilespmem:s20+$0xF8F0];
	_ =	sdelay $0x2  }
0x77: {  	v5 =	vld.idx.msk [tilespmem:v5+s3+$0x0], $0xffff  }
0x78: {  	v56 =	vld.idx.msk [tilespmem:v6+s3+$0x0], $0xffff;
	_ =	sdelay $0x3  }
0x79: {  	v7 =	vld.idx.msk [tilespmem:v7+s29+$0x0], $0xffff  }
0x7a: {  	v57 =	vmul.f32 v5, v2;
	v8 =	vmul.f32 v56, v3;
	_ =	sdelay $0x1  }
0x7b: {  	v8 =	vadd.f32 v8, v57;
	_ =	sdelay $0x1  }
0x7c: {  	v7 =	vadd.f32 v8, v7;
	_ =	sdelay $0x1  }
0x7d: {  	v8 =	vmul.f32 $2.000000030e-01, v7;
	_ =	sdelay $0x1  }
0x7e: {  	v7 =	vmax.f32 v7, v8  }
0x7f: {  	v7 =	vmul.f32 $1.442695020e+00, v7;
	_ =	sdelay $0x1  }
0x80: {  	(erf) = vpow2.f32 v7;
	_ =	sdelay $0x8  }
0x81: {  	v7 =	vpop (erf)  }
0x82: {  	v58 =	vmul.f32 v7, v4  }
0x83: {  	v6 =	vshll.u32 v6, $0x2  }
0x84: {  	v59 =	vor.u32 v0, v6;
	[tilespmem:s26+$0x0] =	vst v7;
	v5 =	vmul.f32 v58, v5  }
0x85: {  	[tilespmem:s23+$0x0] =	vst v59  }
0x86: {  	[tilespmem:s26+$0x10] =	vst v5;
	v5 =	vor.u32 v1, v6  }
0x87: {  	[tilespmem:s23+$0x10] =	vst v5  }
0x88: {  	v5 =	vld [tilespmem:s20+$0xE100]  }
0x89: {  	v6 =	vld [tilespmem:s20+$0xED00];
	_ =	sdelay $0x3  }
0x8a: {  	v7 =	vld [tilespmem:s20+$0xF900];
	_ =	sdelay $0x2  }
0x8b: {  	v5 =	vld.idx.msk [tilespmem:v5+s3+$0x0], $0xffff  }
0x8c: {  	v60 =	vld.idx.msk [tilespmem:v6+s3+$0x0], $0xffff;
	_ =	sdelay $0x3  }
0x8d: {  	v7 =	vld.idx.msk [tilespmem:v7+s29+$0x0], $0xffff  }
0x8e: {  	v61 =	vmul.f32 v5, v2;
	v8 =	vmul.f32 v60, v3;
	_ =	sdelay $0x1  }
0x8f: {  	v8 =	vadd.f32 v8, v61;
	_ =	sdelay $0x1  }
0x90: {  	v7 =	vadd.f32 v8, v7;
	_ =	sdelay $0x1  }
0x91: {  	v8 =	vmul.f32 $2.000000030e-01, v7;
	_ =	sdelay $0x1  }
0x92: {  	v7 =	vmax.f32 v7, v8  }
0x93: {  	v7 =	vmul.f32 $1.442695020e+00, v7;
	_ =	sdelay $0x1  }
0x94: {  	(erf) = vpow2.f32 v7;
	_ =	sdelay $0x8  }
0x95: {  	v7 =	vpop (erf)  }
0x96: {  	p0 =	sne.s32 s22, $0x2FC0;
	v62 =	vmul.f32 v7, v4  }
.Ltmp0:
0x97: {  	v6 =	vshll.u32 v6, $0x2;
	(pc) =	sbr.rel @p0 .LBB2_2-.Ltmp0, $4  }
0x98: {  	v63 =	vor.u32 v0, v6;
	[tilespmem:s26+$0x20] =	vst v7;
	v5 =	vmul.f32 v62, v5  }
0x99: {  	[tilespmem:s23+$0x20] =	vst v63  }
0x9a: {  	[tilespmem:s26+$0x30] =	vst v5;
	v5 =	vor.u32 v1, v6  }
0x9b: {  	s22 =	sadd.s32 $0x100, s22;
	s26 =	sadd.s32 $0x80, s26;
	[tilespmem:s23+$0x30] =	vst v5;
	s23 =	sadd.s32 $0x80, s23  }
0x9c: {  	[spmem:s2] =	stream.indirect.scatter.add.f32 [tilespmem:s13], [sflag:$0x3], $0x1, s12, s11, $0xb8;
	[tilespmem:$0x1C100] =	vst v63  }
0x9d: {  	s20 =	rddreg [dreg:$0xf]  }
0x9e: {  	[tilespmem:s1], [sflag:$0x1] =	stream.linear.gather [hbm4b:s20+s3], $0xC00, $0x38;
	[tilespmem:$0x1C100] =	vst v63  }
0x9f: {  	s26 =	rddreg [dreg:$0x10]  }
0xa0: {  	[tilespmem:s31], [sflag:$0x1] =	stream.linear.gather [hbm4b:s26+s3], $0xC00, $0x38;
	[tilespmem:$0x1C100] =	vst v63  }
0xa1: {  	s28 =	rddreg [dreg:$0x11]  }
0xa2: {  	[tilespmem:s0], [sflag:$0x1] =	stream.linear.gather [hbm4b:s28+s3], $0xC00, $0x38;
	[tilespmem:$0x1C100] =	vst v63  }
0xa3: {  	_ =	swait.ge [sflag:s14], $0xC00  }
0xa4: {  	[sflag:s14] =	ssyncset.done $0x0  }
0xa5: {  	[sflag:s14] =	ssyncadd.s32 $0xFFFFF400  }
0xa6: {  	_ =	swait.ge [sflag:s14], $0xC00  }
0xa7: {  	[sflag:s14] =	ssyncset.done $0x0  }
0xa8: {  	[sflag:s14] =	ssyncadd.s32 $0xFFFFF400  }
0xa9: {  	_ =	swait.ge [sflag:s14], $0xC00  }
0xaa: {  	s22 =	simm.s32 $0xC0;
	[sflag:s14] =	ssyncset.done $0x0  }
0xab: {  	s23 =	simm.s32 $0x17140;
	s26 =	simm.s32 $0x15940;
	[sflag:s14] =	ssyncadd.s32 $0xFFFFF400  }
.LBB2_4:
0xac: {  	s20 =	sshra.s32 s22, $0x2  }
0xad: {  	v5 =	vld [tilespmem:s20+$0x104D0]  }
0xae: {  	v6 =	vld [tilespmem:s20+$0x110D0];
	_ =	sdelay $0x3  }
0xaf: {  	v7 =	vld [tilespmem:s20+$0x11CD0];
	_ =	sdelay $0x2  }
0xb0: {  	v5 =	vld.idx.msk [tilespmem:v5+s3+$0x0], $0xffff  }
0xb1: {  	v8 =	vld.idx.msk [tilespmem:v6+s3+$0x0], $0xffff;
	_ =	sdelay $0x3  }
0xb2: {  	v7 =	vld.idx.msk [tilespmem:v7+s29+$0x0], $0xffff  }
0xb3: {  	v9 =	vmul.f32 v5, v2;
	v8 =	vmul.f32 v8, v3;
	_ =	sdelay $0x1  }
0xb4: {  	v8 =	vadd.f32 v8, v9;
	_ =	sdelay $0x1  }
0xb5: {  	v7 =	vadd.f32 v8, v7;
	_ =	sdelay $0x1  }
0xb6: {  	v8 =	vmul.f32 $2.000000030e-01, v7;
	_ =	sdelay $0x1  }
0xb7: {  	v7 =	vmax.f32 v7, v8  }
0xb8: {  	v7 =	vmul.f32 $1.442695020e+00, v7;
	_ =	sdelay $0x1  }
0xb9: {  	(erf) = vpow2.f32 v7;
	_ =	sdelay $0x8  }
0xba: {  	v7 =	vpop (erf)  }
0xbb: {  	v50 =	vmul.f32 v7, v4  }
0xbc: {  	v6 =	vshll.u32 v6, $0x2  }
0xbd: {  	v51 =	vor.u32 v0, v6;
	[tilespmem:s26+$0xFFFFFFC0] =	vst v7;
	v5 =	vmul.f32 v50, v5  }
0xbe: {  	[tilespmem:s23+$0xFFFFFFC0] =	vst v51  }
0xbf: {  	[tilespmem:s26+$0xFFFFFFD0] =	vst v5;
	v5 =	vor.u32 v1, v6  }
0xc0: {  	[tilespmem:s23+$0xFFFFFFD0] =	vst v5  }
0xc1: {  	v5 =	vld [tilespmem:s20+$0x104E0]  }
0xc2: {  	v6 =	vld [tilespmem:s20+$0x110E0];
	_ =	sdelay $0x3  }
0xc3: {  	v7 =	vld [tilespmem:s20+$0x11CE0];
	_ =	sdelay $0x2  }
0xc4: {  	v5 =	vld.idx.msk [tilespmem:v5+s3+$0x0], $0xffff  }
0xc5: {  	v52 =	vld.idx.msk [tilespmem:v6+s3+$0x0], $0xffff;
	_ =	sdelay $0x3  }
0xc6: {  	v7 =	vld.idx.msk [tilespmem:v7+s29+$0x0], $0xffff  }
0xc7: {  	v53 =	vmul.f32 v5, v2;
	v8 =	vmul.f32 v52, v3;
	_ =	sdelay $0x1  }
0xc8: {  	v8 =	vadd.f32 v8, v53;
	_ =	sdelay $0x1  }
0xc9: {  	v7 =	vadd.f32 v8, v7;
	_ =	sdelay $0x1  }
0xca: {  	v8 =	vmul.f32 $2.000000030e-01, v7;
	_ =	sdelay $0x1  }
0xcb: {  	v7 =	vmax.f32 v7, v8  }
0xcc: {  	v7 =	vmul.f32 $1.442695020e+00, v7;
	_ =	sdelay $0x1  }
0xcd: {  	(erf) = vpow2.f32 v7;
	_ =	sdelay $0x8  }
0xce: {  	v7 =	vpop (erf)  }
0xcf: {  	v54 =	vmul.f32 v7, v4  }
0xd0: {  	v6 =	vshll.u32 v6, $0x2  }
0xd1: {  	v55 =	vor.u32 v0, v6;
	[tilespmem:s26+$0xFFFFFFE0] =	vst v7;
	v5 =	vmul.f32 v54, v5  }
0xd2: {  	[tilespmem:s23+$0xFFFFFFE0] =	vst v55  }
0xd3: {  	[tilespmem:s26+$0xFFFFFFF0] =	vst v5;
	v5 =	vor.u32 v1, v6  }
0xd4: {  	[tilespmem:s23+$0xFFFFFFF0] =	vst v5  }
0xd5: {  	v5 =	vld [tilespmem:s20+$0x104F0]  }
0xd6: {  	v6 =	vld [tilespmem:s20+$0x110F0];
	_ =	sdelay $0x3  }
0xd7: {  	v7 =	vld [tilespmem:s20+$0x11CF0];
	_ =	sdelay $0x2  }
0xd8: {  	v5 =	vld.idx.msk [tilespmem:v5+s3+$0x0], $0xffff  }
0xd9: {  	v56 =	vld.idx.msk [tilespmem:v6+s3+$0x0], $0xffff;
	_ =	sdelay $0x3  }
0xda: {  	v7 =	vld.idx.msk [tilespmem:v7+s29+$0x0], $0xffff  }
0xdb: {  	v57 =	vmul.f32 v5, v2;
	v8 =	vmul.f32 v56, v3;
	_ =	sdelay $0x1  }
0xdc: {  	v8 =	vadd.f32 v8, v57;
	_ =	sdelay $0x1  }
0xdd: {  	v7 =	vadd.f32 v8, v7;
	_ =	sdelay $0x1  }
0xde: {  	v8 =	vmul.f32 $2.000000030e-01, v7;
	_ =	sdelay $0x1  }
0xdf: {  	v7 =	vmax.f32 v7, v8  }
0xe0: {  	v7 =	vmul.f32 $1.442695020e+00, v7;
	_ =	sdelay $0x1  }
0xe1: {  	(erf) = vpow2.f32 v7;
	_ =	sdelay $0x8  }
0xe2: {  	v7 =	vpop (erf)  }
0xe3: {  	v58 =	vmul.f32 v7, v4  }
0xe4: {  	v6 =	vshll.u32 v6, $0x2  }
0xe5: {  	v59 =	vor.u32 v0, v6;
	[tilespmem:s26+$0x0] =	vst v7;
	v5 =	vmul.f32 v58, v5  }
0xe6: {  	[tilespmem:s23+$0x0] =	vst v59  }
0xe7: {  	[tilespmem:s26+$0x10] =	vst v5;
	v5 =	vor.u32 v1, v6  }
0xe8: {  	[tilespmem:s23+$0x10] =	vst v5  }
0xe9: {  	v5 =	vld [tilespmem:s20+$0x10500]  }
0xea: {  	v6 =	vld [tilespmem:s20+$0x11100];
	_ =	sdelay $0x3  }
0xeb: {  	v7 =	vld [tilespmem:s20+$0x11D00];
	_ =	sdelay $0x2  }
0xec: {  	v5 =	vld.idx.msk [tilespmem:v5+s3+$0x0], $0xffff  }
0xed: {  	v60 =	vld.idx.msk [tilespmem:v6+s3+$0x0], $0xffff;
	_ =	sdelay $0x3  }
0xee: {  	v7 =	vld.idx.msk [tilespmem:v7+s29+$0x0], $0xffff  }
0xef: {  	v61 =	vmul.f32 v5, v2;
	v8 =	vmul.f32 v60, v3;
	_ =	sdelay $0x1  }
0xf0: {  	v8 =	vadd.f32 v8, v61;
	_ =	sdelay $0x1  }
0xf1: {  	v7 =	vadd.f32 v8, v7;
	_ =	sdelay $0x1  }
0xf2: {  	v8 =	vmul.f32 $2.000000030e-01, v7;
	_ =	sdelay $0x1  }
0xf3: {  	v7 =	vmax.f32 v7, v8  }
0xf4: {  	v7 =	vmul.f32 $1.442695020e+00, v7;
	_ =	sdelay $0x1  }
0xf5: {  	(erf) = vpow2.f32 v7;
	_ =	sdelay $0x8  }
0xf6: {  	v7 =	vpop (erf)  }
0xf7: {  	p0 =	sne.s32 s22, $0x2FC0;
	v62 =	vmul.f32 v7, v4  }
.Ltmp1:
0xf8: {  	v6 =	vshll.u32 v6, $0x2;
	(pc) =	sbr.rel @p0 .LBB2_4-.Ltmp1, $4  }
0xf9: {  	v63 =	vor.u32 v0, v6;
	[tilespmem:s26+$0x20] =	vst v7;
	v5 =	vmul.f32 v62, v5  }
0xfa: {  	[tilespmem:s23+$0x20] =	vst v63  }
0xfb: {  	[tilespmem:s26+$0x30] =	vst v5;
	v5 =	vor.u32 v1, v6  }
0xfc: {  	s22 =	sadd.s32 $0x100, s22;
	s26 =	sadd.s32 $0x80, s26;
	[tilespmem:s23+$0x30] =	vst v5;
	s23 =	sadd.s32 $0x80, s23  }
0xfd: {  	[spmem:s2] =	stream.indirect.scatter.add.f32 [tilespmem:s16], [sflag:$0x4], $0x1, s15, s11, $0xb8;
	[tilespmem:$0x1C100] =	vst v63  }
0xfe: {  	s22 =	simm.s32 $0x0;
	s20 =	rddreg [dreg:$0x12]  }
0xff: {  	[tilespmem:s7], [sflag:$0x2] =	stream.linear.gather [hbm4b:s20+s22], $0xC00, $0x38;
	[tilespmem:$0x1C100] =	vst v63  }
0x100: {  	s26 =	rddreg [dreg:$0x13]  }
0x101: {  	[tilespmem:s8], [sflag:$0x2] =	stream.linear.gather [hbm4b:s26+s22], $0xC00, $0x38;
	[tilespmem:$0x1C100] =	vst v63  }
0x102: {  	s28 =	rddreg [dreg:$0x14]  }
0x103: {  	[tilespmem:s9], [sflag:$0x2] =	stream.linear.gather [hbm4b:s28+s22], $0xC00, $0x38;
	[tilespmem:$0x1C100] =	vst v63  }
.LBB2_6:
0x104: {  	_ =	swait.ge [sflag:s10], $0xC00  }
0x105: {  	[sflag:s10] =	ssyncset.done $0x0  }
0x106: {  	[sflag:s10] =	ssyncadd.s32 $0xFFFFF400  }
0x107: {  	_ =	swait.ge [sflag:s10], $0xC00  }
0x108: {  	[sflag:s10] =	ssyncset.done $0x0  }
0x109: {  	[sflag:s10] =	ssyncadd.s32 $0xFFFFF400  }
0x10a: {  	_ =	swait.ge [sflag:s10], $0xC00  }
0x10b: {  	[sflag:s10] =	ssyncset.done $0x0  }
0x10c: {  	[sflag:s10] =	ssyncadd.s32 $0xFFFFF400  }
0x10d: {  	_ =	swait.ge [sflag:s17], $0x1800  }
0x10e: {  	s23 =	simm.s32 $0xC0;
	[sflag:s17] =	ssyncset.done $0x0  }
0x10f: {  	s26 =	simm.s32 $0x14140;
	s28 =	simm.s32 $0x12940;
	[sflag:s17] =	ssyncadd.s32 $0xFFFFE800  }
.LBB2_7:
0x110: {  	s20 =	sshra.s32 s23, $0x2  }
0x111: {  	v5 =	vld [tilespmem:s20+$0xE0D0]  }
0x112: {  	v6 =	vld [tilespmem:s20+$0xECD0];
	_ =	sdelay $0x3  }
0x113: {  	v7 =	vld [tilespmem:s20+$0xF8D0];
	_ =	sdelay $0x2  }
0x114: {  	v5 =	vld.idx.msk [tilespmem:v5+s3+$0x0], $0xffff  }
0x115: {  	v8 =	vld.idx.msk [tilespmem:v6+s3+$0x0], $0xffff;
	_ =	sdelay $0x3  }
0x116: {  	v7 =	vld.idx.msk [tilespmem:v7+s29+$0x0], $0xffff  }
0x117: {  	v9 =	vmul.f32 v5, v2;
	v8 =	vmul.f32 v8, v3;
	_ =	sdelay $0x1  }
0x118: {  	v8 =	vadd.f32 v8, v9;
	_ =	sdelay $0x1  }
0x119: {  	v7 =	vadd.f32 v8, v7;
	_ =	sdelay $0x1  }
0x11a: {  	v8 =	vmul.f32 $2.000000030e-01, v7;
	_ =	sdelay $0x1  }
0x11b: {  	v7 =	vmax.f32 v7, v8  }
0x11c: {  	v7 =	vmul.f32 $1.442695020e+00, v7;
	_ =	sdelay $0x1  }
0x11d: {  	(erf) = vpow2.f32 v7;
	_ =	sdelay $0x8  }
0x11e: {  	v7 =	vpop (erf)  }
0x11f: {  	v50 =	vmul.f32 v7, v4  }
0x120: {  	v6 =	vshll.u32 v6, $0x2  }
0x121: {  	v51 =	vor.u32 v0, v6;
	[tilespmem:s28+$0xFFFFFFC0] =	vst v7;
	v5 =	vmul.f32 v50, v5  }
0x122: {  	[tilespmem:s26+$0xFFFFFFC0] =	vst v51  }
0x123: {  	[tilespmem:s28+$0xFFFFFFD0] =	vst v5;
	v5 =	vor.u32 v1, v6  }
0x124: {  	[tilespmem:s26+$0xFFFFFFD0] =	vst v5  }
0x125: {  	v5 =	vld [tilespmem:s20+$0xE0E0]  }
0x126: {  	v6 =	vld [tilespmem:s20+$0xECE0];
	_ =	sdelay $0x3  }
0x127: {  	v7 =	vld [tilespmem:s20+$0xF8E0];
	_ =	sdelay $0x2  }
0x128: {  	v5 =	vld.idx.msk [tilespmem:v5+s3+$0x0], $0xffff  }
0x129: {  	v52 =	vld.idx.msk [tilespmem:v6+s3+$0x0], $0xffff;
	_ =	sdelay $0x3  }
0x12a: {  	v7 =	vld.idx.msk [tilespmem:v7+s29+$0x0], $0xffff  }
0x12b: {  	v53 =	vmul.f32 v5, v2;
	v8 =	vmul.f32 v52, v3;
	_ =	sdelay $0x1  }
0x12c: {  	v8 =	vadd.f32 v8, v53;
	_ =	sdelay $0x1  }
0x12d: {  	v7 =	vadd.f32 v8, v7;
	_ =	sdelay $0x1  }
0x12e: {  	v8 =	vmul.f32 $2.000000030e-01, v7;
	_ =	sdelay $0x1  }
0x12f: {  	v7 =	vmax.f32 v7, v8  }
0x130: {  	v7 =	vmul.f32 $1.442695020e+00, v7;
	_ =	sdelay $0x1  }
0x131: {  	(erf) = vpow2.f32 v7;
	_ =	sdelay $0x8  }
0x132: {  	v7 =	vpop (erf)  }
0x133: {  	v54 =	vmul.f32 v7, v4  }
0x134: {  	v6 =	vshll.u32 v6, $0x2  }
0x135: {  	v55 =	vor.u32 v0, v6;
	[tilespmem:s28+$0xFFFFFFE0] =	vst v7;
	v5 =	vmul.f32 v54, v5  }
0x136: {  	[tilespmem:s26+$0xFFFFFFE0] =	vst v55  }
0x137: {  	[tilespmem:s28+$0xFFFFFFF0] =	vst v5;
	v5 =	vor.u32 v1, v6  }
0x138: {  	[tilespmem:s26+$0xFFFFFFF0] =	vst v5  }
0x139: {  	v5 =	vld [tilespmem:s20+$0xE0F0]  }
0x13a: {  	v6 =	vld [tilespmem:s20+$0xECF0];
	_ =	sdelay $0x3  }
0x13b: {  	v7 =	vld [tilespmem:s20+$0xF8F0];
	_ =	sdelay $0x2  }
0x13c: {  	v5 =	vld.idx.msk [tilespmem:v5+s3+$0x0], $0xffff  }
0x13d: {  	v56 =	vld.idx.msk [tilespmem:v6+s3+$0x0], $0xffff;
	_ =	sdelay $0x3  }
0x13e: {  	v7 =	vld.idx.msk [tilespmem:v7+s29+$0x0], $0xffff  }
0x13f: {  	v57 =	vmul.f32 v5, v2;
	v8 =	vmul.f32 v56, v3;
	_ =	sdelay $0x1  }
0x140: {  	v8 =	vadd.f32 v8, v57;
	_ =	sdelay $0x1  }
0x141: {  	v7 =	vadd.f32 v8, v7;
	_ =	sdelay $0x1  }
0x142: {  	v8 =	vmul.f32 $2.000000030e-01, v7;
	_ =	sdelay $0x1  }
0x143: {  	v7 =	vmax.f32 v7, v8  }
0x144: {  	v7 =	vmul.f32 $1.442695020e+00, v7;
	_ =	sdelay $0x1  }
0x145: {  	(erf) = vpow2.f32 v7;
	_ =	sdelay $0x8  }
0x146: {  	v7 =	vpop (erf)  }
0x147: {  	v58 =	vmul.f32 v7, v4  }
0x148: {  	v6 =	vshll.u32 v6, $0x2  }
0x149: {  	v59 =	vor.u32 v0, v6;
	[tilespmem:s28+$0x0] =	vst v7;
	v5 =	vmul.f32 v58, v5  }
0x14a: {  	[tilespmem:s26+$0x0] =	vst v59  }
0x14b: {  	[tilespmem:s28+$0x10] =	vst v5;
	v5 =	vor.u32 v1, v6  }
0x14c: {  	[tilespmem:s26+$0x10] =	vst v5  }
0x14d: {  	v5 =	vld [tilespmem:s20+$0xE100]  }
0x14e: {  	v6 =	vld [tilespmem:s20+$0xED00];
	_ =	sdelay $0x3  }
0x14f: {  	v7 =	vld [tilespmem:s20+$0xF900];
	_ =	sdelay $0x2  }
0x150: {  	v5 =	vld.idx.msk [tilespmem:v5+s3+$0x0], $0xffff  }
0x151: {  	v60 =	vld.idx.msk [tilespmem:v6+s3+$0x0], $0xffff;
	_ =	sdelay $0x3  }
0x152: {  	v7 =	vld.idx.msk [tilespmem:v7+s29+$0x0], $0xffff  }
0x153: {  	v61 =	vmul.f32 v5, v2;
	v8 =	vmul.f32 v60, v3;
	_ =	sdelay $0x1  }
0x154: {  	v8 =	vadd.f32 v8, v61;
	_ =	sdelay $0x1  }
0x155: {  	v7 =	vadd.f32 v8, v7;
	_ =	sdelay $0x1  }
0x156: {  	v8 =	vmul.f32 $2.000000030e-01, v7;
	_ =	sdelay $0x1  }
0x157: {  	v7 =	vmax.f32 v7, v8  }
0x158: {  	v7 =	vmul.f32 $1.442695020e+00, v7;
	_ =	sdelay $0x1  }
0x159: {  	(erf) = vpow2.f32 v7;
	_ =	sdelay $0x8  }
0x15a: {  	v7 =	vpop (erf)  }
0x15b: {  	p0 =	sne.s32 s23, $0x2FC0;
	v62 =	vmul.f32 v7, v4  }
.Ltmp2:
0x15c: {  	v6 =	vshll.u32 v6, $0x2;
	(pc) =	sbr.rel @p0 .LBB2_7-.Ltmp2, $4  }
0x15d: {  	v63 =	vor.u32 v0, v6;
	[tilespmem:s28+$0x20] =	vst v7;
	v5 =	vmul.f32 v62, v5  }
0x15e: {  	[tilespmem:s26+$0x20] =	vst v63  }
0x15f: {  	[tilespmem:s28+$0x30] =	vst v5;
	v5 =	vor.u32 v1, v6  }
0x160: {  	s23 =	sadd.s32 $0x100, s23;
	s28 =	sadd.s32 $0x80, s28;
	[tilespmem:s26+$0x30] =	vst v5;
	s26 =	sadd.s32 $0x80, s26  }
0x161: {  	s23 =	sshll.u32 s22, $0x1  }
0x162: {  	s20 =	sadd.s32 s23, s24  }
0x163: {  	s20 =	smul.u32 $0x180, s20  }
0x164: {  	[spmem:s2] =	stream.indirect.scatter.add.f32 [tilespmem:s13], [sflag:$0x3], $0x1, s12, s11, $0xb8;
	[tilespmem:$0x1C100] =	vst v63  }
0x165: {  	s21 =	sadd.s32 s4, s20  }
0x166: {  	[tilespmem:s1], [sflag:$0x1] =	stream.linear.gather [hbm4b:s21+s3], $0xC00, $0x38;
	[tilespmem:$0x1C100] =	vst v63  }
0x167: {  	s26 =	sadd.s32 s5, s20  }
0x168: {  	[tilespmem:s31], [sflag:$0x1] =	stream.linear.gather [hbm4b:s26+s3], $0xC00, $0x38;
	[tilespmem:$0x1C100] =	vst v63  }
0x169: {  	s20 =	sadd.s32 s6, s20  }
0x16a: {  	[tilespmem:s0], [sflag:$0x1] =	stream.linear.gather [hbm4b:s20+s3], $0xC00, $0x38;
	[tilespmem:$0x1C100] =	vst v63  }
0x16b: {  	_ =	swait.ge [sflag:s14], $0xC00  }
0x16c: {  	[sflag:s14] =	ssyncset.done $0x0  }
0x16d: {  	[sflag:s14] =	ssyncadd.s32 $0xFFFFF400  }
0x16e: {  	_ =	swait.ge [sflag:s14], $0xC00  }
0x16f: {  	[sflag:s14] =	ssyncset.done $0x0  }
0x170: {  	[sflag:s14] =	ssyncadd.s32 $0xFFFFF400  }
0x171: {  	_ =	swait.ge [sflag:s14], $0xC00  }
0x172: {  	[sflag:s14] =	ssyncset.done $0x0  }
0x173: {  	[sflag:s14] =	ssyncadd.s32 $0xFFFFF400  }
0x174: {  	_ =	swait.ge [sflag:s18], $0x1800  }
0x175: {  	s28 =	simm.s32 $0x17140;
	[sflag:s18] =	ssyncset.done $0x0  }
0x176: {  	s26 =	simm.s32 $0xC0;
	s20 =	simm.s32 $0x15940;
	[sflag:s18] =	ssyncadd.s32 $0xFFFFE800  }
.LBB2_9:
0x177: {  	s21 =	sshra.s32 s26, $0x2  }
0x178: {  	v5 =	vld [tilespmem:s21+$0x104D0]  }
0x179: {  	v6 =	vld [tilespmem:s21+$0x110D0];
	_ =	sdelay $0x3  }
0x17a: {  	v7 =	vld [tilespmem:s21+$0x11CD0];
	_ =	sdelay $0x2  }
0x17b: {  	v5 =	vld.idx.msk [tilespmem:v5+s3+$0x0], $0xffff  }
0x17c: {  	v8 =	vld.idx.msk [tilespmem:v6+s3+$0x0], $0xffff;
	_ =	sdelay $0x3  }
0x17d: {  	v7 =	vld.idx.msk [tilespmem:v7+s29+$0x0], $0xffff  }
0x17e: {  	v9 =	vmul.f32 v5, v2;
	v8 =	vmul.f32 v8, v3;
	_ =	sdelay $0x1  }
0x17f: {  	v8 =	vadd.f32 v8, v9;
	_ =	sdelay $0x1  }
0x180: {  	v7 =	vadd.f32 v8, v7;
	_ =	sdelay $0x1  }
0x181: {  	v8 =	vmul.f32 $2.000000030e-01, v7;
	_ =	sdelay $0x1  }
0x182: {  	v7 =	vmax.f32 v7, v8  }
0x183: {  	v7 =	vmul.f32 $1.442695020e+00, v7;
	_ =	sdelay $0x1  }
0x184: {  	(erf) = vpow2.f32 v7;
	_ =	sdelay $0x8  }
0x185: {  	v7 =	vpop (erf)  }
0x186: {  	v50 =	vmul.f32 v7, v4  }
0x187: {  	v6 =	vshll.u32 v6, $0x2  }
0x188: {  	v51 =	vor.u32 v0, v6;
	[tilespmem:s20+$0xFFFFFFC0] =	vst v7;
	v5 =	vmul.f32 v50, v5  }
0x189: {  	[tilespmem:s28+$0xFFFFFFC0] =	vst v51  }
0x18a: {  	[tilespmem:s20+$0xFFFFFFD0] =	vst v5;
	v5 =	vor.u32 v1, v6  }
0x18b: {  	[tilespmem:s28+$0xFFFFFFD0] =	vst v5  }
0x18c: {  	v5 =	vld [tilespmem:s21+$0x104E0]  }
0x18d: {  	v6 =	vld [tilespmem:s21+$0x110E0];
	_ =	sdelay $0x3  }
0x18e: {  	v7 =	vld [tilespmem:s21+$0x11CE0];
	_ =	sdelay $0x2  }
0x18f: {  	v5 =	vld.idx.msk [tilespmem:v5+s3+$0x0], $0xffff  }
0x190: {  	v52 =	vld.idx.msk [tilespmem:v6+s3+$0x0], $0xffff;
	_ =	sdelay $0x3  }
0x191: {  	v7 =	vld.idx.msk [tilespmem:v7+s29+$0x0], $0xffff  }
0x192: {  	v53 =	vmul.f32 v5, v2;
	v8 =	vmul.f32 v52, v3;
	_ =	sdelay $0x1  }
0x193: {  	v8 =	vadd.f32 v8, v53;
	_ =	sdelay $0x1  }
0x194: {  	v7 =	vadd.f32 v8, v7;
	_ =	sdelay $0x1  }
0x195: {  	v8 =	vmul.f32 $2.000000030e-01, v7;
	_ =	sdelay $0x1  }
0x196: {  	v7 =	vmax.f32 v7, v8  }
0x197: {  	v7 =	vmul.f32 $1.442695020e+00, v7;
	_ =	sdelay $0x1  }
0x198: {  	(erf) = vpow2.f32 v7;
	_ =	sdelay $0x8  }
0x199: {  	v7 =	vpop (erf)  }
0x19a: {  	v54 =	vmul.f32 v7, v4  }
0x19b: {  	v6 =	vshll.u32 v6, $0x2  }
0x19c: {  	v55 =	vor.u32 v0, v6;
	[tilespmem:s20+$0xFFFFFFE0] =	vst v7;
	v5 =	vmul.f32 v54, v5  }
0x19d: {  	[tilespmem:s28+$0xFFFFFFE0] =	vst v55  }
0x19e: {  	[tilespmem:s20+$0xFFFFFFF0] =	vst v5;
	v5 =	vor.u32 v1, v6  }
0x19f: {  	[tilespmem:s28+$0xFFFFFFF0] =	vst v5  }
0x1a0: {  	v5 =	vld [tilespmem:s21+$0x104F0]  }
0x1a1: {  	v6 =	vld [tilespmem:s21+$0x110F0];
	_ =	sdelay $0x3  }
0x1a2: {  	v7 =	vld [tilespmem:s21+$0x11CF0];
	_ =	sdelay $0x2  }
0x1a3: {  	v5 =	vld.idx.msk [tilespmem:v5+s3+$0x0], $0xffff  }
0x1a4: {  	v56 =	vld.idx.msk [tilespmem:v6+s3+$0x0], $0xffff;
	_ =	sdelay $0x3  }
0x1a5: {  	v7 =	vld.idx.msk [tilespmem:v7+s29+$0x0], $0xffff  }
0x1a6: {  	v57 =	vmul.f32 v5, v2;
	v8 =	vmul.f32 v56, v3;
	_ =	sdelay $0x1  }
0x1a7: {  	v8 =	vadd.f32 v8, v57;
	_ =	sdelay $0x1  }
0x1a8: {  	v7 =	vadd.f32 v8, v7;
	_ =	sdelay $0x1  }
0x1a9: {  	v8 =	vmul.f32 $2.000000030e-01, v7;
	_ =	sdelay $0x1  }
0x1aa: {  	v7 =	vmax.f32 v7, v8  }
0x1ab: {  	v7 =	vmul.f32 $1.442695020e+00, v7;
	_ =	sdelay $0x1  }
0x1ac: {  	(erf) = vpow2.f32 v7;
	_ =	sdelay $0x8  }
0x1ad: {  	v7 =	vpop (erf)  }
0x1ae: {  	v58 =	vmul.f32 v7, v4  }
0x1af: {  	v6 =	vshll.u32 v6, $0x2  }
0x1b0: {  	v59 =	vor.u32 v0, v6;
	[tilespmem:s20+$0x0] =	vst v7;
	v5 =	vmul.f32 v58, v5  }
0x1b1: {  	[tilespmem:s28+$0x0] =	vst v59  }
0x1b2: {  	[tilespmem:s20+$0x10] =	vst v5;
	v5 =	vor.u32 v1, v6  }
0x1b3: {  	[tilespmem:s28+$0x10] =	vst v5  }
0x1b4: {  	v5 =	vld [tilespmem:s21+$0x10500]  }
0x1b5: {  	v6 =	vld [tilespmem:s21+$0x11100];
	_ =	sdelay $0x3  }
0x1b6: {  	v7 =	vld [tilespmem:s21+$0x11D00];
	_ =	sdelay $0x2  }
0x1b7: {  	v5 =	vld.idx.msk [tilespmem:v5+s3+$0x0], $0xffff  }
0x1b8: {  	v60 =	vld.idx.msk [tilespmem:v6+s3+$0x0], $0xffff;
	_ =	sdelay $0x3  }
0x1b9: {  	v7 =	vld.idx.msk [tilespmem:v7+s29+$0x0], $0xffff  }
0x1ba: {  	v61 =	vmul.f32 v5, v2;
	v8 =	vmul.f32 v60, v3;
	_ =	sdelay $0x1  }
0x1bb: {  	v8 =	vadd.f32 v8, v61;
	_ =	sdelay $0x1  }
0x1bc: {  	v7 =	vadd.f32 v8, v7;
	_ =	sdelay $0x1  }
0x1bd: {  	v8 =	vmul.f32 $2.000000030e-01, v7;
	_ =	sdelay $0x1  }
0x1be: {  	v7 =	vmax.f32 v7, v8  }
0x1bf: {  	v7 =	vmul.f32 $1.442695020e+00, v7;
	_ =	sdelay $0x1  }
0x1c0: {  	(erf) = vpow2.f32 v7;
	_ =	sdelay $0x8  }
0x1c1: {  	v7 =	vpop (erf)  }
0x1c2: {  	p0 =	sne.s32 s26, $0x2FC0;
	v62 =	vmul.f32 v7, v4  }
.Ltmp3:
0x1c3: {  	v6 =	vshll.u32 v6, $0x2;
	(pc) =	sbr.rel @p0 .LBB2_9-.Ltmp3, $4  }
0x1c4: {  	v63 =	vor.u32 v0, v6;
	[tilespmem:s20+$0x20] =	vst v7;
	v5 =	vmul.f32 v62, v5  }
0x1c5: {  	[tilespmem:s28+$0x20] =	vst v63  }
0x1c6: {  	[tilespmem:s20+$0x30] =	vst v5;
	v5 =	vor.u32 v1, v6  }
0x1c7: {  	s26 =	sadd.s32 $0x100, s26;
	s20 =	sadd.s32 $0x80, s20;
	[tilespmem:s28+$0x30] =	vst v5;
	s28 =	sadd.s32 $0x80, s28  }
0x1c8: {  	s20 =	sadd.s32 s23, s25  }
0x1c9: {  	[spmem:s2] =	stream.indirect.scatter.add.f32 [tilespmem:s16], [sflag:$0x4], $0x1, s15, s11, $0xb8;
	[tilespmem:$0x1C100] =	vst v63  }
0x1ca: {  	s20 =	smul.u32 $0x180, s20  }
0x1cb: {  	s22 =	sadd.s32 $0x1, s22  }
0x1cc: {  	p0 =	sne.s32 s22, $0x20;
	s21 =	sadd.s32 s4, s20  }
0x1cd: {  	[tilespmem:s7], [sflag:$0x2] =	stream.linear.gather [hbm4b:s21+s3], $0xC00, $0x38;
	[tilespmem:$0x1C100] =	vst v63  }
.Ltmp4:
0x1ce: {  	_ = 	snop;
	(pc) =	sbr.rel @p0 .LBB2_6-.Ltmp4, $4  }
0x1cf: {  	s28 =	sadd.s32 s5, s20  }
0x1d0: {  	[tilespmem:s8], [sflag:$0x2] =	stream.linear.gather [hbm4b:s28+s3], $0xC00, $0x38;
	[tilespmem:$0x1C100] =	vst v63  }
0x1d1: {  	s20 =	sadd.s32 s6, s20  }
0x1d2: {  	[tilespmem:s9], [sflag:$0x2] =	stream.linear.gather [hbm4b:s20+s3], $0xC00, $0x38;
	[tilespmem:$0x1C100] =	vst v63  }
0x1d3: {  	_ =	swait.ge [sflag:s10], $0xC00  }
0x1d4: {  	[sflag:s10] =	ssyncset.done $0x0  }
0x1d5: {  	[sflag:s10] =	ssyncadd.s32 $0xFFFFF400  }
0x1d6: {  	_ =	swait.ge [sflag:s10], $0xC00  }
0x1d7: {  	[sflag:s10] =	ssyncset.done $0x0  }
0x1d8: {  	[sflag:s10] =	ssyncadd.s32 $0xFFFFF400  }
0x1d9: {  	_ =	swait.ge [sflag:s10], $0xC00  }
0x1da: {  	[sflag:s10] =	ssyncset.done $0x0  }
0x1db: {  	[sflag:s10] =	ssyncadd.s32 $0xFFFFF400  }
0x1dc: {  	_ =	swait.ge [sflag:s17], $0x1800  }
0x1dd: {  	[sflag:s17] =	ssyncset.done $0x0  }
0x1de: {  	[sflag:s17] =	ssyncadd.s32 $0xFFFFE800  }
0x1df: {  	_ =	swait.ge [sflag:s14], $0xC00  }
0x1e0: {  	[sflag:s14] =	ssyncset.done $0x0  }
0x1e1: {  	[sflag:s14] =	ssyncadd.s32 $0xFFFFF400  }
0x1e2: {  	_ =	swait.ge [sflag:s14], $0xC00  }
0x1e3: {  	[sflag:s14] =	ssyncset.done $0x0  }
0x1e4: {  	[sflag:s14] =	ssyncadd.s32 $0xFFFFF400  }
0x1e5: {  	_ =	swait.ge [sflag:s14], $0xC00  }
0x1e6: {  	[sflag:s14] =	ssyncset.done $0x0  }
0x1e7: {  	[sflag:s14] =	ssyncadd.s32 $0xFFFFF400  }
0x1e8: {  	_ =	swait.ge [sflag:s18], $0x1800  }
0x1e9: {  	[sflag:s18] =	ssyncset.done $0x0  }
0x1ea: {  	[sflag:s18] =	ssyncadd.s32 $0xFFFFE800  }
0x1eb: {  	[bflag:$0x0] =	sbarrier.arrive $0xFFFF  }
0x1ec: {  	s20 =	rddreg [dreg:$0x15]  }
0x1ed: {  	s21 =	rddreg [dreg:$0x17]  }
0x1ee: {  	s22 =	rddreg [dreg:$0x18]  }
0x1ef: {  	[hbm:s20], [sflag:s21] =	dma.local [spmem:s22], $0x700  }
0x1f0: {  	_ =	swait.ge [sflag:s30], $0x700  }
0x1f1: {  	s19 =	sadd.s32 $0x1, s19;
	s28 =	rddreg [dreg:$0x16]  }
0x1f2: {  	p0 =	sne.s32 s19, s28  }
.Ltmp5:
0x1f3: {  	_ = 	snop;
	(pc) =	sbr.rel @p0 .LBB2_1-.Ltmp5, $3  }
0x1f4: {  	_ =	sdelay $0x1  }
0x1f5: {  	[sflag:s30] =	ssyncset.done $0x0  }
0x1f6: {  	[sflag:s30] =	ssyncadd.s32 $0xFFFFF900  }
0x1f7: {  	_ =	sfence.sel $0x180000  }
0x1f8: {  	[bflag:$0x0] =	sbarrier.arrive $0xFFFF  }
0x1f9: {  	_ =	strace $0x90000047  }
0x1fa: {  	s0 =	stileid.u32;
	[bflag:$0x2] =	sbarrier.arrive $0xFFFF  }
0x1fb: {  	p0 =	sne.s32 s0, $0x0;
	s0 =	rddreg [dreg:$0x3]  }
0x1fc: {  	s0 =	sadd.s32 @!p0 $0x100000, s0  }
0x1fd: {  	[sflag:s0] =	ssyncadd.tile.s32 @!p0 $0x1;
	_ =	shalt  }
.Lfunc_end2:
_tile_overlayer_lowered:
.L_overlay_start_2:
0x1fe: {  	(tag) =	ssettag $0x2  }
0x1ff: {  	s0 =	rddreg [dreg:$0x0];
	s2 =	stileid.u32  }
0x200: {  	s1 =	rddreg [dreg:$0x1];
	p0 =	sne.s32 s2, $0x0  }
0x201: {  	s3 =	rddreg [dreg:$0x2];
	[bflag:$0x3] =	sbarrier.arrive $0xFFFF;
	s2 =	simm.s32 @!p0 $0x1C05  }
0x202: {  	[timem:s3], [sflag:s2] =	dma.local @!p0 [hbm:s0], s1  }
0x203: {  	s0 =	simm.s32 @!p0 $0x5  }
0x204: {  	_ =	swait.ge @!p0 [sflag:s0], s1  }
0x205: {  	s1 =	ssub.s32 @!p0 $0x0, s1;
	[sflag:s0] =	ssyncset.done @!p0 $0x0  }
0x206: {  	[sflag:s0] =	ssyncadd.s32 @!p0 s1  }
0x207: {  	[bflag:$0x3] =	sbarrier.arrive $0xFFFF  }
0x208: {  	_ =	shalt  }

// kernel: kernel.9.cloned.1.call-start
scs
__scs_entry_jumppad:
0x0: {  	(pc) =	sbr.rel $0x88, $3  }
0x1: {  	(tag) =	ssettag $0x0;
	lr =	simm.s32 $0x1  }
0x2: {  	[smem:$0x3F92] =	sst lr;
	_ =	strace $0xD0000000  }
0x3: {  	_ = 	snop  }
0x4: {  	_ = 	snop  }
0x5: {  	_ = 	snop  }
0x6: {  	_ = 	snop  }
0x7: {  	_ = 	snop  }
__scs_overlays_trampoline_lowered:
0x8: {  	[smem:$0x3FA1] =	sst s0  }
0x9: {  	[smem:$0x3FA2] =	sst s1  }
0xa: {  	[smem:$0x3FA3] =	sst s2  }
0xb: {  	[smem:$0x3FA4] =	sst s3  }
0xc: {  	[smem:$0x3FA5] =	sst s4  }
0xd: {  	[smem:$0x3FA6] =	sst s5  }
0xe: {  	[smem:$0x3FA7] =	sst s6  }
0xf: {  	[smem:$0x3FA8] =	sst s7  }
0x10: {  	[smem:$0x3FA9] =	sst s8  }
0x11: {  	[smem:$0x3FAA] =	sst s9;
	s0 =	simm.s32 @!p0 $0x0  }
0x12: {  	s1 =	sld [smem:$0x3F90];
	s0 =	simm.s32 @p0 $0x1  }
0x13: {  	[smem:$0x3FAB] =	sst s0;
	s0 =	simm.s32 @!p1 $0x0  }
0x14: {  	s2 =	sld [smem:$0x3F8F];
	s0 =	simm.s32 @p1 $0x1  }
0x15: {  	[smem:$0x3FAC] =	sst s0;
	s0 =	simm.s32 @!p2 $0x0  }
0x16: {  	s3 =	sld [smem:$0x3FDB];
	s0 =	simm.s32 @p2 $0x1  }
0x17: {  	s4 =	simm.s32 $0x1BF5;
	[smem:$0x3FAE] =	sst s0  }
0x18: {  	s0 =	sld [smem:$0x3F91];
	_ =	swait.ge [sflag:s4], $0x0  }
0x19: {  	s7 =	sld [smem:$0x3F92]  }
0x1a: {  	s8 =	sadd.s32 $0xFFFFE003, lr  }
0x1b: {  	s9 =	sadd.s32 $0xFFFFFEF7, lr;
	s5 =	simm.s32 $0xFFFFFFFF;
	p2 =	slt.u32 s8, $0xFFFFF086  }
0x1c: {  	p1 =	slt.u32 s9, $0xF7A;
	s5 =	simm.s32 @!p2 $0x0  }
0x1d: {  	s5 =	simm.s32 @p1 $0x1;
	p0 =	seq.s32 s7, s2  }
0x1e: {  	s7 =	smul.u32 @!p0 $0xF7A, s2;
	p2 =	seq.s32 @!p0 s5, $0x0  }
0x1f: {  	s9 =	smul.u32 $0xF7A, s1;
	s8 =	simm.s32 @!p0 $0x1BF5;
	p2 =	por !p2, p0  }
0x20: {  	[sflag:s8] =	ssyncset.s32 @!p0 $0xFFFFF086;
	s6 =	sadd.s32 @!p0 s3, s7;
	s7 =	simm.s32 @!p0 $0x108  }
0x21: {  	s3 =	sadd.s32 s3, s9;
	s6 =	sadd.s32 @!p0 $0x88, s6;
	s7 =	simm.s32 @p2 $0x1082  }
0x22: {  	[simem:s7], [sflag:s8] =	dma.local @!p0 [hbm:s6], $0xF7A  }
0x23: {  	s9 =	sor.u32 $0xD0000000, s2;
	s6 =	simm.s32 $0x108;
	_ =	swait.ge @!p0 [sflag:s8], $0x0  }
0x24: {  	s3 =	sadd.s32 $0x88, s3;
	s6 =	simm.s32 @!p1 $0x1082;
	[sflag:s4] =	ssyncset.s32 $0xFFFFF086  }
0x25: {  	[simem:s6], [sflag:s4] =	dma.local [hbm:s3], $0xF7A  }
0x26: {  	[smem:$0x3F92] =	sst s1;
	(tag) =	ssettag s2;
	_ =	strace s9  }
0x27: {  	s1 =	sld [smem:$0x3FA2]  }
0x28: {  	s2 =	sld [smem:$0x3FA3]  }
0x29: {  	s4 =	sld [smem:$0x3FA5]  }
0x2a: {  	p0 =	seq.s32 s5, $0x0;
	s5 =	sld [smem:$0x3FA6]  }
0x2b: {  	s6 =	sld [smem:$0x3FA7]  }
0x2c: {  	s7 =	sld [smem:$0x3FA8]  }
0x2d: {  	s3 =	simm.s32 $0x108;
	s8 =	sld [smem:$0x3FA9]  }
0x2e: {  	s3 =	simm.s32 @!p0 $0x1082;
	s9 =	sld [smem:$0x3FAA]  }
0x2f: {  	lr =	sadd.s32 s0, s3;
	s0 =	sld [smem:$0x3FA1]  }
0x30: {  	s3 =	sld [smem:$0x3FA4]  }
0x31: {  	[smem:$0x3FAD] =	sst s10  }
0x32: {  	s10 =	sld [smem:$0x3FAB];
	_ =	sdelay $0x3  }
0x33: {  	p0 =	seq.s32 s10, $0x1;
	s10 =	sld [smem:$0x3FAD];
	_ =	sdelay $0x3  }
0x34: {  	[smem:$0x3FAD] =	sst s10  }
0x35: {  	s10 =	sld [smem:$0x3FAC];
	_ =	sdelay $0x3  }
0x36: {  	p1 =	seq.s32 s10, $0x1;
	s10 =	sld [smem:$0x3FAD];
	_ =	sdelay $0x3  }
0x37: {  	[smem:$0x3FAD] =	sst s10  }
0x38: {  	s10 =	sld [smem:$0x3FAE]  }
0x39: {  	_ = 	snop;
	(pc) =	sbr.ind lr, $3  }
0x3a: {  	_ = 	snop  }
0x3b: {  	_ = 	snop  }
0x3c: {  	p2 =	seq.s32 s10, $0x1;
	s10 =	sld [smem:$0x3FAD]  }
0x3d: {  	_ =	shalt  }
0x3e: {  	_ =	shalt  }
0x3f: {  	_ =	shalt  }
0x40: {  	_ =	shalt  }
0x41: {  	_ =	shalt  }
0x42: {  	_ =	shalt  }
0x43: {  	_ =	shalt  }
0x44: {  	_ =	shalt  }
0x45: {  	_ =	shalt  }
0x46: {  	_ =	shalt  }
0x47: {  	_ =	shalt  }
0x48: {  	_ =	shalt  }
0x49: {  	_ =	shalt  }
0x4a: {  	_ =	shalt  }
0x4b: {  	_ =	shalt  }
0x4c: {  	_ =	shalt  }
0x4d: {  	_ =	shalt  }
0x4e: {  	_ =	shalt  }
0x4f: {  	_ =	shalt  }
0x50: {  	_ =	shalt  }
0x51: {  	_ =	shalt  }
0x52: {  	_ =	shalt  }
0x53: {  	_ =	shalt  }
0x54: {  	_ =	shalt  }
0x55: {  	_ =	shalt  }
0x56: {  	_ =	shalt  }
0x57: {  	_ =	shalt  }
0x58: {  	_ =	shalt  }
0x59: {  	_ =	shalt  }
0x5a: {  	_ =	shalt  }
0x5b: {  	_ =	shalt  }
0x5c: {  	_ =	shalt  }
0x5d: {  	_ =	shalt  }
0x5e: {  	_ =	shalt  }
0x5f: {  	_ =	shalt  }
0x60: {  	_ =	shalt  }
0x61: {  	_ =	shalt  }
0x62: {  	_ =	shalt  }
0x63: {  	_ =	shalt  }
0x64: {  	_ =	shalt  }
0x65: {  	_ =	shalt  }
0x66: {  	_ =	shalt  }
0x67: {  	_ =	shalt  }
0x68: {  	_ =	shalt  }
0x69: {  	_ =	shalt  }
0x6a: {  	_ =	shalt  }
0x6b: {  	_ =	shalt  }
0x6c: {  	_ =	shalt  }
0x6d: {  	_ =	shalt  }
0x6e: {  	_ =	shalt  }
0x6f: {  	_ =	shalt  }
0x70: {  	_ =	shalt  }
0x71: {  	_ =	shalt  }
0x72: {  	_ =	shalt  }
0x73: {  	_ =	shalt  }
0x74: {  	_ =	shalt  }
0x75: {  	_ =	shalt  }
0x76: {  	_ =	shalt  }
0x77: {  	_ =	shalt  }
0x78: {  	_ =	shalt  }
0x79: {  	_ =	shalt  }
0x7a: {  	_ =	shalt  }
0x7b: {  	_ =	shalt  }
0x7c: {  	_ =	shalt  }
0x7d: {  	_ =	shalt  }
0x7e: {  	_ =	shalt  }
0x7f: {  	_ =	shalt  }
0x80: {  	_ =	shalt  }
0x81: {  	_ =	shalt  }
0x82: {  	_ =	shalt  }
0x83: {  	_ =	shalt  }
0x84: {  	_ =	shalt  }
0x85: {  	_ =	shalt  }
0x86: {  	_ =	shalt  }
0x87: {  	_ =	shalt  }
.Lfunc_end0:
.L_simem_size_0:
called_computation.1_lowered:
.L_overlay_start_0:
0x88: {  	s2 =	sld [smem:$0x3FD9]  }
0x89: {  	s3 =	sld [smem:$0x3FFE];
	_ =	sdelay $0x1  }
0x8a: {  	s1 =	srdreg.scid  }
0x8b: {  	s0 =	sand.u32 $0x1, s1  }
0x8c: {  	s16 =	sshll.u32 s0, $0xA;
	s2 =	sadd.s32 s3, s2  }
0x8d: {  	s2 =	sadd.s32 s2, s16  }
0x8e: {  	[smem:$0x3FB9] =	sst s2  }
0x8f: {  	_ = 	snop  }
0x90: {  	(tm) =	ssettm $0x1  }
0x91: {  	s17 =	sld [smem:$0x3FFB];
	_ =	sdelay $0x3  }
0x92: {  	_ =	strace s17  }
0x93: {  	s2 =	sld [smem:$0x3FFC];
	_ =	sdelay $0x3  }
0x94: {  	_ =	strace s2  }
0x95: {  	s2 =	sld [smem:$0x3FFD];
	_ =	sdelay $0x3  }
0x96: {  	_ =	strace s2  }
0x97: {  	_ =	strace $0x8FFFFFFF  }
0x98: {  	s18 =	sld [smem:$0x3FDB];
	_ =	sdelay $0x1  }
0x99: {  	s19 =	simm.s32 $_scs_section_size  }
0x9a: {  	s4 =	simm.s32 $_size__tile_overlayer_lowered;
	s5 =	simm.s32 $_tile_overlayer_lowered  }
0x9b: {  	s22 =	simm.s32 $0x1BFF;
	s21 =	sshll.u32 s5, $0x1;
	s2 =	sadd.s32 s19, s18  }
0x9c: {  	s6 =	simm.s32 $0x0;
	s20 =	sshll.u32 s4, $0x1;
	s4 =	sadd.s32 s21, s2  }
0x9d: {  	[timem:s6], [sflag:s22] =	dma.local [hbm:s4], s20  }
0x9e: {  	_ =	swait.ge [sflag:s22], s20  }
0x9f: {  	s3 =	ssub.s32 $0x0, s20;
	[sflag:s22] =	ssyncset.done $0x0  }
0xa0: {  	[sflag:s22] =	ssyncadd.s32 s3;
	_ =	sdelay $0x1  }
0xa1: {  	s23 =	simm.s32 $0x1B8B  }
0xa2: {  	_ =	swait.ge [sflag:s23], $0x1  }
0xa3: {  	[sflag:s23] =	ssyncset.done $0x0  }
0xa4: {  	s25 =	simm.s32 $0x1B8E;
	s24 =	sld [smem:$0x3FFE];
	[sflag:s23] =	ssyncadd.s32 $0xFFFFFFFF  }
0xa5: {  	s26 =	simm.s32 $execute0_lowered;
	[smem:$0x3FD2] =	sst s25  }
0xa6: {  	s4 =	sshll.u32 s26, $0x1;
	_ =	strace $0x80000049;
	[dreg:$0x1] =	wrdreg $0xFFFFFFFF  }
0xa7: {  	s28 =	simm.s32 $_size_execute0_lowered;
	s2 =	sadd.s32 s2, s4;
	[dreg:$0x0] =	wrdreg $0x0  }
0xa8: {  	s4 =	sshll.u32 s28, $0x1;
	[dreg:$0x2] =	wrdreg s2  }
0xa9: {  	[dreg:$0x3] =	wrdreg s4  }
0xaa: {  	[dreg:$0x4] =	wrdreg $0xC0  }
0xab: {  	_ =	task [dreg:s6], $0x5FFFF  }
0xac: {  	[dreg:$0x1] =	wrdreg $0xFFFFFFFF  }
0xad: {  	[dreg:$0x0] =	wrdreg $0x60  }
0xae: {  	[dreg:$0x2] =	wrdreg s24  }
0xaf: {  	[dreg:$0x3] =	wrdreg $0x1AC800  }
0xb0: {  	[dreg:$0x4] =	wrdreg $0x9  }
0xb1: {  	_ =	task.clear_ibuf [dreg:s6], $0x5FFFF;
	_ =	strace $0x90000049  }
0xb2: {  	s29 =	simm.s32 $0x9;
	_ =	strace $0x8000004B  }
0xb3: {  	_ =	swait.ge [sflag:s29], $0x1  }
0xb4: {  	[sflag:s29] =	ssyncadd.s32 $0xFFFFFFFF  }
0xb5: {  	_ =	strace $0x9000004B  }
0xb6: {  	_ =	sfence  }
0xb7: {  	s30 =	sld [smem:$0x0];
	_ =	sdelay $0x2  }
0xb8: {  	s31 =	sshll.u32 s1, $0xD;
	s1 =	sshrl.u32 s1, $0x2  }
0xb9: {  	s3 =	sand.u32 $0x4000, s31;
	s1 =	sadd.s32 s1, s30  }
0xba: {  	s0 =	sor.u32 s3, s0;
	s1 =	sshll.u32 s1, $0x11  }
0xbb: {  	s0 =	sor.u32 s1, s0  }
0xbc: {  	s0 =	sadd.s32 $0x8F2B, s0  }
0xbd: {  	[sflag:s0] =	ssyncadd.remote.s32 $0x1  }
0xbe: {  	_ =	sfence.sel $0xFFFF  }
0xbf: {  	[dreg:$0x0] =	wrdreg $0xFFFFFFFF;
	(pc) =	sbr.abs _section_cstart, $3  }
0xc0: {  	[dreg:$0x1] =	wrdreg $0xFFFFFFFF  }
0xc1: {  	_ =	task.clear_ibuf [dreg:s6], $0x2FFFF;
	_ =	strace $0x9FFFFFFF  }
0xc2: {  	(tm) =	ssettm $0x7FFFFFFF  }
0xc3: {  	_ =	shalt  }
tec
execute0_lowered:
.L_overlay_start_1:
0x0: {  	(tag) =	ssettag $0x1  }
0x1: {  	s0 =	rddreg [dreg:$0x0]  }
0x2: {  	s2 =	rddreg [dreg:$0x1];
	s1 =	srdreg.scid  }
0x3: {  	s20 =	stileid.u32;
	s3 =	simm.s32 $0x0;
	s29 =	simm.s32 $0x1  }
0x4: {  	s1 =	sand.u32 $0x1, s1;
	s5 =	sand.u32 $0x1, s20;
	[smem:$0x7FF] =	sst s3  }
0x5: {  	s26 =	smul.u32 $0x3800, s20;
	s8 =	sadd.s32 $0x3AE00, s0;
	s18 =	sshrl.u32 s20, $0x1  }
0x6: {  	s11 =	sadd.s32 $0x2000, s0;
	s4 =	sshll.u32 s1, $0x1;
	_ =	strace $0x8000004A  }
0x7: {  	s10 =	sshll.u32 s1, $0x3;
	s14 =	ssub.s32 $0x2, s1;
	s1 =	smul.u32 $0xE000, s1  }
0x8: {  	s21 =	smul.u32 $0x31800, s18;
	s6 =	sor.u32 s5, s4;
	s4 =	sadd.s32 $0xA5600, s0  }
0x9: {  	s9 =	sshrl.u32 s26, $0x3;
	s16 =	sadd.s32 s10, s0;
	s10 =	sadd.s32 $0x5800, s0  }
0xa: {  	s17 =	sshrl.u32 s14, $0x1;
	[dreg:$0x3] =	wrdreg s26;
	s7 =	smul.u32 $0x6, s6  }
0xb: {  	s6 =	sshll.u32 s6, $0x1;
	s15 =	sadd.s32 s9, s0;
	s9 =	sadd.s32 $0xB3E00, s0  }
0xc: {  	s19 =	ssub.s32 s14, s17;
	s14 =	smul.u32 $0xE00, s20;
	s23 =	sadd.s32 $0xB3600, s16  }
0xd: {  	s12 =	sadd.s32 s6, s0;
	s6 =	sadd.s32 $0x9200, s0;
	[dreg:$0x6] =	wrdreg s23  }
0xe: {  	s24 =	sadd.s32 $0x9E600, s15;
	s13 =	sadd.s32 s7, s0;
	s7 =	sadd.s32 $0x6CA00, s0  }
0xf: {  	s12 =	sadd.s32 $0xB3A00, s12;
	[dreg:$0x7] =	wrdreg s24;
	s17 =	sadd.s32 s14, s1  }
0x10: {  	s1 =	sshrl.u32 s1, $0x3;
	[dreg:$0x4] =	wrdreg s12;
	s22 =	sadd.s32 $0xB3C00, s13  }
0x11: {  	s0 =	sshrl.u32 s21, $0x3;
	s1 =	sadd.s32 s11, s1;
	[dreg:$0x5] =	wrdreg s22  }
0x12: {  	s30 =	simm.s32 $0x1800;
	s16 =	sadd.s32 s6, s0;
	[dreg:$0x8] =	wrdreg s1  }
0x13: {  	s25 =	sadd.s32 $0x180, s0;
	s20 =	sadd.s32 s8, s0;
	[dreg:$0xc] =	wrdreg s16  }
0x14: {  	s31 =	simm.s32 $0x2;
	s28 =	sadd.s32 s6, s25;
	[dreg:$0xe] =	wrdreg s20  }
0x15: {  	s21 =	sadd.s32 $0x300, s0;
	s15 =	sadd.s32 s7, s25;
	[dreg:$0x9] =	wrdreg s28  }
0x16: {  	s13 =	sadd.s32 s26, s2;
	s12 =	sadd.s32 s8, s25;
	[dreg:$0xa] =	wrdreg s15  }
0x17: {  	s1 =	smul.u32 $0x42, s18;
	s18 =	sadd.s32 s7, s0;
	[dreg:$0xb] =	wrdreg s12  }
0x18: {  	s0 =	sadd.s32 $0x480, s0;
	s22 =	sadd.s32 s6, s21;
	[dreg:$0xd] =	wrdreg s18  }
0x19: {  	s23 =	sadd.s32 s7, s21;
	s16 =	simm.s32 $0xE000;
	[dreg:$0xf] =	wrdreg s22  }
0x1a: {  	s20 =	simm.s32 $0x19700;
	[dreg:$0x10] =	wrdreg s23;
	s12 =	sadd.s32 s8, s21  }
0x1b: {  	s24 =	sadd.s32 s6, s0;
	s25 =	sadd.s32 s7, s0;
	s0 =	sadd.s32 s8, s0  }
0x1c: {  	s28 =	smax.u32 s19, $0x1;
	s15 =	sadd.s32 $0x38000, s26;
	[dreg:$0x11] =	wrdreg s12  }
0x1d: {  	v1 =	vlaneseq.u32;
	s18 =	simm.s32 $0x5;
	s19 =	simm.s32 $0x18900;
	[dreg:$0x12] =	wrdreg s24  }
0x1e: {  	v1 =	vmul.u32 $0x4, v1;
	v0 =	vmov s5;
	s21 =	simm.s32 $0x1A500;
	s22 =	simm.s32 $0x4;
	[dreg:$0x13] =	wrdreg s25  }
0x1f: {  	v2 =	vor.u32 $0x2, v0;
	s23 =	simm.s32 $0x0;
	[dreg:$0x14] =	wrdreg s0;
	s0 =	sadd.s32 $0x4, s1  }
0x20: {  	v3 =	vor.u32 $0x1, v1;
	v4 =	vor.u32 $0x2, v1;
	v5 =	vor.u32 $0x3, v1;
	s1 =	sadd.s32 $0x5, s1;
	[dreg:$0x15] =	wrdreg s28;
	s12 =	simm.s32 $0x3  }
.LBB2_1:
0x21: {  	[dreg:$0x16] =	wrdreg s23  }
0x22: {  	s5 =	rddreg [dreg:$0x4]  }
0x23: {  	[tilespmem:s16], [sflag:$0x5] =	stream.linear.gather [hbm4b:s5+s3], $0x10, $0x38;
	[tilespmem:$0x1E480] =	vst v63  }
0x24: {  	_ =	swait.ge [sflag:s18], $0x10  }
0x25: {  	[sflag:s18] =	ssyncset.done $0x0  }
0x26: {  	s28 =	simm.s32 $0xE080;
	s25 =	rddreg [dreg:$0x5];
	[sflag:s18] =	ssyncadd.s32 $0xFFFFFFF0  }
0x27: {  	[tilespmem:s28], [sflag:$0x5] =	stream.linear.gather [hbm4b:s25+s3], $0x30, $0x38;
	[tilespmem:$0x1E480] =	vst v63  }
0x28: {  	_ =	swait.ge [sflag:s18], $0x30  }
0x29: {  	[sflag:s18] =	ssyncset.done $0x0  }
0x2a: {  	s24 =	simm.s32 $0x1AC00;
	s23 =	rddreg [dreg:$0x6];
	[sflag:s18] =	ssyncadd.s32 $0xFFFFFFD0  }
0x2b: {  	[tilespmem:s24], [sflag:$0x5] =	stream.linear.gather [hbm4b:s23+s3], $0x40, $0x38;
	[tilespmem:$0x1E480] =	vst v63  }
0x2c: {  	s25 =	stileid.u32;
	_ =	swait.ge [sflag:s18], $0x40  }
0x2d: {  	s28 =	sshrl.u32 s13, $0x3;
	s5 =	sshll.u32 s25, $0x6;
	[sflag:s18] =	ssyncset.done $0x0  }
0x2e: {  	s5 =	sor.u32 $0x1C05, s5;
	s24 =	rddreg [dreg:$0x7];
	[sflag:s18] =	ssyncadd.s32 $0xFFFFFFC0  }
0x2f: {  	[spmem:s28], [sflag:s5] =	dma.local [hbm:s24], $0x700  }
0x30: {  	_ =	swait.ge [sflag:s18], $0x700  }
0x31: {  	[sflag:s18] =	ssyncset.done $0x0  }
0x32: {  	s23 =	simm.s32 $0x0;
	[sflag:s18] =	ssyncadd.s32 $0xFFFFF900  }
.LBB2_2:
0x33: {  	s5 =	smul.u32 $0xE00, s23;
	_ =	sdelay $0x1  }
0x34: {  	s24 =	sadd.s32 s26, s5  }
0x35: {  	s24 =	sshrl.u32 s24, $0x3  }
0x36: {  	s25 =	simm.s32 $0x0;
	s24 =	sadd.s32 s4, s24  }
0x37: {  	[tilespmem:s19], [sflag:$0x5] =	stream.linear.gather [hbm4b:s24+s25], $0xE00, $0x38;
	[tilespmem:$0x1E480] =	vst v63  }
0x38: {  	s5 =	sadd.s32 s5, s15;
	_ =	swait.ge [sflag:s18], $0xE00  }
0x39: {  	s5 =	sshrl.u32 s5, $0x3;
	[sflag:s18] =	ssyncset.done $0x0  }
0x3a: {  	v6 =	vor.u32 s25, v1;
	s5 =	sadd.s32 s4, s5;
	[sflag:s18] =	ssyncadd.s32 $0xFFFFF200  }
0x3b: {  	v7 =	vor.u32 s25, v3;
	[tilespmem:s20], [sflag:$0x5] =	stream.linear.gather [hbm4b:s5+s25], $0xE00, $0x38;
	[tilespmem:$0x1E480] =	vst v63  }
0x3c: {  	_ =	swait.ge [sflag:s18], $0xE00  }
0x3d: {  	[sflag:s18] =	ssyncset.done $0x0  }
0x3e: {  	[sflag:s18] =	ssyncadd.s32 $0xFFFFF200  }
0x3f: {  	v8 =	vld.idx.msk [tilespmem:v6+s19+$0x0], $0xffff  }
0x40: {  	v9 =	vld.idx.msk [tilespmem:v7+s19+$0x0], $0xffff  }
0x41: {  	v6 =	vld.idx.msk [tilespmem:v6+s20+$0x0], $0xffff  }
0x42: {  	v7 =	vld.idx.msk [tilespmem:v7+s20+$0x0], $0xffff;
	_ =	sdelay $0x1  }
0x43: {  	v8 =	vadd.f32 $9.999999710e-10, v8  }
0x44: {  	v9 =	vadd.f32 $9.999999710e-10, v9  }
0x45: {  	v10 =	vor.u32 s25, v4;
	v6 =	vadd.f32 $9.999999710e-10, v6;
	(erf) = vrcp.f32 v8  }
0x46: {  	v7 =	vadd.f32 $9.999999710e-10, v7;
	(erf) = vrcp.f32 v9  }
0x47: {  	v8 =	vor.u32 s25, v5;
	(erf) = vrcp.f32 v6  }
0x48: {  	(erf) = vrcp.f32 v7;
	_ =	sdelay $0x1  }
0x49: {  	v9 =	vld.idx.msk [tilespmem:v10+s20+$0x0], $0xffff  }
0x4a: {  	v6 =	vld.idx.msk [tilespmem:v10+s19+$0x0], $0xffff  }
0x4b: {  	v7 =	vld.idx.msk [tilespmem:v8+s19+$0x0], $0xffff  }
0x4c: {  	v8 =	vld.idx.msk [tilespmem:v8+s20+$0x0], $0xffff  }
0x4d: {  	v10 =	vpop (erf)  }
0x4e: {  	v11 =	vpop (erf)  }
0x4f: {  	v12 =	vpop (erf)  }
0x50: {  	v6 =	vmul.f32 v10, v6;
	v7 =	vmul.f32 v11, v7;
	v10 =	vpop (erf)  }
0x51: {  	v9 =	vmul.f32 v12, v9;
	v8 =	vmul.f32 v10, v8  }
0x52: {  	v6 =	vmax.f32 v6, $0.0e+00  }
0x53: {  	v7 =	vmax.f32 v7, $0.0e+00;
	v9 =	vmax.f32 v9, $0.0e+00;
	v8 =	vmax.f32 v8, $0.0e+00  }
0x54: {  	v6 =	vadd.f32 v7, v6;
	v7 =	vadd.f32 v8, v9  }
0x55: {  	s24 =	simm.s32 $0x40  }
0x56: {  	v8 =	vadd.f32 v7, v6;
	v6 =	vor.u32 s24, v1  }
0x57: {  	v7 =	vor.u32 s24, v3  }
0x58: {  	v8 =	vmul.f32 $2.500000000e-01, v8  }
0x59: {  	s5 =	simm.s32 $0x0;
	s25 =	simm.s32 $0x80  }
.LBB2_3:
0x5a: {  	p0 =	sne.s32 s25, $0xDC0;
	[tilespmem:s5+$0x1A500] =	vst v8  }
0x5b: {  	v8 =	vld.idx.msk [tilespmem:v6+s19+$0x0], $0xffff  }
0x5c: {  	v9 =	vld.idx.msk [tilespmem:v7+s19+$0x0], $0xffff  }
0x5d: {  	v6 =	vld.idx.msk [tilespmem:v6+s20+$0x0], $0xffff  }
0x5e: {  	v7 =	vld.idx.msk [tilespmem:v7+s20+$0x0], $0xffff;
	_ =	sdelay $0x2  }
0x5f: {  	v8 =	vadd.f32 $9.999999710e-10, v8  }
0x60: {  	v10 =	vor.u32 s24, v4;
	v9 =	vadd.f32 $9.999999710e-10, v9  }
0x61: {  	v11 =	vor.u32 s24, v5;
	v6 =	vadd.f32 $9.999999710e-10, v6;
	(erf) = vrcp.f32 v8  }
0x62: {  	v7 =	vadd.f32 $9.999999710e-10, v7;
	(erf) = vrcp.f32 v9  }
0x63: {  	(erf) = vrcp.f32 v6  }
0x64: {  	(erf) = vrcp.f32 v7  }
0x65: {  	v6 =	vld.idx.msk [tilespmem:v10+s19+$0x0], $0xffff  }
0x66: {  	v7 =	vld.idx.msk [tilespmem:v11+s19+$0x0], $0xffff  }
0x67: {  	v8 =	vld.idx.msk [tilespmem:v10+s20+$0x0], $0xffff  }
0x68: {  	v9 =	vld.idx.msk [tilespmem:v11+s20+$0x0], $0xffff;
	_ =	sdelay $0x1  }
0x69: {  	v10 =	vpop (erf)  }
0x6a: {  	v11 =	vpop (erf)  }
0x6b: {  	v12 =	vpop (erf)  }
0x6c: {  	v6 =	vmul.f32 v10, v6;
	v7 =	vmul.f32 v11, v7;
	v10 =	vpop (erf)  }
0x6d: {  	v8 =	vmul.f32 v12, v8;
	v9 =	vmul.f32 v10, v9  }
0x6e: {  	v6 =	vmax.f32 v6, $0.0e+00  }
0x6f: {  	v7 =	vmax.f32 v7, $0.0e+00;
	v8 =	vmax.f32 v8, $0.0e+00;
	v9 =	vmax.f32 v9, $0.0e+00  }
0x70: {  	v7 =	vadd.f32 v7, v6;
	v8 =	vadd.f32 v9, v8  }
.Ltmp0:
0x71: {  	(pc) =	sbr.rel @p0 .LBB2_3-.Ltmp0, $4  }
0x72: {  	v6 =	vor.u32 s25, v1;
	v8 =	vadd.f32 v8, v7  }
0x73: {  	v7 =	vor.u32 s25, v3  }
0x74: {  	v8 =	vmul.f32 $2.500000000e-01, v8  }
0x75: {  	s5 =	sshra.s32 s24, $0x2;
	s24 =	smov.u32 s25;
	s25 =	sadd.s32 $0x40, s25  }
0x76: {  	_ =	sdelay $0x2  }
0x77: {  	[tilespmem:s5+$0x1A500] =	vst v8  }
0x78: {  	v8 =	vld.idx.msk [tilespmem:v6+s19+$0x0], $0xffff  }
0x79: {  	v9 =	vld.idx.msk [tilespmem:v7+s19+$0x0], $0xffff  }
0x7a: {  	v6 =	vld.idx.msk [tilespmem:v6+s20+$0x0], $0xffff  }
0x7b: {  	v7 =	vld.idx.msk [tilespmem:v7+s20+$0x0], $0xffff;
	_ =	sdelay $0x1  }
0x7c: {  	v8 =	vadd.f32 $9.999999710e-10, v8  }
0x7d: {  	v9 =	vadd.f32 $9.999999710e-10, v9  }
0x7e: {  	v10 =	vor.u32 s24, v4;
	v6 =	vadd.f32 $9.999999710e-10, v6;
	(erf) = vrcp.f32 v8  }
0x7f: {  	v7 =	vadd.f32 $9.999999710e-10, v7;
	(erf) = vrcp.f32 v9  }
0x80: {  	v60 =	vor.u32 s24, v5;
	(erf) = vrcp.f32 v6  }
0x81: {  	(erf) = vrcp.f32 v7;
	_ =	sdelay $0x1  }
0x82: {  	v61 =	vld.idx.msk [tilespmem:v10+s20+$0x0], $0xffff  }
0x83: {  	v6 =	vld.idx.msk [tilespmem:v10+s19+$0x0], $0xffff  }
0x84: {  	v7 =	vld.idx.msk [tilespmem:v60+s19+$0x0], $0xffff  }
0x85: {  	v8 =	vld.idx.msk [tilespmem:v60+s20+$0x0], $0xffff  }
0x86: {  	v62 =	vpop (erf)  }
0x87: {  	v11 =	vpop (erf)  }
0x88: {  	v12 =	vpop (erf)  }
0x89: {  	v6 =	vmul.f32 v62, v6;
	v7 =	vmul.f32 v11, v7;
	v63 =	vpop (erf)  }
0x8a: {  	v9 =	vmul.f32 v12, v61;
	v8 =	vmul.f32 v63, v8  }
0x8b: {  	v6 =	vmax.f32 v6, $0.0e+00  }
0x8c: {  	v7 =	vmax.f32 v7, $0.0e+00;
	v9 =	vmax.f32 v9, $0.0e+00;
	v8 =	vmax.f32 v8, $0.0e+00  }
0x8d: {  	v6 =	vadd.f32 v7, v6;
	v7 =	vadd.f32 v8, v9;
	_ =	sdelay $0x1  }
0x8e: {  	s25 =	smul.u32 $0x380, s23;
	v6 =	vadd.f32 v7, v6;
	_ =	sdelay $0x1  }
0x8f: {  	s23 =	sadd.s32 $0x1, s23;
	s5 =	sadd.s32 s25, s17;
	v6 =	vmul.f32 $2.500000000e-01, v6  }
0x90: {  	s28 =	sshra.s32 s24, $0x2;
	p0 =	sne.s32 s23, $0x4;
	s5 =	sshrl.u32 s5, $0x3  }
.Ltmp1:
0x91: {  	s5 =	sadd.s32 s11, s5;
	[tilespmem:s28+$0x1A500] =	vst v6;
	(pc) =	sbr.rel @p0 .LBB2_2-.Ltmp1, $4  }
0x92: {  	[hbm4b:s5+s3] =	stream.linear.scatter [tilespmem:s21], [sflag:$0x5], $0x380, $0x38;
	[tilespmem:$0x1E480] =	vst v63  }
0x93: {  	_ =	swait.ge [sflag:s18], $0x380  }
0x94: {  	[sflag:s18] =	ssyncset.done $0x0  }
0x95: {  	[sflag:s18] =	ssyncadd.s32 $0xFFFFFC80  }
0x96: {  	[bflag:$0x0] =	sbarrier.arrive $0xFFFF  }
0x97: {  	s5 =	rddreg [dreg:$0x8]  }
0x98: {  	[tilespmem:s3], [sflag:$0x5] =	stream.linear.gather [hbm4b:s5+s3], $0xE000, $0x38;
	[tilespmem:$0x1E480] =	vst v63  }
0x99: {  	_ =	swait.ge [sflag:s18], $0xE000  }
0x9a: {  	[sflag:s18] =	ssyncset.done $0x0  }
0x9b: {  	[sflag:s18] =	ssyncadd.s32 $0xFFFF2000  }
0x9c: {  	v6 =	vld [tilespmem:$0xE080]  }
0x9d: {  	s23 =	simm.s32 $0xE100;
	s25 =	rddreg [dreg:$0xc];
	v7 =	vld [tilespmem:$0xE090]  }
0x9e: {  	v8 =	vld [tilespmem:$0xE0A0];
	[tilespmem:s23], [sflag:$0x1] =	stream.linear.gather [hbm4b:s25+s3], $0xC00, $0x38  }
0x9f: {  	s28 =	simm.s32 $0xED00;
	s26 =	rddreg [dreg:$0xd]  }
0xa0: {  	[tilespmem:s28], [sflag:$0x1] =	stream.linear.gather [hbm4b:s26+s3], $0xC00, $0x38;
	[tilespmem:$0x1E480] =	vst v63  }
0xa1: {  	s24 =	rddreg [dreg:$0xe];
	s25 =	simm.s32 $0xF900  }
0xa2: {  	[tilespmem:s25], [sflag:$0x1] =	stream.linear.gather [hbm4b:s24+s3], $0xC00, $0x38;
	[tilespmem:$0x1E480] =	vst v63  }
0xa3: {  	s26 =	rddreg [dreg:$0x9];
	s28 =	simm.s32 $0x10500  }
0xa4: {  	[tilespmem:s28], [sflag:$0x2] =	stream.linear.gather [hbm4b:s26+s3], $0xC00, $0x38;
	[tilespmem:$0x1E480] =	vst v63  }
0xa5: {  	s24 =	rddreg [dreg:$0xa];
	s25 =	simm.s32 $0x11100  }
0xa6: {  	[tilespmem:s25], [sflag:$0x2] =	stream.linear.gather [hbm4b:s24+s3], $0xC00, $0x38;
	[tilespmem:$0x1E480] =	vst v63  }
0xa7: {  	s26 =	rddreg [dreg:$0xb];
	s28 =	simm.s32 $0x11D00  }
0xa8: {  	[tilespmem:s28], [sflag:$0x2] =	stream.linear.gather [hbm4b:s26+s3], $0xC00, $0x38;
	[tilespmem:$0x1E480] =	vst v63  }
0xa9: {  	_ =	swait.ge [sflag:s29], $0xC00  }
0xaa: {  	[sflag:s29] =	ssyncset.done $0x0  }
0xab: {  	[sflag:s29] =	ssyncadd.s32 $0xFFFFF400  }
0xac: {  	_ =	swait.ge [sflag:s29], $0xC00  }
0xad: {  	[sflag:s29] =	ssyncset.done $0x0  }
0xae: {  	[sflag:s29] =	ssyncadd.s32 $0xFFFFF400  }
0xaf: {  	_ =	swait.ge [sflag:s29], $0xC00  }
0xb0: {  	s23 =	simm.s32 $0xC0;
	[sflag:s29] =	ssyncset.done $0x0  }
0xb1: {  	s24 =	simm.s32 $0x14140;
	s25 =	simm.s32 $0x12940;
	[sflag:s29] =	ssyncadd.s32 $0xFFFFF400  }
.LBB2_6:
0xb2: {  	s26 =	sshra.s32 s23, $0x2  }
0xb3: {  	v9 =	vld [tilespmem:s26+$0xE0D0]  }
0xb4: {  	v10 =	vld [tilespmem:s26+$0xECD0];
	_ =	sdelay $0x3  }
0xb5: {  	v11 =	vld [tilespmem:s26+$0xF8D0];
	_ =	sdelay $0x2  }
0xb6: {  	v9 =	vld.idx.msk [tilespmem:v9+s3+$0x0], $0xffff  }
0xb7: {  	v12 =	vld.idx.msk [tilespmem:v10+s3+$0x0], $0xffff;
	_ =	sdelay $0x3  }
0xb8: {  	v11 =	vld.idx.msk [tilespmem:v11+s16+$0x0], $0xffff  }
0xb9: {  	v13 =	vmul.f32 v9, v6;
	v12 =	vmul.f32 v12, v7;
	_ =	sdelay $0x1  }
0xba: {  	v12 =	vadd.f32 v12, v13;
	_ =	sdelay $0x1  }
0xbb: {  	v11 =	vadd.f32 v12, v11;
	_ =	sdelay $0x1  }
0xbc: {  	v12 =	vmul.f32 $2.000000030e-01, v11;
	_ =	sdelay $0x1  }
0xbd: {  	v11 =	vmax.f32 v11, v12  }
0xbe: {  	v11 =	vmul.f32 $1.442695020e+00, v11;
	_ =	sdelay $0x1  }
0xbf: {  	(erf) = vpow2.f32 v11;
	_ =	sdelay $0x8  }
0xc0: {  	v11 =	vpop (erf)  }
0xc1: {  	v50 =	vmul.f32 v11, v8  }
0xc2: {  	v10 =	vshll.u32 v10, $0x2  }
0xc3: {  	v51 =	vor.u32 v0, v10;
	[tilespmem:s25+$0xFFFFFFC0] =	vst v11;
	v9 =	vmul.f32 v50, v9  }
0xc4: {  	[tilespmem:s24+$0xFFFFFFC0] =	vst v51  }
0xc5: {  	[tilespmem:s25+$0xFFFFFFD0] =	vst v9;
	v9 =	vor.u32 v2, v10  }
0xc6: {  	[tilespmem:s24+$0xFFFFFFD0] =	vst v9  }
0xc7: {  	v9 =	vld [tilespmem:s26+$0xE0E0]  }
0xc8: {  	v10 =	vld [tilespmem:s26+$0xECE0];
	_ =	sdelay $0x3  }
0xc9: {  	v11 =	vld [tilespmem:s26+$0xF8E0];
	_ =	sdelay $0x2  }
0xca: {  	v9 =	vld.idx.msk [tilespmem:v9+s3+$0x0], $0xffff  }
0xcb: {  	v52 =	vld.idx.msk [tilespmem:v10+s3+$0x0], $0xffff;
	_ =	sdelay $0x3  }
0xcc: {  	v11 =	vld.idx.msk [tilespmem:v11+s16+$0x0], $0xffff  }
0xcd: {  	v53 =	vmul.f32 v9, v6;
	v12 =	vmul.f32 v52, v7;
	_ =	sdelay $0x1  }
0xce: {  	v12 =	vadd.f32 v12, v53;
	_ =	sdelay $0x1  }
0xcf: {  	v11 =	vadd.f32 v12, v11;
	_ =	sdelay $0x1  }
0xd0: {  	v12 =	vmul.f32 $2.000000030e-01, v11;
	_ =	sdelay $0x1  }
0xd1: {  	v11 =	vmax.f32 v11, v12  }
0xd2: {  	v11 =	vmul.f32 $1.442695020e+00, v11;
	_ =	sdelay $0x1  }
0xd3: {  	(erf) = vpow2.f32 v11;
	_ =	sdelay $0x8  }
0xd4: {  	v11 =	vpop (erf)  }
0xd5: {  	v54 =	vmul.f32 v11, v8  }
0xd6: {  	v10 =	vshll.u32 v10, $0x2  }
0xd7: {  	v55 =	vor.u32 v0, v10;
	[tilespmem:s25+$0xFFFFFFE0] =	vst v11;
	v9 =	vmul.f32 v54, v9  }
0xd8: {  	[tilespmem:s24+$0xFFFFFFE0] =	vst v55  }
0xd9: {  	[tilespmem:s25+$0xFFFFFFF0] =	vst v9;
	v9 =	vor.u32 v2, v10  }
0xda: {  	[tilespmem:s24+$0xFFFFFFF0] =	vst v9  }
0xdb: {  	v9 =	vld [tilespmem:s26+$0xE0F0]  }
0xdc: {  	v10 =	vld [tilespmem:s26+$0xECF0];
	_ =	sdelay $0x3  }
0xdd: {  	v11 =	vld [tilespmem:s26+$0xF8F0];
	_ =	sdelay $0x2  }
0xde: {  	v9 =	vld.idx.msk [tilespmem:v9+s3+$0x0], $0xffff  }
0xdf: {  	v56 =	vld.idx.msk [tilespmem:v10+s3+$0x0], $0xffff;
	_ =	sdelay $0x3  }
0xe0: {  	v11 =	vld.idx.msk [tilespmem:v11+s16+$0x0], $0xffff  }
0xe1: {  	v57 =	vmul.f32 v9, v6;
	v12 =	vmul.f32 v56, v7;
	_ =	sdelay $0x1  }
0xe2: {  	v12 =	vadd.f32 v12, v57;
	_ =	sdelay $0x1  }
0xe3: {  	v11 =	vadd.f32 v12, v11;
	_ =	sdelay $0x1  }
0xe4: {  	v12 =	vmul.f32 $2.000000030e-01, v11;
	_ =	sdelay $0x1  }
0xe5: {  	v11 =	vmax.f32 v11, v12  }
0xe6: {  	v11 =	vmul.f32 $1.442695020e+00, v11;
	_ =	sdelay $0x1  }
0xe7: {  	(erf) = vpow2.f32 v11;
	_ =	sdelay $0x8  }
0xe8: {  	v11 =	vpop (erf)  }
0xe9: {  	v58 =	vmul.f32 v11, v8  }
0xea: {  	v10 =	vshll.u32 v10, $0x2  }
0xeb: {  	v59 =	vor.u32 v0, v10;
	[tilespmem:s25+$0x0] =	vst v11;
	v9 =	vmul.f32 v58, v9  }
0xec: {  	[tilespmem:s24+$0x0] =	vst v59  }
0xed: {  	[tilespmem:s25+$0x10] =	vst v9;
	v9 =	vor.u32 v2, v10  }
0xee: {  	[tilespmem:s24+$0x10] =	vst v9  }
0xef: {  	v9 =	vld [tilespmem:s26+$0xE100]  }
0xf0: {  	v10 =	vld [tilespmem:s26+$0xED00];
	_ =	sdelay $0x3  }
0xf1: {  	v11 =	vld [tilespmem:s26+$0xF900];
	_ =	sdelay $0x2  }
0xf2: {  	v9 =	vld.idx.msk [tilespmem:v9+s3+$0x0], $0xffff  }
0xf3: {  	v60 =	vld.idx.msk [tilespmem:v10+s3+$0x0], $0xffff;
	_ =	sdelay $0x3  }
0xf4: {  	v11 =	vld.idx.msk [tilespmem:v11+s16+$0x0], $0xffff  }
0xf5: {  	v61 =	vmul.f32 v9, v6;
	v12 =	vmul.f32 v60, v7;
	_ =	sdelay $0x1  }
0xf6: {  	v12 =	vadd.f32 v12, v61;
	_ =	sdelay $0x1  }
0xf7: {  	v11 =	vadd.f32 v12, v11;
	_ =	sdelay $0x1  }
0xf8: {  	v12 =	vmul.f32 $2.000000030e-01, v11;
	_ =	sdelay $0x1  }
0xf9: {  	v11 =	vmax.f32 v11, v12  }
0xfa: {  	v11 =	vmul.f32 $1.442695020e+00, v11;
	_ =	sdelay $0x1  }
0xfb: {  	(erf) = vpow2.f32 v11;
	_ =	sdelay $0x8  }
0xfc: {  	v11 =	vpop (erf)  }
0xfd: {  	p0 =	sne.s32 s23, $0x2FC0;
	v62 =	vmul.f32 v11, v8  }
.Ltmp2:
0xfe: {  	v10 =	vshll.u32 v10, $0x2;
	(pc) =	sbr.rel @p0 .LBB2_6-.Ltmp2, $4  }
0xff: {  	v63 =	vor.u32 v0, v10;
	[tilespmem:s25+$0x20] =	vst v11;
	v9 =	vmul.f32 v62, v9  }
0x100: {  	[tilespmem:s24+$0x20] =	vst v63  }
0x101: {  	[tilespmem:s25+$0x30] =	vst v9;
	v9 =	vor.u32 v2, v10  }
0x102: {  	s23 =	sadd.s32 $0x100, s23;
	s25 =	sadd.s32 $0x80, s25;
	[tilespmem:s24+$0x30] =	vst v9;
	s24 =	sadd.s32 $0x80, s24  }
0x103: {  	s5 =	simm.s32 $0x14100;
	s23 =	simm.s32 $0x12900  }
0x104: {  	[spmem:s2] =	stream.indirect.scatter.add.f32 [tilespmem:s23], [sflag:$0x3], $0x1, s5, s30, $0xb8;
	[tilespmem:$0x1E480] =	vst v63  }
0x105: {  	s26 =	rddreg [dreg:$0xf];
	s28 =	simm.s32 $0xE100  }
0x106: {  	[tilespmem:s28], [sflag:$0x1] =	stream.linear.gather [hbm4b:s26+s3], $0xC00, $0x38;
	[tilespmem:$0x1E480] =	vst v63  }
0x107: {  	s24 =	rddreg [dreg:$0x10];
	s25 =	simm.s32 $0xED00  }
0x108: {  	[tilespmem:s25], [sflag:$0x1] =	stream.linear.gather [hbm4b:s24+s3], $0xC00, $0x38;
	[tilespmem:$0x1E480] =	vst v63  }
0x109: {  	s26 =	rddreg [dreg:$0x11];
	s28 =	simm.s32 $0xF900  }
0x10a: {  	[tilespmem:s28], [sflag:$0x1] =	stream.linear.gather [hbm4b:s26+s3], $0xC00, $0x38;
	[tilespmem:$0x1E480] =	vst v63  }
0x10b: {  	_ =	swait.ge [sflag:s31], $0xC00  }
0x10c: {  	[sflag:s31] =	ssyncset.done $0x0  }
0x10d: {  	[sflag:s31] =	ssyncadd.s32 $0xFFFFF400  }
0x10e: {  	_ =	swait.ge [sflag:s31], $0xC00  }
0x10f: {  	[sflag:s31] =	ssyncset.done $0x0  }
0x110: {  	[sflag:s31] =	ssyncadd.s32 $0xFFFFF400  }
0x111: {  	_ =	swait.ge [sflag:s31], $0xC00  }
0x112: {  	s23 =	simm.s32 $0xC0;
	[sflag:s31] =	ssyncset.done $0x0  }
0x113: {  	s24 =	simm.s32 $0x17140;
	s25 =	simm.s32 $0x15940;
	[sflag:s31] =	ssyncadd.s32 $0xFFFFF400  }
.LBB2_8:
0x114: {  	s26 =	sshra.s32 s23, $0x2  }
0x115: {  	v9 =	vld [tilespmem:s26+$0x104D0]  }
0x116: {  	v10 =	vld [tilespmem:s26+$0x110D0];
	_ =	sdelay $0x3  }
0x117: {  	v11 =	vld [tilespmem:s26+$0x11CD0];
	_ =	sdelay $0x2  }
0x118: {  	v9 =	vld.idx.msk [tilespmem:v9+s3+$0x0], $0xffff  }
0x119: {  	v12 =	vld.idx.msk [tilespmem:v10+s3+$0x0], $0xffff;
	_ =	sdelay $0x3  }
0x11a: {  	v11 =	vld.idx.msk [tilespmem:v11+s16+$0x0], $0xffff  }
0x11b: {  	v13 =	vmul.f32 v9, v6;
	v12 =	vmul.f32 v12, v7;
	_ =	sdelay $0x1  }
0x11c: {  	v12 =	vadd.f32 v12, v13;
	_ =	sdelay $0x1  }
0x11d: {  	v11 =	vadd.f32 v12, v11;
	_ =	sdelay $0x1  }
0x11e: {  	v12 =	vmul.f32 $2.000000030e-01, v11;
	_ =	sdelay $0x1  }
0x11f: {  	v11 =	vmax.f32 v11, v12  }
0x120: {  	v11 =	vmul.f32 $1.442695020e+00, v11;
	_ =	sdelay $0x1  }
0x121: {  	(erf) = vpow2.f32 v11;
	_ =	sdelay $0x8  }
0x122: {  	v11 =	vpop (erf)  }
0x123: {  	v50 =	vmul.f32 v11, v8  }
0x124: {  	v10 =	vshll.u32 v10, $0x2  }
0x125: {  	v51 =	vor.u32 v0, v10;
	[tilespmem:s25+$0xFFFFFFC0] =	vst v11;
	v9 =	vmul.f32 v50, v9  }
0x126: {  	[tilespmem:s24+$0xFFFFFFC0] =	vst v51  }
0x127: {  	[tilespmem:s25+$0xFFFFFFD0] =	vst v9;
	v9 =	vor.u32 v2, v10  }
0x128: {  	[tilespmem:s24+$0xFFFFFFD0] =	vst v9  }
0x129: {  	v9 =	vld [tilespmem:s26+$0x104E0]  }
0x12a: {  	v10 =	vld [tilespmem:s26+$0x110E0];
	_ =	sdelay $0x3  }
0x12b: {  	v11 =	vld [tilespmem:s26+$0x11CE0];
	_ =	sdelay $0x2  }
0x12c: {  	v9 =	vld.idx.msk [tilespmem:v9+s3+$0x0], $0xffff  }
0x12d: {  	v52 =	vld.idx.msk [tilespmem:v10+s3+$0x0], $0xffff;
	_ =	sdelay $0x3  }
0x12e: {  	v11 =	vld.idx.msk [tilespmem:v11+s16+$0x0], $0xffff  }
0x12f: {  	v53 =	vmul.f32 v9, v6;
	v12 =	vmul.f32 v52, v7;
	_ =	sdelay $0x1  }
0x130: {  	v12 =	vadd.f32 v12, v53;
	_ =	sdelay $0x1  }
0x131: {  	v11 =	vadd.f32 v12, v11;
	_ =	sdelay $0x1  }
0x132: {  	v12 =	vmul.f32 $2.000000030e-01, v11;
	_ =	sdelay $0x1  }
0x133: {  	v11 =	vmax.f32 v11, v12  }
0x134: {  	v11 =	vmul.f32 $1.442695020e+00, v11;
	_ =	sdelay $0x1  }
0x135: {  	(erf) = vpow2.f32 v11;
	_ =	sdelay $0x8  }
0x136: {  	v11 =	vpop (erf)  }
0x137: {  	v54 =	vmul.f32 v11, v8  }
0x138: {  	v10 =	vshll.u32 v10, $0x2  }
0x139: {  	v55 =	vor.u32 v0, v10;
	[tilespmem:s25+$0xFFFFFFE0] =	vst v11;
	v9 =	vmul.f32 v54, v9  }
0x13a: {  	[tilespmem:s24+$0xFFFFFFE0] =	vst v55  }
0x13b: {  	[tilespmem:s25+$0xFFFFFFF0] =	vst v9;
	v9 =	vor.u32 v2, v10  }
0x13c: {  	[tilespmem:s24+$0xFFFFFFF0] =	vst v9  }
0x13d: {  	v9 =	vld [tilespmem:s26+$0x104F0]  }
0x13e: {  	v10 =	vld [tilespmem:s26+$0x110F0];
	_ =	sdelay $0x3  }
0x13f: {  	v11 =	vld [tilespmem:s26+$0x11CF0];
	_ =	sdelay $0x2  }
0x140: {  	v9 =	vld.idx.msk [tilespmem:v9+s3+$0x0], $0xffff  }
0x141: {  	v56 =	vld.idx.msk [tilespmem:v10+s3+$0x0], $0xffff;
	_ =	sdelay $0x3  }
0x142: {  	v11 =	vld.idx.msk [tilespmem:v11+s16+$0x0], $0xffff  }
0x143: {  	v57 =	vmul.f32 v9, v6;
	v12 =	vmul.f32 v56, v7;
	_ =	sdelay $0x1  }
0x144: {  	v12 =	vadd.f32 v12, v57;
	_ =	sdelay $0x1  }
0x145: {  	v11 =	vadd.f32 v12, v11;
	_ =	sdelay $0x1  }
0x146: {  	v12 =	vmul.f32 $2.000000030e-01, v11;
	_ =	sdelay $0x1  }
0x147: {  	v11 =	vmax.f32 v11, v12  }
0x148: {  	v11 =	vmul.f32 $1.442695020e+00, v11;
	_ =	sdelay $0x1  }
0x149: {  	(erf) = vpow2.f32 v11;
	_ =	sdelay $0x8  }
0x14a: {  	v11 =	vpop (erf)  }
0x14b: {  	v58 =	vmul.f32 v11, v8  }
0x14c: {  	v10 =	vshll.u32 v10, $0x2  }
0x14d: {  	v59 =	vor.u32 v0, v10;
	[tilespmem:s25+$0x0] =	vst v11;
	v9 =	vmul.f32 v58, v9  }
0x14e: {  	[tilespmem:s24+$0x0] =	vst v59  }
0x14f: {  	[tilespmem:s25+$0x10] =	vst v9;
	v9 =	vor.u32 v2, v10  }
0x150: {  	[tilespmem:s24+$0x10] =	vst v9  }
0x151: {  	v9 =	vld [tilespmem:s26+$0x10500]  }
0x152: {  	v10 =	vld [tilespmem:s26+$0x11100];
	_ =	sdelay $0x3  }
0x153: {  	v11 =	vld [tilespmem:s26+$0x11D00];
	_ =	sdelay $0x2  }
0x154: {  	v9 =	vld.idx.msk [tilespmem:v9+s3+$0x0], $0xffff  }
0x155: {  	v60 =	vld.idx.msk [tilespmem:v10+s3+$0x0], $0xffff;
	_ =	sdelay $0x3  }
0x156: {  	v11 =	vld.idx.msk [tilespmem:v11+s16+$0x0], $0xffff  }
0x157: {  	v61 =	vmul.f32 v9, v6;
	v12 =	vmul.f32 v60, v7;
	_ =	sdelay $0x1  }
0x158: {  	v12 =	vadd.f32 v12, v61;
	_ =	sdelay $0x1  }
0x159: {  	v11 =	vadd.f32 v12, v11;
	_ =	sdelay $0x1  }
0x15a: {  	v12 =	vmul.f32 $2.000000030e-01, v11;
	_ =	sdelay $0x1  }
0x15b: {  	v11 =	vmax.f32 v11, v12  }
0x15c: {  	v11 =	vmul.f32 $1.442695020e+00, v11;
	_ =	sdelay $0x1  }
0x15d: {  	(erf) = vpow2.f32 v11;
	_ =	sdelay $0x8  }
0x15e: {  	v11 =	vpop (erf)  }
0x15f: {  	p0 =	sne.s32 s23, $0x2FC0;
	v62 =	vmul.f32 v11, v8  }
.Ltmp3:
0x160: {  	v10 =	vshll.u32 v10, $0x2;
	(pc) =	sbr.rel @p0 .LBB2_8-.Ltmp3, $4  }
0x161: {  	v63 =	vor.u32 v0, v10;
	[tilespmem:s25+$0x20] =	vst v11;
	v9 =	vmul.f32 v62, v9  }
0x162: {  	[tilespmem:s24+$0x20] =	vst v63  }
0x163: {  	[tilespmem:s25+$0x30] =	vst v9;
	v9 =	vor.u32 v2, v10  }
0x164: {  	s23 =	sadd.s32 $0x100, s23;
	s25 =	sadd.s32 $0x80, s25;
	[tilespmem:s24+$0x30] =	vst v9;
	s24 =	sadd.s32 $0x80, s24  }
0x165: {  	s5 =	simm.s32 $0x17100;
	s23 =	simm.s32 $0x15900  }
0x166: {  	[spmem:s2] =	stream.indirect.scatter.add.f32 [tilespmem:s23], [sflag:$0x4], $0x1, s5, s30, $0xb8;
	[tilespmem:$0x1E480] =	vst v63  }
0x167: {  	s28 =	rddreg [dreg:$0x12];
	s24 =	simm.s32 $0x10500;
	s23 =	simm.s32 $0x0  }
0x168: {  	[tilespmem:s24], [sflag:$0x2] =	stream.linear.gather [hbm4b:s28+s23], $0xC00, $0x38;
	[tilespmem:$0x1E480] =	vst v63  }
0x169: {  	s25 =	simm.s32 $0x11100;
	s24 =	rddreg [dreg:$0x13]  }
0x16a: {  	[tilespmem:s25], [sflag:$0x2] =	stream.linear.gather [hbm4b:s24+s23], $0xC00, $0x38;
	[tilespmem:$0x1E480] =	vst v63  }
0x16b: {  	s26 =	rddreg [dreg:$0x14];
	s28 =	simm.s32 $0x11D00  }
0x16c: {  	[tilespmem:s28], [sflag:$0x2] =	stream.linear.gather [hbm4b:s26+s23], $0xC00, $0x38;
	[tilespmem:$0x1E480] =	vst v63  }
.LBB2_10:
0x16d: {  	_ =	swait.ge [sflag:s29], $0xC00  }
0x16e: {  	[sflag:s29] =	ssyncset.done $0x0  }
0x16f: {  	[sflag:s29] =	ssyncadd.s32 $0xFFFFF400  }
0x170: {  	_ =	swait.ge [sflag:s29], $0xC00  }
0x171: {  	[sflag:s29] =	ssyncset.done $0x0  }
0x172: {  	[sflag:s29] =	ssyncadd.s32 $0xFFFFF400  }
0x173: {  	_ =	swait.ge [sflag:s29], $0xC00  }
0x174: {  	[sflag:s29] =	ssyncset.done $0x0  }
0x175: {  	[sflag:s29] =	ssyncadd.s32 $0xFFFFF400  }
0x176: {  	_ =	swait.ge [sflag:s12], $0x1800  }
0x177: {  	s24 =	simm.s32 $0xC0;
	[sflag:s12] =	ssyncset.done $0x0  }
0x178: {  	s25 =	simm.s32 $0x14140;
	s26 =	simm.s32 $0x12940;
	[sflag:s12] =	ssyncadd.s32 $0xFFFFE800  }
.LBB2_11:
0x179: {  	s28 =	sshra.s32 s24, $0x2  }
0x17a: {  	v9 =	vld [tilespmem:s28+$0xE0D0]  }
0x17b: {  	v10 =	vld [tilespmem:s28+$0xECD0];
	_ =	sdelay $0x3  }
0x17c: {  	v11 =	vld [tilespmem:s28+$0xF8D0];
	_ =	sdelay $0x2  }
0x17d: {  	v9 =	vld.idx.msk [tilespmem:v9+s3+$0x0], $0xffff  }
0x17e: {  	v12 =	vld.idx.msk [tilespmem:v10+s3+$0x0], $0xffff;
	_ =	sdelay $0x3  }
0x17f: {  	v11 =	vld.idx.msk [tilespmem:v11+s16+$0x0], $0xffff  }
0x180: {  	v13 =	vmul.f32 v9, v6;
	v12 =	vmul.f32 v12, v7;
	_ =	sdelay $0x1  }
0x181: {  	v12 =	vadd.f32 v12, v13;
	_ =	sdelay $0x1  }
0x182: {  	v11 =	vadd.f32 v12, v11;
	_ =	sdelay $0x1  }
0x183: {  	v12 =	vmul.f32 $2.000000030e-01, v11;
	_ =	sdelay $0x1  }
0x184: {  	v11 =	vmax.f32 v11, v12  }
0x185: {  	v11 =	vmul.f32 $1.442695020e+00, v11;
	_ =	sdelay $0x1  }
0x186: {  	(erf) = vpow2.f32 v11;
	_ =	sdelay $0x8  }
0x187: {  	v11 =	vpop (erf)  }
0x188: {  	v50 =	vmul.f32 v11, v8  }
0x189: {  	v10 =	vshll.u32 v10, $0x2  }
0x18a: {  	v51 =	vor.u32 v0, v10;
	[tilespmem:s26+$0xFFFFFFC0] =	vst v11;
	v9 =	vmul.f32 v50, v9  }
0x18b: {  	[tilespmem:s25+$0xFFFFFFC0] =	vst v51  }
0x18c: {  	[tilespmem:s26+$0xFFFFFFD0] =	vst v9;
	v9 =	vor.u32 v2, v10  }
0x18d: {  	[tilespmem:s25+$0xFFFFFFD0] =	vst v9  }
0x18e: {  	v9 =	vld [tilespmem:s28+$0xE0E0]  }
0x18f: {  	v10 =	vld [tilespmem:s28+$0xECE0];
	_ =	sdelay $0x3  }
0x190: {  	v11 =	vld [tilespmem:s28+$0xF8E0];
	_ =	sdelay $0x2  }
0x191: {  	v9 =	vld.idx.msk [tilespmem:v9+s3+$0x0], $0xffff  }
0x192: {  	v52 =	vld.idx.msk [tilespmem:v10+s3+$0x0], $0xffff;
	_ =	sdelay $0x3  }
0x193: {  	v11 =	vld.idx.msk [tilespmem:v11+s16+$0x0], $0xffff  }
0x194: {  	v53 =	vmul.f32 v9, v6;
	v12 =	vmul.f32 v52, v7;
	_ =	sdelay $0x1  }
0x195: {  	v12 =	vadd.f32 v12, v53;
	_ =	sdelay $0x1  }
0x196: {  	v11 =	vadd.f32 v12, v11;
	_ =	sdelay $0x1  }
0x197: {  	v12 =	vmul.f32 $2.000000030e-01, v11;
	_ =	sdelay $0x1  }
0x198: {  	v11 =	vmax.f32 v11, v12  }
0x199: {  	v11 =	vmul.f32 $1.442695020e+00, v11;
	_ =	sdelay $0x1  }
0x19a: {  	(erf) = vpow2.f32 v11;
	_ =	sdelay $0x8  }
0x19b: {  	v11 =	vpop (erf)  }
0x19c: {  	v54 =	vmul.f32 v11, v8  }
0x19d: {  	v10 =	vshll.u32 v10, $0x2  }
0x19e: {  	v55 =	vor.u32 v0, v10;
	[tilespmem:s26+$0xFFFFFFE0] =	vst v11;
	v9 =	vmul.f32 v54, v9  }
0x19f: {  	[tilespmem:s25+$0xFFFFFFE0] =	vst v55  }
0x1a0: {  	[tilespmem:s26+$0xFFFFFFF0] =	vst v9;
	v9 =	vor.u32 v2, v10  }
0x1a1: {  	[tilespmem:s25+$0xFFFFFFF0] =	vst v9  }
0x1a2: {  	v9 =	vld [tilespmem:s28+$0xE0F0]  }
0x1a3: {  	v10 =	vld [tilespmem:s28+$0xECF0];
	_ =	sdelay $0x3  }
0x1a4: {  	v11 =	vld [tilespmem:s28+$0xF8F0];
	_ =	sdelay $0x2  }
0x1a5: {  	v9 =	vld.idx.msk [tilespmem:v9+s3+$0x0], $0xffff  }
0x1a6: {  	v56 =	vld.idx.msk [tilespmem:v10+s3+$0x0], $0xffff;
	_ =	sdelay $0x3  }
0x1a7: {  	v11 =	vld.idx.msk [tilespmem:v11+s16+$0x0], $0xffff  }
0x1a8: {  	v57 =	vmul.f32 v9, v6;
	v12 =	vmul.f32 v56, v7;
	_ =	sdelay $0x1  }
0x1a9: {  	v12 =	vadd.f32 v12, v57;
	_ =	sdelay $0x1  }
0x1aa: {  	v11 =	vadd.f32 v12, v11;
	_ =	sdelay $0x1  }
0x1ab: {  	v12 =	vmul.f32 $2.000000030e-01, v11;
	_ =	sdelay $0x1  }
0x1ac: {  	v11 =	vmax.f32 v11, v12  }
0x1ad: {  	v11 =	vmul.f32 $1.442695020e+00, v11;
	_ =	sdelay $0x1  }
0x1ae: {  	(erf) = vpow2.f32 v11;
	_ =	sdelay $0x8  }
0x1af: {  	v11 =	vpop (erf)  }
0x1b0: {  	v58 =	vmul.f32 v11, v8  }
0x1b1: {  	v10 =	vshll.u32 v10, $0x2  }
0x1b2: {  	v59 =	vor.u32 v0, v10;
	[tilespmem:s26+$0x0] =	vst v11;
	v9 =	vmul.f32 v58, v9  }
0x1b3: {  	[tilespmem:s25+$0x0] =	vst v59  }
0x1b4: {  	[tilespmem:s26+$0x10] =	vst v9;
	v9 =	vor.u32 v2, v10  }
0x1b5: {  	[tilespmem:s25+$0x10] =	vst v9  }
0x1b6: {  	v9 =	vld [tilespmem:s28+$0xE100]  }
0x1b7: {  	v10 =	vld [tilespmem:s28+$0xED00];
	_ =	sdelay $0x3  }
0x1b8: {  	v11 =	vld [tilespmem:s28+$0xF900];
	_ =	sdelay $0x2  }
0x1b9: {  	v9 =	vld.idx.msk [tilespmem:v9+s3+$0x0], $0xffff  }
0x1ba: {  	v60 =	vld.idx.msk [tilespmem:v10+s3+$0x0], $0xffff;
	_ =	sdelay $0x3  }
0x1bb: {  	v11 =	vld.idx.msk [tilespmem:v11+s16+$0x0], $0xffff  }
0x1bc: {  	v61 =	vmul.f32 v9, v6;
	v12 =	vmul.f32 v60, v7;
	_ =	sdelay $0x1  }
0x1bd: {  	v12 =	vadd.f32 v12, v61;
	_ =	sdelay $0x1  }
0x1be: {  	v11 =	vadd.f32 v12, v11;
	_ =	sdelay $0x1  }
0x1bf: {  	v12 =	vmul.f32 $2.000000030e-01, v11;
	_ =	sdelay $0x1  }
0x1c0: {  	v11 =	vmax.f32 v11, v12  }
0x1c1: {  	v11 =	vmul.f32 $1.442695020e+00, v11;
	_ =	sdelay $0x1  }
0x1c2: {  	(erf) = vpow2.f32 v11;
	_ =	sdelay $0x8  }
0x1c3: {  	v11 =	vpop (erf)  }
0x1c4: {  	p0 =	sne.s32 s24, $0x2FC0;
	v62 =	vmul.f32 v11, v8  }
.Ltmp4:
0x1c5: {  	v10 =	vshll.u32 v10, $0x2;
	(pc) =	sbr.rel @p0 .LBB2_11-.Ltmp4, $4  }
0x1c6: {  	v63 =	vor.u32 v0, v10;
	[tilespmem:s26+$0x20] =	vst v11;
	v9 =	vmul.f32 v62, v9  }
0x1c7: {  	[tilespmem:s25+$0x20] =	vst v63  }
0x1c8: {  	[tilespmem:s26+$0x30] =	vst v9;
	v9 =	vor.u32 v2, v10  }
0x1c9: {  	s24 =	sadd.s32 $0x100, s24;
	s26 =	sadd.s32 $0x80, s26;
	[tilespmem:s25+$0x30] =	vst v9;
	s25 =	sadd.s32 $0x80, s25  }
0x1ca: {  	s24 =	sshll.u32 s23, $0x1  }
0x1cb: {  	s5 =	sadd.s32 s24, s0  }
0x1cc: {  	s25 =	simm.s32 $0x14100;
	s26 =	simm.s32 $0x12900;
	s5 =	smul.u32 $0x180, s5  }
0x1cd: {  	[spmem:s2] =	stream.indirect.scatter.add.f32 [tilespmem:s26], [sflag:$0x3], $0x1, s25, s30, $0xb8;
	[tilespmem:$0x1E480] =	vst v63  }
0x1ce: {  	s26 =	simm.s32 $0xE100;
	s25 =	sadd.s32 s6, s5  }
0x1cf: {  	[tilespmem:s26], [sflag:$0x1] =	stream.linear.gather [hbm4b:s25+s3], $0xC00, $0x38;
	[tilespmem:$0x1E480] =	vst v63  }
0x1d0: {  	s25 =	sadd.s32 s7, s5;
	s26 =	simm.s32 $0xED00  }
0x1d1: {  	[tilespmem:s26], [sflag:$0x1] =	stream.linear.gather [hbm4b:s25+s3], $0xC00, $0x38;
	[tilespmem:$0x1E480] =	vst v63  }
0x1d2: {  	s5 =	sadd.s32 s8, s5;
	s26 =	simm.s32 $0xF900  }
0x1d3: {  	[tilespmem:s26], [sflag:$0x1] =	stream.linear.gather [hbm4b:s5+s3], $0xC00, $0x38;
	[tilespmem:$0x1E480] =	vst v63  }
0x1d4: {  	_ =	swait.ge [sflag:s31], $0xC00  }
0x1d5: {  	[sflag:s31] =	ssyncset.done $0x0  }
0x1d6: {  	[sflag:s31] =	ssyncadd.s32 $0xFFFFF400  }
0x1d7: {  	_ =	swait.ge [sflag:s31], $0xC00  }
0x1d8: {  	[sflag:s31] =	ssyncset.done $0x0  }
0x1d9: {  	[sflag:s31] =	ssyncadd.s32 $0xFFFFF400  }
0x1da: {  	_ =	swait.ge [sflag:s31], $0xC00  }
0x1db: {  	[sflag:s31] =	ssyncset.done $0x0  }
0x1dc: {  	[sflag:s31] =	ssyncadd.s32 $0xFFFFF400  }
0x1dd: {  	_ =	swait.ge [sflag:s22], $0x1800  }
0x1de: {  	s28 =	simm.s32 $0x15940;
	[sflag:s22] =	ssyncset.done $0x0  }
0x1df: {  	s25 =	simm.s32 $0xC0;
	s26 =	simm.s32 $0x17140;
	[sflag:s22] =	ssyncadd.s32 $0xFFFFE800  }
.LBB2_13:
0x1e0: {  	s5 =	sshra.s32 s25, $0x2  }
0x1e1: {  	v9 =	vld [tilespmem:s5+$0x104D0]  }
0x1e2: {  	v10 =	vld [tilespmem:s5+$0x110D0];
	_ =	sdelay $0x3  }
0x1e3: {  	v11 =	vld [tilespmem:s5+$0x11CD0];
	_ =	sdelay $0x2  }
0x1e4: {  	v9 =	vld.idx.msk [tilespmem:v9+s3+$0x0], $0xffff  }
0x1e5: {  	v12 =	vld.idx.msk [tilespmem:v10+s3+$0x0], $0xffff;
	_ =	sdelay $0x3  }
0x1e6: {  	v11 =	vld.idx.msk [tilespmem:v11+s16+$0x0], $0xffff  }
0x1e7: {  	v13 =	vmul.f32 v9, v6;
	v12 =	vmul.f32 v12, v7;
	_ =	sdelay $0x1  }
0x1e8: {  	v12 =	vadd.f32 v12, v13;
	_ =	sdelay $0x1  }
0x1e9: {  	v11 =	vadd.f32 v12, v11;
	_ =	sdelay $0x1  }
0x1ea: {  	v12 =	vmul.f32 $2.000000030e-01, v11;
	_ =	sdelay $0x1  }
0x1eb: {  	v11 =	vmax.f32 v11, v12  }
0x1ec: {  	v11 =	vmul.f32 $1.442695020e+00, v11;
	_ =	sdelay $0x1  }
0x1ed: {  	(erf) = vpow2.f32 v11;
	_ =	sdelay $0x8  }
0x1ee: {  	v11 =	vpop (erf)  }
0x1ef: {  	v50 =	vmul.f32 v11, v8  }
0x1f0: {  	v10 =	vshll.u32 v10, $0x2  }
0x1f1: {  	v51 =	vor.u32 v0, v10;
	[tilespmem:s28+$0xFFFFFFC0] =	vst v11;
	v9 =	vmul.f32 v50, v9  }
0x1f2: {  	[tilespmem:s26+$0xFFFFFFC0] =	vst v51  }
0x1f3: {  	[tilespmem:s28+$0xFFFFFFD0] =	vst v9;
	v9 =	vor.u32 v2, v10  }
0x1f4: {  	[tilespmem:s26+$0xFFFFFFD0] =	vst v9  }
0x1f5: {  	v9 =	vld [tilespmem:s5+$0x104E0]  }
0x1f6: {  	v10 =	vld [tilespmem:s5+$0x110E0];
	_ =	sdelay $0x3  }
0x1f7: {  	v11 =	vld [tilespmem:s5+$0x11CE0];
	_ =	sdelay $0x2  }
0x1f8: {  	v9 =	vld.idx.msk [tilespmem:v9+s3+$0x0], $0xffff  }
0x1f9: {  	v52 =	vld.idx.msk [tilespmem:v10+s3+$0x0], $0xffff;
	_ =	sdelay $0x3  }
0x1fa: {  	v11 =	vld.idx.msk [tilespmem:v11+s16+$0x0], $0xffff  }
0x1fb: {  	v53 =	vmul.f32 v9, v6;
	v12 =	vmul.f32 v52, v7;
	_ =	sdelay $0x1  }
0x1fc: {  	v12 =	vadd.f32 v12, v53;
	_ =	sdelay $0x1  }
0x1fd: {  	v11 =	vadd.f32 v12, v11;
	_ =	sdelay $0x1  }
0x1fe: {  	v12 =	vmul.f32 $2.000000030e-01, v11;
	_ =	sdelay $0x1  }
0x1ff: {  	v11 =	vmax.f32 v11, v12  }
0x200: {  	v11 =	vmul.f32 $1.442695020e+00, v11;
	_ =	sdelay $0x1  }
0x201: {  	(erf) = vpow2.f32 v11;
	_ =	sdelay $0x8  }
0x202: {  	v11 =	vpop (erf)  }
0x203: {  	v54 =	vmul.f32 v11, v8  }
0x204: {  	v10 =	vshll.u32 v10, $0x2  }
0x205: {  	v55 =	vor.u32 v0, v10;
	[tilespmem:s28+$0xFFFFFFE0] =	vst v11;
	v9 =	vmul.f32 v54, v9  }
0x206: {  	[tilespmem:s26+$0xFFFFFFE0] =	vst v55  }
0x207: {  	[tilespmem:s28+$0xFFFFFFF0] =	vst v9;
	v9 =	vor.u32 v2, v10  }
0x208: {  	[tilespmem:s26+$0xFFFFFFF0] =	vst v9  }
0x209: {  	v9 =	vld [tilespmem:s5+$0x104F0]  }
0x20a: {  	v10 =	vld [tilespmem:s5+$0x110F0];
	_ =	sdelay $0x3  }
0x20b: {  	v11 =	vld [tilespmem:s5+$0x11CF0];
	_ =	sdelay $0x2  }
0x20c: {  	v9 =	vld.idx.msk [tilespmem:v9+s3+$0x0], $0xffff  }
0x20d: {  	v56 =	vld.idx.msk [tilespmem:v10+s3+$0x0], $0xffff;
	_ =	sdelay $0x3  }
0x20e: {  	v11 =	vld.idx.msk [tilespmem:v11+s16+$0x0], $0xffff  }
0x20f: {  	v57 =	vmul.f32 v9, v6;
	v12 =	vmul.f32 v56, v7;
	_ =	sdelay $0x1  }
0x210: {  	v12 =	vadd.f32 v12, v57;
	_ =	sdelay $0x1  }
0x211: {  	v11 =	vadd.f32 v12, v11;
	_ =	sdelay $0x1  }
0x212: {  	v12 =	vmul.f32 $2.000000030e-01, v11;
	_ =	sdelay $0x1  }
0x213: {  	v11 =	vmax.f32 v11, v12  }
0x214: {  	v11 =	vmul.f32 $1.442695020e+00, v11;
	_ =	sdelay $0x1  }
0x215: {  	(erf) = vpow2.f32 v11;
	_ =	sdelay $0x8  }
0x216: {  	v11 =	vpop (erf)  }
0x217: {  	v58 =	vmul.f32 v11, v8  }
0x218: {  	v10 =	vshll.u32 v10, $0x2  }
0x219: {  	v59 =	vor.u32 v0, v10;
	[tilespmem:s28+$0x0] =	vst v11;
	v9 =	vmul.f32 v58, v9  }
0x21a: {  	[tilespmem:s26+$0x0] =	vst v59  }
0x21b: {  	[tilespmem:s28+$0x10] =	vst v9;
	v9 =	vor.u32 v2, v10  }
0x21c: {  	[tilespmem:s26+$0x10] =	vst v9  }
0x21d: {  	v9 =	vld [tilespmem:s5+$0x10500]  }
0x21e: {  	v10 =	vld [tilespmem:s5+$0x11100];
	_ =	sdelay $0x3  }
0x21f: {  	v11 =	vld [tilespmem:s5+$0x11D00];
	_ =	sdelay $0x2  }
0x220: {  	v9 =	vld.idx.msk [tilespmem:v9+s3+$0x0], $0xffff  }
0x221: {  	v60 =	vld.idx.msk [tilespmem:v10+s3+$0x0], $0xffff;
	_ =	sdelay $0x3  }
0x222: {  	v11 =	vld.idx.msk [tilespmem:v11+s16+$0x0], $0xffff  }
0x223: {  	v61 =	vmul.f32 v9, v6;
	v12 =	vmul.f32 v60, v7;
	_ =	sdelay $0x1  }
0x224: {  	v12 =	vadd.f32 v12, v61;
	_ =	sdelay $0x1  }
0x225: {  	v11 =	vadd.f32 v12, v11;
	_ =	sdelay $0x1  }
0x226: {  	v12 =	vmul.f32 $2.000000030e-01, v11;
	_ =	sdelay $0x1  }
0x227: {  	v11 =	vmax.f32 v11, v12  }
0x228: {  	v11 =	vmul.f32 $1.442695020e+00, v11;
	_ =	sdelay $0x1  }
0x229: {  	(erf) = vpow2.f32 v11;
	_ =	sdelay $0x8  }
0x22a: {  	v11 =	vpop (erf)  }
0x22b: {  	p0 =	sne.s32 s25, $0x2FC0;
	v62 =	vmul.f32 v11, v8  }
.Ltmp5:
0x22c: {  	v10 =	vshll.u32 v10, $0x2;
	(pc) =	sbr.rel @p0 .LBB2_13-.Ltmp5, $4  }
0x22d: {  	v63 =	vor.u32 v0, v10;
	[tilespmem:s28+$0x20] =	vst v11;
	v9 =	vmul.f32 v62, v9  }
0x22e: {  	[tilespmem:s26+$0x20] =	vst v63  }
0x22f: {  	[tilespmem:s28+$0x30] =	vst v9;
	v9 =	vor.u32 v2, v10  }
0x230: {  	s25 =	sadd.s32 $0x100, s25;
	s28 =	sadd.s32 $0x80, s28;
	[tilespmem:s26+$0x30] =	vst v9;
	s26 =	sadd.s32 $0x80, s26  }
0x231: {  	s5 =	sadd.s32 s24, s1;
	s28 =	simm.s32 $0x17100  }
0x232: {  	s25 =	simm.s32 $0x15900;
	s23 =	sadd.s32 $0x1, s23;
	s5 =	smul.u32 $0x180, s5  }
0x233: {  	[spmem:s2] =	stream.indirect.scatter.add.f32 [tilespmem:s25], [sflag:$0x4], $0x1, s28, s30, $0xb8;
	[tilespmem:$0x1E480] =	vst v63  }
0x234: {  	s28 =	simm.s32 $0x10500;
	p0 =	sne.s32 s23, $0x20;
	s26 =	sadd.s32 s6, s5  }
0x235: {  	[tilespmem:s28], [sflag:$0x2] =	stream.linear.gather [hbm4b:s26+s3], $0xC00, $0x38;
	[tilespmem:$0x1E480] =	vst v63  }
.Ltmp6:
0x236: {  	_ = 	snop;
	(pc) =	sbr.rel @p0 .LBB2_10-.Ltmp6, $4  }
0x237: {  	s25 =	sadd.s32 s7, s5;
	s26 =	simm.s32 $0x11100  }
0x238: {  	[tilespmem:s26], [sflag:$0x2] =	stream.linear.gather [hbm4b:s25+s3], $0xC00, $0x38;
	[tilespmem:$0x1E480] =	vst v63  }
0x239: {  	s5 =	sadd.s32 s8, s5;
	s28 =	simm.s32 $0x11D00  }
0x23a: {  	[tilespmem:s28], [sflag:$0x2] =	stream.linear.gather [hbm4b:s5+s3], $0xC00, $0x38;
	[tilespmem:$0x1E480] =	vst v63  }
0x23b: {  	_ =	swait.ge [sflag:s29], $0xC00  }
0x23c: {  	[sflag:s29] =	ssyncset.done $0x0  }
0x23d: {  	[sflag:s29] =	ssyncadd.s32 $0xFFFFF400  }
0x23e: {  	_ =	swait.ge [sflag:s29], $0xC00  }
0x23f: {  	[sflag:s29] =	ssyncset.done $0x0  }
0x240: {  	[sflag:s29] =	ssyncadd.s32 $0xFFFFF400  }
0x241: {  	_ =	swait.ge [sflag:s29], $0xC00  }
0x242: {  	[sflag:s29] =	ssyncset.done $0x0  }
0x243: {  	[sflag:s29] =	ssyncadd.s32 $0xFFFFF400  }
0x244: {  	_ =	swait.ge [sflag:s12], $0x1800  }
0x245: {  	[sflag:s12] =	ssyncset.done $0x0  }
0x246: {  	[sflag:s12] =	ssyncadd.s32 $0xFFFFE800  }
0x247: {  	_ =	swait.ge [sflag:s31], $0xC00  }
0x248: {  	[sflag:s31] =	ssyncset.done $0x0  }
0x249: {  	[sflag:s31] =	ssyncadd.s32 $0xFFFFF400  }
0x24a: {  	_ =	swait.ge [sflag:s31], $0xC00  }
0x24b: {  	[sflag:s31] =	ssyncset.done $0x0  }
0x24c: {  	[sflag:s31] =	ssyncadd.s32 $0xFFFFF400  }
0x24d: {  	_ =	swait.ge [sflag:s31], $0xC00  }
0x24e: {  	[sflag:s31] =	ssyncset.done $0x0  }
0x24f: {  	[sflag:s31] =	ssyncadd.s32 $0xFFFFF400  }
0x250: {  	_ =	swait.ge [sflag:s22], $0x1800  }
0x251: {  	[sflag:s22] =	ssyncset.done $0x0  }
0x252: {  	[sflag:s22] =	ssyncadd.s32 $0xFFFFE800  }
0x253: {  	[bflag:$0x0] =	sbarrier.arrive $0xFFFF  }
0x254: {  	v6 =	vld [tilespmem:$0x1AC00]  }
0x255: {  	v7 =	vld [tilespmem:$0x1AC10]  }
0x256: {  	v8 =	vld [tilespmem:$0x1AC20]  }
0x257: {  	s23 =	simm.s32 $0x0;
	s24 =	simm.s32 $0x0;
	v9 =	vld [tilespmem:$0x1AC30]  }
.LBB2_16:
0x258: {  	s5 =	smul.u32 $0x3800, s24;
	_ =	sdelay $0x1  }
0x259: {  	s5 =	sshra.s32 s5, $0x2  }
0x25a: {  	s25 =	smul.u32 $0x380, s24;
	s5 =	sadd.s32 s5, s13  }
0x25b: {  	[tilespmem:s19], [sflag:$0x5] =	stream.linear.gather [spmem:s5], $0xE00, $0x38;
	[tilespmem:$0x1E480] =	vst v63  }
0x25c: {  	s26 =	sadd.s32 s14, s25;
	_ =	swait.ge [sflag:s18], $0xE00  }
0x25d: {  	s5 =	sshrl.u32 s26, $0x3;
	[sflag:s18] =	ssyncset.done $0x0  }
0x25e: {  	v10 =	vor.u32 s23, v1;
	s5 =	sadd.s32 s9, s5;
	[sflag:s18] =	ssyncadd.s32 $0xFFFFF200  }
0x25f: {  	v11 =	vor.u32 s23, v3;
	[tilespmem:s21], [sflag:$0x5] =	stream.linear.gather [hbm4b:s5+s23], $0x380, $0x38;
	[tilespmem:$0x1E480] =	vst v63  }
0x260: {  	_ =	swait.ge [sflag:s18], $0x380  }
0x261: {  	[sflag:s18] =	ssyncset.done $0x0  }
0x262: {  	[sflag:s18] =	ssyncadd.s32 $0xFFFFFC80  }
0x263: {  	v10 =	vld.idx.msk [tilespmem:v10+s19+$0x0], $0xffff  }
0x264: {  	v11 =	vld.idx.msk [tilespmem:v11+s19+$0x0], $0xffff;
	_ =	sdelay $0x3  }
0x265: {  	v10 =	vadd.f32 $9.999999710e-10, v10  }
0x266: {  	v12 =	vor.u32 s23, v4;
	v11 =	vadd.f32 $9.999999710e-10, v11  }
0x267: {  	(erf) = vrcp.f32 v10  }
0x268: {  	v10 =	vor.u32 s23, v5;
	(erf) = vrcp.f32 v11;
	_ =	sdelay $0x2  }
0x269: {  	s5 =	simm.s32 $0x0;
	v12 =	vld.idx.msk [tilespmem:v12+s19+$0x0], $0xffff  }
0x26a: {  	v11 =	vld [tilespmem:s5+$0x1A500]  }
0x26b: {  	v10 =	vld.idx.msk [tilespmem:v10+s19+$0x0], $0xffff;
	_ =	sdelay $0x2  }
0x26c: {  	v13 =	vpop (erf)  }
0x26d: {  	v14 =	vmul.f32 v11, v6;
	v11 =	vmul.f32 v11, v7;
	v15 =	vpop (erf)  }
0x26e: {  	v12 =	vmul.f32 v13, v12;
	v10 =	vmul.f32 v15, v10  }
0x26f: {  	v11 =	vadd.f32 v11, v9;
	v13 =	vadd.f32 v14, v8  }
0x270: {  	s26 =	simm.s32 $0x40;
	v12 =	vmax.f32 v12, $0.0e+00;
	v14 =	vmax.f32 v10, $0.0e+00  }
0x271: {  	v10 =	vor.u32 s26, v1;
	v12 =	vmul.f32 v13, v12;
	v13 =	vmul.f32 v11, v14  }
0x272: {  	s28 =	simm.s32 $0x80;
	v11 =	vor.u32 s26, v3  }
.LBB2_17:
0x273: {  	p0 =	sne.s32 s28, $0xDC0;
	v12 =	vadd.f32 v13, v12;
	_ =	sdelay $0x1  }
0x274: {  	[tilespmem:s5+$0x1A880] =	vst v12  }
0x275: {  	v10 =	vld.idx.msk [tilespmem:v10+s19+$0x0], $0xffff  }
0x276: {  	v11 =	vld.idx.msk [tilespmem:v11+s19+$0x0], $0xffff;
	_ =	sdelay $0x4  }
0x277: {  	v10 =	vadd.f32 $9.999999710e-10, v10  }
0x278: {  	v12 =	vor.u32 s26, v4;
	v11 =	vadd.f32 $9.999999710e-10, v11  }
0x279: {  	v13 =	vor.u32 s26, v5;
	(erf) = vrcp.f32 v10  }
0x27a: {  	(erf) = vrcp.f32 v11  }
0x27b: {  	s5 =	sshra.s32 s26, $0x2;
	s26 =	smov.u32 s28  }
0x27c: {  	v10 =	vld [tilespmem:s5+$0x1A500]  }
0x27d: {  	v11 =	vld.idx.msk [tilespmem:v12+s19+$0x0], $0xffff  }
0x27e: {  	v12 =	vld.idx.msk [tilespmem:v13+s19+$0x0], $0xffff;
	_ =	sdelay $0x3  }
0x27f: {  	v13 =	vpop (erf)  }
0x280: {  	v14 =	vmul.f32 v10, v6;
	v10 =	vmul.f32 v10, v7;
	v15 =	vpop (erf)  }
.Ltmp7:
0x281: {  	v11 =	vmul.f32 v13, v11;
	v12 =	vmul.f32 v15, v12;
	(pc) =	sbr.rel @p0 .LBB2_17-.Ltmp7, $4  }
0x282: {  	v13 =	vadd.f32 v14, v8;
	v14 =	vadd.f32 v10, v9  }
0x283: {  	v11 =	vmax.f32 v11, $0.0e+00;
	v15 =	vmax.f32 v12, $0.0e+00  }
0x284: {  	v10 =	vor.u32 s28, v1;
	v12 =	vmul.f32 v13, v11;
	v13 =	vmul.f32 v14, v15  }
0x285: {  	s28 =	sadd.s32 $0x40, s28;
	v11 =	vor.u32 s26, v3  }
0x286: {  	_ = 	snop  }
0x287: {  	v12 =	vadd.f32 v13, v12;
	_ =	sdelay $0x1  }
0x288: {  	[tilespmem:s5+$0x1A880] =	vst v12  }
0x289: {  	v10 =	vld.idx.msk [tilespmem:v10+s19+$0x0], $0xffff  }
0x28a: {  	v11 =	vld.idx.msk [tilespmem:v11+s19+$0x0], $0xffff;
	_ =	sdelay $0x3  }
0x28b: {  	v10 =	vadd.f32 $9.999999710e-10, v10  }
0x28c: {  	v61 =	vor.u32 s26, v4;
	v11 =	vadd.f32 $9.999999710e-10, v11  }
0x28d: {  	(erf) = vrcp.f32 v10  }
0x28e: {  	v10 =	vor.u32 s26, v5;
	(erf) = vrcp.f32 v11;
	_ =	sdelay $0x2  }
0x28f: {  	s28 =	sshra.s32 s26, $0x2;
	v12 =	vld.idx.msk [tilespmem:v61+s19+$0x0], $0xffff  }
0x290: {  	v11 =	vld [tilespmem:s28+$0x1A500]  }
0x291: {  	v10 =	vld.idx.msk [tilespmem:v10+s19+$0x0], $0xffff;
	_ =	sdelay $0x2  }
0x292: {  	v62 =	vpop (erf)  }
0x293: {  	v14 =	vmul.f32 v11, v6;
	v11 =	vmul.f32 v11, v7;
	v15 =	vpop (erf)  }
0x294: {  	v12 =	vmul.f32 v62, v12;
	v10 =	vmul.f32 v15, v10  }
0x295: {  	v63 =	vadd.f32 v14, v8;
	v11 =	vadd.f32 v11, v9  }
0x296: {  	v12 =	vmax.f32 v12, $0.0e+00;
	v10 =	vmax.f32 v10, $0.0e+00  }
0x297: {  	v12 =	vmul.f32 v63, v12;
	v10 =	vmul.f32 v11, v10;
	_ =	sdelay $0x1  }
0x298: {  	s25 =	sadd.s32 s25, s17;
	s24 =	sadd.s32 $0x1, s24;
	v10 =	vadd.f32 v10, v12  }
0x299: {  	s25 =	sshrl.u32 s25, $0x3;
	p0 =	sne.s32 s24, $0x4  }
.Ltmp8:
0x29a: {  	s26 =	sadd.s32 s10, s25;
	[tilespmem:s28+$0x1A880] =	vst v10;
	s28 =	simm.s32 $0x1A880;
	(pc) =	sbr.rel @p0 .LBB2_16-.Ltmp8, $4  }
0x29b: {  	[hbm4b:s26+s3] =	stream.linear.scatter [tilespmem:s28], [sflag:$0x5], $0x380, $0x38;
	[tilespmem:$0x1E480] =	vst v63  }
0x29c: {  	_ =	swait.ge [sflag:s18], $0x380  }
0x29d: {  	[sflag:s18] =	ssyncset.done $0x0  }
0x29e: {  	[sflag:s18] =	ssyncadd.s32 $0xFFFFFC80  }
0x29f: {  	s23 =	rddreg [dreg:$0x16]  }
0x2a0: {  	s5 =	rddreg [dreg:$0x15];
	s23 =	sadd.s32 $0x1, s23  }
0x2a1: {  	p0 =	sne.s32 s23, s5  }
.Ltmp9:
0x2a2: {  	_ = 	snop;
	(pc) =	sbr.rel @p0 .LBB2_1-.Ltmp9, $2  }
0x2a3: {  	_ =	sdelay $0x2  }
0x2a4: {  	s26 =	rddreg [dreg:$0x3]  }
0x2a5: {  	_ =	sfence.sel $0x180000  }
0x2a6: {  	[bflag:$0x0] =	sbarrier.arrive $0xFFFF  }
0x2a7: {  	_ =	strace $0x9000004A  }
0x2a8: {  	s0 =	stileid.u32;
	[bflag:$0x2] =	sbarrier.arrive $0xFFFF  }
0x2a9: {  	p0 =	sne.s32 s0, $0x0;
	s0 =	rddreg [dreg:$0x2]  }
0x2aa: {  	s0 =	sadd.s32 @!p0 $0x100000, s0  }
0x2ab: {  	[sflag:s0] =	ssyncadd.tile.s32 @!p0 $0x1;
	_ =	shalt  }
.Lfunc_end2:
_tile_overlayer_lowered:
.L_overlay_start_2:
0x2ac: {  	(tag) =	ssettag $0x2  }
0x2ad: {  	s0 =	rddreg [dreg:$0x0];
	s2 =	stileid.u32  }
0x2ae: {  	s1 =	rddreg [dreg:$0x1];
	p0 =	sne.s32 s2, $0x0  }
0x2af: {  	s3 =	rddreg [dreg:$0x2];
	[bflag:$0x3] =	sbarrier.arrive $0xFFFF;
	s2 =	simm.s32 @!p0 $0x1C05  }
0x2b0: {  	[timem:s3], [sflag:s2] =	dma.local @!p0 [hbm:s0], s1  }
0x2b1: {  	s0 =	simm.s32 @!p0 $0x5  }
0x2b2: {  	_ =	swait.ge @!p0 [sflag:s0], s1  }
0x2b3: {  	s1 =	ssub.s32 @!p0 $0x0, s1;
	[sflag:s0] =	ssyncset.done @!p0 $0x0  }
0x2b4: {  	[sflag:s0] =	ssyncadd.s32 @!p0 s1  }
0x2b5: {  	[bflag:$0x3] =	sbarrier.arrive $0xFFFF  }
0x2b6: {  	_ =	shalt  }

</sc_bundles>
